<compile_context>
chip_gen: v7x
topology: tpu7x:2x2x1
jax: 0.10.2.dev20260603
libtpu: 0.0.44.dev20260713+nightly
codegen_flags: <defaults>
</compile_context>

<pallas_src>
import jax
import jax.numpy as jnp
from jax import lax
from jax.experimental import pallas as pl
from jax.experimental.pallas import tpu as pltpu
from jax.experimental.pallas import tpu_sc as plsc

N = 10000
E = 320000
D = 128
G = 128
L = 3

NC = 2
NS = 16
NW = NC * NS
CH = 128
K = 80
T = K * CH
E_PAD = NW * T
NBUF = 2
GRP = 16
NG = K // GRP
RPT = 632
N_ACC = NS * RPT

R = 1000
NBLK = N // R


def _agg_body(h_hbm, src_hbm, dst_hbm, zero_hbm, out_hbm,
              srcv, dstv, rows, acc, gsem):
  c = lax.axis_index("c")
  s = lax.axis_index("s")
  w = c * NS + s
  base = w * K
  pltpu.sync_copy(zero_hbm, acc.at[pl.ds(s * RPT, RPT)])
  pltpu.sync_copy(src_hbm.at[pl.ds(base, GRP)], srcv.at[pl.ds(0, GRP)])
  pltpu.sync_copy(dst_hbm.at[pl.ds(base, GRP)], dstv.at[pl.ds(0, GRP)])
  plsc.subcore_barrier()

  for b in range(NBUF):
    pltpu.async_copy(h_hbm.at[srcv.at[b]], rows.at[b], gsem)

  @pl.loop(0, NG)
  def _(g):
    @pl.when(g + 1 < NG)
    def _():
      off = ((g + 1) % 2) * GRP
      hoff = base + (g + 1) * GRP
      pltpu.sync_copy(src_hbm.at[pl.ds(hoff, GRP)],
                      srcv.at[pl.ds(off, GRP)])
      pltpu.sync_copy(dst_hbm.at[pl.ds(hoff, GRP)],
                      dstv.at[pl.ds(off, GRP)])

    goff = (g % 2) * GRP
    noff = ((g + 1) % 2) * GRP
    for q in range(GRP):
      b = q % NBUF
      j = g * GRP + q
      pltpu.make_async_copy(h_hbm.at[srcv.at[goff + q]], rows.at[b],
                            gsem).wait()
      pltpu.sync_copy(rows.at[b], acc.at[dstv.at[goff + q]], add=True)
      qn = q + NBUF
      if qn < GRP:
        @pl.when(j + NBUF < K)
        def _():
          pltpu.async_copy(h_hbm.at[srcv.at[goff + qn]], rows.at[b], gsem)
      else:
        @pl.when(j + NBUF < K)
        def _():
          pltpu.async_copy(h_hbm.at[srcv.at[noff + qn - GRP]], rows.at[b],
                           gsem)

  plsc.subcore_barrier()
  pltpu.sync_copy(acc.at[pl.ds(s * RPT, RPT)],
                  out_hbm.at[pl.ds(c * N_ACC + s * RPT, RPT)])


_agg = pl.kernel(
    _agg_body,
    out_type=jax.ShapeDtypeStruct((NC * N_ACC, D), jnp.float32),
    mesh=plsc.VectorSubcoreMesh(core_axis_name="c", subcore_axis_name="s"),
    scratch_types=[
        pltpu.VMEM((2 * GRP, CH), jnp.int32),
        pltpu.VMEM((2 * GRP, CH), jnp.int32),
        pltpu.VMEM((NBUF, CH, D), jnp.float32),
        pltpu.VMEM_SHARED((N_ACC, D), jnp.float32),
        pltpu.SemaphoreType.DMA,
    ],
)


def _layer_body(hb, a0b, a1b, w1, w2, vecs, batchb, ho, pooled):
  i = pl.program_id(0)
  v = vecs[...]
  z = hb[...] + a0b[...] + a1b[...]
  z = jnp.dot(z, w1[...], preferred_element_type=jnp.float32) + v[0:1]
  z = z * v[1:2] + v[2:3]
  z = jnp.maximum(z, 0.0)
  z = jnp.dot(z, w2[...], preferred_element_type=jnp.float32) + v[3:4]
  z = jnp.maximum(z, 0.0)
  ho[...] = z
  bt = batchb[0, 0, :]
  onehot = (bt[:, None] == lax.broadcasted_iota(jnp.int32, (1, G), 1)
            ).astype(jnp.float32)
  contrib = lax.dot_general(onehot, z, (((0,), (0,)), ((), ())),
                            preferred_element_type=jnp.float32)

  @pl.when(i == 0)
  def _():
    pooled[...] = contrib

  @pl.when(i > 0)
  def _():
    pooled[...] += contrib


_layer = pl.pallas_call(
    _layer_body,
    grid=(NBLK,),
    in_specs=[
        pl.BlockSpec((R, D), lambda i: (i, 0)),
        pl.BlockSpec((R, D), lambda i: (i, 0)),
        pl.BlockSpec((R, D), lambda i: (i, 0)),
        pl.BlockSpec((D, D), lambda i: (0, 0)),
        pl.BlockSpec((D, D), lambda i: (0, 0)),
        pl.BlockSpec((8, D), lambda i: (0, 0)),
        pl.BlockSpec((1, 1, R), lambda i: (i, 0, 0)),
    ],
    out_specs=[
        pl.BlockSpec((R, D), lambda i: (i, 0)),
        pl.BlockSpec((G, D), lambda i: (0, 0)),
    ],
    out_shape=[
        jax.ShapeDtypeStruct((N, D), jnp.float32),
        jax.ShapeDtypeStruct((G, D), jnp.float32),
    ],
)


def _head_body(p1, p2, p3, wl1, bl1, wl2, bl2, out):
  hg = jnp.concatenate([p1[...], p2[...], p3[...]], axis=1)
  hg = jnp.dot(hg, wl1[...], preferred_element_type=jnp.float32) + bl1[0:1]
  hg = jnp.maximum(hg, 0.0)
  o = jnp.dot(hg, wl2[...], preferred_element_type=jnp.float32) + bl2[0:1]
  out[...] = jnp.where(o > 0.0, o, 0.01 * o)


_head = pl.pallas_call(
    _head_body,
    out_shape=jax.ShapeDtypeStruct((G, D), jnp.float32),
)


@jax.jit
def kernel(x, edge_index, batch, params):
  src = edge_index[0]
  dst = edge_index[1]
  pad = E_PAD - E
  src_r = jnp.concatenate([src, jnp.zeros((pad,), jnp.int32)]
                          ).reshape(NW * K, CH)
  dst_r = jnp.concatenate([dst, jnp.full((pad,), N, jnp.int32)]
                          ).reshape(NW * K, CH)
  zero = jnp.zeros((RPT, D), jnp.float32)
  batch3 = batch.reshape(NBLK, 1, R)

  inv = 1.0 / jnp.sqrt(1.0 + 1e-5)

  h = x
  pooled = []
  for i in range(L):
    p = params
    vecs = jnp.zeros((8, D), jnp.float32)
    vecs = vecs.at[0].set(p[f"b1_{i}"])
    vecs = vecs.at[1].set(p[f"g_{i}"] * inv)
    vecs = vecs.at[2].set(p[f"be_{i}"])
    vecs = vecs.at[3].set(p[f"b2_{i}"])
    aggs = _agg(h, src_r, dst_r, zero)
    aggs = aggs.reshape(NC, N_ACC, D)
    h, pi = _layer(h, aggs[0], aggs[1], p[f"W1_{i}"], p[f"W2_{i}"],
                   vecs, batch3)
    pooled.append(pi)

  bl1 = jnp.zeros((8, 3 * D), jnp.float32).at[0].set(params["bl1"])
  wl2 = jnp.pad(params["Wl2"], ((0, 0), (0, D - 1)))
  bl2 = jnp.zeros((8, D), jnp.float32).at[0, 0].set(params["bl2"][0])
  o = _head(pooled[0], pooled[1], pooled[2], params["Wl1"], bl1, wl2, bl2)
  return o[:, :1]

# --- scband reference (transcript-rebuilt; emitter-appended) ---
"""Pipeline reference for scband-gin-84499186581633 (READ-ONLY COPY).

The authoritative reference and input builder live on the scoring server;
editing this copy changes nothing except your own understanding.
"""

import jax, jax.numpy as jnp
import numpy as np

N = 10000
E = 320000
DF = 128
DH = 128
G = 128
L = 3


def setup_inputs(seed: int = 0) -> dict:
    key = jax.random.key(seed)
    ks = jax.random.split(key, 40)
    x = jax.random.normal(ks[0], (N, DF), dtype=jnp.float32)
    edge_index = jax.random.randint(ks[1], (2, E), 0, N, dtype=jnp.int32)
    batch = jnp.sort(jax.random.randint(ks[2], (N,), 0, G, dtype=jnp.int32))
    params = {}
    for i in range(L):
        din = DF if i == 0 else DH
        params[f"W1_{i}"] = jax.random.normal(ks[3 + 6 * i], (din, DH), jnp.float32) * (1.0 / np.sqrt(din))
        params[f"b1_{i}"] = jnp.zeros((DH,), jnp.float32)
        params[f"g_{i}"] = jnp.ones((DH,), jnp.float32)
        params[f"be_{i}"] = jnp.zeros((DH,), jnp.float32)
        params[f"W2_{i}"] = jax.random.normal(ks[4 + 6 * i], (DH, DH), jnp.float32) * (1.0 / np.sqrt(DH))
        params[f"b2_{i}"] = jnp.zeros((DH,), jnp.float32)
    params["Wl1"] = jax.random.normal(ks[25], (3 * DH, 3 * DH), jnp.float32) * (1.0 / np.sqrt(3 * DH))
    params["bl1"] = jnp.zeros((3 * DH,), jnp.float32)
    params["Wl2"] = jax.random.normal(ks[26], (3 * DH, 1), jnp.float32) * (1.0 / np.sqrt(3 * DH))
    params["bl2"] = jnp.zeros((1,), jnp.float32)
    return {"x": x, "edge_index": edge_index, "batch": batch, "params": params}


def _forward(x, edge_index, batch, params):
    # GIN for graph-level regression, eval mode (BN uses running stats mean=0 var=1; dropout off)
    src = edge_index[0]
    dst = edge_index[1]
    h = x
    pooled = []
    for i in range(L):
        # GINConv: nn((1+eps)*x + sum_{j in N(i)} x_j), eps=0
        agg = jnp.zeros_like(h).at[dst].add(h[src])
        z = h + agg
        z = z @ params[f"W1_{i}"] + params[f"b1_{i}"]
        # BatchNorm1d in eval mode: running_mean=0, running_var=1
        z = z / jnp.sqrt(1.0 + 1e-5) * params[f"g_{i}"] + params[f"be_{i}"]
        z = jax.nn.relu(z)
        z = z @ params[f"W2_{i}"] + params[f"b2_{i}"]
        z = jax.nn.relu(z)
        h = z
        # global_add_pool
        pooled.append(jax.ops.segment_sum(h, batch, num_segments=G))
    hg = jnp.concatenate(pooled, axis=1)
    hg = hg @ params["Wl1"] + params["bl1"]
    hg = jax.nn.relu(hg)
    # dropout(p=0.5) disabled in eval
    hg = hg @ params["Wl2"] + params["bl2"]
    return jax.nn.leaky_relu(hg, negative_slope=0.01)


def reference(x, edge_index, batch, params):
    return _forward(x, edge_index, batch, params)

if __name__ == "__main__":
    import jax
    _d = setup_inputs()
    print(jax.jit(kernel)(*tuple(_d.values())))

</pallas_src>

<mosaic_0001>
#map = affine_map<(d0, d1) -> (0, 0)>
module attributes {stable_mosaic.version = 14 : i64} {
  func.func @_agg_body(%arg0: i32, %arg1: i32, %arg2: memref<10000x128xf32, #tpu.memory_space<hbm>>, %arg3: memref<2560x128xi32, #tpu.memory_space<hbm>>, %arg4: memref<2560x128xi32, #tpu.memory_space<hbm>>, %arg5: memref<632x128xf32, #tpu.memory_space<hbm>>, %arg6: memref<20224x128xf32, #tpu.memory_space<hbm>>, %arg7: memref<32x128xi32, #tpu.memory_space<vmem>>, %arg8: memref<32x128xi32, #tpu.memory_space<vmem>>, %arg9: memref<2x128x128xf32, #tpu.memory_space<vmem>>, %arg10: memref<10112x128xf32, #tpu.memory_space<vmem_shared>>, %arg11: memref<!tpu.dma_semaphore, #tpu.memory_space<semaphore_mem>>) attributes {dimension_semantics = [#tpu.dimension_semantics<core_parallel>, #tpu.dimension_semantics<subcore_parallel>], iteration_bounds = array<i64: 2, 16>, scalar_prefetch = 0 : i64, scratch_operands = 5 : i64, tpu.core_type = #tpu.core_type<sc_vector_subcore>, window_params = [{transform_indices = #map}, {transform_indices = #map}, {transform_indices = #map}, {transform_indices = #map}, {transform_indices = #map}]} {
    %mul3A = arith.constant 16 : i32
    %mul3A_0 = arith.muli %arg0, %mul3A : i32
    %add3A = arith.addi %mul3A_0, %arg1 : i32
    %mul3A_1 = arith.constant 80 : i32
    %mul3A_2 = arith.muli %add3A, %mul3A_1 : i32
    %mul3A_3 = arith.constant 632 : i32
    %mul3A_4 = arith.muli %arg1, %mul3A_3 : i32
    "tpu.region"() ({
      %run_scoped3A = tpu.sem_alloc : memref<!tpu.dma_semaphore, #tpu.memory_space<semaphore_mem>>
      %dma_start3A_40 = arith.constant 0 : i32
      %dma_start3A_41 = tpu.memref_slice %arg10[%mul3A_4, %dma_start3A_40] : memref<10112x128xf32, #tpu.memory_space<vmem_shared>> -> memref<632x128xf32, #tpu.memory_space<vmem_shared>>
      tpu.enqueue_dma source(%arg5 : memref<632x128xf32, #tpu.memory_space<hbm>>) target(%dma_start3A_41 : memref<632x128xf32, #tpu.memory_space<vmem_shared>>) target_semaphore(%run_scoped3A : memref<!tpu.dma_semaphore, #tpu.memory_space<semaphore_mem>>)
      %dma_wait3A = arith.constant 0 : i32
      %dma_wait3A_42 = tpu.memref_slice %arg10[%mul3A_4, %dma_wait3A] : memref<10112x128xf32, #tpu.memory_space<vmem_shared>> -> memref<632x128xf32, #tpu.memory_space<vmem_shared>>
      tpu.wait_dma2 semaphore(%run_scoped3A : memref<!tpu.dma_semaphore, #tpu.memory_space<semaphore_mem>>) src(%arg5 : memref<632x128xf32, #tpu.memory_space<hbm>>) dst(%dma_wait3A_42 : memref<632x128xf32, #tpu.memory_space<vmem_shared>>)
      tpu.yield
    }) : () -> ()
    "tpu.region"() ({
      %run_scoped3A = tpu.sem_alloc : memref<!tpu.dma_semaphore, #tpu.memory_space<semaphore_mem>>
      %dma_start3A_40 = arith.constant 0 : i32
      %dma_start3A_41 = arith.constant 0 : i32
      %dma_start3A_42 = tpu.memref_slice %arg7[%dma_start3A_40, %dma_start3A_41] : memref<32x128xi32, #tpu.memory_space<vmem>> -> memref<16x128xi32, #tpu.memory_space<vmem>>
      %dma_start3A_43 = arith.constant 0 : i32
      %dma_start3A_44 = tpu.memref_slice %arg3[%mul3A_2, %dma_start3A_43] : memref<2560x128xi32, #tpu.memory_space<hbm>> -> memref<16x128xi32, #tpu.memory_space<hbm>>
      %dma_start3A_45 = arith.constant 0 : i32
      %dma_start3A_46 = arith.constant 0 : i32
      %dma_start3A_47 = tpu.memref_slice %arg7[%dma_start3A_45, %dma_start3A_46] : memref<32x128xi32, #tpu.memory_space<vmem>> -> memref<16x128xi32, #tpu.memory_space<vmem>>
      %dma_start3A_48 = arith.constant 0 : i32
      %dma_start3A_49 = tpu.memref_slice %arg3[%mul3A_2, %dma_start3A_48] : memref<2560x128xi32, #tpu.memory_space<hbm>> -> memref<16x128xi32, #tpu.memory_space<hbm>>
      tpu.enqueue_dma source(%dma_start3A_49 : memref<16x128xi32, #tpu.memory_space<hbm>>) target(%dma_start3A_47 : memref<16x128xi32, #tpu.memory_space<vmem>>) target_semaphore(%run_scoped3A : memref<!tpu.dma_semaphore, #tpu.memory_space<semaphore_mem>>)
      %dma_wait3A = arith.constant 0 : i32
      %dma_wait3A_50 = arith.constant 0 : i32
      %dma_wait3A_51 = tpu.memref_slice %arg7[%dma_wait3A, %dma_wait3A_50] : memref<32x128xi32, #tpu.memory_space<vmem>> -> memref<16x128xi32, #tpu.memory_space<vmem>>
      %dma_wait3A_52 = arith.constant 0 : i32
      %dma_wait3A_53 = tpu.memref_slice %arg3[%mul3A_2, %dma_wait3A_52] : memref<2560x128xi32, #tpu.memory_space<hbm>> -> memref<16x128xi32, #tpu.memory_space<hbm>>
      %dma_wait3A_54 = arith.constant 0 : i32
      %dma_wait3A_55 = arith.constant 0 : i32
      %dma_wait3A_56 = tpu.memref_slice %arg7[%dma_wait3A_54, %dma_wait3A_55] : memref<32x128xi32, #tpu.memory_space<vmem>> -> memref<16x128xi32, #tpu.memory_space<vmem>>
      %dma_wait3A_57 = arith.constant 0 : i32
      %dma_wait3A_58 = tpu.memref_slice %arg3[%mul3A_2, %dma_wait3A_57] : memref<2560x128xi32, #tpu.memory_space<hbm>> -> memref<16x128xi32, #tpu.memory_space<hbm>>
      tpu.wait_dma2 semaphore(%run_scoped3A : memref<!tpu.dma_semaphore, #tpu.memory_space<semaphore_mem>>) src(%dma_wait3A_58 : memref<16x128xi32, #tpu.memory_space<hbm>>) dst(%dma_wait3A_56 : memref<16x128xi32, #tpu.memory_space<vmem>>)
      tpu.yield
    }) : () -> ()
    "tpu.region"() ({
      %run_scoped3A = tpu.sem_alloc : memref<!tpu.dma_semaphore, #tpu.memory_space<semaphore_mem>>
      %dma_start3A_40 = arith.constant 0 : i32
      %dma_start3A_41 = arith.constant 0 : i32
      %dma_start3A_42 = tpu.memref_slice %arg8[%dma_start3A_40, %dma_start3A_41] : memref<32x128xi32, #tpu.memory_space<vmem>> -> memref<16x128xi32, #tpu.memory_space<vmem>>
      %dma_start3A_43 = arith.constant 0 : i32
      %dma_start3A_44 = tpu.memref_slice %arg4[%mul3A_2, %dma_start3A_43] : memref<2560x128xi32, #tpu.memory_space<hbm>> -> memref<16x128xi32, #tpu.memory_space<hbm>>
      %dma_start3A_45 = arith.constant 0 : i32
      %dma_start3A_46 = arith.constant 0 : i32
      %dma_start3A_47 = tpu.memref_slice %arg8[%dma_start3A_45, %dma_start3A_46] : memref<32x128xi32, #tpu.memory_space<vmem>> -> memref<16x128xi32, #tpu.memory_space<vmem>>
      %dma_start3A_48 = arith.constant 0 : i32
      %dma_start3A_49 = tpu.memref_slice %arg4[%mul3A_2, %dma_start3A_48] : memref<2560x128xi32, #tpu.memory_space<hbm>> -> memref<16x128xi32, #tpu.memory_space<hbm>>
      tpu.enqueue_dma source(%dma_start3A_49 : memref<16x128xi32, #tpu.memory_space<hbm>>) target(%dma_start3A_47 : memref<16x128xi32, #tpu.memory_space<vmem>>) target_semaphore(%run_scoped3A : memref<!tpu.dma_semaphore, #tpu.memory_space<semaphore_mem>>)
      %dma_wait3A = arith.constant 0 : i32
      %dma_wait3A_50 = arith.constant 0 : i32
      %dma_wait3A_51 = tpu.memref_slice %arg8[%dma_wait3A, %dma_wait3A_50] : memref<32x128xi32, #tpu.memory_space<vmem>> -> memref<16x128xi32, #tpu.memory_space<vmem>>
      %dma_wait3A_52 = arith.constant 0 : i32
      %dma_wait3A_53 = tpu.memref_slice %arg4[%mul3A_2, %dma_wait3A_52] : memref<2560x128xi32, #tpu.memory_space<hbm>> -> memref<16x128xi32, #tpu.memory_space<hbm>>
      %dma_wait3A_54 = arith.constant 0 : i32
      %dma_wait3A_55 = arith.constant 0 : i32
      %dma_wait3A_56 = tpu.memref_slice %arg8[%dma_wait3A_54, %dma_wait3A_55] : memref<32x128xi32, #tpu.memory_space<vmem>> -> memref<16x128xi32, #tpu.memory_space<vmem>>
      %dma_wait3A_57 = arith.constant 0 : i32
      %dma_wait3A_58 = tpu.memref_slice %arg4[%mul3A_2, %dma_wait3A_57] : memref<2560x128xi32, #tpu.memory_space<hbm>> -> memref<16x128xi32, #tpu.memory_space<hbm>>
      tpu.wait_dma2 semaphore(%run_scoped3A : memref<!tpu.dma_semaphore, #tpu.memory_space<semaphore_mem>>) src(%dma_wait3A_58 : memref<16x128xi32, #tpu.memory_space<hbm>>) dst(%dma_wait3A_56 : memref<16x128xi32, #tpu.memory_space<vmem>>)
      tpu.yield
    }) : () -> ()
    %barrier3A = arith.constant 0 : index
    tpu.barrier barrier_id(%barrier3A)
    %dma_start3A = arith.constant 0 : i32
    %dma_start3A_5 = arith.constant 0 : i32
    %dma_start3A_6 = arith.constant 0 : i32
    %dma_start3A_7 = arith.constant 0 : i32
    %dma_start3A_8 = tpu.memref_slice %arg9[%dma_start3A_5, %dma_start3A_6, %dma_start3A_7] : memref<2x128x128xf32, #tpu.memory_space<vmem>> -> memref<1x128x128xf32, #tpu.memory_space<vmem>>
    %dma_start3A_9 = tpu.memref_squeeze %dma_start3A_8 : memref<1x128x128xf32, #tpu.memory_space<vmem>> -> memref<128x128xf32, #tpu.memory_space<vmem>>
    %dma_start3A_10 = arith.constant 0 : i32
    %dma_start3A_11 = tpu.memref_slice %arg7[%dma_start3A, %dma_start3A_10] : memref<32x128xi32, #tpu.memory_space<vmem>> -> memref<1x128xi32, #tpu.memory_space<vmem>>
    %dma_start3A_12 = tpu.memref_squeeze %dma_start3A_11 : memref<1x128xi32, #tpu.memory_space<vmem>> -> memref<128xi32, #tpu.memory_space<vmem>>
    %dma_start3A_13 = arith.constant 0 : i32
    %dma_start3A_14 = arith.constant 0 : i32
    %dma_start3A_15 = tpu.memref_slice %arg2[%dma_start3A_13, %dma_start3A_14] : memref<10000x128xf32, #tpu.memory_space<hbm>> -> memref<10000x128xf32, #tpu.memory_space<hbm>>
    tpu.enqueue_indirect_dma source(%dma_start3A_15 : memref<10000x128xf32, #tpu.memory_space<hbm>>) target(%dma_start3A_9 : memref<128x128xf32, #tpu.memory_space<vmem>>) offsets(%dma_start3A_12 : memref<128xi32, #tpu.memory_space<vmem>>) semaphore(%arg11 : memref<!tpu.dma_semaphore, #tpu.memory_space<semaphore_mem>>)
    %dma_start3A_16 = arith.constant 1 : i32
    %dma_start3A_17 = arith.constant 1 : i32
    %dma_start3A_18 = arith.constant 0 : i32
    %dma_start3A_19 = arith.constant 0 : i32
    %dma_start3A_20 = tpu.memref_slice %arg9[%dma_start3A_17, %dma_start3A_18, %dma_start3A_19] : memref<2x128x128xf32, #tpu.memory_space<vmem>> -> memref<1x128x128xf32, #tpu.memory_space<vmem>>
    %dma_start3A_21 = tpu.memref_squeeze %dma_start3A_20 : memref<1x128x128xf32, #tpu.memory_space<vmem>> -> memref<128x128xf32, #tpu.memory_space<vmem>>
    %dma_start3A_22 = arith.constant 0 : i32
    %dma_start3A_23 = tpu.memref_slice %arg7[%dma_start3A_16, %dma_start3A_22] : memref<32x128xi32, #tpu.memory_space<vmem>> -> memref<1x128xi32, #tpu.memory_space<vmem>>
    %dma_start3A_24 = tpu.memref_squeeze %dma_start3A_23 : memref<1x128xi32, #tpu.memory_space<vmem>> -> memref<128xi32, #tpu.memory_space<vmem>>
    %dma_start3A_25 = arith.constant 0 : i32
    %dma_start3A_26 = arith.constant 0 : i32
    %dma_start3A_27 = tpu.memref_slice %arg2[%dma_start3A_25, %dma_start3A_26] : memref<10000x128xf32, #tpu.memory_space<hbm>> -> memref<10000x128xf32, #tpu.memory_space<hbm>>
    tpu.enqueue_indirect_dma source(%dma_start3A_27 : memref<10000x128xf32, #tpu.memory_space<hbm>>) target(%dma_start3A_21 : memref<128x128xf32, #tpu.memory_space<vmem>>) offsets(%dma_start3A_24 : memref<128xi32, #tpu.memory_space<vmem>>) semaphore(%arg11 : memref<!tpu.dma_semaphore, #tpu.memory_space<semaphore_mem>>)
    %scan3A = arith.constant 0 : i32
    %scan3A_28 = arith.constant 5 : i32
    %scan3A_29 = arith.addi %scan3A, %scan3A_28 : i32
    %scan3A_30 = arith.constant 1 : i32
    scf.for %scan3A_40 = %scan3A to %scan3A_29 step %scan3A_30  : i32 {
      %mul3A_41 = arith.constant 1 : i32
      %mul3A_42 = arith.muli %scan3A_40, %mul3A_41 : i32
      %add3A_43 = arith.constant 0 : i32
      %add3A_44 = arith.addi %add3A_43, %mul3A_42 : i32
      %add3A_45 = arith.constant 1 : i32
      %add3A_46 = arith.addi %add3A_44, %add3A_45 : i32
      %lt3A = arith.constant 5 : i32
      %lt3A_47 = arith.cmpi slt, %add3A_46, %lt3A : i32
      %convert_element_type3A = arith.extui %lt3A_47 : i1 to i32
      %cond3A = arith.constant 0 : i32
      %cond3A_48 = arith.cmpi ne, %convert_element_type3A, %cond3A : i32
      scf.if %cond3A_48 {
        %add3A_511 = arith.constant 1 : i32
        %add3A_512 = arith.addi %add3A_44, %add3A_511 : i32
        %jit3A_513 = arith.constant 2 : i32
        %eq3A_514 = arith.constant 0 : i32
        %eq3A_515 = arith.cmpi eq, %jit3A_513, %eq3A_514 : i32
        %jit3A_516 = arith.constant 1 : i32
        %select_n3A_517 = arith.select %eq3A_515, %jit3A_516, %jit3A_513 : i32
        %rem3A_518 = arith.remsi %add3A_512, %select_n3A_517 : i32
        %ne3A_519 = arith.constant 0 : i32
        %ne3A_520 = arith.cmpi ne, %rem3A_518, %ne3A_519 : i32
        %lt3A_521 = arith.constant 0 : i32
        %lt3A_522 = arith.cmpi slt, %rem3A_518, %lt3A_521 : i32
        %lt3A_523 = arith.constant 0 : i32
        %lt3A_524 = arith.cmpi slt, %select_n3A_517, %lt3A_523 : i32
        %ne3A_525 = arith.xori %lt3A_522, %lt3A_524 : i1
        %and3A_526 = arith.andi %ne3A_525, %ne3A_520 : i1
        %add3A_527 = arith.addi %rem3A_518, %select_n3A_517 : i32
        %select_n3A_528 = arith.select %and3A_526, %add3A_527, %rem3A_518 : i32
        %mul3A_529 = arith.constant 16 : i32
        %mul3A_530 = arith.muli %select_n3A_528, %mul3A_529 : i32
        %add3A_531 = arith.constant 1 : i32
        %add3A_532 = arith.addi %add3A_44, %add3A_531 : i32
        %mul3A_533 = arith.constant 16 : i32
        %mul3A_534 = arith.muli %add3A_532, %mul3A_533 : i32
        %add3A_535 = arith.addi %mul3A_2, %mul3A_534 : i32
        "tpu.region"() ({
          %run_scoped3A_536 = tpu.sem_alloc : memref<!tpu.dma_semaphore, #tpu.memory_space<semaphore_mem>>
          %dma_start3A_537 = arith.constant 0 : i32
          %dma_start3A_538 = tpu.memref_slice %arg7[%mul3A_530, %dma_start3A_537] : memref<32x128xi32, #tpu.memory_space<vmem>> -> memref<16x128xi32, #tpu.memory_space<vmem>>
          %dma_start3A_539 = arith.constant 0 : i32
          %dma_start3A_540 = tpu.memref_slice %arg3[%add3A_535, %dma_start3A_539] : memref<2560x128xi32, #tpu.memory_space<hbm>> -> memref<16x128xi32, #tpu.memory_space<hbm>>
          %dma_start3A_541 = arith.constant 0 : i32
          %dma_start3A_542 = tpu.memref_slice %arg7[%mul3A_530, %dma_start3A_541] : memref<32x128xi32, #tpu.memory_space<vmem>> -> memref<16x128xi32, #tpu.memory_space<vmem>>
          %dma_start3A_543 = arith.constant 0 : i32
          %dma_start3A_544 = tpu.memref_slice %arg3[%add3A_535, %dma_start3A_543] : memref<2560x128xi32, #tpu.memory_space<hbm>> -> memref<16x128xi32, #tpu.memory_space<hbm>>
          tpu.enqueue_dma source(%dma_start3A_544 : memref<16x128xi32, #tpu.memory_space<hbm>>) target(%dma_start3A_542 : memref<16x128xi32, #tpu.memory_space<vmem>>) target_semaphore(%run_scoped3A_536 : memref<!tpu.dma_semaphore, #tpu.memory_space<semaphore_mem>>)
          %dma_wait3A_545 = arith.constant 0 : i32
          %dma_wait3A_546 = tpu.memref_slice %arg7[%mul3A_530, %dma_wait3A_545] : memref<32x128xi32, #tpu.memory_space<vmem>> -> memref<16x128xi32, #tpu.memory_space<vmem>>
          %dma_wait3A_547 = arith.constant 0 : i32
          %dma_wait3A_548 = tpu.memref_slice %arg3[%add3A_535, %dma_wait3A_547] : memref<2560x128xi32, #tpu.memory_space<hbm>> -> memref<16x128xi32, #tpu.memory_space<hbm>>
          %dma_wait3A_549 = arith.constant 0 : i32
          %dma_wait3A_550 = tpu.memref_slice %arg7[%mul3A_530, %dma_wait3A_549] : memref<32x128xi32, #tpu.memory_space<vmem>> -> memref<16x128xi32, #tpu.memory_space<vmem>>
          %dma_wait3A_551 = arith.constant 0 : i32
          %dma_wait3A_552 = tpu.memref_slice %arg3[%add3A_535, %dma_wait3A_551] : memref<2560x128xi32, #tpu.memory_space<hbm>> -> memref<16x128xi32, #tpu.memory_space<hbm>>
          tpu.wait_dma2 semaphore(%run_scoped3A_536 : memref<!tpu.dma_semaphore, #tpu.memory_space<semaphore_mem>>) src(%dma_wait3A_552 : memref<16x128xi32, #tpu.memory_space<hbm>>) dst(%dma_wait3A_550 : memref<16x128xi32, #tpu.memory_space<vmem>>)
          tpu.yield
        }) : () -> ()
        "tpu.region"() ({
          %run_scoped3A_536 = tpu.sem_alloc : memref<!tpu.dma_semaphore, #tpu.memory_space<semaphore_mem>>
          %dma_start3A_537 = arith.constant 0 : i32
          %dma_start3A_538 = tpu.memref_slice %arg8[%mul3A_530, %dma_start3A_537] : memref<32x128xi32, #tpu.memory_space<vmem>> -> memref<16x128xi32, #tpu.memory_space<vmem>>
          %dma_start3A_539 = arith.constant 0 : i32
          %dma_start3A_540 = tpu.memref_slice %arg4[%add3A_535, %dma_start3A_539] : memref<2560x128xi32, #tpu.memory_space<hbm>> -> memref<16x128xi32, #tpu.memory_space<hbm>>
          %dma_start3A_541 = arith.constant 0 : i32
          %dma_start3A_542 = tpu.memref_slice %arg8[%mul3A_530, %dma_start3A_541] : memref<32x128xi32, #tpu.memory_space<vmem>> -> memref<16x128xi32, #tpu.memory_space<vmem>>
          %dma_start3A_543 = arith.constant 0 : i32
          %dma_start3A_544 = tpu.memref_slice %arg4[%add3A_535, %dma_start3A_543] : memref<2560x128xi32, #tpu.memory_space<hbm>> -> memref<16x128xi32, #tpu.memory_space<hbm>>
          tpu.enqueue_dma source(%dma_start3A_544 : memref<16x128xi32, #tpu.memory_space<hbm>>) target(%dma_start3A_542 : memref<16x128xi32, #tpu.memory_space<vmem>>) target_semaphore(%run_scoped3A_536 : memref<!tpu.dma_semaphore, #tpu.memory_space<semaphore_mem>>)
          %dma_wait3A_545 = arith.constant 0 : i32
          %dma_wait3A_546 = tpu.memref_slice %arg8[%mul3A_530, %dma_wait3A_545] : memref<32x128xi32, #tpu.memory_space<vmem>> -> memref<16x128xi32, #tpu.memory_space<vmem>>
          %dma_wait3A_547 = arith.constant 0 : i32
          %dma_wait3A_548 = tpu.memref_slice %arg4[%add3A_535, %dma_wait3A_547] : memref<2560x128xi32, #tpu.memory_space<hbm>> -> memref<16x128xi32, #tpu.memory_space<hbm>>
          %dma_wait3A_549 = arith.constant 0 : i32
          %dma_wait3A_550 = tpu.memref_slice %arg8[%mul3A_530, %dma_wait3A_549] : memref<32x128xi32, #tpu.memory_space<vmem>> -> memref<16x128xi32, #tpu.memory_space<vmem>>
          %dma_wait3A_551 = arith.constant 0 : i32
          %dma_wait3A_552 = tpu.memref_slice %arg4[%add3A_535, %dma_wait3A_551] : memref<2560x128xi32, #tpu.memory_space<hbm>> -> memref<16x128xi32, #tpu.memory_space<hbm>>
          tpu.wait_dma2 semaphore(%run_scoped3A_536 : memref<!tpu.dma_semaphore, #tpu.memory_space<semaphore_mem>>) src(%dma_wait3A_552 : memref<16x128xi32, #tpu.memory_space<hbm>>) dst(%dma_wait3A_550 : memref<16x128xi32, #tpu.memory_space<vmem>>)
          tpu.yield
        }) : () -> ()
      } else {
      }
      %jit3A = arith.constant 2 : i32
      %eq3A = arith.constant 0 : i32
      %eq3A_49 = arith.cmpi eq, %jit3A, %eq3A : i32
      %jit3A_50 = arith.constant 1 : i32
      %select_n3A = arith.select %eq3A_49, %jit3A_50, %jit3A : i32
      %rem3A = arith.remsi %add3A_44, %select_n3A : i32
      %ne3A = arith.constant 0 : i32
      %ne3A_51 = arith.cmpi ne, %rem3A, %ne3A : i32
      %lt3A_52 = arith.constant 0 : i32
      %lt3A_53 = arith.cmpi slt, %rem3A, %lt3A_52 : i32
      %lt3A_54 = arith.constant 0 : i32
      %lt3A_55 = arith.cmpi slt, %select_n3A, %lt3A_54 : i32
      %ne3A_56 = arith.xori %lt3A_53, %lt3A_55 : i1
      %and3A = arith.andi %ne3A_56, %ne3A_51 : i1
      %add3A_57 = arith.addi %rem3A, %select_n3A : i32
      %select_n3A_58 = arith.select %and3A, %add3A_57, %rem3A : i32
      %mul3A_59 = arith.constant 16 : i32
      %mul3A_60 = arith.muli %select_n3A_58, %mul3A_59 : i32
      %add3A_61 = arith.constant 1 : i32
      %add3A_62 = arith.addi %add3A_44, %add3A_61 : i32
      %jit3A_63 = arith.constant 2 : i32
      %eq3A_64 = arith.constant 0 : i32
      %eq3A_65 = arith.cmpi eq, %jit3A_63, %eq3A_64 : i32
      %jit3A_66 = arith.constant 1 : i32
      %select_n3A_67 = arith.select %eq3A_65, %jit3A_66, %jit3A_63 : i32
      %rem3A_68 = arith.remsi %add3A_62, %select_n3A_67 : i32
      %ne3A_69 = arith.constant 0 : i32
      %ne3A_70 = arith.cmpi ne, %rem3A_68, %ne3A_69 : i32
      %lt3A_71 = arith.constant 0 : i32
      %lt3A_72 = arith.cmpi slt, %rem3A_68, %lt3A_71 : i32
      %lt3A_73 = arith.constant 0 : i32
      %lt3A_74 = arith.cmpi slt, %select_n3A_67, %lt3A_73 : i32
      %ne3A_75 = arith.xori %lt3A_72, %lt3A_74 : i1
      %and3A_76 = arith.andi %ne3A_75, %ne3A_70 : i1
      %add3A_77 = arith.addi %rem3A_68, %select_n3A_67 : i32
      %select_n3A_78 = arith.select %and3A_76, %add3A_77, %rem3A_68 : i32
      %mul3A_79 = arith.constant 16 : i32
      %mul3A_80 = arith.muli %select_n3A_78, %mul3A_79 : i32
      %mul3A_81 = arith.constant 16 : i32
      %mul3A_82 = arith.muli %add3A_44, %mul3A_81 : i32
      %add3A_83 = arith.constant 0 : i32
      %add3A_84 = arith.addi %mul3A_82, %add3A_83 : i32
      %add3A_85 = arith.constant 0 : i32
      %add3A_86 = arith.addi %mul3A_60, %add3A_85 : i32
      %dma_wait3A = arith.constant 0 : i32
      %dma_wait3A_87 = arith.constant 0 : i32
      %dma_wait3A_88 = arith.constant 0 : i32
      %dma_wait3A_89 = tpu.memref_slice %arg9[%dma_wait3A, %dma_wait3A_87, %dma_wait3A_88] : memref<2x128x128xf32, #tpu.memory_space<vmem>> -> memref<1x128x128xf32, #tpu.memory_space<vmem>>
      %dma_wait3A_90 = tpu.memref_squeeze %dma_wait3A_89 : memref<1x128x128xf32, #tpu.memory_space<vmem>> -> memref<128x128xf32, #tpu.memory_space<vmem>>
      %dma_wait3A_91 = arith.constant 0 : i32
      %dma_wait3A_92 = tpu.memref_slice %arg7[%add3A_86, %dma_wait3A_91] : memref<32x128xi32, #tpu.memory_space<vmem>> -> memref<1x128xi32, #tpu.memory_space<vmem>>
      %dma_wait3A_93 = tpu.memref_squeeze %dma_wait3A_92 : memref<1x128xi32, #tpu.memory_space<vmem>> -> memref<128xi32, #tpu.memory_space<vmem>>
      %dma_wait3A_94 = arith.constant 0 : i32
      %dma_wait3A_95 = arith.constant 0 : i32
      %dma_wait3A_96 = tpu.memref_slice %arg2[%dma_wait3A_94, %dma_wait3A_95] : memref<10000x128xf32, #tpu.memory_space<hbm>> -> memref<10000x128xf32, #tpu.memory_space<hbm>>
      tpu.wait_indirect_dma semaphore(%arg11 : memref<!tpu.dma_semaphore, #tpu.memory_space<semaphore_mem>>) src(%dma_wait3A_96 : memref<10000x128xf32, #tpu.memory_space<hbm>>) dst(%dma_wait3A_90 : memref<128x128xf32, #tpu.memory_space<vmem>>)
      %add3A_97 = arith.constant 0 : i32
      %add3A_98 = arith.addi %mul3A_60, %add3A_97 : i32
      %run_scoped3A = arith.constant 0 : i32
      "tpu.region"() ({
        %run_scoped3A_511 = tpu.sem_alloc : memref<!tpu.dma_semaphore, #tpu.memory_space<semaphore_mem>>
        %dma_start3A_512 = arith.constant 0 : i32
        %dma_start3A_513 = arith.constant 0 : i32
        %dma_start3A_514 = tpu.memref_slice %arg9[%run_scoped3A, %dma_start3A_512, %dma_start3A_513] : memref<2x128x128xf32, #tpu.memory_space<vmem>> -> memref<1x128x128xf32, #tpu.memory_space<vmem>>
        %dma_start3A_515 = tpu.memref_squeeze %dma_start3A_514 : memref<1x128x128xf32, #tpu.memory_space<vmem>> -> memref<128x128xf32, #tpu.memory_space<vmem>>
        %dma_start3A_516 = arith.constant 0 : i32
        %dma_start3A_517 = tpu.memref_slice %arg8[%add3A_98, %dma_start3A_516] : memref<32x128xi32, #tpu.memory_space<vmem>> -> memref<1x128xi32, #tpu.memory_space<vmem>>
        %dma_start3A_518 = tpu.memref_squeeze %dma_start3A_517 : memref<1x128xi32, #tpu.memory_space<vmem>> -> memref<128xi32, #tpu.memory_space<vmem>>
        %dma_start3A_519 = arith.constant 0 : i32
        %dma_start3A_520 = arith.constant 0 : i32
        %dma_start3A_521 = tpu.memref_slice %arg10[%dma_start3A_519, %dma_start3A_520] : memref<10112x128xf32, #tpu.memory_space<vmem_shared>> -> memref<10112x128xf32, #tpu.memory_space<vmem_shared>>
        tpu.enqueue_indirect_dma source(%dma_start3A_515 : memref<128x128xf32, #tpu.memory_space<vmem>>) target(%dma_start3A_521 : memref<10112x128xf32, #tpu.memory_space<vmem_shared>>) offsets(%dma_start3A_518 : memref<128xi32, #tpu.memory_space<vmem>>) semaphore(%run_scoped3A_511 : memref<!tpu.dma_semaphore, #tpu.memory_space<semaphore_mem>>) {add = true}
        %dma_wait3A_522 = arith.constant 0 : i32
        %dma_wait3A_523 = arith.constant 0 : i32
        %dma_wait3A_524 = tpu.memref_slice %arg9[%run_scoped3A, %dma_wait3A_522, %dma_wait3A_523] : memref<2x128x128xf32, #tpu.memory_space<vmem>> -> memref<1x128x128xf32, #tpu.memory_space<vmem>>
        %dma_wait3A_525 = tpu.memref_squeeze %dma_wait3A_524 : memref<1x128x128xf32, #tpu.memory_space<vmem>> -> memref<128x128xf32, #tpu.memory_space<vmem>>
        %dma_wait3A_526 = arith.constant 0 : i32
        %dma_wait3A_527 = tpu.memref_slice %arg8[%add3A_98, %dma_wait3A_526] : memref<32x128xi32, #tpu.memory_space<vmem>> -> memref<1x128xi32, #tpu.memory_space<vmem>>
        %dma_wait3A_528 = tpu.memref_squeeze %dma_wait3A_527 : memref<1x128xi32, #tpu.memory_space<vmem>> -> memref<128xi32, #tpu.memory_space<vmem>>
        %dma_wait3A_529 = arith.constant 0 : i32
        %dma_wait3A_530 = arith.constant 0 : i32
        %dma_wait3A_531 = tpu.memref_slice %arg10[%dma_wait3A_529, %dma_wait3A_530] : memref<10112x128xf32, #tpu.memory_space<vmem_shared>> -> memref<10112x128xf32, #tpu.memory_space<vmem_shared>>
        tpu.wait_indirect_dma semaphore(%run_scoped3A_511 : memref<!tpu.dma_semaphore, #tpu.memory_space<semaphore_mem>>) src(%dma_wait3A_525 : memref<128x128xf32, #tpu.memory_space<vmem>>) dst(%dma_wait3A_531 : memref<10112x128xf32, #tpu.memory_space<vmem_shared>>)
        tpu.yield
      }) : () -> ()
      %add3A_99 = arith.constant 2 : i32
      %add3A_100 = arith.addi %add3A_84, %add3A_99 : i32
      %lt3A_101 = arith.constant 80 : i32
      %lt3A_102 = arith.cmpi slt, %add3A_100, %lt3A_101 : i32
      %convert_element_type3A_103 = arith.extui %lt3A_102 : i1 to i32
      %cond3A_104 = arith.constant 0 : i32
      %cond3A_105 = arith.cmpi ne, %convert_element_type3A_103, %cond3A_104 : i32
      scf.if %cond3A_105 {
        %add3A_511 = arith.constant 2 : i32
        %add3A_512 = arith.addi %mul3A_60, %add3A_511 : i32
        %dma_start3A_513 = arith.constant 0 : i32
        %dma_start3A_514 = arith.constant 0 : i32
        %dma_start3A_515 = arith.constant 0 : i32
        %dma_start3A_516 = tpu.memref_slice %arg9[%dma_start3A_513, %dma_start3A_514, %dma_start3A_515] : memref<2x128x128xf32, #tpu.memory_space<vmem>> -> memref<1x128x128xf32, #tpu.memory_space<vmem>>
        %dma_start3A_517 = tpu.memref_squeeze %dma_start3A_516 : memref<1x128x128xf32, #tpu.memory_space<vmem>> -> memref<128x128xf32, #tpu.memory_space<vmem>>
        %dma_start3A_518 = arith.constant 0 : i32
        %dma_start3A_519 = tpu.memref_slice %arg7[%add3A_512, %dma_start3A_518] : memref<32x128xi32, #tpu.memory_space<vmem>> -> memref<1x128xi32, #tpu.memory_space<vmem>>
        %dma_start3A_520 = tpu.memref_squeeze %dma_start3A_519 : memref<1x128xi32, #tpu.memory_space<vmem>> -> memref<128xi32, #tpu.memory_space<vmem>>
        %dma_start3A_521 = arith.constant 0 : i32
        %dma_start3A_522 = arith.constant 0 : i32
        %dma_start3A_523 = tpu.memref_slice %arg2[%dma_start3A_521, %dma_start3A_522] : memref<10000x128xf32, #tpu.memory_space<hbm>> -> memref<10000x128xf32, #tpu.memory_space<hbm>>
        tpu.enqueue_indirect_dma source(%dma_start3A_523 : memref<10000x128xf32, #tpu.memory_space<hbm>>) target(%dma_start3A_517 : memref<128x128xf32, #tpu.memory_space<vmem>>) offsets(%dma_start3A_520 : memref<128xi32, #tpu.memory_space<vmem>>) semaphore(%arg11 : memref<!tpu.dma_semaphore, #tpu.memory_space<semaphore_mem>>)
      } else {
      }
      %mul3A_106 = arith.constant 16 : i32
      %mul3A_107 = arith.muli %add3A_44, %mul3A_106 : i32
      %add3A_108 = arith.constant 1 : i32
      %add3A_109 = arith.addi %mul3A_107, %add3A_108 : i32
      %add3A_110 = arith.constant 1 : i32
      %add3A_111 = arith.addi %mul3A_60, %add3A_110 : i32
      %dma_wait3A_112 = arith.constant 1 : i32
      %dma_wait3A_113 = arith.constant 0 : i32
      %dma_wait3A_114 = arith.constant 0 : i32
      %dma_wait3A_115 = tpu.memref_slice %arg9[%dma_wait3A_112, %dma_wait3A_113, %dma_wait3A_114] : memref<2x128x128xf32, #tpu.memory_space<vmem>> -> memref<1x128x128xf32, #tpu.memory_space<vmem>>
      %dma_wait3A_116 = tpu.memref_squeeze %dma_wait3A_115 : memref<1x128x128xf32, #tpu.memory_space<vmem>> -> memref<128x128xf32, #tpu.memory_space<vmem>>
      %dma_wait3A_117 = arith.constant 0 : i32
      %dma_wait3A_118 = tpu.memref_slice %arg7[%add3A_111, %dma_wait3A_117] : memref<32x128xi32, #tpu.memory_space<vmem>> -> memref<1x128xi32, #tpu.memory_space<vmem>>
      %dma_wait3A_119 = tpu.memref_squeeze %dma_wait3A_118 : memref<1x128xi32, #tpu.memory_space<vmem>> -> memref<128xi32, #tpu.memory_space<vmem>>
      %dma_wait3A_120 = arith.constant 0 : i32
      %dma_wait3A_121 = arith.constant 0 : i32
      %dma_wait3A_122 = tpu.memref_slice %arg2[%dma_wait3A_120, %dma_wait3A_121] : memref<10000x128xf32, #tpu.memory_space<hbm>> -> memref<10000x128xf32, #tpu.memory_space<hbm>>
      tpu.wait_indirect_dma semaphore(%arg11 : memref<!tpu.dma_semaphore, #tpu.memory_space<semaphore_mem>>) src(%dma_wait3A_122 : memref<10000x128xf32, #tpu.memory_space<hbm>>) dst(%dma_wait3A_116 : memref<128x128xf32, #tpu.memory_space<vmem>>)
      %add3A_123 = arith.constant 1 : i32
      %add3A_124 = arith.addi %mul3A_60, %add3A_123 : i32
      %run_scoped3A_125 = arith.constant 1 : i32
      "tpu.region"() ({
        %run_scoped3A_511 = tpu.sem_alloc : memref<!tpu.dma_semaphore, #tpu.memory_space<semaphore_mem>>
        %dma_start3A_512 = arith.constant 0 : i32
        %dma_start3A_513 = arith.constant 0 : i32
        %dma_start3A_514 = tpu.memref_slice %arg9[%run_scoped3A_125, %dma_start3A_512, %dma_start3A_513] : memref<2x128x128xf32, #tpu.memory_space<vmem>> -> memref<1x128x128xf32, #tpu.memory_space<vmem>>
        %dma_start3A_515 = tpu.memref_squeeze %dma_start3A_514 : memref<1x128x128xf32, #tpu.memory_space<vmem>> -> memref<128x128xf32, #tpu.memory_space<vmem>>
        %dma_start3A_516 = arith.constant 0 : i32
        %dma_start3A_517 = tpu.memref_slice %arg8[%add3A_124, %dma_start3A_516] : memref<32x128xi32, #tpu.memory_space<vmem>> -> memref<1x128xi32, #tpu.memory_space<vmem>>
        %dma_start3A_518 = tpu.memref_squeeze %dma_start3A_517 : memref<1x128xi32, #tpu.memory_space<vmem>> -> memref<128xi32, #tpu.memory_space<vmem>>
        %dma_start3A_519 = arith.constant 0 : i32
        %dma_start3A_520 = arith.constant 0 : i32
        %dma_start3A_521 = tpu.memref_slice %arg10[%dma_start3A_519, %dma_start3A_520] : memref<10112x128xf32, #tpu.memory_space<vmem_shared>> -> memref<10112x128xf32, #tpu.memory_space<vmem_shared>>
        tpu.enqueue_indirect_dma source(%dma_start3A_515 : memref<128x128xf32, #tpu.memory_space<vmem>>) target(%dma_start3A_521 : memref<10112x128xf32, #tpu.memory_space<vmem_shared>>) offsets(%dma_start3A_518 : memref<128xi32, #tpu.memory_space<vmem>>) semaphore(%run_scoped3A_511 : memref<!tpu.dma_semaphore, #tpu.memory_space<semaphore_mem>>) {add = true}
        %dma_wait3A_522 = arith.constant 0 : i32
        %dma_wait3A_523 = arith.constant 0 : i32
        %dma_wait3A_524 = tpu.memref_slice %arg9[%run_scoped3A_125, %dma_wait3A_522, %dma_wait3A_523] : memref<2x128x128xf32, #tpu.memory_space<vmem>> -> memref<1x128x128xf32, #tpu.memory_space<vmem>>
        %dma_wait3A_525 = tpu.memref_squeeze %dma_wait3A_524 : memref<1x128x128xf32, #tpu.memory_space<vmem>> -> memref<128x128xf32, #tpu.memory_space<vmem>>
        %dma_wait3A_526 = arith.constant 0 : i32
        %dma_wait3A_527 = tpu.memref_slice %arg8[%add3A_124, %dma_wait3A_526] : memref<32x128xi32, #tpu.memory_space<vmem>> -> memref<1x128xi32, #tpu.memory_space<vmem>>
        %dma_wait3A_528 = tpu.memref_squeeze %dma_wait3A_527 : memref<1x128xi32, #tpu.memory_space<vmem>> -> memref<128xi32, #tpu.memory_space<vmem>>
        %dma_wait3A_529 = arith.constant 0 : i32
        %dma_wait3A_530 = arith.constant 0 : i32
        %dma_wait3A_531 = tpu.memref_slice %arg10[%dma_wait3A_529, %dma_wait3A_530] : memref<10112x128xf32, #tpu.memory_space<vmem_shared>> -> memref<10112x128xf32, #tpu.memory_space<vmem_shared>>
        tpu.wait_indirect_dma semaphore(%run_scoped3A_511 : memref<!tpu.dma_semaphore, #tpu.memory_space<semaphore_mem>>) src(%dma_wait3A_525 : memref<128x128xf32, #tpu.memory_space<vmem>>) dst(%dma_wait3A_531 : memref<10112x128xf32, #tpu.memory_space<vmem_shared>>)
        tpu.yield
      }) : () -> ()
      %add3A_126 = arith.constant 2 : i32
      %add3A_127 = arith.addi %add3A_109, %add3A_126 : i32
      %lt3A_128 = arith.constant 80 : i32
      %lt3A_129 = arith.cmpi slt, %add3A_127, %lt3A_128 : i32
      %convert_element_type3A_130 = arith.extui %lt3A_129 : i1 to i32
      %cond3A_131 = arith.constant 0 : i32
      %cond3A_132 = arith.cmpi ne, %convert_element_type3A_130, %cond3A_131 : i32
      scf.if %cond3A_132 {
        %add3A_511 = arith.constant 3 : i32
        %add3A_512 = arith.addi %mul3A_60, %add3A_511 : i32
        %dma_start3A_513 = arith.constant 1 : i32
        %dma_start3A_514 = arith.constant 0 : i32
        %dma_start3A_515 = arith.constant 0 : i32
        %dma_start3A_516 = tpu.memref_slice %arg9[%dma_start3A_513, %dma_start3A_514, %dma_start3A_515] : memref<2x128x128xf32, #tpu.memory_space<vmem>> -> memref<1x128x128xf32, #tpu.memory_space<vmem>>
        %dma_start3A_517 = tpu.memref_squeeze %dma_start3A_516 : memref<1x128x128xf32, #tpu.memory_space<vmem>> -> memref<128x128xf32, #tpu.memory_space<vmem>>
        %dma_start3A_518 = arith.constant 0 : i32
        %dma_start3A_519 = tpu.memref_slice %arg7[%add3A_512, %dma_start3A_518] : memref<32x128xi32, #tpu.memory_space<vmem>> -> memref<1x128xi32, #tpu.memory_space<vmem>>
        %dma_start3A_520 = tpu.memref_squeeze %dma_start3A_519 : memref<1x128xi32, #tpu.memory_space<vmem>> -> memref<128xi32, #tpu.memory_space<vmem>>
        %dma_start3A_521 = arith.constant 0 : i32
        %dma_start3A_522 = arith.constant 0 : i32
        %dma_start3A_523 = tpu.memref_slice %arg2[%dma_start3A_521, %dma_start3A_522] : memref<10000x128xf32, #tpu.memory_space<hbm>> -> memref<10000x128xf32, #tpu.memory_space<hbm>>
        tpu.enqueue_indirect_dma source(%dma_start3A_523 : memref<10000x128xf32, #tpu.memory_space<hbm>>) target(%dma_start3A_517 : memref<128x128xf32, #tpu.memory_space<vmem>>) offsets(%dma_start3A_520 : memref<128xi32, #tpu.memory_space<vmem>>) semaphore(%arg11 : memref<!tpu.dma_semaphore, #tpu.memory_space<semaphore_mem>>)
      } else {
      }
      %mul3A_133 = arith.constant 16 : i32
      %mul3A_134 = arith.muli %add3A_44, %mul3A_133 : i32
      %add3A_135 = arith.constant 2 : i32
      %add3A_136 = arith.addi %mul3A_134, %add3A_135 : i32
      %add3A_137 = arith.constant 2 : i32
      %add3A_138 = arith.addi %mul3A_60, %add3A_137 : i32
      %dma_wait3A_139 = arith.constant 0 : i32
      %dma_wait3A_140 = arith.constant 0 : i32
      %dma_wait3A_141 = arith.constant 0 : i32
      %dma_wait3A_142 = tpu.memref_slice %arg9[%dma_wait3A_139, %dma_wait3A_140, %dma_wait3A_141] : memref<2x128x128xf32, #tpu.memory_space<vmem>> -> memref<1x128x128xf32, #tpu.memory_space<vmem>>
      %dma_wait3A_143 = tpu.memref_squeeze %dma_wait3A_142 : memref<1x128x128xf32, #tpu.memory_space<vmem>> -> memref<128x128xf32, #tpu.memory_space<vmem>>
      %dma_wait3A_144 = arith.constant 0 : i32
      %dma_wait3A_145 = tpu.memref_slice %arg7[%add3A_138, %dma_wait3A_144] : memref<32x128xi32, #tpu.memory_space<vmem>> -> memref<1x128xi32, #tpu.memory_space<vmem>>
      %dma_wait3A_146 = tpu.memref_squeeze %dma_wait3A_145 : memref<1x128xi32, #tpu.memory_space<vmem>> -> memref<128xi32, #tpu.memory_space<vmem>>
      %dma_wait3A_147 = arith.constant 0 : i32
      %dma_wait3A_148 = arith.constant 0 : i32
      %dma_wait3A_149 = tpu.memref_slice %arg2[%dma_wait3A_147, %dma_wait3A_148] : memref<10000x128xf32, #tpu.memory_space<hbm>> -> memref<10000x128xf32, #tpu.memory_space<hbm>>
      tpu.wait_indirect_dma semaphore(%arg11 : memref<!tpu.dma_semaphore, #tpu.memory_space<semaphore_mem>>) src(%dma_wait3A_149 : memref<10000x128xf32, #tpu.memory_space<hbm>>) dst(%dma_wait3A_143 : memref<128x128xf32, #tpu.memory_space<vmem>>)
      %add3A_150 = arith.constant 2 : i32
      %add3A_151 = arith.addi %mul3A_60, %add3A_150 : i32
      %run_scoped3A_152 = arith.constant 0 : i32
      "tpu.region"() ({
        %run_scoped3A_511 = tpu.sem_alloc : memref<!tpu.dma_semaphore, #tpu.memory_space<semaphore_mem>>
        %dma_start3A_512 = arith.constant 0 : i32
        %dma_start3A_513 = arith.constant 0 : i32
        %dma_start3A_514 = tpu.memref_slice %arg9[%run_scoped3A_152, %dma_start3A_512, %dma_start3A_513] : memref<2x128x128xf32, #tpu.memory_space<vmem>> -> memref<1x128x128xf32, #tpu.memory_space<vmem>>
        %dma_start3A_515 = tpu.memref_squeeze %dma_start3A_514 : memref<1x128x128xf32, #tpu.memory_space<vmem>> -> memref<128x128xf32, #tpu.memory_space<vmem>>
        %dma_start3A_516 = arith.constant 0 : i32
        %dma_start3A_517 = tpu.memref_slice %arg8[%add3A_151, %dma_start3A_516] : memref<32x128xi32, #tpu.memory_space<vmem>> -> memref<1x128xi32, #tpu.memory_space<vmem>>
        %dma_start3A_518 = tpu.memref_squeeze %dma_start3A_517 : memref<1x128xi32, #tpu.memory_space<vmem>> -> memref<128xi32, #tpu.memory_space<vmem>>
        %dma_start3A_519 = arith.constant 0 : i32
        %dma_start3A_520 = arith.constant 0 : i32
        %dma_start3A_521 = tpu.memref_slice %arg10[%dma_start3A_519, %dma_start3A_520] : memref<10112x128xf32, #tpu.memory_space<vmem_shared>> -> memref<10112x128xf32, #tpu.memory_space<vmem_shared>>
        tpu.enqueue_indirect_dma source(%dma_start3A_515 : memref<128x128xf32, #tpu.memory_space<vmem>>) target(%dma_start3A_521 : memref<10112x128xf32, #tpu.memory_space<vmem_shared>>) offsets(%dma_start3A_518 : memref<128xi32, #tpu.memory_space<vmem>>) semaphore(%run_scoped3A_511 : memref<!tpu.dma_semaphore, #tpu.memory_space<semaphore_mem>>) {add = true}
        %dma_wait3A_522 = arith.constant 0 : i32
        %dma_wait3A_523 = arith.constant 0 : i32
        %dma_wait3A_524 = tpu.memref_slice %arg9[%run_scoped3A_152, %dma_wait3A_522, %dma_wait3A_523] : memref<2x128x128xf32, #tpu.memory_space<vmem>> -> memref<1x128x128xf32, #tpu.memory_space<vmem>>
        %dma_wait3A_525 = tpu.memref_squeeze %dma_wait3A_524 : memref<1x128x128xf32, #tpu.memory_space<vmem>> -> memref<128x128xf32, #tpu.memory_space<vmem>>
        %dma_wait3A_526 = arith.constant 0 : i32
        %dma_wait3A_527 = tpu.memref_slice %arg8[%add3A_151, %dma_wait3A_526] : memref<32x128xi32, #tpu.memory_space<vmem>> -> memref<1x128xi32, #tpu.memory_space<vmem>>
        %dma_wait3A_528 = tpu.memref_squeeze %dma_wait3A_527 : memref<1x128xi32, #tpu.memory_space<vmem>> -> memref<128xi32, #tpu.memory_space<vmem>>
        %dma_wait3A_529 = arith.constant 0 : i32
        %dma_wait3A_530 = arith.constant 0 : i32
        %dma_wait3A_531 = tpu.memref_slice %arg10[%dma_wait3A_529, %dma_wait3A_530] : memref<10112x128xf32, #tpu.memory_space<vmem_shared>> -> memref<10112x128xf32, #tpu.memory_space<vmem_shared>>
        tpu.wait_indirect_dma semaphore(%run_scoped3A_511 : memref<!tpu.dma_semaphore, #tpu.memory_space<semaphore_mem>>) src(%dma_wait3A_525 : memref<128x128xf32, #tpu.memory_space<vmem>>) dst(%dma_wait3A_531 : memref<10112x128xf32, #tpu.memory_space<vmem_shared>>)
        tpu.yield
      }) : () -> ()
      %add3A_153 = arith.constant 2 : i32
      %add3A_154 = arith.addi %add3A_136, %add3A_153 : i32
      %lt3A_155 = arith.constant 80 : i32
      %lt3A_156 = arith.cmpi slt, %add3A_154, %lt3A_155 : i32
      %convert_element_type3A_157 = arith.extui %lt3A_156 : i1 to i32
      %cond3A_158 = arith.constant 0 : i32
      %cond3A_159 = arith.cmpi ne, %convert_element_type3A_157, %cond3A_158 : i32
      scf.if %cond3A_159 {
        %add3A_511 = arith.constant 4 : i32
        %add3A_512 = arith.addi %mul3A_60, %add3A_511 : i32
        %dma_start3A_513 = arith.constant 0 : i32
        %dma_start3A_514 = arith.constant 0 : i32
        %dma_start3A_515 = arith.constant 0 : i32
        %dma_start3A_516 = tpu.memref_slice %arg9[%dma_start3A_513, %dma_start3A_514, %dma_start3A_515] : memref<2x128x128xf32, #tpu.memory_space<vmem>> -> memref<1x128x128xf32, #tpu.memory_space<vmem>>
        %dma_start3A_517 = tpu.memref_squeeze %dma_start3A_516 : memref<1x128x128xf32, #tpu.memory_space<vmem>> -> memref<128x128xf32, #tpu.memory_space<vmem>>
        %dma_start3A_518 = arith.constant 0 : i32
        %dma_start3A_519 = tpu.memref_slice %arg7[%add3A_512, %dma_start3A_518] : memref<32x128xi32, #tpu.memory_space<vmem>> -> memref<1x128xi32, #tpu.memory_space<vmem>>
        %dma_start3A_520 = tpu.memref_squeeze %dma_start3A_519 : memref<1x128xi32, #tpu.memory_space<vmem>> -> memref<128xi32, #tpu.memory_space<vmem>>
        %dma_start3A_521 = arith.constant 0 : i32
        %dma_start3A_522 = arith.constant 0 : i32
        %dma_start3A_523 = tpu.memref_slice %arg2[%dma_start3A_521, %dma_start3A_522] : memref<10000x128xf32, #tpu.memory_space<hbm>> -> memref<10000x128xf32, #tpu.memory_space<hbm>>
        tpu.enqueue_indirect_dma source(%dma_start3A_523 : memref<10000x128xf32, #tpu.memory_space<hbm>>) target(%dma_start3A_517 : memref<128x128xf32, #tpu.memory_space<vmem>>) offsets(%dma_start3A_520 : memref<128xi32, #tpu.memory_space<vmem>>) semaphore(%arg11 : memref<!tpu.dma_semaphore, #tpu.memory_space<semaphore_mem>>)
      } else {
      }
      %mul3A_160 = arith.constant 16 : i32
      %mul3A_161 = arith.muli %add3A_44, %mul3A_160 : i32
      %add3A_162 = arith.constant 3 : i32
      %add3A_163 = arith.addi %mul3A_161, %add3A_162 : i32
      %add3A_164 = arith.constant 3 : i32
      %add3A_165 = arith.addi %mul3A_60, %add3A_164 : i32
      %dma_wait3A_166 = arith.constant 1 : i32
      %dma_wait3A_167 = arith.constant 0 : i32
      %dma_wait3A_168 = arith.constant 0 : i32
      %dma_wait3A_169 = tpu.memref_slice %arg9[%dma_wait3A_166, %dma_wait3A_167, %dma_wait3A_168] : memref<2x128x128xf32, #tpu.memory_space<vmem>> -> memref<1x128x128xf32, #tpu.memory_space<vmem>>
      %dma_wait3A_170 = tpu.memref_squeeze %dma_wait3A_169 : memref<1x128x128xf32, #tpu.memory_space<vmem>> -> memref<128x128xf32, #tpu.memory_space<vmem>>
      %dma_wait3A_171 = arith.constant 0 : i32
      %dma_wait3A_172 = tpu.memref_slice %arg7[%add3A_165, %dma_wait3A_171] : memref<32x128xi32, #tpu.memory_space<vmem>> -> memref<1x128xi32, #tpu.memory_space<vmem>>
      %dma_wait3A_173 = tpu.memref_squeeze %dma_wait3A_172 : memref<1x128xi32, #tpu.memory_space<vmem>> -> memref<128xi32, #tpu.memory_space<vmem>>
      %dma_wait3A_174 = arith.constant 0 : i32
      %dma_wait3A_175 = arith.constant 0 : i32
      %dma_wait3A_176 = tpu.memref_slice %arg2[%dma_wait3A_174, %dma_wait3A_175] : memref<10000x128xf32, #tpu.memory_space<hbm>> -> memref<10000x128xf32, #tpu.memory_space<hbm>>
      tpu.wait_indirect_dma semaphore(%arg11 : memref<!tpu.dma_semaphore, #tpu.memory_space<semaphore_mem>>) src(%dma_wait3A_176 : memref<10000x128xf32, #tpu.memory_space<hbm>>) dst(%dma_wait3A_170 : memref<128x128xf32, #tpu.memory_space<vmem>>)
      %add3A_177 = arith.constant 3 : i32
      %add3A_178 = arith.addi %mul3A_60, %add3A_177 : i32
      %run_scoped3A_179 = arith.constant 1 : i32
      "tpu.region"() ({
        %run_scoped3A_511 = tpu.sem_alloc : memref<!tpu.dma_semaphore, #tpu.memory_space<semaphore_mem>>
        %dma_start3A_512 = arith.constant 0 : i32
        %dma_start3A_513 = arith.constant 0 : i32
        %dma_start3A_514 = tpu.memref_slice %arg9[%run_scoped3A_179, %dma_start3A_512, %dma_start3A_513] : memref<2x128x128xf32, #tpu.memory_space<vmem>> -> memref<1x128x128xf32, #tpu.memory_space<vmem>>
        %dma_start3A_515 = tpu.memref_squeeze %dma_start3A_514 : memref<1x128x128xf32, #tpu.memory_space<vmem>> -> memref<128x128xf32, #tpu.memory_space<vmem>>
        %dma_start3A_516 = arith.constant 0 : i32
        %dma_start3A_517 = tpu.memref_slice %arg8[%add3A_178, %dma_start3A_516] : memref<32x128xi32, #tpu.memory_space<vmem>> -> memref<1x128xi32, #tpu.memory_space<vmem>>
        %dma_start3A_518 = tpu.memref_squeeze %dma_start3A_517 : memref<1x128xi32, #tpu.memory_space<vmem>> -> memref<128xi32, #tpu.memory_space<vmem>>
        %dma_start3A_519 = arith.constant 0 : i32
        %dma_start3A_520 = arith.constant 0 : i32
        %dma_start3A_521 = tpu.memref_slice %arg10[%dma_start3A_519, %dma_start3A_520] : memref<10112x128xf32, #tpu.memory_space<vmem_shared>> -> memref<10112x128xf32, #tpu.memory_space<vmem_shared>>
        tpu.enqueue_indirect_dma source(%dma_start3A_515 : memref<128x128xf32, #tpu.memory_space<vmem>>) target(%dma_start3A_521 : memref<10112x128xf32, #tpu.memory_space<vmem_shared>>) offsets(%dma_start3A_518 : memref<128xi32, #tpu.memory_space<vmem>>) semaphore(%run_scoped3A_511 : memref<!tpu.dma_semaphore, #tpu.memory_space<semaphore_mem>>) {add = true}
        %dma_wait3A_522 = arith.constant 0 : i32
        %dma_wait3A_523 = arith.constant 0 : i32
        %dma_wait3A_524 = tpu.memref_slice %arg9[%run_scoped3A_179, %dma_wait3A_522, %dma_wait3A_523] : memref<2x128x128xf32, #tpu.memory_space<vmem>> -> memref<1x128x128xf32, #tpu.memory_space<vmem>>
        %dma_wait3A_525 = tpu.memref_squeeze %dma_wait3A_524 : memref<1x128x128xf32, #tpu.memory_space<vmem>> -> memref<128x128xf32, #tpu.memory_space<vmem>>
        %dma_wait3A_526 = arith.constant 0 : i32
        %dma_wait3A_527 = tpu.memref_slice %arg8[%add3A_178, %dma_wait3A_526] : memref<32x128xi32, #tpu.memory_space<vmem>> -> memref<1x128xi32, #tpu.memory_space<vmem>>
        %dma_wait3A_528 = tpu.memref_squeeze %dma_wait3A_527 : memref<1x128xi32, #tpu.memory_space<vmem>> -> memref<128xi32, #tpu.memory_space<vmem>>
        %dma_wait3A_529 = arith.constant 0 : i32
        %dma_wait3A_530 = arith.constant 0 : i32
        %dma_wait3A_531 = tpu.memref_slice %arg10[%dma_wait3A_529, %dma_wait3A_530] : memref<10112x128xf32, #tpu.memory_space<vmem_shared>> -> memref<10112x128xf32, #tpu.memory_space<vmem_shared>>
        tpu.wait_indirect_dma semaphore(%run_scoped3A_511 : memref<!tpu.dma_semaphore, #tpu.memory_space<semaphore_mem>>) src(%dma_wait3A_525 : memref<128x128xf32, #tpu.memory_space<vmem>>) dst(%dma_wait3A_531 : memref<10112x128xf32, #tpu.memory_space<vmem_shared>>)
        tpu.yield
      }) : () -> ()
      %add3A_180 = arith.constant 2 : i32
      %add3A_181 = arith.addi %add3A_163, %add3A_180 : i32
      %lt3A_182 = arith.constant 80 : i32
      %lt3A_183 = arith.cmpi slt, %add3A_181, %lt3A_182 : i32
      %convert_element_type3A_184 = arith.extui %lt3A_183 : i1 to i32
      %cond3A_185 = arith.constant 0 : i32
      %cond3A_186 = arith.cmpi ne, %convert_element_type3A_184, %cond3A_185 : i32
      scf.if %cond3A_186 {
        %add3A_511 = arith.constant 5 : i32
        %add3A_512 = arith.addi %mul3A_60, %add3A_511 : i32
        %dma_start3A_513 = arith.constant 1 : i32
        %dma_start3A_514 = arith.constant 0 : i32
        %dma_start3A_515 = arith.constant 0 : i32
        %dma_start3A_516 = tpu.memref_slice %arg9[%dma_start3A_513, %dma_start3A_514, %dma_start3A_515] : memref<2x128x128xf32, #tpu.memory_space<vmem>> -> memref<1x128x128xf32, #tpu.memory_space<vmem>>
        %dma_start3A_517 = tpu.memref_squeeze %dma_start3A_516 : memref<1x128x128xf32, #tpu.memory_space<vmem>> -> memref<128x128xf32, #tpu.memory_space<vmem>>
        %dma_start3A_518 = arith.constant 0 : i32
        %dma_start3A_519 = tpu.memref_slice %arg7[%add3A_512, %dma_start3A_518] : memref<32x128xi32, #tpu.memory_space<vmem>> -> memref<1x128xi32, #tpu.memory_space<vmem>>
        %dma_start3A_520 = tpu.memref_squeeze %dma_start3A_519 : memref<1x128xi32, #tpu.memory_space<vmem>> -> memref<128xi32, #tpu.memory_space<vmem>>
        %dma_start3A_521 = arith.constant 0 : i32
        %dma_start3A_522 = arith.constant 0 : i32
        %dma_start3A_523 = tpu.memref_slice %arg2[%dma_start3A_521, %dma_start3A_522] : memref<10000x128xf32, #tpu.memory_space<hbm>> -> memref<10000x128xf32, #tpu.memory_space<hbm>>
        tpu.enqueue_indirect_dma source(%dma_start3A_523 : memref<10000x128xf32, #tpu.memory_space<hbm>>) target(%dma_start3A_517 : memref<128x128xf32, #tpu.memory_space<vmem>>) offsets(%dma_start3A_520 : memref<128xi32, #tpu.memory_space<vmem>>) semaphore(%arg11 : memref<!tpu.dma_semaphore, #tpu.memory_space<semaphore_mem>>)
      } else {
      }
      %mul3A_187 = arith.constant 16 : i32
      %mul3A_188 = arith.muli %add3A_44, %mul3A_187 : i32
      %add3A_189 = arith.constant 4 : i32
      %add3A_190 = arith.addi %mul3A_188, %add3A_189 : i32
      %add3A_191 = arith.constant 4 : i32
      %add3A_192 = arith.addi %mul3A_60, %add3A_191 : i32
      %dma_wait3A_193 = arith.constant 0 : i32
      %dma_wait3A_194 = arith.constant 0 : i32
      %dma_wait3A_195 = arith.constant 0 : i32
      %dma_wait3A_196 = tpu.memref_slice %arg9[%dma_wait3A_193, %dma_wait3A_194, %dma_wait3A_195] : memref<2x128x128xf32, #tpu.memory_space<vmem>> -> memref<1x128x128xf32, #tpu.memory_space<vmem>>
      %dma_wait3A_197 = tpu.memref_squeeze %dma_wait3A_196 : memref<1x128x128xf32, #tpu.memory_space<vmem>> -> memref<128x128xf32, #tpu.memory_space<vmem>>
      %dma_wait3A_198 = arith.constant 0 : i32
      %dma_wait3A_199 = tpu.memref_slice %arg7[%add3A_192, %dma_wait3A_198] : memref<32x128xi32, #tpu.memory_space<vmem>> -> memref<1x128xi32, #tpu.memory_space<vmem>>
      %dma_wait3A_200 = tpu.memref_squeeze %dma_wait3A_199 : memref<1x128xi32, #tpu.memory_space<vmem>> -> memref<128xi32, #tpu.memory_space<vmem>>
      %dma_wait3A_201 = arith.constant 0 : i32
      %dma_wait3A_202 = arith.constant 0 : i32
      %dma_wait3A_203 = tpu.memref_slice %arg2[%dma_wait3A_201, %dma_wait3A_202] : memref<10000x128xf32, #tpu.memory_space<hbm>> -> memref<10000x128xf32, #tpu.memory_space<hbm>>
      tpu.wait_indirect_dma semaphore(%arg11 : memref<!tpu.dma_semaphore, #tpu.memory_space<semaphore_mem>>) src(%dma_wait3A_203 : memref<10000x128xf32, #tpu.memory_space<hbm>>) dst(%dma_wait3A_197 : memref<128x128xf32, #tpu.memory_space<vmem>>)
      %add3A_204 = arith.constant 4 : i32
      %add3A_205 = arith.addi %mul3A_60, %add3A_204 : i32
      %run_scoped3A_206 = arith.constant 0 : i32
      "tpu.region"() ({
        %run_scoped3A_511 = tpu.sem_alloc : memref<!tpu.dma_semaphore, #tpu.memory_space<semaphore_mem>>
        %dma_start3A_512 = arith.constant 0 : i32
        %dma_start3A_513 = arith.constant 0 : i32
        %dma_start3A_514 = tpu.memref_slice %arg9[%run_scoped3A_206, %dma_start3A_512, %dma_start3A_513] : memref<2x128x128xf32, #tpu.memory_space<vmem>> -> memref<1x128x128xf32, #tpu.memory_space<vmem>>
        %dma_start3A_515 = tpu.memref_squeeze %dma_start3A_514 : memref<1x128x128xf32, #tpu.memory_space<vmem>> -> memref<128x128xf32, #tpu.memory_space<vmem>>
        %dma_start3A_516 = arith.constant 0 : i32
        %dma_start3A_517 = tpu.memref_slice %arg8[%add3A_205, %dma_start3A_516] : memref<32x128xi32, #tpu.memory_space<vmem>> -> memref<1x128xi32, #tpu.memory_space<vmem>>
        %dma_start3A_518 = tpu.memref_squeeze %dma_start3A_517 : memref<1x128xi32, #tpu.memory_space<vmem>> -> memref<128xi32, #tpu.memory_space<vmem>>
        %dma_start3A_519 = arith.constant 0 : i32
        %dma_start3A_520 = arith.constant 0 : i32
        %dma_start3A_521 = tpu.memref_slice %arg10[%dma_start3A_519, %dma_start3A_520] : memref<10112x128xf32, #tpu.memory_space<vmem_shared>> -> memref<10112x128xf32, #tpu.memory_space<vmem_shared>>
        tpu.enqueue_indirect_dma source(%dma_start3A_515 : memref<128x128xf32, #tpu.memory_space<vmem>>) target(%dma_start3A_521 : memref<10112x128xf32, #tpu.memory_space<vmem_shared>>) offsets(%dma_start3A_518 : memref<128xi32, #tpu.memory_space<vmem>>) semaphore(%run_scoped3A_511 : memref<!tpu.dma_semaphore, #tpu.memory_space<semaphore_mem>>) {add = true}
        %dma_wait3A_522 = arith.constant 0 : i32
        %dma_wait3A_523 = arith.constant 0 : i32
        %dma_wait3A_524 = tpu.memref_slice %arg9[%run_scoped3A_206, %dma_wait3A_522, %dma_wait3A_523] : memref<2x128x128xf32, #tpu.memory_space<vmem>> -> memref<1x128x128xf32, #tpu.memory_space<vmem>>
        %dma_wait3A_525 = tpu.memref_squeeze %dma_wait3A_524 : memref<1x128x128xf32, #tpu.memory_space<vmem>> -> memref<128x128xf32, #tpu.memory_space<vmem>>
        %dma_wait3A_526 = arith.constant 0 : i32
        %dma_wait3A_527 = tpu.memref_slice %arg8[%add3A_205, %dma_wait3A_526] : memref<32x128xi32, #tpu.memory_space<vmem>> -> memref<1x128xi32, #tpu.memory_space<vmem>>
        %dma_wait3A_528 = tpu.memref_squeeze %dma_wait3A_527 : memref<1x128xi32, #tpu.memory_space<vmem>> -> memref<128xi32, #tpu.memory_space<vmem>>
        %dma_wait3A_529 = arith.constant 0 : i32
        %dma_wait3A_530 = arith.constant 0 : i32
        %dma_wait3A_531 = tpu.memref_slice %arg10[%dma_wait3A_529, %dma_wait3A_530] : memref<10112x128xf32, #tpu.memory_space<vmem_shared>> -> memref<10112x128xf32, #tpu.memory_space<vmem_shared>>
        tpu.wait_indirect_dma semaphore(%run_scoped3A_511 : memref<!tpu.dma_semaphore, #tpu.memory_space<semaphore_mem>>) src(%dma_wait3A_525 : memref<128x128xf32, #tpu.memory_space<vmem>>) dst(%dma_wait3A_531 : memref<10112x128xf32, #tpu.memory_space<vmem_shared>>)
        tpu.yield
      }) : () -> ()
      %add3A_207 = arith.constant 2 : i32
      %add3A_208 = arith.addi %add3A_190, %add3A_207 : i32
      %lt3A_209 = arith.constant 80 : i32
      %lt3A_210 = arith.cmpi slt, %add3A_208, %lt3A_209 : i32
      %convert_element_type3A_211 = arith.extui %lt3A_210 : i1 to i32
      %cond3A_212 = arith.constant 0 : i32
      %cond3A_213 = arith.cmpi ne, %convert_element_type3A_211, %cond3A_212 : i32
      scf.if %cond3A_213 {
        %add3A_511 = arith.constant 6 : i32
        %add3A_512 = arith.addi %mul3A_60, %add3A_511 : i32
        %dma_start3A_513 = arith.constant 0 : i32
        %dma_start3A_514 = arith.constant 0 : i32
        %dma_start3A_515 = arith.constant 0 : i32
        %dma_start3A_516 = tpu.memref_slice %arg9[%dma_start3A_513, %dma_start3A_514, %dma_start3A_515] : memref<2x128x128xf32, #tpu.memory_space<vmem>> -> memref<1x128x128xf32, #tpu.memory_space<vmem>>
        %dma_start3A_517 = tpu.memref_squeeze %dma_start3A_516 : memref<1x128x128xf32, #tpu.memory_space<vmem>> -> memref<128x128xf32, #tpu.memory_space<vmem>>
        %dma_start3A_518 = arith.constant 0 : i32
        %dma_start3A_519 = tpu.memref_slice %arg7[%add3A_512, %dma_start3A_518] : memref<32x128xi32, #tpu.memory_space<vmem>> -> memref<1x128xi32, #tpu.memory_space<vmem>>
        %dma_start3A_520 = tpu.memref_squeeze %dma_start3A_519 : memref<1x128xi32, #tpu.memory_space<vmem>> -> memref<128xi32, #tpu.memory_space<vmem>>
        %dma_start3A_521 = arith.constant 0 : i32
        %dma_start3A_522 = arith.constant 0 : i32
        %dma_start3A_523 = tpu.memref_slice %arg2[%dma_start3A_521, %dma_start3A_522] : memref<10000x128xf32, #tpu.memory_space<hbm>> -> memref<10000x128xf32, #tpu.memory_space<hbm>>
        tpu.enqueue_indirect_dma source(%dma_start3A_523 : memref<10000x128xf32, #tpu.memory_space<hbm>>) target(%dma_start3A_517 : memref<128x128xf32, #tpu.memory_space<vmem>>) offsets(%dma_start3A_520 : memref<128xi32, #tpu.memory_space<vmem>>) semaphore(%arg11 : memref<!tpu.dma_semaphore, #tpu.memory_space<semaphore_mem>>)
      } else {
      }
      %mul3A_214 = arith.constant 16 : i32
      %mul3A_215 = arith.muli %add3A_44, %mul3A_214 : i32
      %add3A_216 = arith.constant 5 : i32
      %add3A_217 = arith.addi %mul3A_215, %add3A_216 : i32
      %add3A_218 = arith.constant 5 : i32
      %add3A_219 = arith.addi %mul3A_60, %add3A_218 : i32
      %dma_wait3A_220 = arith.constant 1 : i32
      %dma_wait3A_221 = arith.constant 0 : i32
      %dma_wait3A_222 = arith.constant 0 : i32
      %dma_wait3A_223 = tpu.memref_slice %arg9[%dma_wait3A_220, %dma_wait3A_221, %dma_wait3A_222] : memref<2x128x128xf32, #tpu.memory_space<vmem>> -> memref<1x128x128xf32, #tpu.memory_space<vmem>>
      %dma_wait3A_224 = tpu.memref_squeeze %dma_wait3A_223 : memref<1x128x128xf32, #tpu.memory_space<vmem>> -> memref<128x128xf32, #tpu.memory_space<vmem>>
      %dma_wait3A_225 = arith.constant 0 : i32
      %dma_wait3A_226 = tpu.memref_slice %arg7[%add3A_219, %dma_wait3A_225] : memref<32x128xi32, #tpu.memory_space<vmem>> -> memref<1x128xi32, #tpu.memory_space<vmem>>
      %dma_wait3A_227 = tpu.memref_squeeze %dma_wait3A_226 : memref<1x128xi32, #tpu.memory_space<vmem>> -> memref<128xi32, #tpu.memory_space<vmem>>
      %dma_wait3A_228 = arith.constant 0 : i32
      %dma_wait3A_229 = arith.constant 0 : i32
      %dma_wait3A_230 = tpu.memref_slice %arg2[%dma_wait3A_228, %dma_wait3A_229] : memref<10000x128xf32, #tpu.memory_space<hbm>> -> memref<10000x128xf32, #tpu.memory_space<hbm>>
      tpu.wait_indirect_dma semaphore(%arg11 : memref<!tpu.dma_semaphore, #tpu.memory_space<semaphore_mem>>) src(%dma_wait3A_230 : memref<10000x128xf32, #tpu.memory_space<hbm>>) dst(%dma_wait3A_224 : memref<128x128xf32, #tpu.memory_space<vmem>>)
      %add3A_231 = arith.constant 5 : i32
      %add3A_232 = arith.addi %mul3A_60, %add3A_231 : i32
      %run_scoped3A_233 = arith.constant 1 : i32
      "tpu.region"() ({
        %run_scoped3A_511 = tpu.sem_alloc : memref<!tpu.dma_semaphore, #tpu.memory_space<semaphore_mem>>
        %dma_start3A_512 = arith.constant 0 : i32
        %dma_start3A_513 = arith.constant 0 : i32
        %dma_start3A_514 = tpu.memref_slice %arg9[%run_scoped3A_233, %dma_start3A_512, %dma_start3A_513] : memref<2x128x128xf32, #tpu.memory_space<vmem>> -> memref<1x128x128xf32, #tpu.memory_space<vmem>>
        %dma_start3A_515 = tpu.memref_squeeze %dma_start3A_514 : memref<1x128x128xf32, #tpu.memory_space<vmem>> -> memref<128x128xf32, #tpu.memory_space<vmem>>
        %dma_start3A_516 = arith.constant 0 : i32
        %dma_start3A_517 = tpu.memref_slice %arg8[%add3A_232, %dma_start3A_516] : memref<32x128xi32, #tpu.memory_space<vmem>> -> memref<1x128xi32, #tpu.memory_space<vmem>>
        %dma_start3A_518 = tpu.memref_squeeze %dma_start3A_517 : memref<1x128xi32, #tpu.memory_space<vmem>> -> memref<128xi32, #tpu.memory_space<vmem>>
        %dma_start3A_519 = arith.constant 0 : i32
        %dma_start3A_520 = arith.constant 0 : i32
        %dma_start3A_521 = tpu.memref_slice %arg10[%dma_start3A_519, %dma_start3A_520] : memref<10112x128xf32, #tpu.memory_space<vmem_shared>> -> memref<10112x128xf32, #tpu.memory_space<vmem_shared>>
        tpu.enqueue_indirect_dma source(%dma_start3A_515 : memref<128x128xf32, #tpu.memory_space<vmem>>) target(%dma_start3A_521 : memref<10112x128xf32, #tpu.memory_space<vmem_shared>>) offsets(%dma_start3A_518 : memref<128xi32, #tpu.memory_space<vmem>>) semaphore(%run_scoped3A_511 : memref<!tpu.dma_semaphore, #tpu.memory_space<semaphore_mem>>) {add = true}
        %dma_wait3A_522 = arith.constant 0 : i32
        %dma_wait3A_523 = arith.constant 0 : i32
        %dma_wait3A_524 = tpu.memref_slice %arg9[%run_scoped3A_233, %dma_wait3A_522, %dma_wait3A_523] : memref<2x128x128xf32, #tpu.memory_space<vmem>> -> memref<1x128x128xf32, #tpu.memory_space<vmem>>
        %dma_wait3A_525 = tpu.memref_squeeze %dma_wait3A_524 : memref<1x128x128xf32, #tpu.memory_space<vmem>> -> memref<128x128xf32, #tpu.memory_space<vmem>>
        %dma_wait3A_526 = arith.constant 0 : i32
        %dma_wait3A_527 = tpu.memref_slice %arg8[%add3A_232, %dma_wait3A_526] : memref<32x128xi32, #tpu.memory_space<vmem>> -> memref<1x128xi32, #tpu.memory_space<vmem>>
        %dma_wait3A_528 = tpu.memref_squeeze %dma_wait3A_527 : memref<1x128xi32, #tpu.memory_space<vmem>> -> memref<128xi32, #tpu.memory_space<vmem>>
        %dma_wait3A_529 = arith.constant 0 : i32
        %dma_wait3A_530 = arith.constant 0 : i32
        %dma_wait3A_531 = tpu.memref_slice %arg10[%dma_wait3A_529, %dma_wait3A_530] : memref<10112x128xf32, #tpu.memory_space<vmem_shared>> -> memref<10112x128xf32, #tpu.memory_space<vmem_shared>>
        tpu.wait_indirect_dma semaphore(%run_scoped3A_511 : memref<!tpu.dma_semaphore, #tpu.memory_space<semaphore_mem>>) src(%dma_wait3A_525 : memref<128x128xf32, #tpu.memory_space<vmem>>) dst(%dma_wait3A_531 : memref<10112x128xf32, #tpu.memory_space<vmem_shared>>)
        tpu.yield
      }) : () -> ()
      %add3A_234 = arith.constant 2 : i32
      %add3A_235 = arith.addi %add3A_217, %add3A_234 : i32
      %lt3A_236 = arith.constant 80 : i32
      %lt3A_237 = arith.cmpi slt, %add3A_235, %lt3A_236 : i32
      %convert_element_type3A_238 = arith.extui %lt3A_237 : i1 to i32
      %cond3A_239 = arith.constant 0 : i32
      %cond3A_240 = arith.cmpi ne, %convert_element_type3A_238, %cond3A_239 : i32
      scf.if %cond3A_240 {
        %add3A_511 = arith.constant 7 : i32
        %add3A_512 = arith.addi %mul3A_60, %add3A_511 : i32
        %dma_start3A_513 = arith.constant 1 : i32
        %dma_start3A_514 = arith.constant 0 : i32
        %dma_start3A_515 = arith.constant 0 : i32
        %dma_start3A_516 = tpu.memref_slice %arg9[%dma_start3A_513, %dma_start3A_514, %dma_start3A_515] : memref<2x128x128xf32, #tpu.memory_space<vmem>> -> memref<1x128x128xf32, #tpu.memory_space<vmem>>
        %dma_start3A_517 = tpu.memref_squeeze %dma_start3A_516 : memref<1x128x128xf32, #tpu.memory_space<vmem>> -> memref<128x128xf32, #tpu.memory_space<vmem>>
        %dma_start3A_518 = arith.constant 0 : i32
        %dma_start3A_519 = tpu.memref_slice %arg7[%add3A_512, %dma_start3A_518] : memref<32x128xi32, #tpu.memory_space<vmem>> -> memref<1x128xi32, #tpu.memory_space<vmem>>
        %dma_start3A_520 = tpu.memref_squeeze %dma_start3A_519 : memref<1x128xi32, #tpu.memory_space<vmem>> -> memref<128xi32, #tpu.memory_space<vmem>>
        %dma_start3A_521 = arith.constant 0 : i32
        %dma_start3A_522 = arith.constant 0 : i32
        %dma_start3A_523 = tpu.memref_slice %arg2[%dma_start3A_521, %dma_start3A_522] : memref<10000x128xf32, #tpu.memory_space<hbm>> -> memref<10000x128xf32, #tpu.memory_space<hbm>>
        tpu.enqueue_indirect_dma source(%dma_start3A_523 : memref<10000x128xf32, #tpu.memory_space<hbm>>) target(%dma_start3A_517 : memref<128x128xf32, #tpu.memory_space<vmem>>) offsets(%dma_start3A_520 : memref<128xi32, #tpu.memory_space<vmem>>) semaphore(%arg11 : memref<!tpu.dma_semaphore, #tpu.memory_space<semaphore_mem>>)
      } else {
      }
      %mul3A_241 = arith.constant 16 : i32
      %mul3A_242 = arith.muli %add3A_44, %mul3A_241 : i32
      %add3A_243 = arith.constant 6 : i32
      %add3A_244 = arith.addi %mul3A_242, %add3A_243 : i32
      %add3A_245 = arith.constant 6 : i32
      %add3A_246 = arith.addi %mul3A_60, %add3A_245 : i32
      %dma_wait3A_247 = arith.constant 0 : i32
      %dma_wait3A_248 = arith.constant 0 : i32
      %dma_wait3A_249 = arith.constant 0 : i32
      %dma_wait3A_250 = tpu.memref_slice %arg9[%dma_wait3A_247, %dma_wait3A_248, %dma_wait3A_249] : memref<2x128x128xf32, #tpu.memory_space<vmem>> -> memref<1x128x128xf32, #tpu.memory_space<vmem>>
      %dma_wait3A_251 = tpu.memref_squeeze %dma_wait3A_250 : memref<1x128x128xf32, #tpu.memory_space<vmem>> -> memref<128x128xf32, #tpu.memory_space<vmem>>
      %dma_wait3A_252 = arith.constant 0 : i32
      %dma_wait3A_253 = tpu.memref_slice %arg7[%add3A_246, %dma_wait3A_252] : memref<32x128xi32, #tpu.memory_space<vmem>> -> memref<1x128xi32, #tpu.memory_space<vmem>>
      %dma_wait3A_254 = tpu.memref_squeeze %dma_wait3A_253 : memref<1x128xi32, #tpu.memory_space<vmem>> -> memref<128xi32, #tpu.memory_space<vmem>>
      %dma_wait3A_255 = arith.constant 0 : i32
      %dma_wait3A_256 = arith.constant 0 : i32
      %dma_wait3A_257 = tpu.memref_slice %arg2[%dma_wait3A_255, %dma_wait3A_256] : memref<10000x128xf32, #tpu.memory_space<hbm>> -> memref<10000x128xf32, #tpu.memory_space<hbm>>
      tpu.wait_indirect_dma semaphore(%arg11 : memref<!tpu.dma_semaphore, #tpu.memory_space<semaphore_mem>>) src(%dma_wait3A_257 : memref<10000x128xf32, #tpu.memory_space<hbm>>) dst(%dma_wait3A_251 : memref<128x128xf32, #tpu.memory_space<vmem>>)
      %add3A_258 = arith.constant 6 : i32
      %add3A_259 = arith.addi %mul3A_60, %add3A_258 : i32
      %run_scoped3A_260 = arith.constant 0 : i32
      "tpu.region"() ({
        %run_scoped3A_511 = tpu.sem_alloc : memref<!tpu.dma_semaphore, #tpu.memory_space<semaphore_mem>>
        %dma_start3A_512 = arith.constant 0 : i32
        %dma_start3A_513 = arith.constant 0 : i32
        %dma_start3A_514 = tpu.memref_slice %arg9[%run_scoped3A_260, %dma_start3A_512, %dma_start3A_513] : memref<2x128x128xf32, #tpu.memory_space<vmem>> -> memref<1x128x128xf32, #tpu.memory_space<vmem>>
        %dma_start3A_515 = tpu.memref_squeeze %dma_start3A_514 : memref<1x128x128xf32, #tpu.memory_space<vmem>> -> memref<128x128xf32, #tpu.memory_space<vmem>>
        %dma_start3A_516 = arith.constant 0 : i32
        %dma_start3A_517 = tpu.memref_slice %arg8[%add3A_259, %dma_start3A_516] : memref<32x128xi32, #tpu.memory_space<vmem>> -> memref<1x128xi32, #tpu.memory_space<vmem>>
        %dma_start3A_518 = tpu.memref_squeeze %dma_start3A_517 : memref<1x128xi32, #tpu.memory_space<vmem>> -> memref<128xi32, #tpu.memory_space<vmem>>
        %dma_start3A_519 = arith.constant 0 : i32
        %dma_start3A_520 = arith.constant 0 : i32
        %dma_start3A_521 = tpu.memref_slice %arg10[%dma_start3A_519, %dma_start3A_520] : memref<10112x128xf32, #tpu.memory_space<vmem_shared>> -> memref<10112x128xf32, #tpu.memory_space<vmem_shared>>
        tpu.enqueue_indirect_dma source(%dma_start3A_515 : memref<128x128xf32, #tpu.memory_space<vmem>>) target(%dma_start3A_521 : memref<10112x128xf32, #tpu.memory_space<vmem_shared>>) offsets(%dma_start3A_518 : memref<128xi32, #tpu.memory_space<vmem>>) semaphore(%run_scoped3A_511 : memref<!tpu.dma_semaphore, #tpu.memory_space<semaphore_mem>>) {add = true}
        %dma_wait3A_522 = arith.constant 0 : i32
        %dma_wait3A_523 = arith.constant 0 : i32
        %dma_wait3A_524 = tpu.memref_slice %arg9[%run_scoped3A_260, %dma_wait3A_522, %dma_wait3A_523] : memref<2x128x128xf32, #tpu.memory_space<vmem>> -> memref<1x128x128xf32, #tpu.memory_space<vmem>>
        %dma_wait3A_525 = tpu.memref_squeeze %dma_wait3A_524 : memref<1x128x128xf32, #tpu.memory_space<vmem>> -> memref<128x128xf32, #tpu.memory_space<vmem>>
        %dma_wait3A_526 = arith.constant 0 : i32
        %dma_wait3A_527 = tpu.memref_slice %arg8[%add3A_259, %dma_wait3A_526] : memref<32x128xi32, #tpu.memory_space<vmem>> -> memref<1x128xi32, #tpu.memory_space<vmem>>
        %dma_wait3A_528 = tpu.memref_squeeze %dma_wait3A_527 : memref<1x128xi32, #tpu.memory_space<vmem>> -> memref<128xi32, #tpu.memory_space<vmem>>
        %dma_wait3A_529 = arith.constant 0 : i32
        %dma_wait3A_530 = arith.constant 0 : i32
        %dma_wait3A_531 = tpu.memref_slice %arg10[%dma_wait3A_529, %dma_wait3A_530] : memref<10112x128xf32, #tpu.memory_space<vmem_shared>> -> memref<10112x128xf32, #tpu.memory_space<vmem_shared>>
        tpu.wait_indirect_dma semaphore(%run_scoped3A_511 : memref<!tpu.dma_semaphore, #tpu.memory_space<semaphore_mem>>) src(%dma_wait3A_525 : memref<128x128xf32, #tpu.memory_space<vmem>>) dst(%dma_wait3A_531 : memref<10112x128xf32, #tpu.memory_space<vmem_shared>>)
        tpu.yield
      }) : () -> ()
      %add3A_261 = arith.constant 2 : i32
      %add3A_262 = arith.addi %add3A_244, %add3A_261 : i32
      %lt3A_263 = arith.constant 80 : i32
      %lt3A_264 = arith.cmpi slt, %add3A_262, %lt3A_263 : i32
      %convert_element_type3A_265 = arith.extui %lt3A_264 : i1 to i32
      %cond3A_266 = arith.constant 0 : i32
      %cond3A_267 = arith.cmpi ne, %convert_element_type3A_265, %cond3A_266 : i32
      scf.if %cond3A_267 {
        %add3A_511 = arith.constant 8 : i32
        %add3A_512 = arith.addi %mul3A_60, %add3A_511 : i32
        %dma_start3A_513 = arith.constant 0 : i32
        %dma_start3A_514 = arith.constant 0 : i32
        %dma_start3A_515 = arith.constant 0 : i32
        %dma_start3A_516 = tpu.memref_slice %arg9[%dma_start3A_513, %dma_start3A_514, %dma_start3A_515] : memref<2x128x128xf32, #tpu.memory_space<vmem>> -> memref<1x128x128xf32, #tpu.memory_space<vmem>>
        %dma_start3A_517 = tpu.memref_squeeze %dma_start3A_516 : memref<1x128x128xf32, #tpu.memory_space<vmem>> -> memref<128x128xf32, #tpu.memory_space<vmem>>
        %dma_start3A_518 = arith.constant 0 : i32
        %dma_start3A_519 = tpu.memref_slice %arg7[%add3A_512, %dma_start3A_518] : memref<32x128xi32, #tpu.memory_space<vmem>> -> memref<1x128xi32, #tpu.memory_space<vmem>>
        %dma_start3A_520 = tpu.memref_squeeze %dma_start3A_519 : memref<1x128xi32, #tpu.memory_space<vmem>> -> memref<128xi32, #tpu.memory_space<vmem>>
        %dma_start3A_521 = arith.constant 0 : i32
        %dma_start3A_522 = arith.constant 0 : i32
        %dma_start3A_523 = tpu.memref_slice %arg2[%dma_start3A_521, %dma_start3A_522] : memref<10000x128xf32, #tpu.memory_space<hbm>> -> memref<10000x128xf32, #tpu.memory_space<hbm>>
        tpu.enqueue_indirect_dma source(%dma_start3A_523 : memref<10000x128xf32, #tpu.memory_space<hbm>>) target(%dma_start3A_517 : memref<128x128xf32, #tpu.memory_space<vmem>>) offsets(%dma_start3A_520 : memref<128xi32, #tpu.memory_space<vmem>>) semaphore(%arg11 : memref<!tpu.dma_semaphore, #tpu.memory_space<semaphore_mem>>)
      } else {
      }
      %mul3A_268 = arith.constant 16 : i32
      %mul3A_269 = arith.muli %add3A_44, %mul3A_268 : i32
      %add3A_270 = arith.constant 7 : i32
      %add3A_271 = arith.addi %mul3A_269, %add3A_270 : i32
      %add3A_272 = arith.constant 7 : i32
      %add3A_273 = arith.addi %mul3A_60, %add3A_272 : i32
      %dma_wait3A_274 = arith.constant 1 : i32
      %dma_wait3A_275 = arith.constant 0 : i32
      %dma_wait3A_276 = arith.constant 0 : i32
      %dma_wait3A_277 = tpu.memref_slice %arg9[%dma_wait3A_274, %dma_wait3A_275, %dma_wait3A_276] : memref<2x128x128xf32, #tpu.memory_space<vmem>> -> memref<1x128x128xf32, #tpu.memory_space<vmem>>
      %dma_wait3A_278 = tpu.memref_squeeze %dma_wait3A_277 : memref<1x128x128xf32, #tpu.memory_space<vmem>> -> memref<128x128xf32, #tpu.memory_space<vmem>>
      %dma_wait3A_279 = arith.constant 0 : i32
      %dma_wait3A_280 = tpu.memref_slice %arg7[%add3A_273, %dma_wait3A_279] : memref<32x128xi32, #tpu.memory_space<vmem>> -> memref<1x128xi32, #tpu.memory_space<vmem>>
      %dma_wait3A_281 = tpu.memref_squeeze %dma_wait3A_280 : memref<1x128xi32, #tpu.memory_space<vmem>> -> memref<128xi32, #tpu.memory_space<vmem>>
      %dma_wait3A_282 = arith.constant 0 : i32
      %dma_wait3A_283 = arith.constant 0 : i32
      %dma_wait3A_284 = tpu.memref_slice %arg2[%dma_wait3A_282, %dma_wait3A_283] : memref<10000x128xf32, #tpu.memory_space<hbm>> -> memref<10000x128xf32, #tpu.memory_space<hbm>>
      tpu.wait_indirect_dma semaphore(%arg11 : memref<!tpu.dma_semaphore, #tpu.memory_space<semaphore_mem>>) src(%dma_wait3A_284 : memref<10000x128xf32, #tpu.memory_space<hbm>>) dst(%dma_wait3A_278 : memref<128x128xf32, #tpu.memory_space<vmem>>)
      %add3A_285 = arith.constant 7 : i32
      %add3A_286 = arith.addi %mul3A_60, %add3A_285 : i32
      %run_scoped3A_287 = arith.constant 1 : i32
      "tpu.region"() ({
        %run_scoped3A_511 = tpu.sem_alloc : memref<!tpu.dma_semaphore, #tpu.memory_space<semaphore_mem>>
        %dma_start3A_512 = arith.constant 0 : i32
        %dma_start3A_513 = arith.constant 0 : i32
        %dma_start3A_514 = tpu.memref_slice %arg9[%run_scoped3A_287, %dma_start3A_512, %dma_start3A_513] : memref<2x128x128xf32, #tpu.memory_space<vmem>> -> memref<1x128x128xf32, #tpu.memory_space<vmem>>
        %dma_start3A_515 = tpu.memref_squeeze %dma_start3A_514 : memref<1x128x128xf32, #tpu.memory_space<vmem>> -> memref<128x128xf32, #tpu.memory_space<vmem>>
        %dma_start3A_516 = arith.constant 0 : i32
        %dma_start3A_517 = tpu.memref_slice %arg8[%add3A_286, %dma_start3A_516] : memref<32x128xi32, #tpu.memory_space<vmem>> -> memref<1x128xi32, #tpu.memory_space<vmem>>
        %dma_start3A_518 = tpu.memref_squeeze %dma_start3A_517 : memref<1x128xi32, #tpu.memory_space<vmem>> -> memref<128xi32, #tpu.memory_space<vmem>>
        %dma_start3A_519 = arith.constant 0 : i32
        %dma_start3A_520 = arith.constant 0 : i32
        %dma_start3A_521 = tpu.memref_slice %arg10[%dma_start3A_519, %dma_start3A_520] : memref<10112x128xf32, #tpu.memory_space<vmem_shared>> -> memref<10112x128xf32, #tpu.memory_space<vmem_shared>>
        tpu.enqueue_indirect_dma source(%dma_start3A_515 : memref<128x128xf32, #tpu.memory_space<vmem>>) target(%dma_start3A_521 : memref<10112x128xf32, #tpu.memory_space<vmem_shared>>) offsets(%dma_start3A_518 : memref<128xi32, #tpu.memory_space<vmem>>) semaphore(%run_scoped3A_511 : memref<!tpu.dma_semaphore, #tpu.memory_space<semaphore_mem>>) {add = true}
        %dma_wait3A_522 = arith.constant 0 : i32
        %dma_wait3A_523 = arith.constant 0 : i32
        %dma_wait3A_524 = tpu.memref_slice %arg9[%run_scoped3A_287, %dma_wait3A_522, %dma_wait3A_523] : memref<2x128x128xf32, #tpu.memory_space<vmem>> -> memref<1x128x128xf32, #tpu.memory_space<vmem>>
        %dma_wait3A_525 = tpu.memref_squeeze %dma_wait3A_524 : memref<1x128x128xf32, #tpu.memory_space<vmem>> -> memref<128x128xf32, #tpu.memory_space<vmem>>
        %dma_wait3A_526 = arith.constant 0 : i32
        %dma_wait3A_527 = tpu.memref_slice %arg8[%add3A_286, %dma_wait3A_526] : memref<32x128xi32, #tpu.memory_space<vmem>> -> memref<1x128xi32, #tpu.memory_space<vmem>>
        %dma_wait3A_528 = tpu.memref_squeeze %dma_wait3A_527 : memref<1x128xi32, #tpu.memory_space<vmem>> -> memref<128xi32, #tpu.memory_space<vmem>>
        %dma_wait3A_529 = arith.constant 0 : i32
        %dma_wait3A_530 = arith.constant 0 : i32
        %dma_wait3A_531 = tpu.memref_slice %arg10[%dma_wait3A_529, %dma_wait3A_530] : memref<10112x128xf32, #tpu.memory_space<vmem_shared>> -> memref<10112x128xf32, #tpu.memory_space<vmem_shared>>
        tpu.wait_indirect_dma semaphore(%run_scoped3A_511 : memref<!tpu.dma_semaphore, #tpu.memory_space<semaphore_mem>>) src(%dma_wait3A_525 : memref<128x128xf32, #tpu.memory_space<vmem>>) dst(%dma_wait3A_531 : memref<10112x128xf32, #tpu.memory_space<vmem_shared>>)
        tpu.yield
      }) : () -> ()
      %add3A_288 = arith.constant 2 : i32
      %add3A_289 = arith.addi %add3A_271, %add3A_288 : i32
      %lt3A_290 = arith.constant 80 : i32
      %lt3A_291 = arith.cmpi slt, %add3A_289, %lt3A_290 : i32
      %convert_element_type3A_292 = arith.extui %lt3A_291 : i1 to i32
      %cond3A_293 = arith.constant 0 : i32
      %cond3A_294 = arith.cmpi ne, %convert_element_type3A_292, %cond3A_293 : i32
      scf.if %cond3A_294 {
        %add3A_511 = arith.constant 9 : i32
        %add3A_512 = arith.addi %mul3A_60, %add3A_511 : i32
        %dma_start3A_513 = arith.constant 1 : i32
        %dma_start3A_514 = arith.constant 0 : i32
        %dma_start3A_515 = arith.constant 0 : i32
        %dma_start3A_516 = tpu.memref_slice %arg9[%dma_start3A_513, %dma_start3A_514, %dma_start3A_515] : memref<2x128x128xf32, #tpu.memory_space<vmem>> -> memref<1x128x128xf32, #tpu.memory_space<vmem>>
        %dma_start3A_517 = tpu.memref_squeeze %dma_start3A_516 : memref<1x128x128xf32, #tpu.memory_space<vmem>> -> memref<128x128xf32, #tpu.memory_space<vmem>>
        %dma_start3A_518 = arith.constant 0 : i32
        %dma_start3A_519 = tpu.memref_slice %arg7[%add3A_512, %dma_start3A_518] : memref<32x128xi32, #tpu.memory_space<vmem>> -> memref<1x128xi32, #tpu.memory_space<vmem>>
        %dma_start3A_520 = tpu.memref_squeeze %dma_start3A_519 : memref<1x128xi32, #tpu.memory_space<vmem>> -> memref<128xi32, #tpu.memory_space<vmem>>
        %dma_start3A_521 = arith.constant 0 : i32
        %dma_start3A_522 = arith.constant 0 : i32
        %dma_start3A_523 = tpu.memref_slice %arg2[%dma_start3A_521, %dma_start3A_522] : memref<10000x128xf32, #tpu.memory_space<hbm>> -> memref<10000x128xf32, #tpu.memory_space<hbm>>
        tpu.enqueue_indirect_dma source(%dma_start3A_523 : memref<10000x128xf32, #tpu.memory_space<hbm>>) target(%dma_start3A_517 : memref<128x128xf32, #tpu.memory_space<vmem>>) offsets(%dma_start3A_520 : memref<128xi32, #tpu.memory_space<vmem>>) semaphore(%arg11 : memref<!tpu.dma_semaphore, #tpu.memory_space<semaphore_mem>>)
      } else {
      }
      %mul3A_295 = arith.constant 16 : i32
      %mul3A_296 = arith.muli %add3A_44, %mul3A_295 : i32
      %add3A_297 = arith.constant 8 : i32
      %add3A_298 = arith.addi %mul3A_296, %add3A_297 : i32
      %add3A_299 = arith.constant 8 : i32
      %add3A_300 = arith.addi %mul3A_60, %add3A_299 : i32
      %dma_wait3A_301 = arith.constant 0 : i32
      %dma_wait3A_302 = arith.constant 0 : i32
      %dma_wait3A_303 = arith.constant 0 : i32
      %dma_wait3A_304 = tpu.memref_slice %arg9[%dma_wait3A_301, %dma_wait3A_302, %dma_wait3A_303] : memref<2x128x128xf32, #tpu.memory_space<vmem>> -> memref<1x128x128xf32, #tpu.memory_space<vmem>>
      %dma_wait3A_305 = tpu.memref_squeeze %dma_wait3A_304 : memref<1x128x128xf32, #tpu.memory_space<vmem>> -> memref<128x128xf32, #tpu.memory_space<vmem>>
      %dma_wait3A_306 = arith.constant 0 : i32
      %dma_wait3A_307 = tpu.memref_slice %arg7[%add3A_300, %dma_wait3A_306] : memref<32x128xi32, #tpu.memory_space<vmem>> -> memref<1x128xi32, #tpu.memory_space<vmem>>
      %dma_wait3A_308 = tpu.memref_squeeze %dma_wait3A_307 : memref<1x128xi32, #tpu.memory_space<vmem>> -> memref<128xi32, #tpu.memory_space<vmem>>
      %dma_wait3A_309 = arith.constant 0 : i32
      %dma_wait3A_310 = arith.constant 0 : i32
      %dma_wait3A_311 = tpu.memref_slice %arg2[%dma_wait3A_309, %dma_wait3A_310] : memref<10000x128xf32, #tpu.memory_space<hbm>> -> memref<10000x128xf32, #tpu.memory_space<hbm>>
      tpu.wait_indirect_dma semaphore(%arg11 : memref<!tpu.dma_semaphore, #tpu.memory_space<semaphore_mem>>) src(%dma_wait3A_311 : memref<10000x128xf32, #tpu.memory_space<hbm>>) dst(%dma_wait3A_305 : memref<128x128xf32, #tpu.memory_space<vmem>>)
      %add3A_312 = arith.constant 8 : i32
      %add3A_313 = arith.addi %mul3A_60, %add3A_312 : i32
      %run_scoped3A_314 = arith.constant 0 : i32
      "tpu.region"() ({
        %run_scoped3A_511 = tpu.sem_alloc : memref<!tpu.dma_semaphore, #tpu.memory_space<semaphore_mem>>
        %dma_start3A_512 = arith.constant 0 : i32
        %dma_start3A_513 = arith.constant 0 : i32
        %dma_start3A_514 = tpu.memref_slice %arg9[%run_scoped3A_314, %dma_start3A_512, %dma_start3A_513] : memref<2x128x128xf32, #tpu.memory_space<vmem>> -> memref<1x128x128xf32, #tpu.memory_space<vmem>>
        %dma_start3A_515 = tpu.memref_squeeze %dma_start3A_514 : memref<1x128x128xf32, #tpu.memory_space<vmem>> -> memref<128x128xf32, #tpu.memory_space<vmem>>
        %dma_start3A_516 = arith.constant 0 : i32
        %dma_start3A_517 = tpu.memref_slice %arg8[%add3A_313, %dma_start3A_516] : memref<32x128xi32, #tpu.memory_space<vmem>> -> memref<1x128xi32, #tpu.memory_space<vmem>>
        %dma_start3A_518 = tpu.memref_squeeze %dma_start3A_517 : memref<1x128xi32, #tpu.memory_space<vmem>> -> memref<128xi32, #tpu.memory_space<vmem>>
        %dma_start3A_519 = arith.constant 0 : i32
        %dma_start3A_520 = arith.constant 0 : i32
        %dma_start3A_521 = tpu.memref_slice %arg10[%dma_start3A_519, %dma_start3A_520] : memref<10112x128xf32, #tpu.memory_space<vmem_shared>> -> memref<10112x128xf32, #tpu.memory_space<vmem_shared>>
        tpu.enqueue_indirect_dma source(%dma_start3A_515 : memref<128x128xf32, #tpu.memory_space<vmem>>) target(%dma_start3A_521 : memref<10112x128xf32, #tpu.memory_space<vmem_shared>>) offsets(%dma_start3A_518 : memref<128xi32, #tpu.memory_space<vmem>>) semaphore(%run_scoped3A_511 : memref<!tpu.dma_semaphore, #tpu.memory_space<semaphore_mem>>) {add = true}
        %dma_wait3A_522 = arith.constant 0 : i32
        %dma_wait3A_523 = arith.constant 0 : i32
        %dma_wait3A_524 = tpu.memref_slice %arg9[%run_scoped3A_314, %dma_wait3A_522, %dma_wait3A_523] : memref<2x128x128xf32, #tpu.memory_space<vmem>> -> memref<1x128x128xf32, #tpu.memory_space<vmem>>
        %dma_wait3A_525 = tpu.memref_squeeze %dma_wait3A_524 : memref<1x128x128xf32, #tpu.memory_space<vmem>> -> memref<128x128xf32, #tpu.memory_space<vmem>>
        %dma_wait3A_526 = arith.constant 0 : i32
        %dma_wait3A_527 = tpu.memref_slice %arg8[%add3A_313, %dma_wait3A_526] : memref<32x128xi32, #tpu.memory_space<vmem>> -> memref<1x128xi32, #tpu.memory_space<vmem>>
        %dma_wait3A_528 = tpu.memref_squeeze %dma_wait3A_527 : memref<1x128xi32, #tpu.memory_space<vmem>> -> memref<128xi32, #tpu.memory_space<vmem>>
        %dma_wait3A_529 = arith.constant 0 : i32
        %dma_wait3A_530 = arith.constant 0 : i32
        %dma_wait3A_531 = tpu.memref_slice %arg10[%dma_wait3A_529, %dma_wait3A_530] : memref<10112x128xf32, #tpu.memory_space<vmem_shared>> -> memref<10112x128xf32, #tpu.memory_space<vmem_shared>>
        tpu.wait_indirect_dma semaphore(%run_scoped3A_511 : memref<!tpu.dma_semaphore, #tpu.memory_space<semaphore_mem>>) src(%dma_wait3A_525 : memref<128x128xf32, #tpu.memory_space<vmem>>) dst(%dma_wait3A_531 : memref<10112x128xf32, #tpu.memory_space<vmem_shared>>)
        tpu.yield
      }) : () -> ()
      %add3A_315 = arith.constant 2 : i32
      %add3A_316 = arith.addi %add3A_298, %add3A_315 : i32
      %lt3A_317 = arith.constant 80 : i32
      %lt3A_318 = arith.cmpi slt, %add3A_316, %lt3A_317 : i32
      %convert_element_type3A_319 = arith.extui %lt3A_318 : i1 to i32
      %cond3A_320 = arith.constant 0 : i32
      %cond3A_321 = arith.cmpi ne, %convert_element_type3A_319, %cond3A_320 : i32
      scf.if %cond3A_321 {
        %add3A_511 = arith.constant 10 : i32
        %add3A_512 = arith.addi %mul3A_60, %add3A_511 : i32
        %dma_start3A_513 = arith.constant 0 : i32
        %dma_start3A_514 = arith.constant 0 : i32
        %dma_start3A_515 = arith.constant 0 : i32
        %dma_start3A_516 = tpu.memref_slice %arg9[%dma_start3A_513, %dma_start3A_514, %dma_start3A_515] : memref<2x128x128xf32, #tpu.memory_space<vmem>> -> memref<1x128x128xf32, #tpu.memory_space<vmem>>
        %dma_start3A_517 = tpu.memref_squeeze %dma_start3A_516 : memref<1x128x128xf32, #tpu.memory_space<vmem>> -> memref<128x128xf32, #tpu.memory_space<vmem>>
        %dma_start3A_518 = arith.constant 0 : i32
        %dma_start3A_519 = tpu.memref_slice %arg7[%add3A_512, %dma_start3A_518] : memref<32x128xi32, #tpu.memory_space<vmem>> -> memref<1x128xi32, #tpu.memory_space<vmem>>
        %dma_start3A_520 = tpu.memref_squeeze %dma_start3A_519 : memref<1x128xi32, #tpu.memory_space<vmem>> -> memref<128xi32, #tpu.memory_space<vmem>>
        %dma_start3A_521 = arith.constant 0 : i32
        %dma_start3A_522 = arith.constant 0 : i32
        %dma_start3A_523 = tpu.memref_slice %arg2[%dma_start3A_521, %dma_start3A_522] : memref<10000x128xf32, #tpu.memory_space<hbm>> -> memref<10000x128xf32, #tpu.memory_space<hbm>>
        tpu.enqueue_indirect_dma source(%dma_start3A_523 : memref<10000x128xf32, #tpu.memory_space<hbm>>) target(%dma_start3A_517 : memref<128x128xf32, #tpu.memory_space<vmem>>) offsets(%dma_start3A_520 : memref<128xi32, #tpu.memory_space<vmem>>) semaphore(%arg11 : memref<!tpu.dma_semaphore, #tpu.memory_space<semaphore_mem>>)
      } else {
      }
      %mul3A_322 = arith.constant 16 : i32
      %mul3A_323 = arith.muli %add3A_44, %mul3A_322 : i32
      %add3A_324 = arith.constant 9 : i32
      %add3A_325 = arith.addi %mul3A_323, %add3A_324 : i32
      %add3A_326 = arith.constant 9 : i32
      %add3A_327 = arith.addi %mul3A_60, %add3A_326 : i32
      %dma_wait3A_328 = arith.constant 1 : i32
      %dma_wait3A_329 = arith.constant 0 : i32
      %dma_wait3A_330 = arith.constant 0 : i32
      %dma_wait3A_331 = tpu.memref_slice %arg9[%dma_wait3A_328, %dma_wait3A_329, %dma_wait3A_330] : memref<2x128x128xf32, #tpu.memory_space<vmem>> -> memref<1x128x128xf32, #tpu.memory_space<vmem>>
      %dma_wait3A_332 = tpu.memref_squeeze %dma_wait3A_331 : memref<1x128x128xf32, #tpu.memory_space<vmem>> -> memref<128x128xf32, #tpu.memory_space<vmem>>
      %dma_wait3A_333 = arith.constant 0 : i32
      %dma_wait3A_334 = tpu.memref_slice %arg7[%add3A_327, %dma_wait3A_333] : memref<32x128xi32, #tpu.memory_space<vmem>> -> memref<1x128xi32, #tpu.memory_space<vmem>>
      %dma_wait3A_335 = tpu.memref_squeeze %dma_wait3A_334 : memref<1x128xi32, #tpu.memory_space<vmem>> -> memref<128xi32, #tpu.memory_space<vmem>>
      %dma_wait3A_336 = arith.constant 0 : i32
      %dma_wait3A_337 = arith.constant 0 : i32
      %dma_wait3A_338 = tpu.memref_slice %arg2[%dma_wait3A_336, %dma_wait3A_337] : memref<10000x128xf32, #tpu.memory_space<hbm>> -> memref<10000x128xf32, #tpu.memory_space<hbm>>
      tpu.wait_indirect_dma semaphore(%arg11 : memref<!tpu.dma_semaphore, #tpu.memory_space<semaphore_mem>>) src(%dma_wait3A_338 : memref<10000x128xf32, #tpu.memory_space<hbm>>) dst(%dma_wait3A_332 : memref<128x128xf32, #tpu.memory_space<vmem>>)
      %add3A_339 = arith.constant 9 : i32
      %add3A_340 = arith.addi %mul3A_60, %add3A_339 : i32
      %run_scoped3A_341 = arith.constant 1 : i32
      "tpu.region"() ({
        %run_scoped3A_511 = tpu.sem_alloc : memref<!tpu.dma_semaphore, #tpu.memory_space<semaphore_mem>>
        %dma_start3A_512 = arith.constant 0 : i32
        %dma_start3A_513 = arith.constant 0 : i32
        %dma_start3A_514 = tpu.memref_slice %arg9[%run_scoped3A_341, %dma_start3A_512, %dma_start3A_513] : memref<2x128x128xf32, #tpu.memory_space<vmem>> -> memref<1x128x128xf32, #tpu.memory_space<vmem>>
        %dma_start3A_515 = tpu.memref_squeeze %dma_start3A_514 : memref<1x128x128xf32, #tpu.memory_space<vmem>> -> memref<128x128xf32, #tpu.memory_space<vmem>>
        %dma_start3A_516 = arith.constant 0 : i32
        %dma_start3A_517 = tpu.memref_slice %arg8[%add3A_340, %dma_start3A_516] : memref<32x128xi32, #tpu.memory_space<vmem>> -> memref<1x128xi32, #tpu.memory_space<vmem>>
        %dma_start3A_518 = tpu.memref_squeeze %dma_start3A_517 : memref<1x128xi32, #tpu.memory_space<vmem>> -> memref<128xi32, #tpu.memory_space<vmem>>
        %dma_start3A_519 = arith.constant 0 : i32
        %dma_start3A_520 = arith.constant 0 : i32
        %dma_start3A_521 = tpu.memref_slice %arg10[%dma_start3A_519, %dma_start3A_520] : memref<10112x128xf32, #tpu.memory_space<vmem_shared>> -> memref<10112x128xf32, #tpu.memory_space<vmem_shared>>
        tpu.enqueue_indirect_dma source(%dma_start3A_515 : memref<128x128xf32, #tpu.memory_space<vmem>>) target(%dma_start3A_521 : memref<10112x128xf32, #tpu.memory_space<vmem_shared>>) offsets(%dma_start3A_518 : memref<128xi32, #tpu.memory_space<vmem>>) semaphore(%run_scoped3A_511 : memref<!tpu.dma_semaphore, #tpu.memory_space<semaphore_mem>>) {add = true}
        %dma_wait3A_522 = arith.constant 0 : i32
        %dma_wait3A_523 = arith.constant 0 : i32
        %dma_wait3A_524 = tpu.memref_slice %arg9[%run_scoped3A_341, %dma_wait3A_522, %dma_wait3A_523] : memref<2x128x128xf32, #tpu.memory_space<vmem>> -> memref<1x128x128xf32, #tpu.memory_space<vmem>>
        %dma_wait3A_525 = tpu.memref_squeeze %dma_wait3A_524 : memref<1x128x128xf32, #tpu.memory_space<vmem>> -> memref<128x128xf32, #tpu.memory_space<vmem>>
        %dma_wait3A_526 = arith.constant 0 : i32
        %dma_wait3A_527 = tpu.memref_slice %arg8[%add3A_340, %dma_wait3A_526] : memref<32x128xi32, #tpu.memory_space<vmem>> -> memref<1x128xi32, #tpu.memory_space<vmem>>
        %dma_wait3A_528 = tpu.memref_squeeze %dma_wait3A_527 : memref<1x128xi32, #tpu.memory_space<vmem>> -> memref<128xi32, #tpu.memory_space<vmem>>
        %dma_wait3A_529 = arith.constant 0 : i32
        %dma_wait3A_530 = arith.constant 0 : i32
        %dma_wait3A_531 = tpu.memref_slice %arg10[%dma_wait3A_529, %dma_wait3A_530] : memref<10112x128xf32, #tpu.memory_space<vmem_shared>> -> memref<10112x128xf32, #tpu.memory_space<vmem_shared>>
        tpu.wait_indirect_dma semaphore(%run_scoped3A_511 : memref<!tpu.dma_semaphore, #tpu.memory_space<semaphore_mem>>) src(%dma_wait3A_525 : memref<128x128xf32, #tpu.memory_space<vmem>>) dst(%dma_wait3A_531 : memref<10112x128xf32, #tpu.memory_space<vmem_shared>>)
        tpu.yield
      }) : () -> ()
      %add3A_342 = arith.constant 2 : i32
      %add3A_343 = arith.addi %add3A_325, %add3A_342 : i32
      %lt3A_344 = arith.constant 80 : i32
      %lt3A_345 = arith.cmpi slt, %add3A_343, %lt3A_344 : i32
      %convert_element_type3A_346 = arith.extui %lt3A_345 : i1 to i32
      %cond3A_347 = arith.constant 0 : i32
      %cond3A_348 = arith.cmpi ne, %convert_element_type3A_346, %cond3A_347 : i32
      scf.if %cond3A_348 {
        %add3A_511 = arith.constant 11 : i32
        %add3A_512 = arith.addi %mul3A_60, %add3A_511 : i32
        %dma_start3A_513 = arith.constant 1 : i32
        %dma_start3A_514 = arith.constant 0 : i32
        %dma_start3A_515 = arith.constant 0 : i32
        %dma_start3A_516 = tpu.memref_slice %arg9[%dma_start3A_513, %dma_start3A_514, %dma_start3A_515] : memref<2x128x128xf32, #tpu.memory_space<vmem>> -> memref<1x128x128xf32, #tpu.memory_space<vmem>>
        %dma_start3A_517 = tpu.memref_squeeze %dma_start3A_516 : memref<1x128x128xf32, #tpu.memory_space<vmem>> -> memref<128x128xf32, #tpu.memory_space<vmem>>
        %dma_start3A_518 = arith.constant 0 : i32
        %dma_start3A_519 = tpu.memref_slice %arg7[%add3A_512, %dma_start3A_518] : memref<32x128xi32, #tpu.memory_space<vmem>> -> memref<1x128xi32, #tpu.memory_space<vmem>>
        %dma_start3A_520 = tpu.memref_squeeze %dma_start3A_519 : memref<1x128xi32, #tpu.memory_space<vmem>> -> memref<128xi32, #tpu.memory_space<vmem>>
        %dma_start3A_521 = arith.constant 0 : i32
        %dma_start3A_522 = arith.constant 0 : i32
        %dma_start3A_523 = tpu.memref_slice %arg2[%dma_start3A_521, %dma_start3A_522] : memref<10000x128xf32, #tpu.memory_space<hbm>> -> memref<10000x128xf32, #tpu.memory_space<hbm>>
        tpu.enqueue_indirect_dma source(%dma_start3A_523 : memref<10000x128xf32, #tpu.memory_space<hbm>>) target(%dma_start3A_517 : memref<128x128xf32, #tpu.memory_space<vmem>>) offsets(%dma_start3A_520 : memref<128xi32, #tpu.memory_space<vmem>>) semaphore(%arg11 : memref<!tpu.dma_semaphore, #tpu.memory_space<semaphore_mem>>)
      } else {
      }
      %mul3A_349 = arith.constant 16 : i32
      %mul3A_350 = arith.muli %add3A_44, %mul3A_349 : i32
      %add3A_351 = arith.constant 10 : i32
      %add3A_352 = arith.addi %mul3A_350, %add3A_351 : i32
      %add3A_353 = arith.constant 10 : i32
      %add3A_354 = arith.addi %mul3A_60, %add3A_353 : i32
      %dma_wait3A_355 = arith.constant 0 : i32
      %dma_wait3A_356 = arith.constant 0 : i32
      %dma_wait3A_357 = arith.constant 0 : i32
      %dma_wait3A_358 = tpu.memref_slice %arg9[%dma_wait3A_355, %dma_wait3A_356, %dma_wait3A_357] : memref<2x128x128xf32, #tpu.memory_space<vmem>> -> memref<1x128x128xf32, #tpu.memory_space<vmem>>
      %dma_wait3A_359 = tpu.memref_squeeze %dma_wait3A_358 : memref<1x128x128xf32, #tpu.memory_space<vmem>> -> memref<128x128xf32, #tpu.memory_space<vmem>>
      %dma_wait3A_360 = arith.constant 0 : i32
      %dma_wait3A_361 = tpu.memref_slice %arg7[%add3A_354, %dma_wait3A_360] : memref<32x128xi32, #tpu.memory_space<vmem>> -> memref<1x128xi32, #tpu.memory_space<vmem>>
      %dma_wait3A_362 = tpu.memref_squeeze %dma_wait3A_361 : memref<1x128xi32, #tpu.memory_space<vmem>> -> memref<128xi32, #tpu.memory_space<vmem>>
      %dma_wait3A_363 = arith.constant 0 : i32
      %dma_wait3A_364 = arith.constant 0 : i32
      %dma_wait3A_365 = tpu.memref_slice %arg2[%dma_wait3A_363, %dma_wait3A_364] : memref<10000x128xf32, #tpu.memory_space<hbm>> -> memref<10000x128xf32, #tpu.memory_space<hbm>>
      tpu.wait_indirect_dma semaphore(%arg11 : memref<!tpu.dma_semaphore, #tpu.memory_space<semaphore_mem>>) src(%dma_wait3A_365 : memref<10000x128xf32, #tpu.memory_space<hbm>>) dst(%dma_wait3A_359 : memref<128x128xf32, #tpu.memory_space<vmem>>)
      %add3A_366 = arith.constant 10 : i32
      %add3A_367 = arith.addi %mul3A_60, %add3A_366 : i32
      %run_scoped3A_368 = arith.constant 0 : i32
      "tpu.region"() ({
        %run_scoped3A_511 = tpu.sem_alloc : memref<!tpu.dma_semaphore, #tpu.memory_space<semaphore_mem>>
        %dma_start3A_512 = arith.constant 0 : i32
        %dma_start3A_513 = arith.constant 0 : i32
        %dma_start3A_514 = tpu.memref_slice %arg9[%run_scoped3A_368, %dma_start3A_512, %dma_start3A_513] : memref<2x128x128xf32, #tpu.memory_space<vmem>> -> memref<1x128x128xf32, #tpu.memory_space<vmem>>
        %dma_start3A_515 = tpu.memref_squeeze %dma_start3A_514 : memref<1x128x128xf32, #tpu.memory_space<vmem>> -> memref<128x128xf32, #tpu.memory_space<vmem>>
        %dma_start3A_516 = arith.constant 0 : i32
        %dma_start3A_517 = tpu.memref_slice %arg8[%add3A_367, %dma_start3A_516] : memref<32x128xi32, #tpu.memory_space<vmem>> -> memref<1x128xi32, #tpu.memory_space<vmem>>
        %dma_start3A_518 = tpu.memref_squeeze %dma_start3A_517 : memref<1x128xi32, #tpu.memory_space<vmem>> -> memref<128xi32, #tpu.memory_space<vmem>>
        %dma_start3A_519 = arith.constant 0 : i32
        %dma_start3A_520 = arith.constant 0 : i32
        %dma_start3A_521 = tpu.memref_slice %arg10[%dma_start3A_519, %dma_start3A_520] : memref<10112x128xf32, #tpu.memory_space<vmem_shared>> -> memref<10112x128xf32, #tpu.memory_space<vmem_shared>>
        tpu.enqueue_indirect_dma source(%dma_start3A_515 : memref<128x128xf32, #tpu.memory_space<vmem>>) target(%dma_start3A_521 : memref<10112x128xf32, #tpu.memory_space<vmem_shared>>) offsets(%dma_start3A_518 : memref<128xi32, #tpu.memory_space<vmem>>) semaphore(%run_scoped3A_511 : memref<!tpu.dma_semaphore, #tpu.memory_space<semaphore_mem>>) {add = true}
        %dma_wait3A_522 = arith.constant 0 : i32
        %dma_wait3A_523 = arith.constant 0 : i32
        %dma_wait3A_524 = tpu.memref_slice %arg9[%run_scoped3A_368, %dma_wait3A_522, %dma_wait3A_523] : memref<2x128x128xf32, #tpu.memory_space<vmem>> -> memref<1x128x128xf32, #tpu.memory_space<vmem>>
        %dma_wait3A_525 = tpu.memref_squeeze %dma_wait3A_524 : memref<1x128x128xf32, #tpu.memory_space<vmem>> -> memref<128x128xf32, #tpu.memory_space<vmem>>
        %dma_wait3A_526 = arith.constant 0 : i32
        %dma_wait3A_527 = tpu.memref_slice %arg8[%add3A_367, %dma_wait3A_526] : memref<32x128xi32, #tpu.memory_space<vmem>> -> memref<1x128xi32, #tpu.memory_space<vmem>>
        %dma_wait3A_528 = tpu.memref_squeeze %dma_wait3A_527 : memref<1x128xi32, #tpu.memory_space<vmem>> -> memref<128xi32, #tpu.memory_space<vmem>>
        %dma_wait3A_529 = arith.constant 0 : i32
        %dma_wait3A_530 = arith.constant 0 : i32
        %dma_wait3A_531 = tpu.memref_slice %arg10[%dma_wait3A_529, %dma_wait3A_530] : memref<10112x128xf32, #tpu.memory_space<vmem_shared>> -> memref<10112x128xf32, #tpu.memory_space<vmem_shared>>
        tpu.wait_indirect_dma semaphore(%run_scoped3A_511 : memref<!tpu.dma_semaphore, #tpu.memory_space<semaphore_mem>>) src(%dma_wait3A_525 : memref<128x128xf32, #tpu.memory_space<vmem>>) dst(%dma_wait3A_531 : memref<10112x128xf32, #tpu.memory_space<vmem_shared>>)
        tpu.yield
      }) : () -> ()
      %add3A_369 = arith.constant 2 : i32
      %add3A_370 = arith.addi %add3A_352, %add3A_369 : i32
      %lt3A_371 = arith.constant 80 : i32
      %lt3A_372 = arith.cmpi slt, %add3A_370, %lt3A_371 : i32
      %convert_element_type3A_373 = arith.extui %lt3A_372 : i1 to i32
      %cond3A_374 = arith.constant 0 : i32
      %cond3A_375 = arith.cmpi ne, %convert_element_type3A_373, %cond3A_374 : i32
      scf.if %cond3A_375 {
        %add3A_511 = arith.constant 12 : i32
        %add3A_512 = arith.addi %mul3A_60, %add3A_511 : i32
        %dma_start3A_513 = arith.constant 0 : i32
        %dma_start3A_514 = arith.constant 0 : i32
        %dma_start3A_515 = arith.constant 0 : i32
        %dma_start3A_516 = tpu.memref_slice %arg9[%dma_start3A_513, %dma_start3A_514, %dma_start3A_515] : memref<2x128x128xf32, #tpu.memory_space<vmem>> -> memref<1x128x128xf32, #tpu.memory_space<vmem>>
        %dma_start3A_517 = tpu.memref_squeeze %dma_start3A_516 : memref<1x128x128xf32, #tpu.memory_space<vmem>> -> memref<128x128xf32, #tpu.memory_space<vmem>>
        %dma_start3A_518 = arith.constant 0 : i32
        %dma_start3A_519 = tpu.memref_slice %arg7[%add3A_512, %dma_start3A_518] : memref<32x128xi32, #tpu.memory_space<vmem>> -> memref<1x128xi32, #tpu.memory_space<vmem>>
        %dma_start3A_520 = tpu.memref_squeeze %dma_start3A_519 : memref<1x128xi32, #tpu.memory_space<vmem>> -> memref<128xi32, #tpu.memory_space<vmem>>
        %dma_start3A_521 = arith.constant 0 : i32
        %dma_start3A_522 = arith.constant 0 : i32
        %dma_start3A_523 = tpu.memref_slice %arg2[%dma_start3A_521, %dma_start3A_522] : memref<10000x128xf32, #tpu.memory_space<hbm>> -> memref<10000x128xf32, #tpu.memory_space<hbm>>
        tpu.enqueue_indirect_dma source(%dma_start3A_523 : memref<10000x128xf32, #tpu.memory_space<hbm>>) target(%dma_start3A_517 : memref<128x128xf32, #tpu.memory_space<vmem>>) offsets(%dma_start3A_520 : memref<128xi32, #tpu.memory_space<vmem>>) semaphore(%arg11 : memref<!tpu.dma_semaphore, #tpu.memory_space<semaphore_mem>>)
      } else {
      }
      %mul3A_376 = arith.constant 16 : i32
      %mul3A_377 = arith.muli %add3A_44, %mul3A_376 : i32
      %add3A_378 = arith.constant 11 : i32
      %add3A_379 = arith.addi %mul3A_377, %add3A_378 : i32
      %add3A_380 = arith.constant 11 : i32
      %add3A_381 = arith.addi %mul3A_60, %add3A_380 : i32
      %dma_wait3A_382 = arith.constant 1 : i32
      %dma_wait3A_383 = arith.constant 0 : i32
      %dma_wait3A_384 = arith.constant 0 : i32
      %dma_wait3A_385 = tpu.memref_slice %arg9[%dma_wait3A_382, %dma_wait3A_383, %dma_wait3A_384] : memref<2x128x128xf32, #tpu.memory_space<vmem>> -> memref<1x128x128xf32, #tpu.memory_space<vmem>>
      %dma_wait3A_386 = tpu.memref_squeeze %dma_wait3A_385 : memref<1x128x128xf32, #tpu.memory_space<vmem>> -> memref<128x128xf32, #tpu.memory_space<vmem>>
      %dma_wait3A_387 = arith.constant 0 : i32
      %dma_wait3A_388 = tpu.memref_slice %arg7[%add3A_381, %dma_wait3A_387] : memref<32x128xi32, #tpu.memory_space<vmem>> -> memref<1x128xi32, #tpu.memory_space<vmem>>
      %dma_wait3A_389 = tpu.memref_squeeze %dma_wait3A_388 : memref<1x128xi32, #tpu.memory_space<vmem>> -> memref<128xi32, #tpu.memory_space<vmem>>
      %dma_wait3A_390 = arith.constant 0 : i32
      %dma_wait3A_391 = arith.constant 0 : i32
      %dma_wait3A_392 = tpu.memref_slice %arg2[%dma_wait3A_390, %dma_wait3A_391] : memref<10000x128xf32, #tpu.memory_space<hbm>> -> memref<10000x128xf32, #tpu.memory_space<hbm>>
      tpu.wait_indirect_dma semaphore(%arg11 : memref<!tpu.dma_semaphore, #tpu.memory_space<semaphore_mem>>) src(%dma_wait3A_392 : memref<10000x128xf32, #tpu.memory_space<hbm>>) dst(%dma_wait3A_386 : memref<128x128xf32, #tpu.memory_space<vmem>>)
      %add3A_393 = arith.constant 11 : i32
      %add3A_394 = arith.addi %mul3A_60, %add3A_393 : i32
      %run_scoped3A_395 = arith.constant 1 : i32
      "tpu.region"() ({
        %run_scoped3A_511 = tpu.sem_alloc : memref<!tpu.dma_semaphore, #tpu.memory_space<semaphore_mem>>
        %dma_start3A_512 = arith.constant 0 : i32
        %dma_start3A_513 = arith.constant 0 : i32
        %dma_start3A_514 = tpu.memref_slice %arg9[%run_scoped3A_395, %dma_start3A_512, %dma_start3A_513] : memref<2x128x128xf32, #tpu.memory_space<vmem>> -> memref<1x128x128xf32, #tpu.memory_space<vmem>>
        %dma_start3A_515 = tpu.memref_squeeze %dma_start3A_514 : memref<1x128x128xf32, #tpu.memory_space<vmem>> -> memref<128x128xf32, #tpu.memory_space<vmem>>
        %dma_start3A_516 = arith.constant 0 : i32
        %dma_start3A_517 = tpu.memref_slice %arg8[%add3A_394, %dma_start3A_516] : memref<32x128xi32, #tpu.memory_space<vmem>> -> memref<1x128xi32, #tpu.memory_space<vmem>>
        %dma_start3A_518 = tpu.memref_squeeze %dma_start3A_517 : memref<1x128xi32, #tpu.memory_space<vmem>> -> memref<128xi32, #tpu.memory_space<vmem>>
        %dma_start3A_519 = arith.constant 0 : i32
        %dma_start3A_520 = arith.constant 0 : i32
        %dma_start3A_521 = tpu.memref_slice %arg10[%dma_start3A_519, %dma_start3A_520] : memref<10112x128xf32, #tpu.memory_space<vmem_shared>> -> memref<10112x128xf32, #tpu.memory_space<vmem_shared>>
        tpu.enqueue_indirect_dma source(%dma_start3A_515 : memref<128x128xf32, #tpu.memory_space<vmem>>) target(%dma_start3A_521 : memref<10112x128xf32, #tpu.memory_space<vmem_shared>>) offsets(%dma_start3A_518 : memref<128xi32, #tpu.memory_space<vmem>>) semaphore(%run_scoped3A_511 : memref<!tpu.dma_semaphore, #tpu.memory_space<semaphore_mem>>) {add = true}
        %dma_wait3A_522 = arith.constant 0 : i32
        %dma_wait3A_523 = arith.constant 0 : i32
        %dma_wait3A_524 = tpu.memref_slice %arg9[%run_scoped3A_395, %dma_wait3A_522, %dma_wait3A_523] : memref<2x128x128xf32, #tpu.memory_space<vmem>> -> memref<1x128x128xf32, #tpu.memory_space<vmem>>
        %dma_wait3A_525 = tpu.memref_squeeze %dma_wait3A_524 : memref<1x128x128xf32, #tpu.memory_space<vmem>> -> memref<128x128xf32, #tpu.memory_space<vmem>>
        %dma_wait3A_526 = arith.constant 0 : i32
        %dma_wait3A_527 = tpu.memref_slice %arg8[%add3A_394, %dma_wait3A_526] : memref<32x128xi32, #tpu.memory_space<vmem>> -> memref<1x128xi32, #tpu.memory_space<vmem>>
        %dma_wait3A_528 = tpu.memref_squeeze %dma_wait3A_527 : memref<1x128xi32, #tpu.memory_space<vmem>> -> memref<128xi32, #tpu.memory_space<vmem>>
        %dma_wait3A_529 = arith.constant 0 : i32
        %dma_wait3A_530 = arith.constant 0 : i32
        %dma_wait3A_531 = tpu.memref_slice %arg10[%dma_wait3A_529, %dma_wait3A_530] : memref<10112x128xf32, #tpu.memory_space<vmem_shared>> -> memref<10112x128xf32, #tpu.memory_space<vmem_shared>>
        tpu.wait_indirect_dma semaphore(%run_scoped3A_511 : memref<!tpu.dma_semaphore, #tpu.memory_space<semaphore_mem>>) src(%dma_wait3A_525 : memref<128x128xf32, #tpu.memory_space<vmem>>) dst(%dma_wait3A_531 : memref<10112x128xf32, #tpu.memory_space<vmem_shared>>)
        tpu.yield
      }) : () -> ()
      %add3A_396 = arith.constant 2 : i32
      %add3A_397 = arith.addi %add3A_379, %add3A_396 : i32
      %lt3A_398 = arith.constant 80 : i32
      %lt3A_399 = arith.cmpi slt, %add3A_397, %lt3A_398 : i32
      %convert_element_type3A_400 = arith.extui %lt3A_399 : i1 to i32
      %cond3A_401 = arith.constant 0 : i32
      %cond3A_402 = arith.cmpi ne, %convert_element_type3A_400, %cond3A_401 : i32
      scf.if %cond3A_402 {
        %add3A_511 = arith.constant 13 : i32
        %add3A_512 = arith.addi %mul3A_60, %add3A_511 : i32
        %dma_start3A_513 = arith.constant 1 : i32
        %dma_start3A_514 = arith.constant 0 : i32
        %dma_start3A_515 = arith.constant 0 : i32
        %dma_start3A_516 = tpu.memref_slice %arg9[%dma_start3A_513, %dma_start3A_514, %dma_start3A_515] : memref<2x128x128xf32, #tpu.memory_space<vmem>> -> memref<1x128x128xf32, #tpu.memory_space<vmem>>
        %dma_start3A_517 = tpu.memref_squeeze %dma_start3A_516 : memref<1x128x128xf32, #tpu.memory_space<vmem>> -> memref<128x128xf32, #tpu.memory_space<vmem>>
        %dma_start3A_518 = arith.constant 0 : i32
        %dma_start3A_519 = tpu.memref_slice %arg7[%add3A_512, %dma_start3A_518] : memref<32x128xi32, #tpu.memory_space<vmem>> -> memref<1x128xi32, #tpu.memory_space<vmem>>
        %dma_start3A_520 = tpu.memref_squeeze %dma_start3A_519 : memref<1x128xi32, #tpu.memory_space<vmem>> -> memref<128xi32, #tpu.memory_space<vmem>>
        %dma_start3A_521 = arith.constant 0 : i32
        %dma_start3A_522 = arith.constant 0 : i32
        %dma_start3A_523 = tpu.memref_slice %arg2[%dma_start3A_521, %dma_start3A_522] : memref<10000x128xf32, #tpu.memory_space<hbm>> -> memref<10000x128xf32, #tpu.memory_space<hbm>>
        tpu.enqueue_indirect_dma source(%dma_start3A_523 : memref<10000x128xf32, #tpu.memory_space<hbm>>) target(%dma_start3A_517 : memref<128x128xf32, #tpu.memory_space<vmem>>) offsets(%dma_start3A_520 : memref<128xi32, #tpu.memory_space<vmem>>) semaphore(%arg11 : memref<!tpu.dma_semaphore, #tpu.memory_space<semaphore_mem>>)
      } else {
      }
      %mul3A_403 = arith.constant 16 : i32
      %mul3A_404 = arith.muli %add3A_44, %mul3A_403 : i32
      %add3A_405 = arith.constant 12 : i32
      %add3A_406 = arith.addi %mul3A_404, %add3A_405 : i32
      %add3A_407 = arith.constant 12 : i32
      %add3A_408 = arith.addi %mul3A_60, %add3A_407 : i32
      %dma_wait3A_409 = arith.constant 0 : i32
      %dma_wait3A_410 = arith.constant 0 : i32
      %dma_wait3A_411 = arith.constant 0 : i32
      %dma_wait3A_412 = tpu.memref_slice %arg9[%dma_wait3A_409, %dma_wait3A_410, %dma_wait3A_411] : memref<2x128x128xf32, #tpu.memory_space<vmem>> -> memref<1x128x128xf32, #tpu.memory_space<vmem>>
      %dma_wait3A_413 = tpu.memref_squeeze %dma_wait3A_412 : memref<1x128x128xf32, #tpu.memory_space<vmem>> -> memref<128x128xf32, #tpu.memory_space<vmem>>
      %dma_wait3A_414 = arith.constant 0 : i32
      %dma_wait3A_415 = tpu.memref_slice %arg7[%add3A_408, %dma_wait3A_414] : memref<32x128xi32, #tpu.memory_space<vmem>> -> memref<1x128xi32, #tpu.memory_space<vmem>>
      %dma_wait3A_416 = tpu.memref_squeeze %dma_wait3A_415 : memref<1x128xi32, #tpu.memory_space<vmem>> -> memref<128xi32, #tpu.memory_space<vmem>>
      %dma_wait3A_417 = arith.constant 0 : i32
      %dma_wait3A_418 = arith.constant 0 : i32
      %dma_wait3A_419 = tpu.memref_slice %arg2[%dma_wait3A_417, %dma_wait3A_418] : memref<10000x128xf32, #tpu.memory_space<hbm>> -> memref<10000x128xf32, #tpu.memory_space<hbm>>
      tpu.wait_indirect_dma semaphore(%arg11 : memref<!tpu.dma_semaphore, #tpu.memory_space<semaphore_mem>>) src(%dma_wait3A_419 : memref<10000x128xf32, #tpu.memory_space<hbm>>) dst(%dma_wait3A_413 : memref<128x128xf32, #tpu.memory_space<vmem>>)
      %add3A_420 = arith.constant 12 : i32
      %add3A_421 = arith.addi %mul3A_60, %add3A_420 : i32
      %run_scoped3A_422 = arith.constant 0 : i32
      "tpu.region"() ({
        %run_scoped3A_511 = tpu.sem_alloc : memref<!tpu.dma_semaphore, #tpu.memory_space<semaphore_mem>>
        %dma_start3A_512 = arith.constant 0 : i32
        %dma_start3A_513 = arith.constant 0 : i32
        %dma_start3A_514 = tpu.memref_slice %arg9[%run_scoped3A_422, %dma_start3A_512, %dma_start3A_513] : memref<2x128x128xf32, #tpu.memory_space<vmem>> -> memref<1x128x128xf32, #tpu.memory_space<vmem>>
        %dma_start3A_515 = tpu.memref_squeeze %dma_start3A_514 : memref<1x128x128xf32, #tpu.memory_space<vmem>> -> memref<128x128xf32, #tpu.memory_space<vmem>>
        %dma_start3A_516 = arith.constant 0 : i32
        %dma_start3A_517 = tpu.memref_slice %arg8[%add3A_421, %dma_start3A_516] : memref<32x128xi32, #tpu.memory_space<vmem>> -> memref<1x128xi32, #tpu.memory_space<vmem>>
        %dma_start3A_518 = tpu.memref_squeeze %dma_start3A_517 : memref<1x128xi32, #tpu.memory_space<vmem>> -> memref<128xi32, #tpu.memory_space<vmem>>
        %dma_start3A_519 = arith.constant 0 : i32
        %dma_start3A_520 = arith.constant 0 : i32
        %dma_start3A_521 = tpu.memref_slice %arg10[%dma_start3A_519, %dma_start3A_520] : memref<10112x128xf32, #tpu.memory_space<vmem_shared>> -> memref<10112x128xf32, #tpu.memory_space<vmem_shared>>
        tpu.enqueue_indirect_dma source(%dma_start3A_515 : memref<128x128xf32, #tpu.memory_space<vmem>>) target(%dma_start3A_521 : memref<10112x128xf32, #tpu.memory_space<vmem_shared>>) offsets(%dma_start3A_518 : memref<128xi32, #tpu.memory_space<vmem>>) semaphore(%run_scoped3A_511 : memref<!tpu.dma_semaphore, #tpu.memory_space<semaphore_mem>>) {add = true}
        %dma_wait3A_522 = arith.constant 0 : i32
        %dma_wait3A_523 = arith.constant 0 : i32
        %dma_wait3A_524 = tpu.memref_slice %arg9[%run_scoped3A_422, %dma_wait3A_522, %dma_wait3A_523] : memref<2x128x128xf32, #tpu.memory_space<vmem>> -> memref<1x128x128xf32, #tpu.memory_space<vmem>>
        %dma_wait3A_525 = tpu.memref_squeeze %dma_wait3A_524 : memref<1x128x128xf32, #tpu.memory_space<vmem>> -> memref<128x128xf32, #tpu.memory_space<vmem>>
        %dma_wait3A_526 = arith.constant 0 : i32
        %dma_wait3A_527 = tpu.memref_slice %arg8[%add3A_421, %dma_wait3A_526] : memref<32x128xi32, #tpu.memory_space<vmem>> -> memref<1x128xi32, #tpu.memory_space<vmem>>
        %dma_wait3A_528 = tpu.memref_squeeze %dma_wait3A_527 : memref<1x128xi32, #tpu.memory_space<vmem>> -> memref<128xi32, #tpu.memory_space<vmem>>
        %dma_wait3A_529 = arith.constant 0 : i32
        %dma_wait3A_530 = arith.constant 0 : i32
        %dma_wait3A_531 = tpu.memref_slice %arg10[%dma_wait3A_529, %dma_wait3A_530] : memref<10112x128xf32, #tpu.memory_space<vmem_shared>> -> memref<10112x128xf32, #tpu.memory_space<vmem_shared>>
        tpu.wait_indirect_dma semaphore(%run_scoped3A_511 : memref<!tpu.dma_semaphore, #tpu.memory_space<semaphore_mem>>) src(%dma_wait3A_525 : memref<128x128xf32, #tpu.memory_space<vmem>>) dst(%dma_wait3A_531 : memref<10112x128xf32, #tpu.memory_space<vmem_shared>>)
        tpu.yield
      }) : () -> ()
      %add3A_423 = arith.constant 2 : i32
      %add3A_424 = arith.addi %add3A_406, %add3A_423 : i32
      %lt3A_425 = arith.constant 80 : i32
      %lt3A_426 = arith.cmpi slt, %add3A_424, %lt3A_425 : i32
      %convert_element_type3A_427 = arith.extui %lt3A_426 : i1 to i32
      %cond3A_428 = arith.constant 0 : i32
      %cond3A_429 = arith.cmpi ne, %convert_element_type3A_427, %cond3A_428 : i32
      scf.if %cond3A_429 {
        %add3A_511 = arith.constant 14 : i32
        %add3A_512 = arith.addi %mul3A_60, %add3A_511 : i32
        %dma_start3A_513 = arith.constant 0 : i32
        %dma_start3A_514 = arith.constant 0 : i32
        %dma_start3A_515 = arith.constant 0 : i32
        %dma_start3A_516 = tpu.memref_slice %arg9[%dma_start3A_513, %dma_start3A_514, %dma_start3A_515] : memref<2x128x128xf32, #tpu.memory_space<vmem>> -> memref<1x128x128xf32, #tpu.memory_space<vmem>>
        %dma_start3A_517 = tpu.memref_squeeze %dma_start3A_516 : memref<1x128x128xf32, #tpu.memory_space<vmem>> -> memref<128x128xf32, #tpu.memory_space<vmem>>
        %dma_start3A_518 = arith.constant 0 : i32
        %dma_start3A_519 = tpu.memref_slice %arg7[%add3A_512, %dma_start3A_518] : memref<32x128xi32, #tpu.memory_space<vmem>> -> memref<1x128xi32, #tpu.memory_space<vmem>>
        %dma_start3A_520 = tpu.memref_squeeze %dma_start3A_519 : memref<1x128xi32, #tpu.memory_space<vmem>> -> memref<128xi32, #tpu.memory_space<vmem>>
        %dma_start3A_521 = arith.constant 0 : i32
        %dma_start3A_522 = arith.constant 0 : i32
        %dma_start3A_523 = tpu.memref_slice %arg2[%dma_start3A_521, %dma_start3A_522] : memref<10000x128xf32, #tpu.memory_space<hbm>> -> memref<10000x128xf32, #tpu.memory_space<hbm>>
        tpu.enqueue_indirect_dma source(%dma_start3A_523 : memref<10000x128xf32, #tpu.memory_space<hbm>>) target(%dma_start3A_517 : memref<128x128xf32, #tpu.memory_space<vmem>>) offsets(%dma_start3A_520 : memref<128xi32, #tpu.memory_space<vmem>>) semaphore(%arg11 : memref<!tpu.dma_semaphore, #tpu.memory_space<semaphore_mem>>)
      } else {
      }
      %mul3A_430 = arith.constant 16 : i32
      %mul3A_431 = arith.muli %add3A_44, %mul3A_430 : i32
      %add3A_432 = arith.constant 13 : i32
      %add3A_433 = arith.addi %mul3A_431, %add3A_432 : i32
      %add3A_434 = arith.constant 13 : i32
      %add3A_435 = arith.addi %mul3A_60, %add3A_434 : i32
      %dma_wait3A_436 = arith.constant 1 : i32
      %dma_wait3A_437 = arith.constant 0 : i32
      %dma_wait3A_438 = arith.constant 0 : i32
      %dma_wait3A_439 = tpu.memref_slice %arg9[%dma_wait3A_436, %dma_wait3A_437, %dma_wait3A_438] : memref<2x128x128xf32, #tpu.memory_space<vmem>> -> memref<1x128x128xf32, #tpu.memory_space<vmem>>
      %dma_wait3A_440 = tpu.memref_squeeze %dma_wait3A_439 : memref<1x128x128xf32, #tpu.memory_space<vmem>> -> memref<128x128xf32, #tpu.memory_space<vmem>>
      %dma_wait3A_441 = arith.constant 0 : i32
      %dma_wait3A_442 = tpu.memref_slice %arg7[%add3A_435, %dma_wait3A_441] : memref<32x128xi32, #tpu.memory_space<vmem>> -> memref<1x128xi32, #tpu.memory_space<vmem>>
      %dma_wait3A_443 = tpu.memref_squeeze %dma_wait3A_442 : memref<1x128xi32, #tpu.memory_space<vmem>> -> memref<128xi32, #tpu.memory_space<vmem>>
      %dma_wait3A_444 = arith.constant 0 : i32
      %dma_wait3A_445 = arith.constant 0 : i32
      %dma_wait3A_446 = tpu.memref_slice %arg2[%dma_wait3A_444, %dma_wait3A_445] : memref<10000x128xf32, #tpu.memory_space<hbm>> -> memref<10000x128xf32, #tpu.memory_space<hbm>>
      tpu.wait_indirect_dma semaphore(%arg11 : memref<!tpu.dma_semaphore, #tpu.memory_space<semaphore_mem>>) src(%dma_wait3A_446 : memref<10000x128xf32, #tpu.memory_space<hbm>>) dst(%dma_wait3A_440 : memref<128x128xf32, #tpu.memory_space<vmem>>)
      %add3A_447 = arith.constant 13 : i32
      %add3A_448 = arith.addi %mul3A_60, %add3A_447 : i32
      %run_scoped3A_449 = arith.constant 1 : i32
      "tpu.region"() ({
        %run_scoped3A_511 = tpu.sem_alloc : memref<!tpu.dma_semaphore, #tpu.memory_space<semaphore_mem>>
        %dma_start3A_512 = arith.constant 0 : i32
        %dma_start3A_513 = arith.constant 0 : i32
        %dma_start3A_514 = tpu.memref_slice %arg9[%run_scoped3A_449, %dma_start3A_512, %dma_start3A_513] : memref<2x128x128xf32, #tpu.memory_space<vmem>> -> memref<1x128x128xf32, #tpu.memory_space<vmem>>
        %dma_start3A_515 = tpu.memref_squeeze %dma_start3A_514 : memref<1x128x128xf32, #tpu.memory_space<vmem>> -> memref<128x128xf32, #tpu.memory_space<vmem>>
        %dma_start3A_516 = arith.constant 0 : i32
        %dma_start3A_517 = tpu.memref_slice %arg8[%add3A_448, %dma_start3A_516] : memref<32x128xi32, #tpu.memory_space<vmem>> -> memref<1x128xi32, #tpu.memory_space<vmem>>
        %dma_start3A_518 = tpu.memref_squeeze %dma_start3A_517 : memref<1x128xi32, #tpu.memory_space<vmem>> -> memref<128xi32, #tpu.memory_space<vmem>>
        %dma_start3A_519 = arith.constant 0 : i32
        %dma_start3A_520 = arith.constant 0 : i32
        %dma_start3A_521 = tpu.memref_slice %arg10[%dma_start3A_519, %dma_start3A_520] : memref<10112x128xf32, #tpu.memory_space<vmem_shared>> -> memref<10112x128xf32, #tpu.memory_space<vmem_shared>>
        tpu.enqueue_indirect_dma source(%dma_start3A_515 : memref<128x128xf32, #tpu.memory_space<vmem>>) target(%dma_start3A_521 : memref<10112x128xf32, #tpu.memory_space<vmem_shared>>) offsets(%dma_start3A_518 : memref<128xi32, #tpu.memory_space<vmem>>) semaphore(%run_scoped3A_511 : memref<!tpu.dma_semaphore, #tpu.memory_space<semaphore_mem>>) {add = true}
        %dma_wait3A_522 = arith.constant 0 : i32
        %dma_wait3A_523 = arith.constant 0 : i32
        %dma_wait3A_524 = tpu.memref_slice %arg9[%run_scoped3A_449, %dma_wait3A_522, %dma_wait3A_523] : memref<2x128x128xf32, #tpu.memory_space<vmem>> -> memref<1x128x128xf32, #tpu.memory_space<vmem>>
        %dma_wait3A_525 = tpu.memref_squeeze %dma_wait3A_524 : memref<1x128x128xf32, #tpu.memory_space<vmem>> -> memref<128x128xf32, #tpu.memory_space<vmem>>
        %dma_wait3A_526 = arith.constant 0 : i32
        %dma_wait3A_527 = tpu.memref_slice %arg8[%add3A_448, %dma_wait3A_526] : memref<32x128xi32, #tpu.memory_space<vmem>> -> memref<1x128xi32, #tpu.memory_space<vmem>>
        %dma_wait3A_528 = tpu.memref_squeeze %dma_wait3A_527 : memref<1x128xi32, #tpu.memory_space<vmem>> -> memref<128xi32, #tpu.memory_space<vmem>>
        %dma_wait3A_529 = arith.constant 0 : i32
        %dma_wait3A_530 = arith.constant 0 : i32
        %dma_wait3A_531 = tpu.memref_slice %arg10[%dma_wait3A_529, %dma_wait3A_530] : memref<10112x128xf32, #tpu.memory_space<vmem_shared>> -> memref<10112x128xf32, #tpu.memory_space<vmem_shared>>
        tpu.wait_indirect_dma semaphore(%run_scoped3A_511 : memref<!tpu.dma_semaphore, #tpu.memory_space<semaphore_mem>>) src(%dma_wait3A_525 : memref<128x128xf32, #tpu.memory_space<vmem>>) dst(%dma_wait3A_531 : memref<10112x128xf32, #tpu.memory_space<vmem_shared>>)
        tpu.yield
      }) : () -> ()
      %add3A_450 = arith.constant 2 : i32
      %add3A_451 = arith.addi %add3A_433, %add3A_450 : i32
      %lt3A_452 = arith.constant 80 : i32
      %lt3A_453 = arith.cmpi slt, %add3A_451, %lt3A_452 : i32
      %convert_element_type3A_454 = arith.extui %lt3A_453 : i1 to i32
      %cond3A_455 = arith.constant 0 : i32
      %cond3A_456 = arith.cmpi ne, %convert_element_type3A_454, %cond3A_455 : i32
      scf.if %cond3A_456 {
        %add3A_511 = arith.constant 15 : i32
        %add3A_512 = arith.addi %mul3A_60, %add3A_511 : i32
        %dma_start3A_513 = arith.constant 1 : i32
        %dma_start3A_514 = arith.constant 0 : i32
        %dma_start3A_515 = arith.constant 0 : i32
        %dma_start3A_516 = tpu.memref_slice %arg9[%dma_start3A_513, %dma_start3A_514, %dma_start3A_515] : memref<2x128x128xf32, #tpu.memory_space<vmem>> -> memref<1x128x128xf32, #tpu.memory_space<vmem>>
        %dma_start3A_517 = tpu.memref_squeeze %dma_start3A_516 : memref<1x128x128xf32, #tpu.memory_space<vmem>> -> memref<128x128xf32, #tpu.memory_space<vmem>>
        %dma_start3A_518 = arith.constant 0 : i32
        %dma_start3A_519 = tpu.memref_slice %arg7[%add3A_512, %dma_start3A_518] : memref<32x128xi32, #tpu.memory_space<vmem>> -> memref<1x128xi32, #tpu.memory_space<vmem>>
        %dma_start3A_520 = tpu.memref_squeeze %dma_start3A_519 : memref<1x128xi32, #tpu.memory_space<vmem>> -> memref<128xi32, #tpu.memory_space<vmem>>
        %dma_start3A_521 = arith.constant 0 : i32
        %dma_start3A_522 = arith.constant 0 : i32
        %dma_start3A_523 = tpu.memref_slice %arg2[%dma_start3A_521, %dma_start3A_522] : memref<10000x128xf32, #tpu.memory_space<hbm>> -> memref<10000x128xf32, #tpu.memory_space<hbm>>
        tpu.enqueue_indirect_dma source(%dma_start3A_523 : memref<10000x128xf32, #tpu.memory_space<hbm>>) target(%dma_start3A_517 : memref<128x128xf32, #tpu.memory_space<vmem>>) offsets(%dma_start3A_520 : memref<128xi32, #tpu.memory_space<vmem>>) semaphore(%arg11 : memref<!tpu.dma_semaphore, #tpu.memory_space<semaphore_mem>>)
      } else {
      }
      %mul3A_457 = arith.constant 16 : i32
      %mul3A_458 = arith.muli %add3A_44, %mul3A_457 : i32
      %add3A_459 = arith.constant 14 : i32
      %add3A_460 = arith.addi %mul3A_458, %add3A_459 : i32
      %add3A_461 = arith.constant 14 : i32
      %add3A_462 = arith.addi %mul3A_60, %add3A_461 : i32
      %dma_wait3A_463 = arith.constant 0 : i32
      %dma_wait3A_464 = arith.constant 0 : i32
      %dma_wait3A_465 = arith.constant 0 : i32
      %dma_wait3A_466 = tpu.memref_slice %arg9[%dma_wait3A_463, %dma_wait3A_464, %dma_wait3A_465] : memref<2x128x128xf32, #tpu.memory_space<vmem>> -> memref<1x128x128xf32, #tpu.memory_space<vmem>>
      %dma_wait3A_467 = tpu.memref_squeeze %dma_wait3A_466 : memref<1x128x128xf32, #tpu.memory_space<vmem>> -> memref<128x128xf32, #tpu.memory_space<vmem>>
      %dma_wait3A_468 = arith.constant 0 : i32
      %dma_wait3A_469 = tpu.memref_slice %arg7[%add3A_462, %dma_wait3A_468] : memref<32x128xi32, #tpu.memory_space<vmem>> -> memref<1x128xi32, #tpu.memory_space<vmem>>
      %dma_wait3A_470 = tpu.memref_squeeze %dma_wait3A_469 : memref<1x128xi32, #tpu.memory_space<vmem>> -> memref<128xi32, #tpu.memory_space<vmem>>
      %dma_wait3A_471 = arith.constant 0 : i32
      %dma_wait3A_472 = arith.constant 0 : i32
      %dma_wait3A_473 = tpu.memref_slice %arg2[%dma_wait3A_471, %dma_wait3A_472] : memref<10000x128xf32, #tpu.memory_space<hbm>> -> memref<10000x128xf32, #tpu.memory_space<hbm>>
      tpu.wait_indirect_dma semaphore(%arg11 : memref<!tpu.dma_semaphore, #tpu.memory_space<semaphore_mem>>) src(%dma_wait3A_473 : memref<10000x128xf32, #tpu.memory_space<hbm>>) dst(%dma_wait3A_467 : memref<128x128xf32, #tpu.memory_space<vmem>>)
      %add3A_474 = arith.constant 14 : i32
      %add3A_475 = arith.addi %mul3A_60, %add3A_474 : i32
      %run_scoped3A_476 = arith.constant 0 : i32
      "tpu.region"() ({
        %run_scoped3A_511 = tpu.sem_alloc : memref<!tpu.dma_semaphore, #tpu.memory_space<semaphore_mem>>
        %dma_start3A_512 = arith.constant 0 : i32
        %dma_start3A_513 = arith.constant 0 : i32
        %dma_start3A_514 = tpu.memref_slice %arg9[%run_scoped3A_476, %dma_start3A_512, %dma_start3A_513] : memref<2x128x128xf32, #tpu.memory_space<vmem>> -> memref<1x128x128xf32, #tpu.memory_space<vmem>>
        %dma_start3A_515 = tpu.memref_squeeze %dma_start3A_514 : memref<1x128x128xf32, #tpu.memory_space<vmem>> -> memref<128x128xf32, #tpu.memory_space<vmem>>
        %dma_start3A_516 = arith.constant 0 : i32
        %dma_start3A_517 = tpu.memref_slice %arg8[%add3A_475, %dma_start3A_516] : memref<32x128xi32, #tpu.memory_space<vmem>> -> memref<1x128xi32, #tpu.memory_space<vmem>>
        %dma_start3A_518 = tpu.memref_squeeze %dma_start3A_517 : memref<1x128xi32, #tpu.memory_space<vmem>> -> memref<128xi32, #tpu.memory_space<vmem>>
        %dma_start3A_519 = arith.constant 0 : i32
        %dma_start3A_520 = arith.constant 0 : i32
        %dma_start3A_521 = tpu.memref_slice %arg10[%dma_start3A_519, %dma_start3A_520] : memref<10112x128xf32, #tpu.memory_space<vmem_shared>> -> memref<10112x128xf32, #tpu.memory_space<vmem_shared>>
        tpu.enqueue_indirect_dma source(%dma_start3A_515 : memref<128x128xf32, #tpu.memory_space<vmem>>) target(%dma_start3A_521 : memref<10112x128xf32, #tpu.memory_space<vmem_shared>>) offsets(%dma_start3A_518 : memref<128xi32, #tpu.memory_space<vmem>>) semaphore(%run_scoped3A_511 : memref<!tpu.dma_semaphore, #tpu.memory_space<semaphore_mem>>) {add = true}
        %dma_wait3A_522 = arith.constant 0 : i32
        %dma_wait3A_523 = arith.constant 0 : i32
        %dma_wait3A_524 = tpu.memref_slice %arg9[%run_scoped3A_476, %dma_wait3A_522, %dma_wait3A_523] : memref<2x128x128xf32, #tpu.memory_space<vmem>> -> memref<1x128x128xf32, #tpu.memory_space<vmem>>
        %dma_wait3A_525 = tpu.memref_squeeze %dma_wait3A_524 : memref<1x128x128xf32, #tpu.memory_space<vmem>> -> memref<128x128xf32, #tpu.memory_space<vmem>>
        %dma_wait3A_526 = arith.constant 0 : i32
        %dma_wait3A_527 = tpu.memref_slice %arg8[%add3A_475, %dma_wait3A_526] : memref<32x128xi32, #tpu.memory_space<vmem>> -> memref<1x128xi32, #tpu.memory_space<vmem>>
        %dma_wait3A_528 = tpu.memref_squeeze %dma_wait3A_527 : memref<1x128xi32, #tpu.memory_space<vmem>> -> memref<128xi32, #tpu.memory_space<vmem>>
        %dma_wait3A_529 = arith.constant 0 : i32
        %dma_wait3A_530 = arith.constant 0 : i32
        %dma_wait3A_531 = tpu.memref_slice %arg10[%dma_wait3A_529, %dma_wait3A_530] : memref<10112x128xf32, #tpu.memory_space<vmem_shared>> -> memref<10112x128xf32, #tpu.memory_space<vmem_shared>>
        tpu.wait_indirect_dma semaphore(%run_scoped3A_511 : memref<!tpu.dma_semaphore, #tpu.memory_space<semaphore_mem>>) src(%dma_wait3A_525 : memref<128x128xf32, #tpu.memory_space<vmem>>) dst(%dma_wait3A_531 : memref<10112x128xf32, #tpu.memory_space<vmem_shared>>)
        tpu.yield
      }) : () -> ()
      %add3A_477 = arith.constant 2 : i32
      %add3A_478 = arith.addi %add3A_460, %add3A_477 : i32
      %lt3A_479 = arith.constant 80 : i32
      %lt3A_480 = arith.cmpi slt, %add3A_478, %lt3A_479 : i32
      %convert_element_type3A_481 = arith.extui %lt3A_480 : i1 to i32
      %cond3A_482 = arith.constant 0 : i32
      %cond3A_483 = arith.cmpi ne, %convert_element_type3A_481, %cond3A_482 : i32
      scf.if %cond3A_483 {
        %add3A_511 = arith.constant 16 : i32
        %add3A_512 = arith.addi %mul3A_80, %add3A_511 : i32
        %sub3A = arith.constant 16 : i32
        %sub3A_513 = arith.subi %add3A_512, %sub3A : i32
        %dma_start3A_514 = arith.constant 0 : i32
        %dma_start3A_515 = arith.constant 0 : i32
        %dma_start3A_516 = arith.constant 0 : i32
        %dma_start3A_517 = tpu.memref_slice %arg9[%dma_start3A_514, %dma_start3A_515, %dma_start3A_516] : memref<2x128x128xf32, #tpu.memory_space<vmem>> -> memref<1x128x128xf32, #tpu.memory_space<vmem>>
        %dma_start3A_518 = tpu.memref_squeeze %dma_start3A_517 : memref<1x128x128xf32, #tpu.memory_space<vmem>> -> memref<128x128xf32, #tpu.memory_space<vmem>>
        %dma_start3A_519 = arith.constant 0 : i32
        %dma_start3A_520 = tpu.memref_slice %arg7[%sub3A_513, %dma_start3A_519] : memref<32x128xi32, #tpu.memory_space<vmem>> -> memref<1x128xi32, #tpu.memory_space<vmem>>
        %dma_start3A_521 = tpu.memref_squeeze %dma_start3A_520 : memref<1x128xi32, #tpu.memory_space<vmem>> -> memref<128xi32, #tpu.memory_space<vmem>>
        %dma_start3A_522 = arith.constant 0 : i32
        %dma_start3A_523 = arith.constant 0 : i32
        %dma_start3A_524 = tpu.memref_slice %arg2[%dma_start3A_522, %dma_start3A_523] : memref<10000x128xf32, #tpu.memory_space<hbm>> -> memref<10000x128xf32, #tpu.memory_space<hbm>>
        tpu.enqueue_indirect_dma source(%dma_start3A_524 : memref<10000x128xf32, #tpu.memory_space<hbm>>) target(%dma_start3A_518 : memref<128x128xf32, #tpu.memory_space<vmem>>) offsets(%dma_start3A_521 : memref<128xi32, #tpu.memory_space<vmem>>) semaphore(%arg11 : memref<!tpu.dma_semaphore, #tpu.memory_space<semaphore_mem>>)
      } else {
      }
      %mul3A_484 = arith.constant 16 : i32
      %mul3A_485 = arith.muli %add3A_44, %mul3A_484 : i32
      %add3A_486 = arith.constant 15 : i32
      %add3A_487 = arith.addi %mul3A_485, %add3A_486 : i32
      %add3A_488 = arith.constant 15 : i32
      %add3A_489 = arith.addi %mul3A_60, %add3A_488 : i32
      %dma_wait3A_490 = arith.constant 1 : i32
      %dma_wait3A_491 = arith.constant 0 : i32
      %dma_wait3A_492 = arith.constant 0 : i32
      %dma_wait3A_493 = tpu.memref_slice %arg9[%dma_wait3A_490, %dma_wait3A_491, %dma_wait3A_492] : memref<2x128x128xf32, #tpu.memory_space<vmem>> -> memref<1x128x128xf32, #tpu.memory_space<vmem>>
      %dma_wait3A_494 = tpu.memref_squeeze %dma_wait3A_493 : memref<1x128x128xf32, #tpu.memory_space<vmem>> -> memref<128x128xf32, #tpu.memory_space<vmem>>
      %dma_wait3A_495 = arith.constant 0 : i32
      %dma_wait3A_496 = tpu.memref_slice %arg7[%add3A_489, %dma_wait3A_495] : memref<32x128xi32, #tpu.memory_space<vmem>> -> memref<1x128xi32, #tpu.memory_space<vmem>>
      %dma_wait3A_497 = tpu.memref_squeeze %dma_wait3A_496 : memref<1x128xi32, #tpu.memory_space<vmem>> -> memref<128xi32, #tpu.memory_space<vmem>>
      %dma_wait3A_498 = arith.constant 0 : i32
      %dma_wait3A_499 = arith.constant 0 : i32
      %dma_wait3A_500 = tpu.memref_slice %arg2[%dma_wait3A_498, %dma_wait3A_499] : memref<10000x128xf32, #tpu.memory_space<hbm>> -> memref<10000x128xf32, #tpu.memory_space<hbm>>
      tpu.wait_indirect_dma semaphore(%arg11 : memref<!tpu.dma_semaphore, #tpu.memory_space<semaphore_mem>>) src(%dma_wait3A_500 : memref<10000x128xf32, #tpu.memory_space<hbm>>) dst(%dma_wait3A_494 : memref<128x128xf32, #tpu.memory_space<vmem>>)
      %add3A_501 = arith.constant 15 : i32
      %add3A_502 = arith.addi %mul3A_60, %add3A_501 : i32
      %run_scoped3A_503 = arith.constant 1 : i32
      "tpu.region"() ({
        %run_scoped3A_511 = tpu.sem_alloc : memref<!tpu.dma_semaphore, #tpu.memory_space<semaphore_mem>>
        %dma_start3A_512 = arith.constant 0 : i32
        %dma_start3A_513 = arith.constant 0 : i32
        %dma_start3A_514 = tpu.memref_slice %arg9[%run_scoped3A_503, %dma_start3A_512, %dma_start3A_513] : memref<2x128x128xf32, #tpu.memory_space<vmem>> -> memref<1x128x128xf32, #tpu.memory_space<vmem>>
        %dma_start3A_515 = tpu.memref_squeeze %dma_start3A_514 : memref<1x128x128xf32, #tpu.memory_space<vmem>> -> memref<128x128xf32, #tpu.memory_space<vmem>>
        %dma_start3A_516 = arith.constant 0 : i32
        %dma_start3A_517 = tpu.memref_slice %arg8[%add3A_502, %dma_start3A_516] : memref<32x128xi32, #tpu.memory_space<vmem>> -> memref<1x128xi32, #tpu.memory_space<vmem>>
        %dma_start3A_518 = tpu.memref_squeeze %dma_start3A_517 : memref<1x128xi32, #tpu.memory_space<vmem>> -> memref<128xi32, #tpu.memory_space<vmem>>
        %dma_start3A_519 = arith.constant 0 : i32
        %dma_start3A_520 = arith.constant 0 : i32
        %dma_start3A_521 = tpu.memref_slice %arg10[%dma_start3A_519, %dma_start3A_520] : memref<10112x128xf32, #tpu.memory_space<vmem_shared>> -> memref<10112x128xf32, #tpu.memory_space<vmem_shared>>
        tpu.enqueue_indirect_dma source(%dma_start3A_515 : memref<128x128xf32, #tpu.memory_space<vmem>>) target(%dma_start3A_521 : memref<10112x128xf32, #tpu.memory_space<vmem_shared>>) offsets(%dma_start3A_518 : memref<128xi32, #tpu.memory_space<vmem>>) semaphore(%run_scoped3A_511 : memref<!tpu.dma_semaphore, #tpu.memory_space<semaphore_mem>>) {add = true}
        %dma_wait3A_522 = arith.constant 0 : i32
        %dma_wait3A_523 = arith.constant 0 : i32
        %dma_wait3A_524 = tpu.memref_slice %arg9[%run_scoped3A_503, %dma_wait3A_522, %dma_wait3A_523] : memref<2x128x128xf32, #tpu.memory_space<vmem>> -> memref<1x128x128xf32, #tpu.memory_space<vmem>>
        %dma_wait3A_525 = tpu.memref_squeeze %dma_wait3A_524 : memref<1x128x128xf32, #tpu.memory_space<vmem>> -> memref<128x128xf32, #tpu.memory_space<vmem>>
        %dma_wait3A_526 = arith.constant 0 : i32
        %dma_wait3A_527 = tpu.memref_slice %arg8[%add3A_502, %dma_wait3A_526] : memref<32x128xi32, #tpu.memory_space<vmem>> -> memref<1x128xi32, #tpu.memory_space<vmem>>
        %dma_wait3A_528 = tpu.memref_squeeze %dma_wait3A_527 : memref<1x128xi32, #tpu.memory_space<vmem>> -> memref<128xi32, #tpu.memory_space<vmem>>
        %dma_wait3A_529 = arith.constant 0 : i32
        %dma_wait3A_530 = arith.constant 0 : i32
        %dma_wait3A_531 = tpu.memref_slice %arg10[%dma_wait3A_529, %dma_wait3A_530] : memref<10112x128xf32, #tpu.memory_space<vmem_shared>> -> memref<10112x128xf32, #tpu.memory_space<vmem_shared>>
        tpu.wait_indirect_dma semaphore(%run_scoped3A_511 : memref<!tpu.dma_semaphore, #tpu.memory_space<semaphore_mem>>) src(%dma_wait3A_525 : memref<128x128xf32, #tpu.memory_space<vmem>>) dst(%dma_wait3A_531 : memref<10112x128xf32, #tpu.memory_space<vmem_shared>>)
        tpu.yield
      }) : () -> ()
      %add3A_504 = arith.constant 2 : i32
      %add3A_505 = arith.addi %add3A_487, %add3A_504 : i32
      %lt3A_506 = arith.constant 80 : i32
      %lt3A_507 = arith.cmpi slt, %add3A_505, %lt3A_506 : i32
      %convert_element_type3A_508 = arith.extui %lt3A_507 : i1 to i32
      %cond3A_509 = arith.constant 0 : i32
      %cond3A_510 = arith.cmpi ne, %convert_element_type3A_508, %cond3A_509 : i32
      scf.if %cond3A_510 {
        %add3A_511 = arith.constant 17 : i32
        %add3A_512 = arith.addi %mul3A_80, %add3A_511 : i32
        %sub3A = arith.constant 16 : i32
        %sub3A_513 = arith.subi %add3A_512, %sub3A : i32
        %dma_start3A_514 = arith.constant 1 : i32
        %dma_start3A_515 = arith.constant 0 : i32
        %dma_start3A_516 = arith.constant 0 : i32
        %dma_start3A_517 = tpu.memref_slice %arg9[%dma_start3A_514, %dma_start3A_515, %dma_start3A_516] : memref<2x128x128xf32, #tpu.memory_space<vmem>> -> memref<1x128x128xf32, #tpu.memory_space<vmem>>
        %dma_start3A_518 = tpu.memref_squeeze %dma_start3A_517 : memref<1x128x128xf32, #tpu.memory_space<vmem>> -> memref<128x128xf32, #tpu.memory_space<vmem>>
        %dma_start3A_519 = arith.constant 0 : i32
        %dma_start3A_520 = tpu.memref_slice %arg7[%sub3A_513, %dma_start3A_519] : memref<32x128xi32, #tpu.memory_space<vmem>> -> memref<1x128xi32, #tpu.memory_space<vmem>>
        %dma_start3A_521 = tpu.memref_squeeze %dma_start3A_520 : memref<1x128xi32, #tpu.memory_space<vmem>> -> memref<128xi32, #tpu.memory_space<vmem>>
        %dma_start3A_522 = arith.constant 0 : i32
        %dma_start3A_523 = arith.constant 0 : i32
        %dma_start3A_524 = tpu.memref_slice %arg2[%dma_start3A_522, %dma_start3A_523] : memref<10000x128xf32, #tpu.memory_space<hbm>> -> memref<10000x128xf32, #tpu.memory_space<hbm>>
        tpu.enqueue_indirect_dma source(%dma_start3A_524 : memref<10000x128xf32, #tpu.memory_space<hbm>>) target(%dma_start3A_518 : memref<128x128xf32, #tpu.memory_space<vmem>>) offsets(%dma_start3A_521 : memref<128xi32, #tpu.memory_space<vmem>>) semaphore(%arg11 : memref<!tpu.dma_semaphore, #tpu.memory_space<semaphore_mem>>)
      } else {
      }
    }
    %scan3A_31 = arith.constant 5 : i32
    %barrier3A_32 = arith.constant 0 : index
    tpu.barrier barrier_id(%barrier3A_32)
    %mul3A_33 = arith.constant 632 : i32
    %mul3A_34 = arith.muli %arg1, %mul3A_33 : i32
    %mul3A_35 = arith.constant 10112 : i32
    %mul3A_36 = arith.muli %arg0, %mul3A_35 : i32
    %mul3A_37 = arith.constant 632 : i32
    %mul3A_38 = arith.muli %arg1, %mul3A_37 : i32
    %add3A_39 = arith.addi %mul3A_36, %mul3A_38 : i32
    "tpu.region"() ({
      %run_scoped3A = tpu.sem_alloc : memref<!tpu.dma_semaphore, #tpu.memory_space<semaphore_mem>>
      %dma_start3A_40 = arith.constant 0 : i32
      %dma_start3A_41 = tpu.memref_slice %arg6[%add3A_39, %dma_start3A_40] : memref<20224x128xf32, #tpu.memory_space<hbm>> -> memref<632x128xf32, #tpu.memory_space<hbm>>
      %dma_start3A_42 = arith.constant 0 : i32
      %dma_start3A_43 = tpu.memref_slice %arg10[%mul3A_34, %dma_start3A_42] : memref<10112x128xf32, #tpu.memory_space<vmem_shared>> -> memref<632x128xf32, #tpu.memory_space<vmem_shared>>
      tpu.enqueue_dma source(%dma_start3A_43 : memref<632x128xf32, #tpu.memory_space<vmem_shared>>) target(%dma_start3A_41 : memref<632x128xf32, #tpu.memory_space<hbm>>) target_semaphore(%run_scoped3A : memref<!tpu.dma_semaphore, #tpu.memory_space<semaphore_mem>>)
      %dma_wait3A = arith.constant 0 : i32
      %dma_wait3A_44 = tpu.memref_slice %arg6[%add3A_39, %dma_wait3A] : memref<20224x128xf32, #tpu.memory_space<hbm>> -> memref<632x128xf32, #tpu.memory_space<hbm>>
      %dma_wait3A_45 = arith.constant 0 : i32
      %dma_wait3A_46 = tpu.memref_slice %arg10[%mul3A_34, %dma_wait3A_45] : memref<10112x128xf32, #tpu.memory_space<vmem_shared>> -> memref<632x128xf32, #tpu.memory_space<vmem_shared>>
      tpu.wait_dma2 semaphore(%run_scoped3A : memref<!tpu.dma_semaphore, #tpu.memory_space<semaphore_mem>>) src(%dma_wait3A_46 : memref<632x128xf32, #tpu.memory_space<vmem_shared>>) dst(%dma_wait3A_44 : memref<632x128xf32, #tpu.memory_space<hbm>>)
      tpu.yield
    }) : () -> ()
    return
  }
}

#map = affine_map<(d0, d1) -> (0, 0)>
module attributes {stable_mosaic.version = 14 : i64} {
  func.func @_agg_body(%arg0: i32, %arg1: i32, %arg2: memref<10000x128xf32, #tpu.memory_space<hbm>>, %arg3: memref<2560x128xi32, #tpu.memory_space<hbm>>, %arg4: memref<2560x128xi32, #tpu.memory_space<hbm>>, %arg5: memref<632x128xf32, #tpu.memory_space<hbm>>, %arg6: memref<20224x128xf32, #tpu.memory_space<hbm>>, %arg7: memref<32x128xi32, #tpu.memory_space<vmem>>, %arg8: memref<32x128xi32, #tpu.memory_space<vmem>>, %arg9: memref<2x128x128xf32, #tpu.memory_space<vmem>>, %arg10: memref<10112x128xf32, #tpu.memory_space<vmem_shared>>, %arg11: memref<!tpu.dma_semaphore, #tpu.memory_space<semaphore_mem>>) attributes {dimension_semantics = [#tpu.dimension_semantics<core_parallel>, #tpu.dimension_semantics<subcore_parallel>], iteration_bounds = array<i64: 2, 16>, scalar_prefetch = 0 : i64, scratch_operands = 5 : i64, tpu.core_type = #tpu.core_type<sc_vector_subcore>, window_params = [{transform_indices = #map}, {transform_indices = #map}, {transform_indices = #map}, {transform_indices = #map}, {transform_indices = #map}]} {
    %mul3A = arith.constant 16 : i32
    %mul3A_0 = arith.muli %arg0, %mul3A : i32
    %add3A = arith.addi %mul3A_0, %arg1 : i32
    %mul3A_1 = arith.constant 80 : i32
    %mul3A_2 = arith.muli %add3A, %mul3A_1 : i32
    %mul3A_3 = arith.constant 632 : i32
    %mul3A_4 = arith.muli %arg1, %mul3A_3 : i32
    "tpu.region"() ({
      %run_scoped3A = tpu.sem_alloc : memref<!tpu.dma_semaphore, #tpu.memory_space<semaphore_mem>>
      %dma_start3A_40 = arith.constant 0 : i32
      %dma_start3A_41 = tpu.memref_slice %arg10[%mul3A_4, %dma_start3A_40] : memref<10112x128xf32, #tpu.memory_space<vmem_shared>> -> memref<632x128xf32, #tpu.memory_space<vmem_shared>>
      tpu.enqueue_dma source(%arg5 : memref<632x128xf32, #tpu.memory_space<hbm>>) target(%dma_start3A_41 : memref<632x128xf32, #tpu.memory_space<vmem_shared>>) target_semaphore(%run_scoped3A : memref<!tpu.dma_semaphore, #tpu.memory_space<semaphore_mem>>)
      %dma_wait3A = arith.constant 0 : i32
      %dma_wait3A_42 = tpu.memref_slice %arg10[%mul3A_4, %dma_wait3A] : memref<10112x128xf32, #tpu.memory_space<vmem_shared>> -> memref<632x128xf32, #tpu.memory_space<vmem_shared>>
      tpu.wait_dma2 semaphore(%run_scoped3A : memref<!tpu.dma_semaphore, #tpu.memory_space<semaphore_mem>>) src(%arg5 : memref<632x128xf32, #tpu.memory_space<hbm>>) dst(%dma_wait3A_42 : memref<632x128xf32, #tpu.memory_space<vmem_shared>>)
      tpu.yield
    }) : () -> ()
    "tpu.region"() ({
      %run_scoped3A = tpu.sem_alloc : memref<!tpu.dma_semaphore, #tpu.memory_space<semaphore_mem>>
      %dma_start3A_40 = arith.constant 0 : i32
      %dma_start3A_41 = arith.constant 0 : i32
      %dma_start3A_42 = tpu.memref_slice %arg7[%dma_start3A_40, %dma_start3A_41] : memref<32x128xi32, #tpu.memory_space<vmem>> -> memref<16x128xi32, #tpu.memory_space<vmem>>
      %dma_start3A_43 = arith.constant 0 : i32
      %dma_start3A_44 = tpu.memref_slice %arg3[%mul3A_2, %dma_start3A_43] : memref<2560x128xi32, #tpu.memory_space<hbm>> -> memref<16x128xi32, #tpu.memory_space<hbm>>
      %dma_start3A_45 = arith.constant 0 : i32
      %dma_start3A_46 = arith.constant 0 : i32
      %dma_start3A_47 = tpu.memref_slice %arg7[%dma_start3A_45, %dma_start3A_46] : memref<32x128xi32, #tpu.memory_space<vmem>> -> memref<16x128xi32, #tpu.memory_space<vmem>>
      %dma_start3A_48 = arith.constant 0 : i32
      %dma_start3A_49 = tpu.memref_slice %arg3[%mul3A_2, %dma_start3A_48] : memref<2560x128xi32, #tpu.memory_space<hbm>> -> memref<16x128xi32, #tpu.memory_space<hbm>>
      tpu.enqueue_dma source(%dma_start3A_49 : memref<16x128xi32, #tpu.memory_space<hbm>>) target(%dma_start3A_47 : memref<16x128xi32, #tpu.memory_space<vmem>>) target_semaphore(%run_scoped3A : memref<!tpu.dma_semaphore, #tpu.memory_space<semaphore_mem>>)
      %dma_wait3A = arith.constant 0 : i32
      %dma_wait3A_50 = arith.constant 0 : i32
      %dma_wait3A_51 = tpu.memref_slice %arg7[%dma_wait3A, %dma_wait3A_50] : memref<32x128xi32, #tpu.memory_space<vmem>> -> memref<16x128xi32, #tpu.memory_space<vmem>>
      %dma_wait3A_52 = arith.constant 0 : i32
      %dma_wait3A_53 = tpu.memref_slice %arg3[%mul3A_2, %dma_wait3A_52] : memref<2560x128xi32, #tpu.memory_space<hbm>> -> memref<16x128xi32, #tpu.memory_space<hbm>>
      %dma_wait3A_54 = arith.constant 0 : i32
      %dma_wait3A_55 = arith.constant 0 : i32
      %dma_wait3A_56 = tpu.memref_slice %arg7[%dma_wait3A_54, %dma_wait3A_55] : memref<32x128xi32, #tpu.memory_space<vmem>> -> memref<16x128xi32, #tpu.memory_space<vmem>>
      %dma_wait3A_57 = arith.constant 0 : i32
      %dma_wait3A_58 = tpu.memref_slice %arg3[%mul3A_2, %dma_wait3A_57] : memref<2560x128xi32, #tpu.memory_space<hbm>> -> memref<16x128xi32, #tpu.memory_space<hbm>>
      tpu.wait_dma2 semaphore(%run_scoped3A : memref<!tpu.dma_semaphore, #tpu.memory_space<semaphore_mem>>) src(%dma_wait3A_58 : memref<16x128xi32, #tpu.memory_space<hbm>>) dst(%dma_wait3A_56 : memref<16x128xi32, #tpu.memory_space<vmem>>)
      tpu.yield
    }) : () -> ()
    "tpu.region"() ({
      %run_scoped3A = tpu.sem_alloc : memref<!tpu.dma_semaphore, #tpu.memory_space<semaphore_mem>>
      %dma_start3A_40 = arith.constant 0 : i32
      %dma_start3A_41 = arith.constant 0 : i32
      %dma_start3A_42 = tpu.memref_slice %arg8[%dma_start3A_40, %dma_start3A_41] : memref<32x128xi32, #tpu.memory_space<vmem>> -> memref<16x128xi32, #tpu.memory_space<vmem>>
      %dma_start3A_43 = arith.constant 0 : i32
      %dma_start3A_44 = tpu.memref_slice %arg4[%mul3A_2, %dma_start3A_43] : memref<2560x128xi32, #tpu.memory_space<hbm>> -> memref<16x128xi32, #tpu.memory_space<hbm>>
      %dma_start3A_45 = arith.constant 0 : i32
      %dma_start3A_46 = arith.constant 0 : i32
      %dma_start3A_47 = tpu.memref_slice %arg8[%dma_start3A_45, %dma_start3A_46] : memref<32x128xi32, #tpu.memory_space<vmem>> -> memref<16x128xi32, #tpu.memory_space<vmem>>
      %dma_start3A_48 = arith.constant 0 : i32
      %dma_start3A_49 = tpu.memref_slice %arg4[%mul3A_2, %dma_start3A_48] : memref<2560x128xi32, #tpu.memory_space<hbm>> -> memref<16x128xi32, #tpu.memory_space<hbm>>
      tpu.enqueue_dma source(%dma_start3A_49 : memref<16x128xi32, #tpu.memory_space<hbm>>) target(%dma_start3A_47 : memref<16x128xi32, #tpu.memory_space<vmem>>) target_semaphore(%run_scoped3A : memref<!tpu.dma_semaphore, #tpu.memory_space<semaphore_mem>>)
      %dma_wait3A = arith.constant 0 : i32
      %dma_wait3A_50 = arith.constant 0 : i32
      %dma_wait3A_51 = tpu.memref_slice %arg8[%dma_wait3A, %dma_wait3A_50] : memref<32x128xi32, #tpu.memory_space<vmem>> -> memref<16x128xi32, #tpu.memory_space<vmem>>
      %dma_wait3A_52 = arith.constant 0 : i32
      %dma_wait3A_53 = tpu.memref_slice %arg4[%mul3A_2, %dma_wait3A_52] : memref<2560x128xi32, #tpu.memory_space<hbm>> -> memref<16x128xi32, #tpu.memory_space<hbm>>
      %dma_wait3A_54 = arith.constant 0 : i32
      %dma_wait3A_55 = arith.constant 0 : i32
      %dma_wait3A_56 = tpu.memref_slice %arg8[%dma_wait3A_54, %dma_wait3A_55] : memref<32x128xi32, #tpu.memory_space<vmem>> -> memref<16x128xi32, #tpu.memory_space<vmem>>
      %dma_wait3A_57 = arith.constant 0 : i32
      %dma_wait3A_58 = tpu.memref_slice %arg4[%mul3A_2, %dma_wait3A_57] : memref<2560x128xi32, #tpu.memory_space<hbm>> -> memref<16x128xi32, #tpu.memory_space<hbm>>
      tpu.wait_dma2 semaphore(%run_scoped3A : memref<!tpu.dma_semaphore, #tpu.memory_space<semaphore_mem>>) src(%dma_wait3A_58 : memref<16x128xi32, #tpu.memory_space<hbm>>) dst(%dma_wait3A_56 : memref<16x128xi32, #tpu.memory_space<vmem>>)
      tpu.yield
    }) : () -> ()
    %barrier3A = arith.constant 0 : index
    tpu.barrier barrier_id(%barrier3A)
    %dma_start3A = arith.constant 0 : i32
    %dma_start3A_5 = arith.constant 0 : i32
    %dma_start3A_6 = arith.constant 0 : i32
    %dma_start3A_7 = arith.constant 0 : i32
    %dma_start3A_8 = tpu.memref_slice %arg9[%dma_start3A_5, %dma_start3A_6, %dma_start3A_7] : memref<2x128x128xf32, #tpu.memory_space<vmem>> -> memref<1x128x128xf32, #tpu.memory_space<vmem>>
    %dma_start3A_9 = tpu.memref_squeeze %dma_start3A_8 : memref<1x128x128xf32, #tpu.memory_space<vmem>> -> memref<128x128xf32, #tpu.memory_space<vmem>>
    %dma_start3A_10 = arith.constant 0 : i32
    %dma_start3A_11 = tpu.memref_slice %arg7[%dma_start3A, %dma_start3A_10] : memref<32x128xi32, #tpu.memory_space<vmem>> -> memref<1x128xi32, #tpu.memory_space<vmem>>
    %dma_start3A_12 = tpu.memref_squeeze %dma_start3A_11 : memref<1x128xi32, #tpu.memory_space<vmem>> -> memref<128xi32, #tpu.memory_space<vmem>>
    %dma_start3A_13 = arith.constant 0 : i32
    %dma_start3A_14 = arith.constant 0 : i32
    %dma_start3A_15 = tpu.memref_slice %arg2[%dma_start3A_13, %dma_start3A_14] : memref<10000x128xf32, #tpu.memory_space<hbm>> -> memref<10000x128xf32, #tpu.memory_space<hbm>>
    tpu.enqueue_indirect_dma source(%dma_start3A_15 : memref<10000x128xf32, #tpu.memory_space<hbm>>) target(%dma_start3A_9 : memref<128x128xf32, #tpu.memory_space<vmem>>) offsets(%dma_start3A_12 : memref<128xi32, #tpu.memory_space<vmem>>) semaphore(%arg11 : memref<!tpu.dma_semaphore, #tpu.memory_space<semaphore_mem>>)
    %dma_start3A_16 = arith.constant 1 : i32
    %dma_start3A_17 = arith.constant 1 : i32
    %dma_start3A_18 = arith.constant 0 : i32
    %dma_start3A_19 = arith.constant 0 : i32
    %dma_start3A_20 = tpu.memref_slice %arg9[%dma_start3A_17, %dma_start3A_18, %dma_start3A_19] : memref<2x128x128xf32, #tpu.memory_space<vmem>> -> memref<1x128x128xf32, #tpu.memory_space<vmem>>
    %dma_start3A_21 = tpu.memref_squeeze %dma_start3A_20 : memref<1x128x128xf32, #tpu.memory_space<vmem>> -> memref<128x128xf32, #tpu.memory_space<vmem>>
    %dma_start3A_22 = arith.constant 0 : i32
    %dma_start3A_23 = tpu.memref_slice %arg7[%dma_start3A_16, %dma_start3A_22] : memref<32x128xi32, #tpu.memory_space<vmem>> -> memref<1x128xi32, #tpu.memory_space<vmem>>
    %dma_start3A_24 = tpu.memref_squeeze %dma_start3A_23 : memref<1x128xi32, #tpu.memory_space<vmem>> -> memref<128xi32, #tpu.memory_space<vmem>>
    %dma_start3A_25 = arith.constant 0 : i32
    %dma_start3A_26 = arith.constant 0 : i32
    %dma_start3A_27 = tpu.memref_slice %arg2[%dma_start3A_25, %dma_start3A_26] : memref<10000x128xf32, #tpu.memory_space<hbm>> -> memref<10000x128xf32, #tpu.memory_space<hbm>>
    tpu.enqueue_indirect_dma source(%dma_start3A_27 : memref<10000x128xf32, #tpu.memory_space<hbm>>) target(%dma_start3A_21 : memref<128x128xf32, #tpu.memory_space<vmem>>) offsets(%dma_start3A_24 : memref<128xi32, #tpu.memory_space<vmem>>) semaphore(%arg11 : memref<!tpu.dma_semaphore, #tpu.memory_space<semaphore_mem>>)
    %scan3A = arith.constant 0 : i32
    %scan3A_28 = arith.constant 5 : i32
    %scan3A_29 = arith.addi %scan3A, %scan3A_28 : i32
    %scan3A_30 = arith.constant 1 : i32
    scf.for %scan3A_40 = %scan3A to %scan3A_29 step %scan3A_30  : i32 {
      %mul3A_41 = arith.constant 1 : i32
      %mul3A_42 = arith.muli %scan3A_40, %mul3A_41 : i32
      %add3A_43 = arith.constant 0 : i32
      %add3A_44 = arith.addi %add3A_43, %mul3A_42 : i32
      %add3A_45 = arith.constant 1 : i32
      %add3A_46 = arith.addi %add3A_44, %add3A_45 : i32
      %lt3A = arith.constant 5 : i32
      %lt3A_47 = arith.cmpi slt, %add3A_46, %lt3A : i32
      %convert_element_type3A = arith.extui %lt3A_47 : i1 to i32
      %cond3A = arith.constant 0 : i32
      %cond3A_48 = arith.cmpi ne, %convert_element_type3A, %cond3A : i32
      scf.if %cond3A_48 {
        %add3A_511 = arith.constant 1 : i32
        %add3A_512 = arith.addi %add3A_44, %add3A_511 : i32
        %jit3A_513 = arith.constant 2 : i32
        %eq3A_514 = arith.constant 0 : i32
        %eq3A_515 = arith.cmpi eq, %jit3A_513, %eq3A_514 : i32
        %jit3A_516 = arith.constant 1 : i32
        %select_n3A_517 = arith.select %eq3A_515, %jit3A_516, %jit3A_513 : i32
        %rem3A_518 = arith.remsi %add3A_512, %select_n3A_517 : i32
        %ne3A_519 = arith.constant 0 : i32
        %ne3A_520 = arith.cmpi ne, %rem3A_518, %ne3A_519 : i32
        %lt3A_521 = arith.constant 0 : i32
        %lt3A_522 = arith.cmpi slt, %rem3A_518, %lt3A_521 : i32
        %lt3A_523 = arith.constant 0 : i32
        %lt3A_524 = arith.cmpi slt, %select_n3A_517, %lt3A_523 : i32
        %ne3A_525 = arith.xori %lt3A_522, %lt3A_524 : i1
        %and3A_526 = arith.andi %ne3A_525, %ne3A_520 : i1
        %add3A_527 = arith.addi %rem3A_518, %select_n3A_517 : i32
        %select_n3A_528 = arith.select %and3A_526, %add3A_527, %rem3A_518 : i32
        %mul3A_529 = arith.constant 16 : i32
        %mul3A_530 = arith.muli %select_n3A_528, %mul3A_529 : i32
        %add3A_531 = arith.constant 1 : i32
        %add3A_532 = arith.addi %add3A_44, %add3A_531 : i32
        %mul3A_533 = arith.constant 16 : i32
        %mul3A_534 = arith.muli %add3A_532, %mul3A_533 : i32
        %add3A_535 = arith.addi %mul3A_2, %mul3A_534 : i32
        "tpu.region"() ({
          %run_scoped3A_536 = tpu.sem_alloc : memref<!tpu.dma_semaphore, #tpu.memory_space<semaphore_mem>>
          %dma_start3A_537 = arith.constant 0 : i32
          %dma_start3A_538 = tpu.memref_slice %arg7[%mul3A_530, %dma_start3A_537] : memref<32x128xi32, #tpu.memory_space<vmem>> -> memref<16x128xi32, #tpu.memory_space<vmem>>
          %dma_start3A_539 = arith.constant 0 : i32
          %dma_start3A_540 = tpu.memref_slice %arg3[%add3A_535, %dma_start3A_539] : memref<2560x128xi32, #tpu.memory_space<hbm>> -> memref<16x128xi32, #tpu.memory_space<hbm>>
          %dma_start3A_541 = arith.constant 0 : i32
          %dma_start3A_542 = tpu.memref_slice %arg7[%mul3A_530, %dma_start3A_541] : memref<32x128xi32, #tpu.memory_space<vmem>> -> memref<16x128xi32, #tpu.memory_space<vmem>>
          %dma_start3A_543 = arith.constant 0 : i32
          %dma_start3A_544 = tpu.memref_slice %arg3[%add3A_535, %dma_start3A_543] : memref<2560x128xi32, #tpu.memory_space<hbm>> -> memref<16x128xi32, #tpu.memory_space<hbm>>
          tpu.enqueue_dma source(%dma_start3A_544 : memref<16x128xi32, #tpu.memory_space<hbm>>) target(%dma_start3A_542 : memref<16x128xi32, #tpu.memory_space<vmem>>) target_semaphore(%run_scoped3A_536 : memref<!tpu.dma_semaphore, #tpu.memory_space<semaphore_mem>>)
          %dma_wait3A_545 = arith.constant 0 : i32
          %dma_wait3A_546 = tpu.memref_slice %arg7[%mul3A_530, %dma_wait3A_545] : memref<32x128xi32, #tpu.memory_space<vmem>> -> memref<16x128xi32, #tpu.memory_space<vmem>>
          %dma_wait3A_547 = arith.constant 0 : i32
          %dma_wait3A_548 = tpu.memref_slice %arg3[%add3A_535, %dma_wait3A_547] : memref<2560x128xi32, #tpu.memory_space<hbm>> -> memref<16x128xi32, #tpu.memory_space<hbm>>
          %dma_wait3A_549 = arith.constant 0 : i32
          %dma_wait3A_550 = tpu.memref_slice %arg7[%mul3A_530, %dma_wait3A_549] : memref<32x128xi32, #tpu.memory_space<vmem>> -> memref<16x128xi32, #tpu.memory_space<vmem>>
          %dma_wait3A_551 = arith.constant 0 : i32
          %dma_wait3A_552 = tpu.memref_slice %arg3[%add3A_535, %dma_wait3A_551] : memref<2560x128xi32, #tpu.memory_space<hbm>> -> memref<16x128xi32, #tpu.memory_space<hbm>>
          tpu.wait_dma2 semaphore(%run_scoped3A_536 : memref<!tpu.dma_semaphore, #tpu.memory_space<semaphore_mem>>) src(%dma_wait3A_552 : memref<16x128xi32, #tpu.memory_space<hbm>>) dst(%dma_wait3A_550 : memref<16x128xi32, #tpu.memory_space<vmem>>)
          tpu.yield
        }) : () -> ()
        "tpu.region"() ({
          %run_scoped3A_536 = tpu.sem_alloc : memref<!tpu.dma_semaphore, #tpu.memory_space<semaphore_mem>>
          %dma_start3A_537 = arith.constant 0 : i32
          %dma_start3A_538 = tpu.memref_slice %arg8[%mul3A_530, %dma_start3A_537] : memref<32x128xi32, #tpu.memory_space<vmem>> -> memref<16x128xi32, #tpu.memory_space<vmem>>
          %dma_start3A_539 = arith.constant 0 : i32
          %dma_start3A_540 = tpu.memref_slice %arg4[%add3A_535, %dma_start3A_539] : memref<2560x128xi32, #tpu.memory_space<hbm>> -> memref<16x128xi32, #tpu.memory_space<hbm>>
          %dma_start3A_541 = arith.constant 0 : i32
          %dma_start3A_542 = tpu.memref_slice %arg8[%mul3A_530, %dma_start3A_541] : memref<32x128xi32, #tpu.memory_space<vmem>> -> memref<16x128xi32, #tpu.memory_space<vmem>>
          %dma_start3A_543 = arith.constant 0 : i32
          %dma_start3A_544 = tpu.memref_slice %arg4[%add3A_535, %dma_start3A_543] : memref<2560x128xi32, #tpu.memory_space<hbm>> -> memref<16x128xi32, #tpu.memory_space<hbm>>
          tpu.enqueue_dma source(%dma_start3A_544 : memref<16x128xi32, #tpu.memory_space<hbm>>) target(%dma_start3A_542 : memref<16x128xi32, #tpu.memory_space<vmem>>) target_semaphore(%run_scoped3A_536 : memref<!tpu.dma_semaphore, #tpu.memory_space<semaphore_mem>>)
          %dma_wait3A_545 = arith.constant 0 : i32
          %dma_wait3A_546 = tpu.memref_slice %arg8[%mul3A_530, %dma_wait3A_545] : memref<32x128xi32, #tpu.memory_space<vmem>> -> memref<16x128xi32, #tpu.memory_space<vmem>>
          %dma_wait3A_547 = arith.constant 0 : i32
          %dma_wait3A_548 = tpu.memref_slice %arg4[%add3A_535, %dma_wait3A_547] : memref<2560x128xi32, #tpu.memory_space<hbm>> -> memref<16x128xi32, #tpu.memory_space<hbm>>
          %dma_wait3A_549 = arith.constant 0 : i32
          %dma_wait3A_550 = tpu.memref_slice %arg8[%mul3A_530, %dma_wait3A_549] : memref<32x128xi32, #tpu.memory_space<vmem>> -> memref<16x128xi32, #tpu.memory_space<vmem>>
          %dma_wait3A_551 = arith.constant 0 : i32
          %dma_wait3A_552 = tpu.memref_slice %arg4[%add3A_535, %dma_wait3A_551] : memref<2560x128xi32, #tpu.memory_space<hbm>> -> memref<16x128xi32, #tpu.memory_space<hbm>>
          tpu.wait_dma2 semaphore(%run_scoped3A_536 : memref<!tpu.dma_semaphore, #tpu.memory_space<semaphore_mem>>) src(%dma_wait3A_552 : memref<16x128xi32, #tpu.memory_space<hbm>>) dst(%dma_wait3A_550 : memref<16x128xi32, #tpu.memory_space<vmem>>)
          tpu.yield
        }) : () -> ()
      } else {
      }
      %jit3A = arith.constant 2 : i32
      %eq3A = arith.constant 0 : i32
      %eq3A_49 = arith.cmpi eq, %jit3A, %eq3A : i32
      %jit3A_50 = arith.constant 1 : i32
      %select_n3A = arith.select %eq3A_49, %jit3A_50, %jit3A : i32
      %rem3A = arith.remsi %add3A_44, %select_n3A : i32
      %ne3A = arith.constant 0 : i32
      %ne3A_51 = arith.cmpi ne, %rem3A, %ne3A : i32
      %lt3A_52 = arith.constant 0 : i32
      %lt3A_53 = arith.cmpi slt, %rem3A, %lt3A_52 : i32
      %lt3A_54 = arith.constant 0 : i32
      %lt3A_55 = arith.cmpi slt, %select_n3A, %lt3A_54 : i32
      %ne3A_56 = arith.xori %lt3A_53, %lt3A_55 : i1
      %and3A = arith.andi %ne3A_56, %ne3A_51 : i1
      %add3A_57 = arith.addi %rem3A, %select_n3A : i32
      %select_n3A_58 = arith.select %and3A, %add3A_57, %rem3A : i32
      %mul3A_59 = arith.constant 16 : i32
      %mul3A_60 = arith.muli %select_n3A_58, %mul3A_59 : i32
      %add3A_61 = arith.constant 1 : i32
      %add3A_62 = arith.addi %add3A_44, %add3A_61 : i32
      %jit3A_63 = arith.constant 2 : i32
      %eq3A_64 = arith.constant 0 : i32
      %eq3A_65 = arith.cmpi eq, %jit3A_63, %eq3A_64 : i32
      %jit3A_66 = arith.constant 1 : i32
      %select_n3A_67 = arith.select %eq3A_65, %jit3A_66, %jit3A_63 : i32
      %rem3A_68 = arith.remsi %add3A_62, %select_n3A_67 : i32
      %ne3A_69 = arith.constant 0 : i32
      %ne3A_70 = arith.cmpi ne, %rem3A_68, %ne3A_69 : i32
      %lt3A_71 = arith.constant 0 : i32
      %lt3A_72 = arith.cmpi slt, %rem3A_68, %lt3A_71 : i32
      %lt3A_73 = arith.constant 0 : i32
      %lt3A_74 = arith.cmpi slt, %select_n3A_67, %lt3A_73 : i32
      %ne3A_75 = arith.xori %lt3A_72, %lt3A_74 : i1
      %and3A_76 = arith.andi %ne3A_75, %ne3A_70 : i1
      %add3A_77 = arith.addi %rem3A_68, %select_n3A_67 : i32
      %select_n3A_78 = arith.select %and3A_76, %add3A_77, %rem3A_68 : i32
      %mul3A_79 = arith.constant 16 : i32
      %mul3A_80 = arith.muli %select_n3A_78, %mul3A_79 : i32
      %mul3A_81 = arith.constant 16 : i32
      %mul3A_82 = arith.muli %add3A_44, %mul3A_81 : i32
      %add3A_83 = arith.constant 0 : i32
      %add3A_84 = arith.addi %mul3A_82, %add3A_83 : i32
      %add3A_85 = arith.constant 0 : i32
      %add3A_86 = arith.addi %mul3A_60, %add3A_85 : i32
      %dma_wait3A = arith.constant 0 : i32
      %dma_wait3A_87 = arith.constant 0 : i32
      %dma_wait3A_88 = arith.constant 0 : i32
      %dma_wait3A_89 = tpu.memref_slice %arg9[%dma_wait3A, %dma_wait3A_87, %dma_wait3A_88] : memref<2x128x128xf32, #tpu.memory_space<vmem>> -> memref<1x128x128xf32, #tpu.memory_space<vmem>>
      %dma_wait3A_90 = tpu.memref_squeeze %dma_wait3A_89 : memref<1x128x128xf32, #tpu.memory_space<vmem>> -> memref<128x128xf32, #tpu.memory_space<vmem>>
      %dma_wait3A_91 = arith.constant 0 : i32
      %dma_wait3A_92 = tpu.memref_slice %arg7[%add3A_86, %dma_wait3A_91] : memref<32x128xi32, #tpu.memory_space<vmem>> -> memref<1x128xi32, #tpu.memory_space<vmem>>
      %dma_wait3A_93 = tpu.memref_squeeze %dma_wait3A_92 : memref<1x128xi32, #tpu.memory_space<vmem>> -> memref<128xi32, #tpu.memory_space<vmem>>
      %dma_wait3A_94 = arith.constant 0 : i32
      %dma_wait3A_95 = arith.constant 0 : i32
      %dma_wait3A_96 = tpu.memref_slice %arg2[%dma_wait3A_94, %dma_wait3A_95] : memref<10000x128xf32, #tpu.memory_space<hbm>> -> memref<10000x128xf32, #tpu.memory_space<hbm>>
      tpu.wait_indirect_dma semaphore(%arg11 : memref<!tpu.dma_semaphore, #tpu.memory_space<semaphore_mem>>) src(%dma_wait3A_96 : memref<10000x128xf32, #tpu.memory_space<hbm>>) dst(%dma_wait3A_90 : memref<128x128xf32, #tpu.memory_space<vmem>>)
      %add3A_97 = arith.constant 0 : i32
      %add3A_98 = arith.addi %mul3A_60, %add3A_97 : i32
      %run_scoped3A = arith.constant 0 : i32
      "tpu.region"() ({
        %run_scoped3A_511 = tpu.sem_alloc : memref<!tpu.dma_semaphore, #tpu.memory_space<semaphore_mem>>
        %dma_start3A_512 = arith.constant 0 : i32
        %dma_start3A_513 = arith.constant 0 : i32
        %dma_start3A_514 = tpu.memref_slice %arg9[%run_scoped3A, %dma_start3A_512, %dma_start3A_513] : memref<2x128x128xf32, #tpu.memory_space<vmem>> -> memref<1x128x128xf32, #tpu.memory_space<vmem>>
        %dma_start3A_515 = tpu.memref_squeeze %dma_start3A_514 : memref<1x128x128xf32, #tpu.memory_space<vmem>> -> memref<128x128xf32, #tpu.memory_space<vmem>>
        %dma_start3A_516 = arith.constant 0 : i32
        %dma_start3A_517 = tpu.memref_slice %arg8[%add3A_98, %dma_start3A_516] : memref<32x128xi32, #tpu.memory_space<vmem>> -> memref<1x128xi32, #tpu.memory_space<vmem>>
        %dma_start3A_518 = tpu.memref_squeeze %dma_start3A_517 : memref<1x128xi32, #tpu.memory_space<vmem>> -> memref<128xi32, #tpu.memory_space<vmem>>
        %dma_start3A_519 = arith.constant 0 : i32
        %dma_start3A_520 = arith.constant 0 : i32
        %dma_start3A_521 = tpu.memref_slice %arg10[%dma_start3A_519, %dma_start3A_520] : memref<10112x128xf32, #tpu.memory_space<vmem_shared>> -> memref<10112x128xf32, #tpu.memory_space<vmem_shared>>
        tpu.enqueue_indirect_dma source(%dma_start3A_515 : memref<128x128xf32, #tpu.memory_space<vmem>>) target(%dma_start3A_521 : memref<10112x128xf32, #tpu.memory_space<vmem_shared>>) offsets(%dma_start3A_518 : memref<128xi32, #tpu.memory_space<vmem>>) semaphore(%run_scoped3A_511 : memref<!tpu.dma_semaphore, #tpu.memory_space<semaphore_mem>>) {add = true}
        %dma_wait3A_522 = arith.constant 0 : i32
        %dma_wait3A_523 = arith.constant 0 : i32
        %dma_wait3A_524 = tpu.memref_slice %arg9[%run_scoped3A, %dma_wait3A_522, %dma_wait3A_523] : memref<2x128x128xf32, #tpu.memory_space<vmem>> -> memref<1x128x128xf32, #tpu.memory_space<vmem>>
        %dma_wait3A_525 = tpu.memref_squeeze %dma_wait3A_524 : memref<1x128x128xf32, #tpu.memory_space<vmem>> -> memref<128x128xf32, #tpu.memory_space<vmem>>
        %dma_wait3A_526 = arith.constant 0 : i32
        %dma_wait3A_527 = tpu.memref_slice %arg8[%add3A_98, %dma_wait3A_526] : memref<32x128xi32, #tpu.memory_space<vmem>> -> memref<1x128xi32, #tpu.memory_space<vmem>>
        %dma_wait3A_528 = tpu.memref_squeeze %dma_wait3A_527 : memref<1x128xi32, #tpu.memory_space<vmem>> -> memref<128xi32, #tpu.memory_space<vmem>>
        %dma_wait3A_529 = arith.constant 0 : i32
        %dma_wait3A_530 = arith.constant 0 : i32
        %dma_wait3A_531 = tpu.memref_slice %arg10[%dma_wait3A_529, %dma_wait3A_530] : memref<10112x128xf32, #tpu.memory_space<vmem_shared>> -> memref<10112x128xf32, #tpu.memory_space<vmem_shared>>
        tpu.wait_indirect_dma semaphore(%run_scoped3A_511 : memref<!tpu.dma_semaphore, #tpu.memory_space<semaphore_mem>>) src(%dma_wait3A_525 : memref<128x128xf32, #tpu.memory_space<vmem>>) dst(%dma_wait3A_531 : memref<10112x128xf32, #tpu.memory_space<vmem_shared>>)
        tpu.yield
      }) : () -> ()
      %add3A_99 = arith.constant 2 : i32
      %add3A_100 = arith.addi %add3A_84, %add3A_99 : i32
      %lt3A_101 = arith.constant 80 : i32
      %lt3A_102 = arith.cmpi slt, %add3A_100, %lt3A_101 : i32
      %convert_element_type3A_103 = arith.extui %lt3A_102 : i1 to i32
      %cond3A_104 = arith.constant 0 : i32
      %cond3A_105 = arith.cmpi ne, %convert_element_type3A_103, %cond3A_104 : i32
      scf.if %cond3A_105 {
        %add3A_511 = arith.constant 2 : i32
        %add3A_512 = arith.addi %mul3A_60, %add3A_511 : i32
        %dma_start3A_513 = arith.constant 0 : i32
        %dma_start3A_514 = arith.constant 0 : i32
        %dma_start3A_515 = arith.constant 0 : i32
        %dma_start3A_516 = tpu.memref_slice %arg9[%dma_start3A_513, %dma_start3A_514, %dma_start3A_515] : memref<2x128x128xf32, #tpu.memory_space<vmem>> -> memref<1x128x128xf32, #tpu.memory_space<vmem>>
        %dma_start3A_517 = tpu.memref_squeeze %dma_start3A_516 : memref<1x128x128xf32, #tpu.memory_space<vmem>> -> memref<128x128xf32, #tpu.memory_space<vmem>>
        %dma_start3A_518 = arith.constant 0 : i32
        %dma_start3A_519 = tpu.memref_slice %arg7[%add3A_512, %dma_start3A_518] : memref<32x128xi32, #tpu.memory_space<vmem>> -> memref<1x128xi32, #tpu.memory_space<vmem>>
        %dma_start3A_520 = tpu.memref_squeeze %dma_start3A_519 : memref<1x128xi32, #tpu.memory_space<vmem>> -> memref<128xi32, #tpu.memory_space<vmem>>
        %dma_start3A_521 = arith.constant 0 : i32
        %dma_start3A_522 = arith.constant 0 : i32
        %dma_start3A_523 = tpu.memref_slice %arg2[%dma_start3A_521, %dma_start3A_522] : memref<10000x128xf32, #tpu.memory_space<hbm>> -> memref<10000x128xf32, #tpu.memory_space<hbm>>
        tpu.enqueue_indirect_dma source(%dma_start3A_523 : memref<10000x128xf32, #tpu.memory_space<hbm>>) target(%dma_start3A_517 : memref<128x128xf32, #tpu.memory_space<vmem>>) offsets(%dma_start3A_520 : memref<128xi32, #tpu.memory_space<vmem>>) semaphore(%arg11 : memref<!tpu.dma_semaphore, #tpu.memory_space<semaphore_mem>>)
      } else {
      }
      %mul3A_106 = arith.constant 16 : i32
      %mul3A_107 = arith.muli %add3A_44, %mul3A_106 : i32
      %add3A_108 = arith.constant 1 : i32
      %add3A_109 = arith.addi %mul3A_107, %add3A_108 : i32
      %add3A_110 = arith.constant 1 : i32
      %add3A_111 = arith.addi %mul3A_60, %add3A_110 : i32
      %dma_wait3A_112 = arith.constant 1 : i32
      %dma_wait3A_113 = arith.constant 0 : i32
      %dma_wait3A_114 = arith.constant 0 : i32
      %dma_wait3A_115 = tpu.memref_slice %arg9[%dma_wait3A_112, %dma_wait3A_113, %dma_wait3A_114] : memref<2x128x128xf32, #tpu.memory_space<vmem>> -> memref<1x128x128xf32, #tpu.memory_space<vmem>>
      %dma_wait3A_116 = tpu.memref_squeeze %dma_wait3A_115 : memref<1x128x128xf32, #tpu.memory_space<vmem>> -> memref<128x128xf32, #tpu.memory_space<vmem>>
      %dma_wait3A_117 = arith.constant 0 : i32
      %dma_wait3A_118 = tpu.memref_slice %arg7[%add3A_111, %dma_wait3A_117] : memref<32x128xi32, #tpu.memory_space<vmem>> -> memref<1x128xi32, #tpu.memory_space<vmem>>
      %dma_wait3A_119 = tpu.memref_squeeze %dma_wait3A_118 : memref<1x128xi32, #tpu.memory_space<vmem>> -> memref<128xi32, #tpu.memory_space<vmem>>
      %dma_wait3A_120 = arith.constant 0 : i32
      %dma_wait3A_121 = arith.constant 0 : i32
      %dma_wait3A_122 = tpu.memref_slice %arg2[%dma_wait3A_120, %dma_wait3A_121] : memref<10000x128xf32, #tpu.memory_space<hbm>> -> memref<10000x128xf32, #tpu.memory_space<hbm>>
      tpu.wait_indirect_dma semaphore(%arg11 : memref<!tpu.dma_semaphore, #tpu.memory_space<semaphore_mem>>) src(%dma_wait3A_122 : memref<10000x128xf32, #tpu.memory_space<hbm>>) dst(%dma_wait3A_116 : memref<128x128xf32, #tpu.memory_space<vmem>>)
      %add3A_123 = arith.constant 1 : i32
      %add3A_124 = arith.addi %mul3A_60, %add3A_123 : i32
      %run_scoped3A_125 = arith.constant 1 : i32
      "tpu.region"() ({
        %run_scoped3A_511 = tpu.sem_alloc : memref<!tpu.dma_semaphore, #tpu.memory_space<semaphore_mem>>
        %dma_start3A_512 = arith.constant 0 : i32
        %dma_start3A_513 = arith.constant 0 : i32
        %dma_start3A_514 = tpu.memref_slice %arg9[%run_scoped3A_125, %dma_start3A_512, %dma_start3A_513] : memref<2x128x128xf32, #tpu.memory_space<vmem>> -> memref<1x128x128xf32, #tpu.memory_space<vmem>>
        %dma_start3A_515 = tpu.memref_squeeze %dma_start3A_514 : memref<1x128x128xf32, #tpu.memory_space<vmem>> -> memref<128x128xf32, #tpu.memory_space<vmem>>
        %dma_start3A_516 = arith.constant 0 : i32
        %dma_start3A_517 = tpu.memref_slice %arg8[%add3A_124, %dma_start3A_516] : memref<32x128xi32, #tpu.memory_space<vmem>> -> memref<1x128xi32, #tpu.memory_space<vmem>>
        %dma_start3A_518 = tpu.memref_squeeze %dma_start3A_517 : memref<1x128xi32, #tpu.memory_space<vmem>> -> memref<128xi32, #tpu.memory_space<vmem>>
        %dma_start3A_519 = arith.constant 0 : i32
        %dma_start3A_520 = arith.constant 0 : i32
        %dma_start3A_521 = tpu.memref_slice %arg10[%dma_start3A_519, %dma_start3A_520] : memref<10112x128xf32, #tpu.memory_space<vmem_shared>> -> memref<10112x128xf32, #tpu.memory_space<vmem_shared>>
        tpu.enqueue_indirect_dma source(%dma_start3A_515 : memref<128x128xf32, #tpu.memory_space<vmem>>) target(%dma_start3A_521 : memref<10112x128xf32, #tpu.memory_space<vmem_shared>>) offsets(%dma_start3A_518 : memref<128xi32, #tpu.memory_space<vmem>>) semaphore(%run_scoped3A_511 : memref<!tpu.dma_semaphore, #tpu.memory_space<semaphore_mem>>) {add = true}
        %dma_wait3A_522 = arith.constant 0 : i32
        %dma_wait3A_523 = arith.constant 0 : i32
        %dma_wait3A_524 = tpu.memref_slice %arg9[%run_scoped3A_125, %dma_wait3A_522, %dma_wait3A_523] : memref<2x128x128xf32, #tpu.memory_space<vmem>> -> memref<1x128x128xf32, #tpu.memory_space<vmem>>
        %dma_wait3A_525 = tpu.memref_squeeze %dma_wait3A_524 : memref<1x128x128xf32, #tpu.memory_space<vmem>> -> memref<128x128xf32, #tpu.memory_space<vmem>>
        %dma_wait3A_526 = arith.constant 0 : i32
        %dma_wait3A_527 = tpu.memref_slice %arg8[%add3A_124, %dma_wait3A_526] : memref<32x128xi32, #tpu.memory_space<vmem>> -> memref<1x128xi32, #tpu.memory_space<vmem>>
        %dma_wait3A_528 = tpu.memref_squeeze %dma_wait3A_527 : memref<1x128xi32, #tpu.memory_space<vmem>> -> memref<128xi32, #tpu.memory_space<vmem>>
        %dma_wait3A_529 = arith.constant 0 : i32
        %dma_wait3A_530 = arith.constant 0 : i32
        %dma_wait3A_531 = tpu.memref_slice %arg10[%dma_wait3A_529, %dma_wait3A_530] : memref<10112x128xf32, #tpu.memory_space<vmem_shared>> -> memref<10112x128xf32, #tpu.memory_space<vmem_shared>>
        tpu.wait_indirect_dma semaphore(%run_scoped3A_511 : memref<!tpu.dma_semaphore, #tpu.memory_space<semaphore_mem>>) src(%dma_wait3A_525 : memref<128x128xf32, #tpu.memory_space<vmem>>) dst(%dma_wait3A_531 : memref<10112x128xf32, #tpu.memory_space<vmem_shared>>)
        tpu.yield
      }) : () -> ()
      %add3A_126 = arith.constant 2 : i32
      %add3A_127 = arith.addi %add3A_109, %add3A_126 : i32
      %lt3A_128 = arith.constant 80 : i32
      %lt3A_129 = arith.cmpi slt, %add3A_127, %lt3A_128 : i32
      %convert_element_type3A_130 = arith.extui %lt3A_129 : i1 to i32
      %cond3A_131 = arith.constant 0 : i32
      %cond3A_132 = arith.cmpi ne, %convert_element_type3A_130, %cond3A_131 : i32
      scf.if %cond3A_132 {
        %add3A_511 = arith.constant 3 : i32
        %add3A_512 = arith.addi %mul3A_60, %add3A_511 : i32
        %dma_start3A_513 = arith.constant 1 : i32
        %dma_start3A_514 = arith.constant 0 : i32
        %dma_start3A_515 = arith.constant 0 : i32
        %dma_start3A_516 = tpu.memref_slice %arg9[%dma_start3A_513, %dma_start3A_514, %dma_start3A_515] : memref<2x128x128xf32, #tpu.memory_space<vmem>> -> memref<1x128x128xf32, #tpu.memory_space<vmem>>
        %dma_start3A_517 = tpu.memref_squeeze %dma_start3A_516 : memref<1x128x128xf32, #tpu.memory_space<vmem>> -> memref<128x128xf32, #tpu.memory_space<vmem>>
        %dma_start3A_518 = arith.constant 0 : i32
        %dma_start3A_519 = tpu.memref_slice %arg7[%add3A_512, %dma_start3A_518] : memref<32x128xi32, #tpu.memory_space<vmem>> -> memref<1x128xi32, #tpu.memory_space<vmem>>
        %dma_start3A_520 = tpu.memref_squeeze %dma_start3A_519 : memref<1x128xi32, #tpu.memory_space<vmem>> -> memref<128xi32, #tpu.memory_space<vmem>>
        %dma_start3A_521 = arith.constant 0 : i32
        %dma_start3A_522 = arith.constant 0 : i32
        %dma_start3A_523 = tpu.memref_slice %arg2[%dma_start3A_521, %dma_start3A_522] : memref<10000x128xf32, #tpu.memory_space<hbm>> -> memref<10000x128xf32, #tpu.memory_space<hbm>>
        tpu.enqueue_indirect_dma source(%dma_start3A_523 : memref<10000x128xf32, #tpu.memory_space<hbm>>) target(%dma_start3A_517 : memref<128x128xf32, #tpu.memory_space<vmem>>) offsets(%dma_start3A_520 : memref<128xi32, #tpu.memory_space<vmem>>) semaphore(%arg11 : memref<!tpu.dma_semaphore, #tpu.memory_space<semaphore_mem>>)
      } else {
      }
      %mul3A_133 = arith.constant 16 : i32
      %mul3A_134 = arith.muli %add3A_44, %mul3A_133 : i32
      %add3A_135 = arith.constant 2 : i32
      %add3A_136 = arith.addi %mul3A_134, %add3A_135 : i32
      %add3A_137 = arith.constant 2 : i32
      %add3A_138 = arith.addi %mul3A_60, %add3A_137 : i32
      %dma_wait3A_139 = arith.constant 0 : i32
      %dma_wait3A_140 = arith.constant 0 : i32
      %dma_wait3A_141 = arith.constant 0 : i32
      %dma_wait3A_142 = tpu.memref_slice %arg9[%dma_wait3A_139, %dma_wait3A_140, %dma_wait3A_141] : memref<2x128x128xf32, #tpu.memory_space<vmem>> -> memref<1x128x128xf32, #tpu.memory_space<vmem>>
      %dma_wait3A_143 = tpu.memref_squeeze %dma_wait3A_142 : memref<1x128x128xf32, #tpu.memory_space<vmem>> -> memref<128x128xf32, #tpu.memory_space<vmem>>
      %dma_wait3A_144 = arith.constant 0 : i32
      %dma_wait3A_145 = tpu.memref_slice %arg7[%add3A_138, %dma_wait3A_144] : memref<32x128xi32, #tpu.memory_space<vmem>> -> memref<1x128xi32, #tpu.memory_space<vmem>>
      %dma_wait3A_146 = tpu.memref_squeeze %dma_wait3A_145 : memref<1x128xi32, #tpu.memory_space<vmem>> -> memref<128xi32, #tpu.memory_space<vmem>>
      %dma_wait3A_147 = arith.constant 0 : i32
      %dma_wait3A_148 = arith.constant 0 : i32
      %dma_wait3A_149 = tpu.memref_slice %arg2[%dma_wait3A_147, %dma_wait3A_148] : memref<10000x128xf32, #tpu.memory_space<hbm>> -> memref<10000x128xf32, #tpu.memory_space<hbm>>
      tpu.wait_indirect_dma semaphore(%arg11 : memref<!tpu.dma_semaphore, #tpu.memory_space<semaphore_mem>>) src(%dma_wait3A_149 : memref<10000x128xf32, #tpu.memory_space<hbm>>) dst(%dma_wait3A_143 : memref<128x128xf32, #tpu.memory_space<vmem>>)
      %add3A_150 = arith.constant 2 : i32
      %add3A_151 = arith.addi %mul3A_60, %add3A_150 : i32
      %run_scoped3A_152 = arith.constant 0 : i32
      "tpu.region"() ({
        %run_scoped3A_511 = tpu.sem_alloc : memref<!tpu.dma_semaphore, #tpu.memory_space<semaphore_mem>>
        %dma_start3A_512 = arith.constant 0 : i32
        %dma_start3A_513 = arith.constant 0 : i32
        %dma_start3A_514 = tpu.memref_slice %arg9[%run_scoped3A_152, %dma_start3A_512, %dma_start3A_513] : memref<2x128x128xf32, #tpu.memory_space<vmem>> -> memref<1x128x128xf32, #tpu.memory_space<vmem>>
        %dma_start3A_515 = tpu.memref_squeeze %dma_start3A_514 : memref<1x128x128xf32, #tpu.memory_space<vmem>> -> memref<128x128xf32, #tpu.memory_space<vmem>>
        %dma_start3A_516 = arith.constant 0 : i32
        %dma_start3A_517 = tpu.memref_slice %arg8[%add3A_151, %dma_start3A_516] : memref<32x128xi32, #tpu.memory_space<vmem>> -> memref<1x128xi32, #tpu.memory_space<vmem>>
        %dma_start3A_518 = tpu.memref_squeeze %dma_start3A_517 : memref<1x128xi32, #tpu.memory_space<vmem>> -> memref<128xi32, #tpu.memory_space<vmem>>
        %dma_start3A_519 = arith.constant 0 : i32
        %dma_start3A_520 = arith.constant 0 : i32
        %dma_start3A_521 = tpu.memref_slice %arg10[%dma_start3A_519, %dma_start3A_520] : memref<10112x128xf32, #tpu.memory_space<vmem_shared>> -> memref<10112x128xf32, #tpu.memory_space<vmem_shared>>
        tpu.enqueue_indirect_dma source(%dma_start3A_515 : memref<128x128xf32, #tpu.memory_space<vmem>>) target(%dma_start3A_521 : memref<10112x128xf32, #tpu.memory_space<vmem_shared>>) offsets(%dma_start3A_518 : memref<128xi32, #tpu.memory_space<vmem>>) semaphore(%run_scoped3A_511 : memref<!tpu.dma_semaphore, #tpu.memory_space<semaphore_mem>>) {add = true}
        %dma_wait3A_522 = arith.constant 0 : i32
        %dma_wait3A_523 = arith.constant 0 : i32
        %dma_wait3A_524 = tpu.memref_slice %arg9[%run_scoped3A_152, %dma_wait3A_522, %dma_wait3A_523] : memref<2x128x128xf32, #tpu.memory_space<vmem>> -> memref<1x128x128xf32, #tpu.memory_space<vmem>>
        %dma_wait3A_525 = tpu.memref_squeeze %dma_wait3A_524 : memref<1x128x128xf32, #tpu.memory_space<vmem>> -> memref<128x128xf32, #tpu.memory_space<vmem>>
        %dma_wait3A_526 = arith.constant 0 : i32
        %dma_wait3A_527 = tpu.memref_slice %arg8[%add3A_151, %dma_wait3A_526] : memref<32x128xi32, #tpu.memory_space<vmem>> -> memref<1x128xi32, #tpu.memory_space<vmem>>
        %dma_wait3A_528 = tpu.memref_squeeze %dma_wait3A_527 : memref<1x128xi32, #tpu.memory_space<vmem>> -> memref<128xi32, #tpu.memory_space<vmem>>
        %dma_wait3A_529 = arith.constant 0 : i32
        %dma_wait3A_530 = arith.constant 0 : i32
        %dma_wait3A_531 = tpu.memref_slice %arg10[%dma_wait3A_529, %dma_wait3A_530] : memref<10112x128xf32, #tpu.memory_space<vmem_shared>> -> memref<10112x128xf32, #tpu.memory_space<vmem_shared>>
        tpu.wait_indirect_dma semaphore(%run_scoped3A_511 : memref<!tpu.dma_semaphore, #tpu.memory_space<semaphore_mem>>) src(%dma_wait3A_525 : memref<128x128xf32, #tpu.memory_space<vmem>>) dst(%dma_wait3A_531 : memref<10112x128xf32, #tpu.memory_space<vmem_shared>>)
        tpu.yield
      }) : () -> ()
      %add3A_153 = arith.constant 2 : i32
      %add3A_154 = arith.addi %add3A_136, %add3A_153 : i32
      %lt3A_155 = arith.constant 80 : i32
      %lt3A_156 = arith.cmpi slt, %add3A_154, %lt3A_155 : i32
      %convert_element_type3A_157 = arith.extui %lt3A_156 : i1 to i32
      %cond3A_158 = arith.constant 0 : i32
      %cond3A_159 = arith.cmpi ne, %convert_element_type3A_157, %cond3A_158 : i32
      scf.if %cond3A_159 {
        %add3A_511 = arith.constant 4 : i32
        %add3A_512 = arith.addi %mul3A_60, %add3A_511 : i32
        %dma_start3A_513 = arith.constant 0 : i32
        %dma_start3A_514 = arith.constant 0 : i32
        %dma_start3A_515 = arith.constant 0 : i32
        %dma_start3A_516 = tpu.memref_slice %arg9[%dma_start3A_513, %dma_start3A_514, %dma_start3A_515] : memref<2x128x128xf32, #tpu.memory_space<vmem>> -> memref<1x128x128xf32, #tpu.memory_space<vmem>>
        %dma_start3A_517 = tpu.memref_squeeze %dma_start3A_516 : memref<1x128x128xf32, #tpu.memory_space<vmem>> -> memref<128x128xf32, #tpu.memory_space<vmem>>
        %dma_start3A_518 = arith.constant 0 : i32
        %dma_start3A_519 = tpu.memref_slice %arg7[%add3A_512, %dma_start3A_518] : memref<32x128xi32, #tpu.memory_space<vmem>> -> memref<1x128xi32, #tpu.memory_space<vmem>>
        %dma_start3A_520 = tpu.memref_squeeze %dma_start3A_519 : memref<1x128xi32, #tpu.memory_space<vmem>> -> memref<128xi32, #tpu.memory_space<vmem>>
        %dma_start3A_521 = arith.constant 0 : i32
        %dma_start3A_522 = arith.constant 0 : i32
        %dma_start3A_523 = tpu.memref_slice %arg2[%dma_start3A_521, %dma_start3A_522] : memref<10000x128xf32, #tpu.memory_space<hbm>> -> memref<10000x128xf32, #tpu.memory_space<hbm>>
        tpu.enqueue_indirect_dma source(%dma_start3A_523 : memref<10000x128xf32, #tpu.memory_space<hbm>>) target(%dma_start3A_517 : memref<128x128xf32, #tpu.memory_space<vmem>>) offsets(%dma_start3A_520 : memref<128xi32, #tpu.memory_space<vmem>>) semaphore(%arg11 : memref<!tpu.dma_semaphore, #tpu.memory_space<semaphore_mem>>)
      } else {
      }
      %mul3A_160 = arith.constant 16 : i32
      %mul3A_161 = arith.muli %add3A_44, %mul3A_160 : i32
      %add3A_162 = arith.constant 3 : i32
      %add3A_163 = arith.addi %mul3A_161, %add3A_162 : i32
      %add3A_164 = arith.constant 3 : i32
      %add3A_165 = arith.addi %mul3A_60, %add3A_164 : i32
      %dma_wait3A_166 = arith.constant 1 : i32
      %dma_wait3A_167 = arith.constant 0 : i32
      %dma_wait3A_168 = arith.constant 0 : i32
      %dma_wait3A_169 = tpu.memref_slice %arg9[%dma_wait3A_166, %dma_wait3A_167, %dma_wait3A_168] : memref<2x128x128xf32, #tpu.memory_space<vmem>> -> memref<1x128x128xf32, #tpu.memory_space<vmem>>
      %dma_wait3A_170 = tpu.memref_squeeze %dma_wait3A_169 : memref<1x128x128xf32, #tpu.memory_space<vmem>> -> memref<128x128xf32, #tpu.memory_space<vmem>>
      %dma_wait3A_171 = arith.constant 0 : i32
      %dma_wait3A_172 = tpu.memref_slice %arg7[%add3A_165, %dma_wait3A_171] : memref<32x128xi32, #tpu.memory_space<vmem>> -> memref<1x128xi32, #tpu.memory_space<vmem>>
      %dma_wait3A_173 = tpu.memref_squeeze %dma_wait3A_172 : memref<1x128xi32, #tpu.memory_space<vmem>> -> memref<128xi32, #tpu.memory_space<vmem>>
      %dma_wait3A_174 = arith.constant 0 : i32
      %dma_wait3A_175 = arith.constant 0 : i32
      %dma_wait3A_176 = tpu.memref_slice %arg2[%dma_wait3A_174, %dma_wait3A_175] : memref<10000x128xf32, #tpu.memory_space<hbm>> -> memref<10000x128xf32, #tpu.memory_space<hbm>>
      tpu.wait_indirect_dma semaphore(%arg11 : memref<!tpu.dma_semaphore, #tpu.memory_space<semaphore_mem>>) src(%dma_wait3A_176 : memref<10000x128xf32, #tpu.memory_space<hbm>>) dst(%dma_wait3A_170 : memref<128x128xf32, #tpu.memory_space<vmem>>)
      %add3A_177 = arith.constant 3 : i32
      %add3A_178 = arith.addi %mul3A_60, %add3A_177 : i32
      %run_scoped3A_179 = arith.constant 1 : i32
      "tpu.region"() ({
        %run_scoped3A_511 = tpu.sem_alloc : memref<!tpu.dma_semaphore, #tpu.memory_space<semaphore_mem>>
        %dma_start3A_512 = arith.constant 0 : i32
        %dma_start3A_513 = arith.constant 0 : i32
        %dma_start3A_514 = tpu.memref_slice %arg9[%run_scoped3A_179, %dma_start3A_512, %dma_start3A_513] : memref<2x128x128xf32, #tpu.memory_space<vmem>> -> memref<1x128x128xf32, #tpu.memory_space<vmem>>
        %dma_start3A_515 = tpu.memref_squeeze %dma_start3A_514 : memref<1x128x128xf32, #tpu.memory_space<vmem>> -> memref<128x128xf32, #tpu.memory_space<vmem>>
        %dma_start3A_516 = arith.constant 0 : i32
        %dma_start3A_517 = tpu.memref_slice %arg8[%add3A_178, %dma_start3A_516] : memref<32x128xi32, #tpu.memory_space<vmem>> -> memref<1x128xi32, #tpu.memory_space<vmem>>
        %dma_start3A_518 = tpu.memref_squeeze %dma_start3A_517 : memref<1x128xi32, #tpu.memory_space<vmem>> -> memref<128xi32, #tpu.memory_space<vmem>>
        %dma_start3A_519 = arith.constant 0 : i32
        %dma_start3A_520 = arith.constant 0 : i32
        %dma_start3A_521 = tpu.memref_slice %arg10[%dma_start3A_519, %dma_start3A_520] : memref<10112x128xf32, #tpu.memory_space<vmem_shared>> -> memref<10112x128xf32, #tpu.memory_space<vmem_shared>>
        tpu.enqueue_indirect_dma source(%dma_start3A_515 : memref<128x128xf32, #tpu.memory_space<vmem>>) target(%dma_start3A_521 : memref<10112x128xf32, #tpu.memory_space<vmem_shared>>) offsets(%dma_start3A_518 : memref<128xi32, #tpu.memory_space<vmem>>) semaphore(%run_scoped3A_511 : memref<!tpu.dma_semaphore, #tpu.memory_space<semaphore_mem>>) {add = true}
        %dma_wait3A_522 = arith.constant 0 : i32
        %dma_wait3A_523 = arith.constant 0 : i32
        %dma_wait3A_524 = tpu.memref_slice %arg9[%run_scoped3A_179, %dma_wait3A_522, %dma_wait3A_523] : memref<2x128x128xf32, #tpu.memory_space<vmem>> -> memref<1x128x128xf32, #tpu.memory_space<vmem>>
        %dma_wait3A_525 = tpu.memref_squeeze %dma_wait3A_524 : memref<1x128x128xf32, #tpu.memory_space<vmem>> -> memref<128x128xf32, #tpu.memory_space<vmem>>
        %dma_wait3A_526 = arith.constant 0 : i32
        %dma_wait3A_527 = tpu.memref_slice %arg8[%add3A_178, %dma_wait3A_526] : memref<32x128xi32, #tpu.memory_space<vmem>> -> memref<1x128xi32, #tpu.memory_space<vmem>>
        %dma_wait3A_528 = tpu.memref_squeeze %dma_wait3A_527 : memref<1x128xi32, #tpu.memory_space<vmem>> -> memref<128xi32, #tpu.memory_space<vmem>>
        %dma_wait3A_529 = arith.constant 0 : i32
        %dma_wait3A_530 = arith.constant 0 : i32
        %dma_wait3A_531 = tpu.memref_slice %arg10[%dma_wait3A_529, %dma_wait3A_530] : memref<10112x128xf32, #tpu.memory_space<vmem_shared>> -> memref<10112x128xf32, #tpu.memory_space<vmem_shared>>
        tpu.wait_indirect_dma semaphore(%run_scoped3A_511 : memref<!tpu.dma_semaphore, #tpu.memory_space<semaphore_mem>>) src(%dma_wait3A_525 : memref<128x128xf32, #tpu.memory_space<vmem>>) dst(%dma_wait3A_531 : memref<10112x128xf32, #tpu.memory_space<vmem_shared>>)
        tpu.yield
      }) : () -> ()
      %add3A_180 = arith.constant 2 : i32
      %add3A_181 = arith.addi %add3A_163, %add3A_180 : i32
      %lt3A_182 = arith.constant 80 : i32
      %lt3A_183 = arith.cmpi slt, %add3A_181, %lt3A_182 : i32
      %convert_element_type3A_184 = arith.extui %lt3A_183 : i1 to i32
      %cond3A_185 = arith.constant 0 : i32
      %cond3A_186 = arith.cmpi ne, %convert_element_type3A_184, %cond3A_185 : i32
      scf.if %cond3A_186 {
        %add3A_511 = arith.constant 5 : i32
        %add3A_512 = arith.addi %mul3A_60, %add3A_511 : i32
        %dma_start3A_513 = arith.constant 1 : i32
        %dma_start3A_514 = arith.constant 0 : i32
        %dma_start3A_515 = arith.constant 0 : i32
        %dma_start3A_516 = tpu.memref_slice %arg9[%dma_start3A_513, %dma_start3A_514, %dma_start3A_515] : memref<2x128x128xf32, #tpu.memory_space<vmem>> -> memref<1x128x128xf32, #tpu.memory_space<vmem>>
        %dma_start3A_517 = tpu.memref_squeeze %dma_start3A_516 : memref<1x128x128xf32, #tpu.memory_space<vmem>> -> memref<128x128xf32, #tpu.memory_space<vmem>>
        %dma_start3A_518 = arith.constant 0 : i32
        %dma_start3A_519 = tpu.memref_slice %arg7[%add3A_512, %dma_start3A_518] : memref<32x128xi32, #tpu.memory_space<vmem>> -> memref<1x128xi32, #tpu.memory_space<vmem>>
        %dma_start3A_520 = tpu.memref_squeeze %dma_start3A_519 : memref<1x128xi32, #tpu.memory_space<vmem>> -> memref<128xi32, #tpu.memory_space<vmem>>
        %dma_start3A_521 = arith.constant 0 : i32
        %dma_start3A_522 = arith.constant 0 : i32
        %dma_start3A_523 = tpu.memref_slice %arg2[%dma_start3A_521, %dma_start3A_522] : memref<10000x128xf32, #tpu.memory_space<hbm>> -> memref<10000x128xf32, #tpu.memory_space<hbm>>
        tpu.enqueue_indirect_dma source(%dma_start3A_523 : memref<10000x128xf32, #tpu.memory_space<hbm>>) target(%dma_start3A_517 : memref<128x128xf32, #tpu.memory_space<vmem>>) offsets(%dma_start3A_520 : memref<128xi32, #tpu.memory_space<vmem>>) semaphore(%arg11 : memref<!tpu.dma_semaphore, #tpu.memory_space<semaphore_mem>>)
      } else {
      }
      %mul3A_187 = arith.constant 16 : i32
      %mul3A_188 = arith.muli %add3A_44, %mul3A_187 : i32
      %add3A_189 = arith.constant 4 : i32
      %add3A_190 = arith.addi %mul3A_188, %add3A_189 : i32
      %add3A_191 = arith.constant 4 : i32
      %add3A_192 = arith.addi %mul3A_60, %add3A_191 : i32
      %dma_wait3A_193 = arith.constant 0 : i32
      %dma_wait3A_194 = arith.constant 0 : i32
      %dma_wait3A_195 = arith.constant 0 : i32
      %dma_wait3A_196 = tpu.memref_slice %arg9[%dma_wait3A_193, %dma_wait3A_194, %dma_wait3A_195] : memref<2x128x128xf32, #tpu.memory_space<vmem>> -> memref<1x128x128xf32, #tpu.memory_space<vmem>>
      %dma_wait3A_197 = tpu.memref_squeeze %dma_wait3A_196 : memref<1x128x128xf32, #tpu.memory_space<vmem>> -> memref<128x128xf32, #tpu.memory_space<vmem>>
      %dma_wait3A_198 = arith.constant 0 : i32
      %dma_wait3A_199 = tpu.memref_slice %arg7[%add3A_192, %dma_wait3A_198] : memref<32x128xi32, #tpu.memory_space<vmem>> -> memref<1x128xi32, #tpu.memory_space<vmem>>
      %dma_wait3A_200 = tpu.memref_squeeze %dma_wait3A_199 : memref<1x128xi32, #tpu.memory_space<vmem>> -> memref<128xi32, #tpu.memory_space<vmem>>
      %dma_wait3A_201 = arith.constant 0 : i32
      %dma_wait3A_202 = arith.constant 0 : i32
      %dma_wait3A_203 = tpu.memref_slice %arg2[%dma_wait3A_201, %dma_wait3A_202] : memref<10000x128xf32, #tpu.memory_space<hbm>> -> memref<10000x128xf32, #tpu.memory_space<hbm>>
      tpu.wait_indirect_dma semaphore(%arg11 : memref<!tpu.dma_semaphore, #tpu.memory_space<semaphore_mem>>) src(%dma_wait3A_203 : memref<10000x128xf32, #tpu.memory_space<hbm>>) dst(%dma_wait3A_197 : memref<128x128xf32, #tpu.memory_space<vmem>>)
      %add3A_204 = arith.constant 4 : i32
      %add3A_205 = arith.addi %mul3A_60, %add3A_204 : i32
      %run_scoped3A_206 = arith.constant 0 : i32
      "tpu.region"() ({
        %run_scoped3A_511 = tpu.sem_alloc : memref<!tpu.dma_semaphore, #tpu.memory_space<semaphore_mem>>
        %dma_start3A_512 = arith.constant 0 : i32
        %dma_start3A_513 = arith.constant 0 : i32
        %dma_start3A_514 = tpu.memref_slice %arg9[%run_scoped3A_206, %dma_start3A_512, %dma_start3A_513] : memref<2x128x128xf32, #tpu.memory_space<vmem>> -> memref<1x128x128xf32, #tpu.memory_space<vmem>>
        %dma_start3A_515 = tpu.memref_squeeze %dma_start3A_514 : memref<1x128x128xf32, #tpu.memory_space<vmem>> -> memref<128x128xf32, #tpu.memory_space<vmem>>
        %dma_start3A_516 = arith.constant 0 : i32
        %dma_start3A_517 = tpu.memref_slice %arg8[%add3A_205, %dma_start3A_516] : memref<32x128xi32, #tpu.memory_space<vmem>> -> memref<1x128xi32, #tpu.memory_space<vmem>>
        %dma_start3A_518 = tpu.memref_squeeze %dma_start3A_517 : memref<1x128xi32, #tpu.memory_space<vmem>> -> memref<128xi32, #tpu.memory_space<vmem>>
        %dma_start3A_519 = arith.constant 0 : i32
        %dma_start3A_520 = arith.constant 0 : i32
        %dma_start3A_521 = tpu.memref_slice %arg10[%dma_start3A_519, %dma_start3A_520] : memref<10112x128xf32, #tpu.memory_space<vmem_shared>> -> memref<10112x128xf32, #tpu.memory_space<vmem_shared>>
        tpu.enqueue_indirect_dma source(%dma_start3A_515 : memref<128x128xf32, #tpu.memory_space<vmem>>) target(%dma_start3A_521 : memref<10112x128xf32, #tpu.memory_space<vmem_shared>>) offsets(%dma_start3A_518 : memref<128xi32, #tpu.memory_space<vmem>>) semaphore(%run_scoped3A_511 : memref<!tpu.dma_semaphore, #tpu.memory_space<semaphore_mem>>) {add = true}
        %dma_wait3A_522 = arith.constant 0 : i32
        %dma_wait3A_523 = arith.constant 0 : i32
        %dma_wait3A_524 = tpu.memref_slice %arg9[%run_scoped3A_206, %dma_wait3A_522, %dma_wait3A_523] : memref<2x128x128xf32, #tpu.memory_space<vmem>> -> memref<1x128x128xf32, #tpu.memory_space<vmem>>
        %dma_wait3A_525 = tpu.memref_squeeze %dma_wait3A_524 : memref<1x128x128xf32, #tpu.memory_space<vmem>> -> memref<128x128xf32, #tpu.memory_space<vmem>>
        %dma_wait3A_526 = arith.constant 0 : i32
        %dma_wait3A_527 = tpu.memref_slice %arg8[%add3A_205, %dma_wait3A_526] : memref<32x128xi32, #tpu.memory_space<vmem>> -> memref<1x128xi32, #tpu.memory_space<vmem>>
        %dma_wait3A_528 = tpu.memref_squeeze %dma_wait3A_527 : memref<1x128xi32, #tpu.memory_space<vmem>> -> memref<128xi32, #tpu.memory_space<vmem>>
        %dma_wait3A_529 = arith.constant 0 : i32
        %dma_wait3A_530 = arith.constant 0 : i32
        %dma_wait3A_531 = tpu.memref_slice %arg10[%dma_wait3A_529, %dma_wait3A_530] : memref<10112x128xf32, #tpu.memory_space<vmem_shared>> -> memref<10112x128xf32, #tpu.memory_space<vmem_shared>>
        tpu.wait_indirect_dma semaphore(%run_scoped3A_511 : memref<!tpu.dma_semaphore, #tpu.memory_space<semaphore_mem>>) src(%dma_wait3A_525 : memref<128x128xf32, #tpu.memory_space<vmem>>) dst(%dma_wait3A_531 : memref<10112x128xf32, #tpu.memory_space<vmem_shared>>)
        tpu.yield
      }) : () -> ()
      %add3A_207 = arith.constant 2 : i32
      %add3A_208 = arith.addi %add3A_190, %add3A_207 : i32
      %lt3A_209 = arith.constant 80 : i32
      %lt3A_210 = arith.cmpi slt, %add3A_208, %lt3A_209 : i32
      %convert_element_type3A_211 = arith.extui %lt3A_210 : i1 to i32
      %cond3A_212 = arith.constant 0 : i32
      %cond3A_213 = arith.cmpi ne, %convert_element_type3A_211, %cond3A_212 : i32
      scf.if %cond3A_213 {
        %add3A_511 = arith.constant 6 : i32
        %add3A_512 = arith.addi %mul3A_60, %add3A_511 : i32
        %dma_start3A_513 = arith.constant 0 : i32
        %dma_start3A_514 = arith.constant 0 : i32
        %dma_start3A_515 = arith.constant 0 : i32
        %dma_start3A_516 = tpu.memref_slice %arg9[%dma_start3A_513, %dma_start3A_514, %dma_start3A_515] : memref<2x128x128xf32, #tpu.memory_space<vmem>> -> memref<1x128x128xf32, #tpu.memory_space<vmem>>
        %dma_start3A_517 = tpu.memref_squeeze %dma_start3A_516 : memref<1x128x128xf32, #tpu.memory_space<vmem>> -> memref<128x128xf32, #tpu.memory_space<vmem>>
        %dma_start3A_518 = arith.constant 0 : i32
        %dma_start3A_519 = tpu.memref_slice %arg7[%add3A_512, %dma_start3A_518] : memref<32x128xi32, #tpu.memory_space<vmem>> -> memref<1x128xi32, #tpu.memory_space<vmem>>
        %dma_start3A_520 = tpu.memref_squeeze %dma_start3A_519 : memref<1x128xi32, #tpu.memory_space<vmem>> -> memref<128xi32, #tpu.memory_space<vmem>>
        %dma_start3A_521 = arith.constant 0 : i32
        %dma_start3A_522 = arith.constant 0 : i32
        %dma_start3A_523 = tpu.memref_slice %arg2[%dma_start3A_521, %dma_start3A_522] : memref<10000x128xf32, #tpu.memory_space<hbm>> -> memref<10000x128xf32, #tpu.memory_space<hbm>>
        tpu.enqueue_indirect_dma source(%dma_start3A_523 : memref<10000x128xf32, #tpu.memory_space<hbm>>) target(%dma_start3A_517 : memref<128x128xf32, #tpu.memory_space<vmem>>) offsets(%dma_start3A_520 : memref<128xi32, #tpu.memory_space<vmem>>) semaphore(%arg11 : memref<!tpu.dma_semaphore, #tpu.memory_space<semaphore_mem>>)
      } else {
      }
      %mul3A_214 = arith.constant 16 : i32
      %mul3A_215 = arith.muli %add3A_44, %mul3A_214 : i32
      %add3A_216 = arith.constant 5 : i32
      %add3A_217 = arith.addi %mul3A_215, %add3A_216 : i32
      %add3A_218 = arith.constant 5 : i32
      %add3A_219 = arith.addi %mul3A_60, %add3A_218 : i32
      %dma_wait3A_220 = arith.constant 1 : i32
      %dma_wait3A_221 = arith.constant 0 : i32
      %dma_wait3A_222 = arith.constant 0 : i32
      %dma_wait3A_223 = tpu.memref_slice %arg9[%dma_wait3A_220, %dma_wait3A_221, %dma_wait3A_222] : memref<2x128x128xf32, #tpu.memory_space<vmem>> -> memref<1x128x128xf32, #tpu.memory_space<vmem>>
      %dma_wait3A_224 = tpu.memref_squeeze %dma_wait3A_223 : memref<1x128x128xf32, #tpu.memory_space<vmem>> -> memref<128x128xf32, #tpu.memory_space<vmem>>
      %dma_wait3A_225 = arith.constant 0 : i32
      %dma_wait3A_226 = tpu.memref_slice %arg7[%add3A_219, %dma_wait3A_225] : memref<32x128xi32, #tpu.memory_space<vmem>> -> memref<1x128xi32, #tpu.memory_space<vmem>>
      %dma_wait3A_227 = tpu.memref_squeeze %dma_wait3A_226 : memref<1x128xi32, #tpu.memory_space<vmem>> -> memref<128xi32, #tpu.memory_space<vmem>>
      %dma_wait3A_228 = arith.constant 0 : i32
      %dma_wait3A_229 = arith.constant 0 : i32
      %dma_wait3A_230 = tpu.memref_slice %arg2[%dma_wait3A_228, %dma_wait3A_229] : memref<10000x128xf32, #tpu.memory_space<hbm>> -> memref<10000x128xf32, #tpu.memory_space<hbm>>
      tpu.wait_indirect_dma semaphore(%arg11 : memref<!tpu.dma_semaphore, #tpu.memory_space<semaphore_mem>>) src(%dma_wait3A_230 : memref<10000x128xf32, #tpu.memory_space<hbm>>) dst(%dma_wait3A_224 : memref<128x128xf32, #tpu.memory_space<vmem>>)
      %add3A_231 = arith.constant 5 : i32
      %add3A_232 = arith.addi %mul3A_60, %add3A_231 : i32
      %run_scoped3A_233 = arith.constant 1 : i32
      "tpu.region"() ({
        %run_scoped3A_511 = tpu.sem_alloc : memref<!tpu.dma_semaphore, #tpu.memory_space<semaphore_mem>>
        %dma_start3A_512 = arith.constant 0 : i32
        %dma_start3A_513 = arith.constant 0 : i32
        %dma_start3A_514 = tpu.memref_slice %arg9[%run_scoped3A_233, %dma_start3A_512, %dma_start3A_513] : memref<2x128x128xf32, #tpu.memory_space<vmem>> -> memref<1x128x128xf32, #tpu.memory_space<vmem>>
        %dma_start3A_515 = tpu.memref_squeeze %dma_start3A_514 : memref<1x128x128xf32, #tpu.memory_space<vmem>> -> memref<128x128xf32, #tpu.memory_space<vmem>>
        %dma_start3A_516 = arith.constant 0 : i32
        %dma_start3A_517 = tpu.memref_slice %arg8[%add3A_232, %dma_start3A_516] : memref<32x128xi32, #tpu.memory_space<vmem>> -> memref<1x128xi32, #tpu.memory_space<vmem>>
        %dma_start3A_518 = tpu.memref_squeeze %dma_start3A_517 : memref<1x128xi32, #tpu.memory_space<vmem>> -> memref<128xi32, #tpu.memory_space<vmem>>
        %dma_start3A_519 = arith.constant 0 : i32
        %dma_start3A_520 = arith.constant 0 : i32
        %dma_start3A_521 = tpu.memref_slice %arg10[%dma_start3A_519, %dma_start3A_520] : memref<10112x128xf32, #tpu.memory_space<vmem_shared>> -> memref<10112x128xf32, #tpu.memory_space<vmem_shared>>
        tpu.enqueue_indirect_dma source(%dma_start3A_515 : memref<128x128xf32, #tpu.memory_space<vmem>>) target(%dma_start3A_521 : memref<10112x128xf32, #tpu.memory_space<vmem_shared>>) offsets(%dma_start3A_518 : memref<128xi32, #tpu.memory_space<vmem>>) semaphore(%run_scoped3A_511 : memref<!tpu.dma_semaphore, #tpu.memory_space<semaphore_mem>>) {add = true}
        %dma_wait3A_522 = arith.constant 0 : i32
        %dma_wait3A_523 = arith.constant 0 : i32
        %dma_wait3A_524 = tpu.memref_slice %arg9[%run_scoped3A_233, %dma_wait3A_522, %dma_wait3A_523] : memref<2x128x128xf32, #tpu.memory_space<vmem>> -> memref<1x128x128xf32, #tpu.memory_space<vmem>>
        %dma_wait3A_525 = tpu.memref_squeeze %dma_wait3A_524 : memref<1x128x128xf32, #tpu.memory_space<vmem>> -> memref<128x128xf32, #tpu.memory_space<vmem>>
        %dma_wait3A_526 = arith.constant 0 : i32
        %dma_wait3A_527 = tpu.memref_slice %arg8[%add3A_232, %dma_wait3A_526] : memref<32x128xi32, #tpu.memory_space<vmem>> -> memref<1x128xi32, #tpu.memory_space<vmem>>
        %dma_wait3A_528 = tpu.memref_squeeze %dma_wait3A_527 : memref<1x128xi32, #tpu.memory_space<vmem>> -> memref<128xi32, #tpu.memory_space<vmem>>
        %dma_wait3A_529 = arith.constant 0 : i32
        %dma_wait3A_530 = arith.constant 0 : i32
        %dma_wait3A_531 = tpu.memref_slice %arg10[%dma_wait3A_529, %dma_wait3A_530] : memref<10112x128xf32, #tpu.memory_space<vmem_shared>> -> memref<10112x128xf32, #tpu.memory_space<vmem_shared>>
        tpu.wait_indirect_dma semaphore(%run_scoped3A_511 : memref<!tpu.dma_semaphore, #tpu.memory_space<semaphore_mem>>) src(%dma_wait3A_525 : memref<128x128xf32, #tpu.memory_space<vmem>>) dst(%dma_wait3A_531 : memref<10112x128xf32, #tpu.memory_space<vmem_shared>>)
        tpu.yield
      }) : () -> ()
      %add3A_234 = arith.constant 2 : i32
      %add3A_235 = arith.addi %add3A_217, %add3A_234 : i32
      %lt3A_236 = arith.constant 80 : i32
      %lt3A_237 = arith.cmpi slt, %add3A_235, %lt3A_236 : i32
      %convert_element_type3A_238 = arith.extui %lt3A_237 : i1 to i32
      %cond3A_239 = arith.constant 0 : i32
      %cond3A_240 = arith.cmpi ne, %convert_element_type3A_238, %cond3A_239 : i32
      scf.if %cond3A_240 {
        %add3A_511 = arith.constant 7 : i32
        %add3A_512 = arith.addi %mul3A_60, %add3A_511 : i32
        %dma_start3A_513 = arith.constant 1 : i32
        %dma_start3A_514 = arith.constant 0 : i32
        %dma_start3A_515 = arith.constant 0 : i32
        %dma_start3A_516 = tpu.memref_slice %arg9[%dma_start3A_513, %dma_start3A_514, %dma_start3A_515] : memref<2x128x128xf32, #tpu.memory_space<vmem>> -> memref<1x128x128xf32, #tpu.memory_space<vmem>>
        %dma_start3A_517 = tpu.memref_squeeze %dma_start3A_516 : memref<1x128x128xf32, #tpu.memory_space<vmem>> -> memref<128x128xf32, #tpu.memory_space<vmem>>
        %dma_start3A_518 = arith.constant 0 : i32
        %dma_start3A_519 = tpu.memref_slice %arg7[%add3A_512, %dma_start3A_518] : memref<32x128xi32, #tpu.memory_space<vmem>> -> memref<1x128xi32, #tpu.memory_space<vmem>>
        %dma_start3A_520 = tpu.memref_squeeze %dma_start3A_519 : memref<1x128xi32, #tpu.memory_space<vmem>> -> memref<128xi32, #tpu.memory_space<vmem>>
        %dma_start3A_521 = arith.constant 0 : i32
        %dma_start3A_522 = arith.constant 0 : i32
        %dma_start3A_523 = tpu.memref_slice %arg2[%dma_start3A_521, %dma_start3A_522] : memref<10000x128xf32, #tpu.memory_space<hbm>> -> memref<10000x128xf32, #tpu.memory_space<hbm>>
        tpu.enqueue_indirect_dma source(%dma_start3A_523 : memref<10000x128xf32, #tpu.memory_space<hbm>>) target(%dma_start3A_517 : memref<128x128xf32, #tpu.memory_space<vmem>>) offsets(%dma_start3A_520 : memref<128xi32, #tpu.memory_space<vmem>>) semaphore(%arg11 : memref<!tpu.dma_semaphore, #tpu.memory_space<semaphore_mem>>)
      } else {
      }
      %mul3A_241 = arith.constant 16 : i32
      %mul3A_242 = arith.muli %add3A_44, %mul3A_241 : i32
      %add3A_243 = arith.constant 6 : i32
      %add3A_244 = arith.addi %mul3A_242, %add3A_243 : i32
      %add3A_245 = arith.constant 6 : i32
      %add3A_246 = arith.addi %mul3A_60, %add3A_245 : i32
      %dma_wait3A_247 = arith.constant 0 : i32
      %dma_wait3A_248 = arith.constant 0 : i32
      %dma_wait3A_249 = arith.constant 0 : i32
      %dma_wait3A_250 = tpu.memref_slice %arg9[%dma_wait3A_247, %dma_wait3A_248, %dma_wait3A_249] : memref<2x128x128xf32, #tpu.memory_space<vmem>> -> memref<1x128x128xf32, #tpu.memory_space<vmem>>
      %dma_wait3A_251 = tpu.memref_squeeze %dma_wait3A_250 : memref<1x128x128xf32, #tpu.memory_space<vmem>> -> memref<128x128xf32, #tpu.memory_space<vmem>>
      %dma_wait3A_252 = arith.constant 0 : i32
      %dma_wait3A_253 = tpu.memref_slice %arg7[%add3A_246, %dma_wait3A_252] : memref<32x128xi32, #tpu.memory_space<vmem>> -> memref<1x128xi32, #tpu.memory_space<vmem>>
      %dma_wait3A_254 = tpu.memref_squeeze %dma_wait3A_253 : memref<1x128xi32, #tpu.memory_space<vmem>> -> memref<128xi32, #tpu.memory_space<vmem>>
      %dma_wait3A_255 = arith.constant 0 : i32
      %dma_wait3A_256 = arith.constant 0 : i32
      %dma_wait3A_257 = tpu.memref_slice %arg2[%dma_wait3A_255, %dma_wait3A_256] : memref<10000x128xf32, #tpu.memory_space<hbm>> -> memref<10000x128xf32, #tpu.memory_space<hbm>>
      tpu.wait_indirect_dma semaphore(%arg11 : memref<!tpu.dma_semaphore, #tpu.memory_space<semaphore_mem>>) src(%dma_wait3A_257 : memref<10000x128xf32, #tpu.memory_space<hbm>>) dst(%dma_wait3A_251 : memref<128x128xf32, #tpu.memory_space<vmem>>)
      %add3A_258 = arith.constant 6 : i32
      %add3A_259 = arith.addi %mul3A_60, %add3A_258 : i32
      %run_scoped3A_260 = arith.constant 0 : i32
      "tpu.region"() ({
        %run_scoped3A_511 = tpu.sem_alloc : memref<!tpu.dma_semaphore, #tpu.memory_space<semaphore_mem>>
        %dma_start3A_512 = arith.constant 0 : i32
        %dma_start3A_513 = arith.constant 0 : i32
        %dma_start3A_514 = tpu.memref_slice %arg9[%run_scoped3A_260, %dma_start3A_512, %dma_start3A_513] : memref<2x128x128xf32, #tpu.memory_space<vmem>> -> memref<1x128x128xf32, #tpu.memory_space<vmem>>
        %dma_start3A_515 = tpu.memref_squeeze %dma_start3A_514 : memref<1x128x128xf32, #tpu.memory_space<vmem>> -> memref<128x128xf32, #tpu.memory_space<vmem>>
        %dma_start3A_516 = arith.constant 0 : i32
        %dma_start3A_517 = tpu.memref_slice %arg8[%add3A_259, %dma_start3A_516] : memref<32x128xi32, #tpu.memory_space<vmem>> -> memref<1x128xi32, #tpu.memory_space<vmem>>
        %dma_start3A_518 = tpu.memref_squeeze %dma_start3A_517 : memref<1x128xi32, #tpu.memory_space<vmem>> -> memref<128xi32, #tpu.memory_space<vmem>>
        %dma_start3A_519 = arith.constant 0 : i32
        %dma_start3A_520 = arith.constant 0 : i32
        %dma_start3A_521 = tpu.memref_slice %arg10[%dma_start3A_519, %dma_start3A_520] : memref<10112x128xf32, #tpu.memory_space<vmem_shared>> -> memref<10112x128xf32, #tpu.memory_space<vmem_shared>>
        tpu.enqueue_indirect_dma source(%dma_start3A_515 : memref<128x128xf32, #tpu.memory_space<vmem>>) target(%dma_start3A_521 : memref<10112x128xf32, #tpu.memory_space<vmem_shared>>) offsets(%dma_start3A_518 : memref<128xi32, #tpu.memory_space<vmem>>) semaphore(%run_scoped3A_511 : memref<!tpu.dma_semaphore, #tpu.memory_space<semaphore_mem>>) {add = true}
        %dma_wait3A_522 = arith.constant 0 : i32
        %dma_wait3A_523 = arith.constant 0 : i32
        %dma_wait3A_524 = tpu.memref_slice %arg9[%run_scoped3A_260, %dma_wait3A_522, %dma_wait3A_523] : memref<2x128x128xf32, #tpu.memory_space<vmem>> -> memref<1x128x128xf32, #tpu.memory_space<vmem>>
        %dma_wait3A_525 = tpu.memref_squeeze %dma_wait3A_524 : memref<1x128x128xf32, #tpu.memory_space<vmem>> -> memref<128x128xf32, #tpu.memory_space<vmem>>
        %dma_wait3A_526 = arith.constant 0 : i32
        %dma_wait3A_527 = tpu.memref_slice %arg8[%add3A_259, %dma_wait3A_526] : memref<32x128xi32, #tpu.memory_space<vmem>> -> memref<1x128xi32, #tpu.memory_space<vmem>>
        %dma_wait3A_528 = tpu.memref_squeeze %dma_wait3A_527 : memref<1x128xi32, #tpu.memory_space<vmem>> -> memref<128xi32, #tpu.memory_space<vmem>>
        %dma_wait3A_529 = arith.constant 0 : i32
        %dma_wait3A_530 = arith.constant 0 : i32
        %dma_wait3A_531 = tpu.memref_slice %arg10[%dma_wait3A_529, %dma_wait3A_530] : memref<10112x128xf32, #tpu.memory_space<vmem_shared>> -> memref<10112x128xf32, #tpu.memory_space<vmem_shared>>
        tpu.wait_indirect_dma semaphore(%run_scoped3A_511 : memref<!tpu.dma_semaphore, #tpu.memory_space<semaphore_mem>>) src(%dma_wait3A_525 : memref<128x128xf32, #tpu.memory_space<vmem>>) dst(%dma_wait3A_531 : memref<10112x128xf32, #tpu.memory_space<vmem_shared>>)
        tpu.yield
      }) : () -> ()
      %add3A_261 = arith.constant 2 : i32
      %add3A_262 = arith.addi %add3A_244, %add3A_261 : i32
      %lt3A_263 = arith.constant 80 : i32
      %lt3A_264 = arith.cmpi slt, %add3A_262, %lt3A_263 : i32
      %convert_element_type3A_265 = arith.extui %lt3A_264 : i1 to i32
      %cond3A_266 = arith.constant 0 : i32
      %cond3A_267 = arith.cmpi ne, %convert_element_type3A_265, %cond3A_266 : i32
      scf.if %cond3A_267 {
        %add3A_511 = arith.constant 8 : i32
        %add3A_512 = arith.addi %mul3A_60, %add3A_511 : i32
        %dma_start3A_513 = arith.constant 0 : i32
        %dma_start3A_514 = arith.constant 0 : i32
        %dma_start3A_515 = arith.constant 0 : i32
        %dma_start3A_516 = tpu.memref_slice %arg9[%dma_start3A_513, %dma_start3A_514, %dma_start3A_515] : memref<2x128x128xf32, #tpu.memory_space<vmem>> -> memref<1x128x128xf32, #tpu.memory_space<vmem>>
        %dma_start3A_517 = tpu.memref_squeeze %dma_start3A_516 : memref<1x128x128xf32, #tpu.memory_space<vmem>> -> memref<128x128xf32, #tpu.memory_space<vmem>>
        %dma_start3A_518 = arith.constant 0 : i32
        %dma_start3A_519 = tpu.memref_slice %arg7[%add3A_512, %dma_start3A_518] : memref<32x128xi32, #tpu.memory_space<vmem>> -> memref<1x128xi32, #tpu.memory_space<vmem>>
        %dma_start3A_520 = tpu.memref_squeeze %dma_start3A_519 : memref<1x128xi32, #tpu.memory_space<vmem>> -> memref<128xi32, #tpu.memory_space<vmem>>
        %dma_start3A_521 = arith.constant 0 : i32
        %dma_start3A_522 = arith.constant 0 : i32
        %dma_start3A_523 = tpu.memref_slice %arg2[%dma_start3A_521, %dma_start3A_522] : memref<10000x128xf32, #tpu.memory_space<hbm>> -> memref<10000x128xf32, #tpu.memory_space<hbm>>
        tpu.enqueue_indirect_dma source(%dma_start3A_523 : memref<10000x128xf32, #tpu.memory_space<hbm>>) target(%dma_start3A_517 : memref<128x128xf32, #tpu.memory_space<vmem>>) offsets(%dma_start3A_520 : memref<128xi32, #tpu.memory_space<vmem>>) semaphore(%arg11 : memref<!tpu.dma_semaphore, #tpu.memory_space<semaphore_mem>>)
      } else {
      }
      %mul3A_268 = arith.constant 16 : i32
      %mul3A_269 = arith.muli %add3A_44, %mul3A_268 : i32
      %add3A_270 = arith.constant 7 : i32
      %add3A_271 = arith.addi %mul3A_269, %add3A_270 : i32
      %add3A_272 = arith.constant 7 : i32
      %add3A_273 = arith.addi %mul3A_60, %add3A_272 : i32
      %dma_wait3A_274 = arith.constant 1 : i32
      %dma_wait3A_275 = arith.constant 0 : i32
      %dma_wait3A_276 = arith.constant 0 : i32
      %dma_wait3A_277 = tpu.memref_slice %arg9[%dma_wait3A_274, %dma_wait3A_275, %dma_wait3A_276] : memref<2x128x128xf32, #tpu.memory_space<vmem>> -> memref<1x128x128xf32, #tpu.memory_space<vmem>>
      %dma_wait3A_278 = tpu.memref_squeeze %dma_wait3A_277 : memref<1x128x128xf32, #tpu.memory_space<vmem>> -> memref<128x128xf32, #tpu.memory_space<vmem>>
      %dma_wait3A_279 = arith.constant 0 : i32
      %dma_wait3A_280 = tpu.memref_slice %arg7[%add3A_273, %dma_wait3A_279] : memref<32x128xi32, #tpu.memory_space<vmem>> -> memref<1x128xi32, #tpu.memory_space<vmem>>
      %dma_wait3A_281 = tpu.memref_squeeze %dma_wait3A_280 : memref<1x128xi32, #tpu.memory_space<vmem>> -> memref<128xi32, #tpu.memory_space<vmem>>
      %dma_wait3A_282 = arith.constant 0 : i32
      %dma_wait3A_283 = arith.constant 0 : i32
      %dma_wait3A_284 = tpu.memref_slice %arg2[%dma_wait3A_282, %dma_wait3A_283] : memref<10000x128xf32, #tpu.memory_space<hbm>> -> memref<10000x128xf32, #tpu.memory_space<hbm>>
      tpu.wait_indirect_dma semaphore(%arg11 : memref<!tpu.dma_semaphore, #tpu.memory_space<semaphore_mem>>) src(%dma_wait3A_284 : memref<10000x128xf32, #tpu.memory_space<hbm>>) dst(%dma_wait3A_278 : memref<128x128xf32, #tpu.memory_space<vmem>>)
      %add3A_285 = arith.constant 7 : i32
      %add3A_286 = arith.addi %mul3A_60, %add3A_285 : i32
      %run_scoped3A_287 = arith.constant 1 : i32
      "tpu.region"() ({
        %run_scoped3A_511 = tpu.sem_alloc : memref<!tpu.dma_semaphore, #tpu.memory_space<semaphore_mem>>
        %dma_start3A_512 = arith.constant 0 : i32
        %dma_start3A_513 = arith.constant 0 : i32
        %dma_start3A_514 = tpu.memref_slice %arg9[%run_scoped3A_287, %dma_start3A_512, %dma_start3A_513] : memref<2x128x128xf32, #tpu.memory_space<vmem>> -> memref<1x128x128xf32, #tpu.memory_space<vmem>>
        %dma_start3A_515 = tpu.memref_squeeze %dma_start3A_514 : memref<1x128x128xf32, #tpu.memory_space<vmem>> -> memref<128x128xf32, #tpu.memory_space<vmem>>
        %dma_start3A_516 = arith.constant 0 : i32
        %dma_start3A_517 = tpu.memref_slice %arg8[%add3A_286, %dma_start3A_516] : memref<32x128xi32, #tpu.memory_space<vmem>> -> memref<1x128xi32, #tpu.memory_space<vmem>>
        %dma_start3A_518 = tpu.memref_squeeze %dma_start3A_517 : memref<1x128xi32, #tpu.memory_space<vmem>> -> memref<128xi32, #tpu.memory_space<vmem>>
        %dma_start3A_519 = arith.constant 0 : i32
        %dma_start3A_520 = arith.constant 0 : i32
        %dma_start3A_521 = tpu.memref_slice %arg10[%dma_start3A_519, %dma_start3A_520] : memref<10112x128xf32, #tpu.memory_space<vmem_shared>> -> memref<10112x128xf32, #tpu.memory_space<vmem_shared>>
        tpu.enqueue_indirect_dma source(%dma_start3A_515 : memref<128x128xf32, #tpu.memory_space<vmem>>) target(%dma_start3A_521 : memref<10112x128xf32, #tpu.memory_space<vmem_shared>>) offsets(%dma_start3A_518 : memref<128xi32, #tpu.memory_space<vmem>>) semaphore(%run_scoped3A_511 : memref<!tpu.dma_semaphore, #tpu.memory_space<semaphore_mem>>) {add = true}
        %dma_wait3A_522 = arith.constant 0 : i32
        %dma_wait3A_523 = arith.constant 0 : i32
        %dma_wait3A_524 = tpu.memref_slice %arg9[%run_scoped3A_287, %dma_wait3A_522, %dma_wait3A_523] : memref<2x128x128xf32, #tpu.memory_space<vmem>> -> memref<1x128x128xf32, #tpu.memory_space<vmem>>
        %dma_wait3A_525 = tpu.memref_squeeze %dma_wait3A_524 : memref<1x128x128xf32, #tpu.memory_space<vmem>> -> memref<128x128xf32, #tpu.memory_space<vmem>>
        %dma_wait3A_526 = arith.constant 0 : i32
        %dma_wait3A_527 = tpu.memref_slice %arg8[%add3A_286, %dma_wait3A_526] : memref<32x128xi32, #tpu.memory_space<vmem>> -> memref<1x128xi32, #tpu.memory_space<vmem>>
        %dma_wait3A_528 = tpu.memref_squeeze %dma_wait3A_527 : memref<1x128xi32, #tpu.memory_space<vmem>> -> memref<128xi32, #tpu.memory_space<vmem>>
        %dma_wait3A_529 = arith.constant 0 : i32
        %dma_wait3A_530 = arith.constant 0 : i32
        %dma_wait3A_531 = tpu.memref_slice %arg10[%dma_wait3A_529, %dma_wait3A_530] : memref<10112x128xf32, #tpu.memory_space<vmem_shared>> -> memref<10112x128xf32, #tpu.memory_space<vmem_shared>>
        tpu.wait_indirect_dma semaphore(%run_scoped3A_511 : memref<!tpu.dma_semaphore, #tpu.memory_space<semaphore_mem>>) src(%dma_wait3A_525 : memref<128x128xf32, #tpu.memory_space<vmem>>) dst(%dma_wait3A_531 : memref<10112x128xf32, #tpu.memory_space<vmem_shared>>)
        tpu.yield
      }) : () -> ()
      %add3A_288 = arith.constant 2 : i32
      %add3A_289 = arith.addi %add3A_271, %add3A_288 : i32
      %lt3A_290 = arith.constant 80 : i32
      %lt3A_291 = arith.cmpi slt, %add3A_289, %lt3A_290 : i32
      %convert_element_type3A_292 = arith.extui %lt3A_291 : i1 to i32
      %cond3A_293 = arith.constant 0 : i32
      %cond3A_294 = arith.cmpi ne, %convert_element_type3A_292, %cond3A_293 : i32
      scf.if %cond3A_294 {
        %add3A_511 = arith.constant 9 : i32
        %add3A_512 = arith.addi %mul3A_60, %add3A_511 : i32
        %dma_start3A_513 = arith.constant 1 : i32
        %dma_start3A_514 = arith.constant 0 : i32
        %dma_start3A_515 = arith.constant 0 : i32
        %dma_start3A_516 = tpu.memref_slice %arg9[%dma_start3A_513, %dma_start3A_514, %dma_start3A_515] : memref<2x128x128xf32, #tpu.memory_space<vmem>> -> memref<1x128x128xf32, #tpu.memory_space<vmem>>
        %dma_start3A_517 = tpu.memref_squeeze %dma_start3A_516 : memref<1x128x128xf32, #tpu.memory_space<vmem>> -> memref<128x128xf32, #tpu.memory_space<vmem>>
        %dma_start3A_518 = arith.constant 0 : i32
        %dma_start3A_519 = tpu.memref_slice %arg7[%add3A_512, %dma_start3A_518] : memref<32x128xi32, #tpu.memory_space<vmem>> -> memref<1x128xi32, #tpu.memory_space<vmem>>
        %dma_start3A_520 = tpu.memref_squeeze %dma_start3A_519 : memref<1x128xi32, #tpu.memory_space<vmem>> -> memref<128xi32, #tpu.memory_space<vmem>>
        %dma_start3A_521 = arith.constant 0 : i32
        %dma_start3A_522 = arith.constant 0 : i32
        %dma_start3A_523 = tpu.memref_slice %arg2[%dma_start3A_521, %dma_start3A_522] : memref<10000x128xf32, #tpu.memory_space<hbm>> -> memref<10000x128xf32, #tpu.memory_space<hbm>>
        tpu.enqueue_indirect_dma source(%dma_start3A_523 : memref<10000x128xf32, #tpu.memory_space<hbm>>) target(%dma_start3A_517 : memref<128x128xf32, #tpu.memory_space<vmem>>) offsets(%dma_start3A_520 : memref<128xi32, #tpu.memory_space<vmem>>) semaphore(%arg11 : memref<!tpu.dma_semaphore, #tpu.memory_space<semaphore_mem>>)
      } else {
      }
      %mul3A_295 = arith.constant 16 : i32
      %mul3A_296 = arith.muli %add3A_44, %mul3A_295 : i32
      %add3A_297 = arith.constant 8 : i32
      %add3A_298 = arith.addi %mul3A_296, %add3A_297 : i32
      %add3A_299 = arith.constant 8 : i32
      %add3A_300 = arith.addi %mul3A_60, %add3A_299 : i32
      %dma_wait3A_301 = arith.constant 0 : i32
      %dma_wait3A_302 = arith.constant 0 : i32
      %dma_wait3A_303 = arith.constant 0 : i32
      %dma_wait3A_304 = tpu.memref_slice %arg9[%dma_wait3A_301, %dma_wait3A_302, %dma_wait3A_303] : memref<2x128x128xf32, #tpu.memory_space<vmem>> -> memref<1x128x128xf32, #tpu.memory_space<vmem>>
      %dma_wait3A_305 = tpu.memref_squeeze %dma_wait3A_304 : memref<1x128x128xf32, #tpu.memory_space<vmem>> -> memref<128x128xf32, #tpu.memory_space<vmem>>
      %dma_wait3A_306 = arith.constant 0 : i32
      %dma_wait3A_307 = tpu.memref_slice %arg7[%add3A_300, %dma_wait3A_306] : memref<32x128xi32, #tpu.memory_space<vmem>> -> memref<1x128xi32, #tpu.memory_space<vmem>>
      %dma_wait3A_308 = tpu.memref_squeeze %dma_wait3A_307 : memref<1x128xi32, #tpu.memory_space<vmem>> -> memref<128xi32, #tpu.memory_space<vmem>>
      %dma_wait3A_309 = arith.constant 0 : i32
      %dma_wait3A_310 = arith.constant 0 : i32
      %dma_wait3A_311 = tpu.memref_slice %arg2[%dma_wait3A_309, %dma_wait3A_310] : memref<10000x128xf32, #tpu.memory_space<hbm>> -> memref<10000x128xf32, #tpu.memory_space<hbm>>
      tpu.wait_indirect_dma semaphore(%arg11 : memref<!tpu.dma_semaphore, #tpu.memory_space<semaphore_mem>>) src(%dma_wait3A_311 : memref<10000x128xf32, #tpu.memory_space<hbm>>) dst(%dma_wait3A_305 : memref<128x128xf32, #tpu.memory_space<vmem>>)
      %add3A_312 = arith.constant 8 : i32
      %add3A_313 = arith.addi %mul3A_60, %add3A_312 : i32
      %run_scoped3A_314 = arith.constant 0 : i32
      "tpu.region"() ({
        %run_scoped3A_511 = tpu.sem_alloc : memref<!tpu.dma_semaphore, #tpu.memory_space<semaphore_mem>>
        %dma_start3A_512 = arith.constant 0 : i32
        %dma_start3A_513 = arith.constant 0 : i32
        %dma_start3A_514 = tpu.memref_slice %arg9[%run_scoped3A_314, %dma_start3A_512, %dma_start3A_513] : memref<2x128x128xf32, #tpu.memory_space<vmem>> -> memref<1x128x128xf32, #tpu.memory_space<vmem>>
        %dma_start3A_515 = tpu.memref_squeeze %dma_start3A_514 : memref<1x128x128xf32, #tpu.memory_space<vmem>> -> memref<128x128xf32, #tpu.memory_space<vmem>>
        %dma_start3A_516 = arith.constant 0 : i32
        %dma_start3A_517 = tpu.memref_slice %arg8[%add3A_313, %dma_start3A_516] : memref<32x128xi32, #tpu.memory_space<vmem>> -> memref<1x128xi32, #tpu.memory_space<vmem>>
        %dma_start3A_518 = tpu.memref_squeeze %dma_start3A_517 : memref<1x128xi32, #tpu.memory_space<vmem>> -> memref<128xi32, #tpu.memory_space<vmem>>
        %dma_start3A_519 = arith.constant 0 : i32
        %dma_start3A_520 = arith.constant 0 : i32
        %dma_start3A_521 = tpu.memref_slice %arg10[%dma_start3A_519, %dma_start3A_520] : memref<10112x128xf32, #tpu.memory_space<vmem_shared>> -> memref<10112x128xf32, #tpu.memory_space<vmem_shared>>
        tpu.enqueue_indirect_dma source(%dma_start3A_515 : memref<128x128xf32, #tpu.memory_space<vmem>>) target(%dma_start3A_521 : memref<10112x128xf32, #tpu.memory_space<vmem_shared>>) offsets(%dma_start3A_518 : memref<128xi32, #tpu.memory_space<vmem>>) semaphore(%run_scoped3A_511 : memref<!tpu.dma_semaphore, #tpu.memory_space<semaphore_mem>>) {add = true}
        %dma_wait3A_522 = arith.constant 0 : i32
        %dma_wait3A_523 = arith.constant 0 : i32
        %dma_wait3A_524 = tpu.memref_slice %arg9[%run_scoped3A_314, %dma_wait3A_522, %dma_wait3A_523] : memref<2x128x128xf32, #tpu.memory_space<vmem>> -> memref<1x128x128xf32, #tpu.memory_space<vmem>>
        %dma_wait3A_525 = tpu.memref_squeeze %dma_wait3A_524 : memref<1x128x128xf32, #tpu.memory_space<vmem>> -> memref<128x128xf32, #tpu.memory_space<vmem>>
        %dma_wait3A_526 = arith.constant 0 : i32
        %dma_wait3A_527 = tpu.memref_slice %arg8[%add3A_313, %dma_wait3A_526] : memref<32x128xi32, #tpu.memory_space<vmem>> -> memref<1x128xi32, #tpu.memory_space<vmem>>
        %dma_wait3A_528 = tpu.memref_squeeze %dma_wait3A_527 : memref<1x128xi32, #tpu.memory_space<vmem>> -> memref<128xi32, #tpu.memory_space<vmem>>
        %dma_wait3A_529 = arith.constant 0 : i32
        %dma_wait3A_530 = arith.constant 0 : i32
        %dma_wait3A_531 = tpu.memref_slice %arg10[%dma_wait3A_529, %dma_wait3A_530] : memref<10112x128xf32, #tpu.memory_space<vmem_shared>> -> memref<10112x128xf32, #tpu.memory_space<vmem_shared>>
        tpu.wait_indirect_dma semaphore(%run_scoped3A_511 : memref<!tpu.dma_semaphore, #tpu.memory_space<semaphore_mem>>) src(%dma_wait3A_525 : memref<128x128xf32, #tpu.memory_space<vmem>>) dst(%dma_wait3A_531 : memref<10112x128xf32, #tpu.memory_space<vmem_shared>>)
        tpu.yield
      }) : () -> ()
      %add3A_315 = arith.constant 2 : i32
      %add3A_316 = arith.addi %add3A_298, %add3A_315 : i32
      %lt3A_317 = arith.constant 80 : i32
      %lt3A_318 = arith.cmpi slt, %add3A_316, %lt3A_317 : i32
      %convert_element_type3A_319 = arith.extui %lt3A_318 : i1 to i32
      %cond3A_320 = arith.constant 0 : i32
      %cond3A_321 = arith.cmpi ne, %convert_element_type3A_319, %cond3A_320 : i32
      scf.if %cond3A_321 {
        %add3A_511 = arith.constant 10 : i32
        %add3A_512 = arith.addi %mul3A_60, %add3A_511 : i32
        %dma_start3A_513 = arith.constant 0 : i32
        %dma_start3A_514 = arith.constant 0 : i32
        %dma_start3A_515 = arith.constant 0 : i32
        %dma_start3A_516 = tpu.memref_slice %arg9[%dma_start3A_513, %dma_start3A_514, %dma_start3A_515] : memref<2x128x128xf32, #tpu.memory_space<vmem>> -> memref<1x128x128xf32, #tpu.memory_space<vmem>>
        %dma_start3A_517 = tpu.memref_squeeze %dma_start3A_516 : memref<1x128x128xf32, #tpu.memory_space<vmem>> -> memref<128x128xf32, #tpu.memory_space<vmem>>
        %dma_start3A_518 = arith.constant 0 : i32
        %dma_start3A_519 = tpu.memref_slice %arg7[%add3A_512, %dma_start3A_518] : memref<32x128xi32, #tpu.memory_space<vmem>> -> memref<1x128xi32, #tpu.memory_space<vmem>>
        %dma_start3A_520 = tpu.memref_squeeze %dma_start3A_519 : memref<1x128xi32, #tpu.memory_space<vmem>> -> memref<128xi32, #tpu.memory_space<vmem>>
        %dma_start3A_521 = arith.constant 0 : i32
        %dma_start3A_522 = arith.constant 0 : i32
        %dma_start3A_523 = tpu.memref_slice %arg2[%dma_start3A_521, %dma_start3A_522] : memref<10000x128xf32, #tpu.memory_space<hbm>> -> memref<10000x128xf32, #tpu.memory_space<hbm>>
        tpu.enqueue_indirect_dma source(%dma_start3A_523 : memref<10000x128xf32, #tpu.memory_space<hbm>>) target(%dma_start3A_517 : memref<128x128xf32, #tpu.memory_space<vmem>>) offsets(%dma_start3A_520 : memref<128xi32, #tpu.memory_space<vmem>>) semaphore(%arg11 : memref<!tpu.dma_semaphore, #tpu.memory_space<semaphore_mem>>)
      } else {
      }
      %mul3A_322 = arith.constant 16 : i32
      %mul3A_323 = arith.muli %add3A_44, %mul3A_322 : i32
      %add3A_324 = arith.constant 9 : i32
      %add3A_325 = arith.addi %mul3A_323, %add3A_324 : i32
      %add3A_326 = arith.constant 9 : i32
      %add3A_327 = arith.addi %mul3A_60, %add3A_326 : i32
      %dma_wait3A_328 = arith.constant 1 : i32
      %dma_wait3A_329 = arith.constant 0 : i32
      %dma_wait3A_330 = arith.constant 0 : i32
      %dma_wait3A_331 = tpu.memref_slice %arg9[%dma_wait3A_328, %dma_wait3A_329, %dma_wait3A_330] : memref<2x128x128xf32, #tpu.memory_space<vmem>> -> memref<1x128x128xf32, #tpu.memory_space<vmem>>
      %dma_wait3A_332 = tpu.memref_squeeze %dma_wait3A_331 : memref<1x128x128xf32, #tpu.memory_space<vmem>> -> memref<128x128xf32, #tpu.memory_space<vmem>>
      %dma_wait3A_333 = arith.constant 0 : i32
      %dma_wait3A_334 = tpu.memref_slice %arg7[%add3A_327, %dma_wait3A_333] : memref<32x128xi32, #tpu.memory_space<vmem>> -> memref<1x128xi32, #tpu.memory_space<vmem>>
      %dma_wait3A_335 = tpu.memref_squeeze %dma_wait3A_334 : memref<1x128xi32, #tpu.memory_space<vmem>> -> memref<128xi32, #tpu.memory_space<vmem>>
      %dma_wait3A_336 = arith.constant 0 : i32
      %dma_wait3A_337 = arith.constant 0 : i32
      %dma_wait3A_338 = tpu.memref_slice %arg2[%dma_wait3A_336, %dma_wait3A_337] : memref<10000x128xf32, #tpu.memory_space<hbm>> -> memref<10000x128xf32, #tpu.memory_space<hbm>>
      tpu.wait_indirect_dma semaphore(%arg11 : memref<!tpu.dma_semaphore, #tpu.memory_space<semaphore_mem>>) src(%dma_wait3A_338 : memref<10000x128xf32, #tpu.memory_space<hbm>>) dst(%dma_wait3A_332 : memref<128x128xf32, #tpu.memory_space<vmem>>)
      %add3A_339 = arith.constant 9 : i32
      %add3A_340 = arith.addi %mul3A_60, %add3A_339 : i32
      %run_scoped3A_341 = arith.constant 1 : i32
      "tpu.region"() ({
        %run_scoped3A_511 = tpu.sem_alloc : memref<!tpu.dma_semaphore, #tpu.memory_space<semaphore_mem>>
        %dma_start3A_512 = arith.constant 0 : i32
        %dma_start3A_513 = arith.constant 0 : i32
        %dma_start3A_514 = tpu.memref_slice %arg9[%run_scoped3A_341, %dma_start3A_512, %dma_start3A_513] : memref<2x128x128xf32, #tpu.memory_space<vmem>> -> memref<1x128x128xf32, #tpu.memory_space<vmem>>
        %dma_start3A_515 = tpu.memref_squeeze %dma_start3A_514 : memref<1x128x128xf32, #tpu.memory_space<vmem>> -> memref<128x128xf32, #tpu.memory_space<vmem>>
        %dma_start3A_516 = arith.constant 0 : i32
        %dma_start3A_517 = tpu.memref_slice %arg8[%add3A_340, %dma_start3A_516] : memref<32x128xi32, #tpu.memory_space<vmem>> -> memref<1x128xi32, #tpu.memory_space<vmem>>
        %dma_start3A_518 = tpu.memref_squeeze %dma_start3A_517 : memref<1x128xi32, #tpu.memory_space<vmem>> -> memref<128xi32, #tpu.memory_space<vmem>>
        %dma_start3A_519 = arith.constant 0 : i32
        %dma_start3A_520 = arith.constant 0 : i32
        %dma_start3A_521 = tpu.memref_slice %arg10[%dma_start3A_519, %dma_start3A_520] : memref<10112x128xf32, #tpu.memory_space<vmem_shared>> -> memref<10112x128xf32, #tpu.memory_space<vmem_shared>>
        tpu.enqueue_indirect_dma source(%dma_start3A_515 : memref<128x128xf32, #tpu.memory_space<vmem>>) target(%dma_start3A_521 : memref<10112x128xf32, #tpu.memory_space<vmem_shared>>) offsets(%dma_start3A_518 : memref<128xi32, #tpu.memory_space<vmem>>) semaphore(%run_scoped3A_511 : memref<!tpu.dma_semaphore, #tpu.memory_space<semaphore_mem>>) {add = true}
        %dma_wait3A_522 = arith.constant 0 : i32
        %dma_wait3A_523 = arith.constant 0 : i32
        %dma_wait3A_524 = tpu.memref_slice %arg9[%run_scoped3A_341, %dma_wait3A_522, %dma_wait3A_523] : memref<2x128x128xf32, #tpu.memory_space<vmem>> -> memref<1x128x128xf32, #tpu.memory_space<vmem>>
        %dma_wait3A_525 = tpu.memref_squeeze %dma_wait3A_524 : memref<1x128x128xf32, #tpu.memory_space<vmem>> -> memref<128x128xf32, #tpu.memory_space<vmem>>
        %dma_wait3A_526 = arith.constant 0 : i32
        %dma_wait3A_527 = tpu.memref_slice %arg8[%add3A_340, %dma_wait3A_526] : memref<32x128xi32, #tpu.memory_space<vmem>> -> memref<1x128xi32, #tpu.memory_space<vmem>>
        %dma_wait3A_528 = tpu.memref_squeeze %dma_wait3A_527 : memref<1x128xi32, #tpu.memory_space<vmem>> -> memref<128xi32, #tpu.memory_space<vmem>>
        %dma_wait3A_529 = arith.constant 0 : i32
        %dma_wait3A_530 = arith.constant 0 : i32
        %dma_wait3A_531 = tpu.memref_slice %arg10[%dma_wait3A_529, %dma_wait3A_530] : memref<10112x128xf32, #tpu.memory_space<vmem_shared>> -> memref<10112x128xf32, #tpu.memory_space<vmem_shared>>
        tpu.wait_indirect_dma semaphore(%run_scoped3A_511 : memref<!tpu.dma_semaphore, #tpu.memory_space<semaphore_mem>>) src(%dma_wait3A_525 : memref<128x128xf32, #tpu.memory_space<vmem>>) dst(%dma_wait3A_531 : memref<10112x128xf32, #tpu.memory_space<vmem_shared>>)
        tpu.yield
      }) : () -> ()
      %add3A_342 = arith.constant 2 : i32
      %add3A_343 = arith.addi %add3A_325, %add3A_342 : i32
      %lt3A_344 = arith.constant 80 : i32
      %lt3A_345 = arith.cmpi slt, %add3A_343, %lt3A_344 : i32
      %convert_element_type3A_346 = arith.extui %lt3A_345 : i1 to i32
      %cond3A_347 = arith.constant 0 : i32
      %cond3A_348 = arith.cmpi ne, %convert_element_type3A_346, %cond3A_347 : i32
      scf.if %cond3A_348 {
        %add3A_511 = arith.constant 11 : i32
        %add3A_512 = arith.addi %mul3A_60, %add3A_511 : i32
        %dma_start3A_513 = arith.constant 1 : i32
        %dma_start3A_514 = arith.constant 0 : i32
        %dma_start3A_515 = arith.constant 0 : i32
        %dma_start3A_516 = tpu.memref_slice %arg9[%dma_start3A_513, %dma_start3A_514, %dma_start3A_515] : memref<2x128x128xf32, #tpu.memory_space<vmem>> -> memref<1x128x128xf32, #tpu.memory_space<vmem>>
        %dma_start3A_517 = tpu.memref_squeeze %dma_start3A_516 : memref<1x128x128xf32, #tpu.memory_space<vmem>> -> memref<128x128xf32, #tpu.memory_space<vmem>>
        %dma_start3A_518 = arith.constant 0 : i32
        %dma_start3A_519 = tpu.memref_slice %arg7[%add3A_512, %dma_start3A_518] : memref<32x128xi32, #tpu.memory_space<vmem>> -> memref<1x128xi32, #tpu.memory_space<vmem>>
        %dma_start3A_520 = tpu.memref_squeeze %dma_start3A_519 : memref<1x128xi32, #tpu.memory_space<vmem>> -> memref<128xi32, #tpu.memory_space<vmem>>
        %dma_start3A_521 = arith.constant 0 : i32
        %dma_start3A_522 = arith.constant 0 : i32
        %dma_start3A_523 = tpu.memref_slice %arg2[%dma_start3A_521, %dma_start3A_522] : memref<10000x128xf32, #tpu.memory_space<hbm>> -> memref<10000x128xf32, #tpu.memory_space<hbm>>
        tpu.enqueue_indirect_dma source(%dma_start3A_523 : memref<10000x128xf32, #tpu.memory_space<hbm>>) target(%dma_start3A_517 : memref<128x128xf32, #tpu.memory_space<vmem>>) offsets(%dma_start3A_520 : memref<128xi32, #tpu.memory_space<vmem>>) semaphore(%arg11 : memref<!tpu.dma_semaphore, #tpu.memory_space<semaphore_mem>>)
      } else {
      }
      %mul3A_349 = arith.constant 16 : i32
      %mul3A_350 = arith.muli %add3A_44, %mul3A_349 : i32
      %add3A_351 = arith.constant 10 : i32
      %add3A_352 = arith.addi %mul3A_350, %add3A_351 : i32
      %add3A_353 = arith.constant 10 : i32
      %add3A_354 = arith.addi %mul3A_60, %add3A_353 : i32
      %dma_wait3A_355 = arith.constant 0 : i32
      %dma_wait3A_356 = arith.constant 0 : i32
      %dma_wait3A_357 = arith.constant 0 : i32
      %dma_wait3A_358 = tpu.memref_slice %arg9[%dma_wait3A_355, %dma_wait3A_356, %dma_wait3A_357] : memref<2x128x128xf32, #tpu.memory_space<vmem>> -> memref<1x128x128xf32, #tpu.memory_space<vmem>>
      %dma_wait3A_359 = tpu.memref_squeeze %dma_wait3A_358 : memref<1x128x128xf32, #tpu.memory_space<vmem>> -> memref<128x128xf32, #tpu.memory_space<vmem>>
      %dma_wait3A_360 = arith.constant 0 : i32
      %dma_wait3A_361 = tpu.memref_slice %arg7[%add3A_354, %dma_wait3A_360] : memref<32x128xi32, #tpu.memory_space<vmem>> -> memref<1x128xi32, #tpu.memory_space<vmem>>
      %dma_wait3A_362 = tpu.memref_squeeze %dma_wait3A_361 : memref<1x128xi32, #tpu.memory_space<vmem>> -> memref<128xi32, #tpu.memory_space<vmem>>
      %dma_wait3A_363 = arith.constant 0 : i32
      %dma_wait3A_364 = arith.constant 0 : i32
      %dma_wait3A_365 = tpu.memref_slice %arg2[%dma_wait3A_363, %dma_wait3A_364] : memref<10000x128xf32, #tpu.memory_space<hbm>> -> memref<10000x128xf32, #tpu.memory_space<hbm>>
      tpu.wait_indirect_dma semaphore(%arg11 : memref<!tpu.dma_semaphore, #tpu.memory_space<semaphore_mem>>) src(%dma_wait3A_365 : memref<10000x128xf32, #tpu.memory_space<hbm>>) dst(%dma_wait3A_359 : memref<128x128xf32, #tpu.memory_space<vmem>>)
      %add3A_366 = arith.constant 10 : i32
      %add3A_367 = arith.addi %mul3A_60, %add3A_366 : i32
      %run_scoped3A_368 = arith.constant 0 : i32
      "tpu.region"() ({
        %run_scoped3A_511 = tpu.sem_alloc : memref<!tpu.dma_semaphore, #tpu.memory_space<semaphore_mem>>
        %dma_start3A_512 = arith.constant 0 : i32
        %dma_start3A_513 = arith.constant 0 : i32
        %dma_start3A_514 = tpu.memref_slice %arg9[%run_scoped3A_368, %dma_start3A_512, %dma_start3A_513] : memref<2x128x128xf32, #tpu.memory_space<vmem>> -> memref<1x128x128xf32, #tpu.memory_space<vmem>>
        %dma_start3A_515 = tpu.memref_squeeze %dma_start3A_514 : memref<1x128x128xf32, #tpu.memory_space<vmem>> -> memref<128x128xf32, #tpu.memory_space<vmem>>
        %dma_start3A_516 = arith.constant 0 : i32
        %dma_start3A_517 = tpu.memref_slice %arg8[%add3A_367, %dma_start3A_516] : memref<32x128xi32, #tpu.memory_space<vmem>> -> memref<1x128xi32, #tpu.memory_space<vmem>>
        %dma_start3A_518 = tpu.memref_squeeze %dma_start3A_517 : memref<1x128xi32, #tpu.memory_space<vmem>> -> memref<128xi32, #tpu.memory_space<vmem>>
        %dma_start3A_519 = arith.constant 0 : i32
        %dma_start3A_520 = arith.constant 0 : i32
        %dma_start3A_521 = tpu.memref_slice %arg10[%dma_start3A_519, %dma_start3A_520] : memref<10112x128xf32, #tpu.memory_space<vmem_shared>> -> memref<10112x128xf32, #tpu.memory_space<vmem_shared>>
        tpu.enqueue_indirect_dma source(%dma_start3A_515 : memref<128x128xf32, #tpu.memory_space<vmem>>) target(%dma_start3A_521 : memref<10112x128xf32, #tpu.memory_space<vmem_shared>>) offsets(%dma_start3A_518 : memref<128xi32, #tpu.memory_space<vmem>>) semaphore(%run_scoped3A_511 : memref<!tpu.dma_semaphore, #tpu.memory_space<semaphore_mem>>) {add = true}
        %dma_wait3A_522 = arith.constant 0 : i32
        %dma_wait3A_523 = arith.constant 0 : i32
        %dma_wait3A_524 = tpu.memref_slice %arg9[%run_scoped3A_368, %dma_wait3A_522, %dma_wait3A_523] : memref<2x128x128xf32, #tpu.memory_space<vmem>> -> memref<1x128x128xf32, #tpu.memory_space<vmem>>
        %dma_wait3A_525 = tpu.memref_squeeze %dma_wait3A_524 : memref<1x128x128xf32, #tpu.memory_space<vmem>> -> memref<128x128xf32, #tpu.memory_space<vmem>>
        %dma_wait3A_526 = arith.constant 0 : i32
        %dma_wait3A_527 = tpu.memref_slice %arg8[%add3A_367, %dma_wait3A_526] : memref<32x128xi32, #tpu.memory_space<vmem>> -> memref<1x128xi32, #tpu.memory_space<vmem>>
        %dma_wait3A_528 = tpu.memref_squeeze %dma_wait3A_527 : memref<1x128xi32, #tpu.memory_space<vmem>> -> memref<128xi32, #tpu.memory_space<vmem>>
        %dma_wait3A_529 = arith.constant 0 : i32
        %dma_wait3A_530 = arith.constant 0 : i32
        %dma_wait3A_531 = tpu.memref_slice %arg10[%dma_wait3A_529, %dma_wait3A_530] : memref<10112x128xf32, #tpu.memory_space<vmem_shared>> -> memref<10112x128xf32, #tpu.memory_space<vmem_shared>>
        tpu.wait_indirect_dma semaphore(%run_scoped3A_511 : memref<!tpu.dma_semaphore, #tpu.memory_space<semaphore_mem>>) src(%dma_wait3A_525 : memref<128x128xf32, #tpu.memory_space<vmem>>) dst(%dma_wait3A_531 : memref<10112x128xf32, #tpu.memory_space<vmem_shared>>)
        tpu.yield
      }) : () -> ()
      %add3A_369 = arith.constant 2 : i32
      %add3A_370 = arith.addi %add3A_352, %add3A_369 : i32
      %lt3A_371 = arith.constant 80 : i32
      %lt3A_372 = arith.cmpi slt, %add3A_370, %lt3A_371 : i32
      %convert_element_type3A_373 = arith.extui %lt3A_372 : i1 to i32
      %cond3A_374 = arith.constant 0 : i32
      %cond3A_375 = arith.cmpi ne, %convert_element_type3A_373, %cond3A_374 : i32
      scf.if %cond3A_375 {
        %add3A_511 = arith.constant 12 : i32
        %add3A_512 = arith.addi %mul3A_60, %add3A_511 : i32
        %dma_start3A_513 = arith.constant 0 : i32
        %dma_start3A_514 = arith.constant 0 : i32
        %dma_start3A_515 = arith.constant 0 : i32
        %dma_start3A_516 = tpu.memref_slice %arg9[%dma_start3A_513, %dma_start3A_514, %dma_start3A_515] : memref<2x128x128xf32, #tpu.memory_space<vmem>> -> memref<1x128x128xf32, #tpu.memory_space<vmem>>
        %dma_start3A_517 = tpu.memref_squeeze %dma_start3A_516 : memref<1x128x128xf32, #tpu.memory_space<vmem>> -> memref<128x128xf32, #tpu.memory_space<vmem>>
        %dma_start3A_518 = arith.constant 0 : i32
        %dma_start3A_519 = tpu.memref_slice %arg7[%add3A_512, %dma_start3A_518] : memref<32x128xi32, #tpu.memory_space<vmem>> -> memref<1x128xi32, #tpu.memory_space<vmem>>
        %dma_start3A_520 = tpu.memref_squeeze %dma_start3A_519 : memref<1x128xi32, #tpu.memory_space<vmem>> -> memref<128xi32, #tpu.memory_space<vmem>>
        %dma_start3A_521 = arith.constant 0 : i32
        %dma_start3A_522 = arith.constant 0 : i32
        %dma_start3A_523 = tpu.memref_slice %arg2[%dma_start3A_521, %dma_start3A_522] : memref<10000x128xf32, #tpu.memory_space<hbm>> -> memref<10000x128xf32, #tpu.memory_space<hbm>>
        tpu.enqueue_indirect_dma source(%dma_start3A_523 : memref<10000x128xf32, #tpu.memory_space<hbm>>) target(%dma_start3A_517 : memref<128x128xf32, #tpu.memory_space<vmem>>) offsets(%dma_start3A_520 : memref<128xi32, #tpu.memory_space<vmem>>) semaphore(%arg11 : memref<!tpu.dma_semaphore, #tpu.memory_space<semaphore_mem>>)
      } else {
      }
      %mul3A_376 = arith.constant 16 : i32
      %mul3A_377 = arith.muli %add3A_44, %mul3A_376 : i32
      %add3A_378 = arith.constant 11 : i32
      %add3A_379 = arith.addi %mul3A_377, %add3A_378 : i32
      %add3A_380 = arith.constant 11 : i32
      %add3A_381 = arith.addi %mul3A_60, %add3A_380 : i32
      %dma_wait3A_382 = arith.constant 1 : i32
      %dma_wait3A_383 = arith.constant 0 : i32
      %dma_wait3A_384 = arith.constant 0 : i32
      %dma_wait3A_385 = tpu.memref_slice %arg9[%dma_wait3A_382, %dma_wait3A_383, %dma_wait3A_384] : memref<2x128x128xf32, #tpu.memory_space<vmem>> -> memref<1x128x128xf32, #tpu.memory_space<vmem>>
      %dma_wait3A_386 = tpu.memref_squeeze %dma_wait3A_385 : memref<1x128x128xf32, #tpu.memory_space<vmem>> -> memref<128x128xf32, #tpu.memory_space<vmem>>
      %dma_wait3A_387 = arith.constant 0 : i32
      %dma_wait3A_388 = tpu.memref_slice %arg7[%add3A_381, %dma_wait3A_387] : memref<32x128xi32, #tpu.memory_space<vmem>> -> memref<1x128xi32, #tpu.memory_space<vmem>>
      %dma_wait3A_389 = tpu.memref_squeeze %dma_wait3A_388 : memref<1x128xi32, #tpu.memory_space<vmem>> -> memref<128xi32, #tpu.memory_space<vmem>>
      %dma_wait3A_390 = arith.constant 0 : i32
      %dma_wait3A_391 = arith.constant 0 : i32
      %dma_wait3A_392 = tpu.memref_slice %arg2[%dma_wait3A_390, %dma_wait3A_391] : memref<10000x128xf32, #tpu.memory_space<hbm>> -> memref<10000x128xf32, #tpu.memory_space<hbm>>
      tpu.wait_indirect_dma semaphore(%arg11 : memref<!tpu.dma_semaphore, #tpu.memory_space<semaphore_mem>>) src(%dma_wait3A_392 : memref<10000x128xf32, #tpu.memory_space<hbm>>) dst(%dma_wait3A_386 : memref<128x128xf32, #tpu.memory_space<vmem>>)
      %add3A_393 = arith.constant 11 : i32
      %add3A_394 = arith.addi %mul3A_60, %add3A_393 : i32
      %run_scoped3A_395 = arith.constant 1 : i32
      "tpu.region"() ({
        %run_scoped3A_511 = tpu.sem_alloc : memref<!tpu.dma_semaphore, #tpu.memory_space<semaphore_mem>>
        %dma_start3A_512 = arith.constant 0 : i32
        %dma_start3A_513 = arith.constant 0 : i32
        %dma_start3A_514 = tpu.memref_slice %arg9[%run_scoped3A_395, %dma_start3A_512, %dma_start3A_513] : memref<2x128x128xf32, #tpu.memory_space<vmem>> -> memref<1x128x128xf32, #tpu.memory_space<vmem>>
        %dma_start3A_515 = tpu.memref_squeeze %dma_start3A_514 : memref<1x128x128xf32, #tpu.memory_space<vmem>> -> memref<128x128xf32, #tpu.memory_space<vmem>>
        %dma_start3A_516 = arith.constant 0 : i32
        %dma_start3A_517 = tpu.memref_slice %arg8[%add3A_394, %dma_start3A_516] : memref<32x128xi32, #tpu.memory_space<vmem>> -> memref<1x128xi32, #tpu.memory_space<vmem>>
        %dma_start3A_518 = tpu.memref_squeeze %dma_start3A_517 : memref<1x128xi32, #tpu.memory_space<vmem>> -> memref<128xi32, #tpu.memory_space<vmem>>
        %dma_start3A_519 = arith.constant 0 : i32
        %dma_start3A_520 = arith.constant 0 : i32
        %dma_start3A_521 = tpu.memref_slice %arg10[%dma_start3A_519, %dma_start3A_520] : memref<10112x128xf32, #tpu.memory_space<vmem_shared>> -> memref<10112x128xf32, #tpu.memory_space<vmem_shared>>
        tpu.enqueue_indirect_dma source(%dma_start3A_515 : memref<128x128xf32, #tpu.memory_space<vmem>>) target(%dma_start3A_521 : memref<10112x128xf32, #tpu.memory_space<vmem_shared>>) offsets(%dma_start3A_518 : memref<128xi32, #tpu.memory_space<vmem>>) semaphore(%run_scoped3A_511 : memref<!tpu.dma_semaphore, #tpu.memory_space<semaphore_mem>>) {add = true}
        %dma_wait3A_522 = arith.constant 0 : i32
        %dma_wait3A_523 = arith.constant 0 : i32
        %dma_wait3A_524 = tpu.memref_slice %arg9[%run_scoped3A_395, %dma_wait3A_522, %dma_wait3A_523] : memref<2x128x128xf32, #tpu.memory_space<vmem>> -> memref<1x128x128xf32, #tpu.memory_space<vmem>>
        %dma_wait3A_525 = tpu.memref_squeeze %dma_wait3A_524 : memref<1x128x128xf32, #tpu.memory_space<vmem>> -> memref<128x128xf32, #tpu.memory_space<vmem>>
        %dma_wait3A_526 = arith.constant 0 : i32
        %dma_wait3A_527 = tpu.memref_slice %arg8[%add3A_394, %dma_wait3A_526] : memref<32x128xi32, #tpu.memory_space<vmem>> -> memref<1x128xi32, #tpu.memory_space<vmem>>
        %dma_wait3A_528 = tpu.memref_squeeze %dma_wait3A_527 : memref<1x128xi32, #tpu.memory_space<vmem>> -> memref<128xi32, #tpu.memory_space<vmem>>
        %dma_wait3A_529 = arith.constant 0 : i32
        %dma_wait3A_530 = arith.constant 0 : i32
        %dma_wait3A_531 = tpu.memref_slice %arg10[%dma_wait3A_529, %dma_wait3A_530] : memref<10112x128xf32, #tpu.memory_space<vmem_shared>> -> memref<10112x128xf32, #tpu.memory_space<vmem_shared>>
        tpu.wait_indirect_dma semaphore(%run_scoped3A_511 : memref<!tpu.dma_semaphore, #tpu.memory_space<semaphore_mem>>) src(%dma_wait3A_525 : memref<128x128xf32, #tpu.memory_space<vmem>>) dst(%dma_wait3A_531 : memref<10112x128xf32, #tpu.memory_space<vmem_shared>>)
        tpu.yield
      }) : () -> ()
      %add3A_396 = arith.constant 2 : i32
      %add3A_397 = arith.addi %add3A_379, %add3A_396 : i32
      %lt3A_398 = arith.constant 80 : i32
      %lt3A_399 = arith.cmpi slt, %add3A_397, %lt3A_398 : i32
      %convert_element_type3A_400 = arith.extui %lt3A_399 : i1 to i32
      %cond3A_401 = arith.constant 0 : i32
      %cond3A_402 = arith.cmpi ne, %convert_element_type3A_400, %cond3A_401 : i32
      scf.if %cond3A_402 {
        %add3A_511 = arith.constant 13 : i32
        %add3A_512 = arith.addi %mul3A_60, %add3A_511 : i32
        %dma_start3A_513 = arith.constant 1 : i32
        %dma_start3A_514 = arith.constant 0 : i32
        %dma_start3A_515 = arith.constant 0 : i32
        %dma_start3A_516 = tpu.memref_slice %arg9[%dma_start3A_513, %dma_start3A_514, %dma_start3A_515] : memref<2x128x128xf32, #tpu.memory_space<vmem>> -> memref<1x128x128xf32, #tpu.memory_space<vmem>>
        %dma_start3A_517 = tpu.memref_squeeze %dma_start3A_516 : memref<1x128x128xf32, #tpu.memory_space<vmem>> -> memref<128x128xf32, #tpu.memory_space<vmem>>
        %dma_start3A_518 = arith.constant 0 : i32
        %dma_start3A_519 = tpu.memref_slice %arg7[%add3A_512, %dma_start3A_518] : memref<32x128xi32, #tpu.memory_space<vmem>> -> memref<1x128xi32, #tpu.memory_space<vmem>>
        %dma_start3A_520 = tpu.memref_squeeze %dma_start3A_519 : memref<1x128xi32, #tpu.memory_space<vmem>> -> memref<128xi32, #tpu.memory_space<vmem>>
        %dma_start3A_521 = arith.constant 0 : i32
        %dma_start3A_522 = arith.constant 0 : i32
        %dma_start3A_523 = tpu.memref_slice %arg2[%dma_start3A_521, %dma_start3A_522] : memref<10000x128xf32, #tpu.memory_space<hbm>> -> memref<10000x128xf32, #tpu.memory_space<hbm>>
        tpu.enqueue_indirect_dma source(%dma_start3A_523 : memref<10000x128xf32, #tpu.memory_space<hbm>>) target(%dma_start3A_517 : memref<128x128xf32, #tpu.memory_space<vmem>>) offsets(%dma_start3A_520 : memref<128xi32, #tpu.memory_space<vmem>>) semaphore(%arg11 : memref<!tpu.dma_semaphore, #tpu.memory_space<semaphore_mem>>)
      } else {
      }
      %mul3A_403 = arith.constant 16 : i32
      %mul3A_404 = arith.muli %add3A_44, %mul3A_403 : i32
      %add3A_405 = arith.constant 12 : i32
      %add3A_406 = arith.addi %mul3A_404, %add3A_405 : i32
      %add3A_407 = arith.constant 12 : i32
      %add3A_408 = arith.addi %mul3A_60, %add3A_407 : i32
      %dma_wait3A_409 = arith.constant 0 : i32
      %dma_wait3A_410 = arith.constant 0 : i32
      %dma_wait3A_411 = arith.constant 0 : i32
      %dma_wait3A_412 = tpu.memref_slice %arg9[%dma_wait3A_409, %dma_wait3A_410, %dma_wait3A_411] : memref<2x128x128xf32, #tpu.memory_space<vmem>> -> memref<1x128x128xf32, #tpu.memory_space<vmem>>
      %dma_wait3A_413 = tpu.memref_squeeze %dma_wait3A_412 : memref<1x128x128xf32, #tpu.memory_space<vmem>> -> memref<128x128xf32, #tpu.memory_space<vmem>>
      %dma_wait3A_414 = arith.constant 0 : i32
      %dma_wait3A_415 = tpu.memref_slice %arg7[%add3A_408, %dma_wait3A_414] : memref<32x128xi32, #tpu.memory_space<vmem>> -> memref<1x128xi32, #tpu.memory_space<vmem>>
      %dma_wait3A_416 = tpu.memref_squeeze %dma_wait3A_415 : memref<1x128xi32, #tpu.memory_space<vmem>> -> memref<128xi32, #tpu.memory_space<vmem>>
      %dma_wait3A_417 = arith.constant 0 : i32
      %dma_wait3A_418 = arith.constant 0 : i32
      %dma_wait3A_419 = tpu.memref_slice %arg2[%dma_wait3A_417, %dma_wait3A_418] : memref<10000x128xf32, #tpu.memory_space<hbm>> -> memref<10000x128xf32, #tpu.memory_space<hbm>>
      tpu.wait_indirect_dma semaphore(%arg11 : memref<!tpu.dma_semaphore, #tpu.memory_space<semaphore_mem>>) src(%dma_wait3A_419 : memref<10000x128xf32, #tpu.memory_space<hbm>>) dst(%dma_wait3A_413 : memref<128x128xf32, #tpu.memory_space<vmem>>)
      %add3A_420 = arith.constant 12 : i32
      %add3A_421 = arith.addi %mul3A_60, %add3A_420 : i32
      %run_scoped3A_422 = arith.constant 0 : i32
      "tpu.region"() ({
        %run_scoped3A_511 = tpu.sem_alloc : memref<!tpu.dma_semaphore, #tpu.memory_space<semaphore_mem>>
        %dma_start3A_512 = arith.constant 0 : i32
        %dma_start3A_513 = arith.constant 0 : i32
        %dma_start3A_514 = tpu.memref_slice %arg9[%run_scoped3A_422, %dma_start3A_512, %dma_start3A_513] : memref<2x128x128xf32, #tpu.memory_space<vmem>> -> memref<1x128x128xf32, #tpu.memory_space<vmem>>
        %dma_start3A_515 = tpu.memref_squeeze %dma_start3A_514 : memref<1x128x128xf32, #tpu.memory_space<vmem>> -> memref<128x128xf32, #tpu.memory_space<vmem>>
        %dma_start3A_516 = arith.constant 0 : i32
        %dma_start3A_517 = tpu.memref_slice %arg8[%add3A_421, %dma_start3A_516] : memref<32x128xi32, #tpu.memory_space<vmem>> -> memref<1x128xi32, #tpu.memory_space<vmem>>
        %dma_start3A_518 = tpu.memref_squeeze %dma_start3A_517 : memref<1x128xi32, #tpu.memory_space<vmem>> -> memref<128xi32, #tpu.memory_space<vmem>>
        %dma_start3A_519 = arith.constant 0 : i32
        %dma_start3A_520 = arith.constant 0 : i32
        %dma_start3A_521 = tpu.memref_slice %arg10[%dma_start3A_519, %dma_start3A_520] : memref<10112x128xf32, #tpu.memory_space<vmem_shared>> -> memref<10112x128xf32, #tpu.memory_space<vmem_shared>>
        tpu.enqueue_indirect_dma source(%dma_start3A_515 : memref<128x128xf32, #tpu.memory_space<vmem>>) target(%dma_start3A_521 : memref<10112x128xf32, #tpu.memory_space<vmem_shared>>) offsets(%dma_start3A_518 : memref<128xi32, #tpu.memory_space<vmem>>) semaphore(%run_scoped3A_511 : memref<!tpu.dma_semaphore, #tpu.memory_space<semaphore_mem>>) {add = true}
        %dma_wait3A_522 = arith.constant 0 : i32
        %dma_wait3A_523 = arith.constant 0 : i32
        %dma_wait3A_524 = tpu.memref_slice %arg9[%run_scoped3A_422, %dma_wait3A_522, %dma_wait3A_523] : memref<2x128x128xf32, #tpu.memory_space<vmem>> -> memref<1x128x128xf32, #tpu.memory_space<vmem>>
        %dma_wait3A_525 = tpu.memref_squeeze %dma_wait3A_524 : memref<1x128x128xf32, #tpu.memory_space<vmem>> -> memref<128x128xf32, #tpu.memory_space<vmem>>
        %dma_wait3A_526 = arith.constant 0 : i32
        %dma_wait3A_527 = tpu.memref_slice %arg8[%add3A_421, %dma_wait3A_526] : memref<32x128xi32, #tpu.memory_space<vmem>> -> memref<1x128xi32, #tpu.memory_space<vmem>>
        %dma_wait3A_528 = tpu.memref_squeeze %dma_wait3A_527 : memref<1x128xi32, #tpu.memory_space<vmem>> -> memref<128xi32, #tpu.memory_space<vmem>>
        %dma_wait3A_529 = arith.constant 0 : i32
        %dma_wait3A_530 = arith.constant 0 : i32
        %dma_wait3A_531 = tpu.memref_slice %arg10[%dma_wait3A_529, %dma_wait3A_530] : memref<10112x128xf32, #tpu.memory_space<vmem_shared>> -> memref<10112x128xf32, #tpu.memory_space<vmem_shared>>
        tpu.wait_indirect_dma semaphore(%run_scoped3A_511 : memref<!tpu.dma_semaphore, #tpu.memory_space<semaphore_mem>>) src(%dma_wait3A_525 : memref<128x128xf32, #tpu.memory_space<vmem>>) dst(%dma_wait3A_531 : memref<10112x128xf32, #tpu.memory_space<vmem_shared>>)
        tpu.yield
      }) : () -> ()
      %add3A_423 = arith.constant 2 : i32
      %add3A_424 = arith.addi %add3A_406, %add3A_423 : i32
      %lt3A_425 = arith.constant 80 : i32
      %lt3A_426 = arith.cmpi slt, %add3A_424, %lt3A_425 : i32
      %convert_element_type3A_427 = arith.extui %lt3A_426 : i1 to i32
      %cond3A_428 = arith.constant 0 : i32
      %cond3A_429 = arith.cmpi ne, %convert_element_type3A_427, %cond3A_428 : i32
      scf.if %cond3A_429 {
        %add3A_511 = arith.constant 14 : i32
        %add3A_512 = arith.addi %mul3A_60, %add3A_511 : i32
        %dma_start3A_513 = arith.constant 0 : i32
        %dma_start3A_514 = arith.constant 0 : i32
        %dma_start3A_515 = arith.constant 0 : i32
        %dma_start3A_516 = tpu.memref_slice %arg9[%dma_start3A_513, %dma_start3A_514, %dma_start3A_515] : memref<2x128x128xf32, #tpu.memory_space<vmem>> -> memref<1x128x128xf32, #tpu.memory_space<vmem>>
        %dma_start3A_517 = tpu.memref_squeeze %dma_start3A_516 : memref<1x128x128xf32, #tpu.memory_space<vmem>> -> memref<128x128xf32, #tpu.memory_space<vmem>>
        %dma_start3A_518 = arith.constant 0 : i32
        %dma_start3A_519 = tpu.memref_slice %arg7[%add3A_512, %dma_start3A_518] : memref<32x128xi32, #tpu.memory_space<vmem>> -> memref<1x128xi32, #tpu.memory_space<vmem>>
        %dma_start3A_520 = tpu.memref_squeeze %dma_start3A_519 : memref<1x128xi32, #tpu.memory_space<vmem>> -> memref<128xi32, #tpu.memory_space<vmem>>
        %dma_start3A_521 = arith.constant 0 : i32
        %dma_start3A_522 = arith.constant 0 : i32
        %dma_start3A_523 = tpu.memref_slice %arg2[%dma_start3A_521, %dma_start3A_522] : memref<10000x128xf32, #tpu.memory_space<hbm>> -> memref<10000x128xf32, #tpu.memory_space<hbm>>
        tpu.enqueue_indirect_dma source(%dma_start3A_523 : memref<10000x128xf32, #tpu.memory_space<hbm>>) target(%dma_start3A_517 : memref<128x128xf32, #tpu.memory_space<vmem>>) offsets(%dma_start3A_520 : memref<128xi32, #tpu.memory_space<vmem>>) semaphore(%arg11 : memref<!tpu.dma_semaphore, #tpu.memory_space<semaphore_mem>>)
      } else {
      }
      %mul3A_430 = arith.constant 16 : i32
      %mul3A_431 = arith.muli %add3A_44, %mul3A_430 : i32
      %add3A_432 = arith.constant 13 : i32
      %add3A_433 = arith.addi %mul3A_431, %add3A_432 : i32
      %add3A_434 = arith.constant 13 : i32
      %add3A_435 = arith.addi %mul3A_60, %add3A_434 : i32
      %dma_wait3A_436 = arith.constant 1 : i32
      %dma_wait3A_437 = arith.constant 0 : i32
      %dma_wait3A_438 = arith.constant 0 : i32
      %dma_wait3A_439 = tpu.memref_slice %arg9[%dma_wait3A_436, %dma_wait3A_437, %dma_wait3A_438] : memref<2x128x128xf32, #tpu.memory_space<vmem>> -> memref<1x128x128xf32, #tpu.memory_space<vmem>>
      %dma_wait3A_440 = tpu.memref_squeeze %dma_wait3A_439 : memref<1x128x128xf32, #tpu.memory_space<vmem>> -> memref<128x128xf32, #tpu.memory_space<vmem>>
      %dma_wait3A_441 = arith.constant 0 : i32
      %dma_wait3A_442 = tpu.memref_slice %arg7[%add3A_435, %dma_wait3A_441] : memref<32x128xi32, #tpu.memory_space<vmem>> -> memref<1x128xi32, #tpu.memory_space<vmem>>
      %dma_wait3A_443 = tpu.memref_squeeze %dma_wait3A_442 : memref<1x128xi32, #tpu.memory_space<vmem>> -> memref<128xi32, #tpu.memory_space<vmem>>
      %dma_wait3A_444 = arith.constant 0 : i32
      %dma_wait3A_445 = arith.constant 0 : i32
      %dma_wait3A_446 = tpu.memref_slice %arg2[%dma_wait3A_444, %dma_wait3A_445] : memref<10000x128xf32, #tpu.memory_space<hbm>> -> memref<10000x128xf32, #tpu.memory_space<hbm>>
      tpu.wait_indirect_dma semaphore(%arg11 : memref<!tpu.dma_semaphore, #tpu.memory_space<semaphore_mem>>) src(%dma_wait3A_446 : memref<10000x128xf32, #tpu.memory_space<hbm>>) dst(%dma_wait3A_440 : memref<128x128xf32, #tpu.memory_space<vmem>>)
      %add3A_447 = arith.constant 13 : i32
      %add3A_448 = arith.addi %mul3A_60, %add3A_447 : i32
      %run_scoped3A_449 = arith.constant 1 : i32
      "tpu.region"() ({
        %run_scoped3A_511 = tpu.sem_alloc : memref<!tpu.dma_semaphore, #tpu.memory_space<semaphore_mem>>
        %dma_start3A_512 = arith.constant 0 : i32
        %dma_start3A_513 = arith.constant 0 : i32
        %dma_start3A_514 = tpu.memref_slice %arg9[%run_scoped3A_449, %dma_start3A_512, %dma_start3A_513] : memref<2x128x128xf32, #tpu.memory_space<vmem>> -> memref<1x128x128xf32, #tpu.memory_space<vmem>>
        %dma_start3A_515 = tpu.memref_squeeze %dma_start3A_514 : memref<1x128x128xf32, #tpu.memory_space<vmem>> -> memref<128x128xf32, #tpu.memory_space<vmem>>
        %dma_start3A_516 = arith.constant 0 : i32
        %dma_start3A_517 = tpu.memref_slice %arg8[%add3A_448, %dma_start3A_516] : memref<32x128xi32, #tpu.memory_space<vmem>> -> memref<1x128xi32, #tpu.memory_space<vmem>>
        %dma_start3A_518 = tpu.memref_squeeze %dma_start3A_517 : memref<1x128xi32, #tpu.memory_space<vmem>> -> memref<128xi32, #tpu.memory_space<vmem>>
        %dma_start3A_519 = arith.constant 0 : i32
        %dma_start3A_520 = arith.constant 0 : i32
        %dma_start3A_521 = tpu.memref_slice %arg10[%dma_start3A_519, %dma_start3A_520] : memref<10112x128xf32, #tpu.memory_space<vmem_shared>> -> memref<10112x128xf32, #tpu.memory_space<vmem_shared>>
        tpu.enqueue_indirect_dma source(%dma_start3A_515 : memref<128x128xf32, #tpu.memory_space<vmem>>) target(%dma_start3A_521 : memref<10112x128xf32, #tpu.memory_space<vmem_shared>>) offsets(%dma_start3A_518 : memref<128xi32, #tpu.memory_space<vmem>>) semaphore(%run_scoped3A_511 : memref<!tpu.dma_semaphore, #tpu.memory_space<semaphore_mem>>) {add = true}
        %dma_wait3A_522 = arith.constant 0 : i32
        %dma_wait3A_523 = arith.constant 0 : i32
        %dma_wait3A_524 = tpu.memref_slice %arg9[%run_scoped3A_449, %dma_wait3A_522, %dma_wait3A_523] : memref<2x128x128xf32, #tpu.memory_space<vmem>> -> memref<1x128x128xf32, #tpu.memory_space<vmem>>
        %dma_wait3A_525 = tpu.memref_squeeze %dma_wait3A_524 : memref<1x128x128xf32, #tpu.memory_space<vmem>> -> memref<128x128xf32, #tpu.memory_space<vmem>>
        %dma_wait3A_526 = arith.constant 0 : i32
        %dma_wait3A_527 = tpu.memref_slice %arg8[%add3A_448, %dma_wait3A_526] : memref<32x128xi32, #tpu.memory_space<vmem>> -> memref<1x128xi32, #tpu.memory_space<vmem>>
        %dma_wait3A_528 = tpu.memref_squeeze %dma_wait3A_527 : memref<1x128xi32, #tpu.memory_space<vmem>> -> memref<128xi32, #tpu.memory_space<vmem>>
        %dma_wait3A_529 = arith.constant 0 : i32
        %dma_wait3A_530 = arith.constant 0 : i32
        %dma_wait3A_531 = tpu.memref_slice %arg10[%dma_wait3A_529, %dma_wait3A_530] : memref<10112x128xf32, #tpu.memory_space<vmem_shared>> -> memref<10112x128xf32, #tpu.memory_space<vmem_shared>>
        tpu.wait_indirect_dma semaphore(%run_scoped3A_511 : memref<!tpu.dma_semaphore, #tpu.memory_space<semaphore_mem>>) src(%dma_wait3A_525 : memref<128x128xf32, #tpu.memory_space<vmem>>) dst(%dma_wait3A_531 : memref<10112x128xf32, #tpu.memory_space<vmem_shared>>)
        tpu.yield
      }) : () -> ()
      %add3A_450 = arith.constant 2 : i32
      %add3A_451 = arith.addi %add3A_433, %add3A_450 : i32
      %lt3A_452 = arith.constant 80 : i32
      %lt3A_453 = arith.cmpi slt, %add3A_451, %lt3A_452 : i32
      %convert_element_type3A_454 = arith.extui %lt3A_453 : i1 to i32
      %cond3A_455 = arith.constant 0 : i32
      %cond3A_456 = arith.cmpi ne, %convert_element_type3A_454, %cond3A_455 : i32
      scf.if %cond3A_456 {
        %add3A_511 = arith.constant 15 : i32
        %add3A_512 = arith.addi %mul3A_60, %add3A_511 : i32
        %dma_start3A_513 = arith.constant 1 : i32
        %dma_start3A_514 = arith.constant 0 : i32
        %dma_start3A_515 = arith.constant 0 : i32
        %dma_start3A_516 = tpu.memref_slice %arg9[%dma_start3A_513, %dma_start3A_514, %dma_start3A_515] : memref<2x128x128xf32, #tpu.memory_space<vmem>> -> memref<1x128x128xf32, #tpu.memory_space<vmem>>
        %dma_start3A_517 = tpu.memref_squeeze %dma_start3A_516 : memref<1x128x128xf32, #tpu.memory_space<vmem>> -> memref<128x128xf32, #tpu.memory_space<vmem>>
        %dma_start3A_518 = arith.constant 0 : i32
        %dma_start3A_519 = tpu.memref_slice %arg7[%add3A_512, %dma_start3A_518] : memref<32x128xi32, #tpu.memory_space<vmem>> -> memref<1x128xi32, #tpu.memory_space<vmem>>
        %dma_start3A_520 = tpu.memref_squeeze %dma_start3A_519 : memref<1x128xi32, #tpu.memory_space<vmem>> -> memref<128xi32, #tpu.memory_space<vmem>>
        %dma_start3A_521 = arith.constant 0 : i32
        %dma_start3A_522 = arith.constant 0 : i32
        %dma_start3A_523 = tpu.memref_slice %arg2[%dma_start3A_521, %dma_start3A_522] : memref<10000x128xf32, #tpu.memory_space<hbm>> -> memref<10000x128xf32, #tpu.memory_space<hbm>>
        tpu.enqueue_indirect_dma source(%dma_start3A_523 : memref<10000x128xf32, #tpu.memory_space<hbm>>) target(%dma_start3A_517 : memref<128x128xf32, #tpu.memory_space<vmem>>) offsets(%dma_start3A_520 : memref<128xi32, #tpu.memory_space<vmem>>) semaphore(%arg11 : memref<!tpu.dma_semaphore, #tpu.memory_space<semaphore_mem>>)
      } else {
      }
      %mul3A_457 = arith.constant 16 : i32
      %mul3A_458 = arith.muli %add3A_44, %mul3A_457 : i32
      %add3A_459 = arith.constant 14 : i32
      %add3A_460 = arith.addi %mul3A_458, %add3A_459 : i32
      %add3A_461 = arith.constant 14 : i32
      %add3A_462 = arith.addi %mul3A_60, %add3A_461 : i32
      %dma_wait3A_463 = arith.constant 0 : i32
      %dma_wait3A_464 = arith.constant 0 : i32
      %dma_wait3A_465 = arith.constant 0 : i32
      %dma_wait3A_466 = tpu.memref_slice %arg9[%dma_wait3A_463, %dma_wait3A_464, %dma_wait3A_465] : memref<2x128x128xf32, #tpu.memory_space<vmem>> -> memref<1x128x128xf32, #tpu.memory_space<vmem>>
      %dma_wait3A_467 = tpu.memref_squeeze %dma_wait3A_466 : memref<1x128x128xf32, #tpu.memory_space<vmem>> -> memref<128x128xf32, #tpu.memory_space<vmem>>
      %dma_wait3A_468 = arith.constant 0 : i32
      %dma_wait3A_469 = tpu.memref_slice %arg7[%add3A_462, %dma_wait3A_468] : memref<32x128xi32, #tpu.memory_space<vmem>> -> memref<1x128xi32, #tpu.memory_space<vmem>>
      %dma_wait3A_470 = tpu.memref_squeeze %dma_wait3A_469 : memref<1x128xi32, #tpu.memory_space<vmem>> -> memref<128xi32, #tpu.memory_space<vmem>>
      %dma_wait3A_471 = arith.constant 0 : i32
      %dma_wait3A_472 = arith.constant 0 : i32
      %dma_wait3A_473 = tpu.memref_slice %arg2[%dma_wait3A_471, %dma_wait3A_472] : memref<10000x128xf32, #tpu.memory_space<hbm>> -> memref<10000x128xf32, #tpu.memory_space<hbm>>
      tpu.wait_indirect_dma semaphore(%arg11 : memref<!tpu.dma_semaphore, #tpu.memory_space<semaphore_mem>>) src(%dma_wait3A_473 : memref<10000x128xf32, #tpu.memory_space<hbm>>) dst(%dma_wait3A_467 : memref<128x128xf32, #tpu.memory_space<vmem>>)
      %add3A_474 = arith.constant 14 : i32
      %add3A_475 = arith.addi %mul3A_60, %add3A_474 : i32
      %run_scoped3A_476 = arith.constant 0 : i32
      "tpu.region"() ({
        %run_scoped3A_511 = tpu.sem_alloc : memref<!tpu.dma_semaphore, #tpu.memory_space<semaphore_mem>>
        %dma_start3A_512 = arith.constant 0 : i32
        %dma_start3A_513 = arith.constant 0 : i32
        %dma_start3A_514 = tpu.memref_slice %arg9[%run_scoped3A_476, %dma_start3A_512, %dma_start3A_513] : memref<2x128x128xf32, #tpu.memory_space<vmem>> -> memref<1x128x128xf32, #tpu.memory_space<vmem>>
        %dma_start3A_515 = tpu.memref_squeeze %dma_start3A_514 : memref<1x128x128xf32, #tpu.memory_space<vmem>> -> memref<128x128xf32, #tpu.memory_space<vmem>>
        %dma_start3A_516 = arith.constant 0 : i32
        %dma_start3A_517 = tpu.memref_slice %arg8[%add3A_475, %dma_start3A_516] : memref<32x128xi32, #tpu.memory_space<vmem>> -> memref<1x128xi32, #tpu.memory_space<vmem>>
        %dma_start3A_518 = tpu.memref_squeeze %dma_start3A_517 : memref<1x128xi32, #tpu.memory_space<vmem>> -> memref<128xi32, #tpu.memory_space<vmem>>
        %dma_start3A_519 = arith.constant 0 : i32
        %dma_start3A_520 = arith.constant 0 : i32
        %dma_start3A_521 = tpu.memref_slice %arg10[%dma_start3A_519, %dma_start3A_520] : memref<10112x128xf32, #tpu.memory_space<vmem_shared>> -> memref<10112x128xf32, #tpu.memory_space<vmem_shared>>
        tpu.enqueue_indirect_dma source(%dma_start3A_515 : memref<128x128xf32, #tpu.memory_space<vmem>>) target(%dma_start3A_521 : memref<10112x128xf32, #tpu.memory_space<vmem_shared>>) offsets(%dma_start3A_518 : memref<128xi32, #tpu.memory_space<vmem>>) semaphore(%run_scoped3A_511 : memref<!tpu.dma_semaphore, #tpu.memory_space<semaphore_mem>>) {add = true}
        %dma_wait3A_522 = arith.constant 0 : i32
        %dma_wait3A_523 = arith.constant 0 : i32
        %dma_wait3A_524 = tpu.memref_slice %arg9[%run_scoped3A_476, %dma_wait3A_522, %dma_wait3A_523] : memref<2x128x128xf32, #tpu.memory_space<vmem>> -> memref<1x128x128xf32, #tpu.memory_space<vmem>>
        %dma_wait3A_525 = tpu.memref_squeeze %dma_wait3A_524 : memref<1x128x128xf32, #tpu.memory_space<vmem>> -> memref<128x128xf32, #tpu.memory_space<vmem>>
        %dma_wait3A_526 = arith.constant 0 : i32
        %dma_wait3A_527 = tpu.memref_slice %arg8[%add3A_475, %dma_wait3A_526] : memref<32x128xi32, #tpu.memory_space<vmem>> -> memref<1x128xi32, #tpu.memory_space<vmem>>
        %dma_wait3A_528 = tpu.memref_squeeze %dma_wait3A_527 : memref<1x128xi32, #tpu.memory_space<vmem>> -> memref<128xi32, #tpu.memory_space<vmem>>
        %dma_wait3A_529 = arith.constant 0 : i32
        %dma_wait3A_530 = arith.constant 0 : i32
        %dma_wait3A_531 = tpu.memref_slice %arg10[%dma_wait3A_529, %dma_wait3A_530] : memref<10112x128xf32, #tpu.memory_space<vmem_shared>> -> memref<10112x128xf32, #tpu.memory_space<vmem_shared>>
        tpu.wait_indirect_dma semaphore(%run_scoped3A_511 : memref<!tpu.dma_semaphore, #tpu.memory_space<semaphore_mem>>) src(%dma_wait3A_525 : memref<128x128xf32, #tpu.memory_space<vmem>>) dst(%dma_wait3A_531 : memref<10112x128xf32, #tpu.memory_space<vmem_shared>>)
        tpu.yield
      }) : () -> ()
      %add3A_477 = arith.constant 2 : i32
      %add3A_478 = arith.addi %add3A_460, %add3A_477 : i32
      %lt3A_479 = arith.constant 80 : i32
      %lt3A_480 = arith.cmpi slt, %add3A_478, %lt3A_479 : i32
      %convert_element_type3A_481 = arith.extui %lt3A_480 : i1 to i32
      %cond3A_482 = arith.constant 0 : i32
      %cond3A_483 = arith.cmpi ne, %convert_element_type3A_481, %cond3A_482 : i32
      scf.if %cond3A_483 {
        %add3A_511 = arith.constant 16 : i32
        %add3A_512 = arith.addi %mul3A_80, %add3A_511 : i32
        %sub3A = arith.constant 16 : i32
        %sub3A_513 = arith.subi %add3A_512, %sub3A : i32
        %dma_start3A_514 = arith.constant 0 : i32
        %dma_start3A_515 = arith.constant 0 : i32
        %dma_start3A_516 = arith.constant 0 : i32
        %dma_start3A_517 = tpu.memref_slice %arg9[%dma_start3A_514, %dma_start3A_515, %dma_start3A_516] : memref<2x128x128xf32, #tpu.memory_space<vmem>> -> memref<1x128x128xf32, #tpu.memory_space<vmem>>
        %dma_start3A_518 = tpu.memref_squeeze %dma_start3A_517 : memref<1x128x128xf32, #tpu.memory_space<vmem>> -> memref<128x128xf32, #tpu.memory_space<vmem>>
        %dma_start3A_519 = arith.constant 0 : i32
        %dma_start3A_520 = tpu.memref_slice %arg7[%sub3A_513, %dma_start3A_519] : memref<32x128xi32, #tpu.memory_space<vmem>> -> memref<1x128xi32, #tpu.memory_space<vmem>>
        %dma_start3A_521 = tpu.memref_squeeze %dma_start3A_520 : memref<1x128xi32, #tpu.memory_space<vmem>> -> memref<128xi32, #tpu.memory_space<vmem>>
        %dma_start3A_522 = arith.constant 0 : i32
        %dma_start3A_523 = arith.constant 0 : i32
        %dma_start3A_524 = tpu.memref_slice %arg2[%dma_start3A_522, %dma_start3A_523] : memref<10000x128xf32, #tpu.memory_space<hbm>> -> memref<10000x128xf32, #tpu.memory_space<hbm>>
        tpu.enqueue_indirect_dma source(%dma_start3A_524 : memref<10000x128xf32, #tpu.memory_space<hbm>>) target(%dma_start3A_518 : memref<128x128xf32, #tpu.memory_space<vmem>>) offsets(%dma_start3A_521 : memref<128xi32, #tpu.memory_space<vmem>>) semaphore(%arg11 : memref<!tpu.dma_semaphore, #tpu.memory_space<semaphore_mem>>)
      } else {
      }
      %mul3A_484 = arith.constant 16 : i32
      %mul3A_485 = arith.muli %add3A_44, %mul3A_484 : i32
      %add3A_486 = arith.constant 15 : i32
      %add3A_487 = arith.addi %mul3A_485, %add3A_486 : i32
      %add3A_488 = arith.constant 15 : i32
      %add3A_489 = arith.addi %mul3A_60, %add3A_488 : i32
      %dma_wait3A_490 = arith.constant 1 : i32
      %dma_wait3A_491 = arith.constant 0 : i32
      %dma_wait3A_492 = arith.constant 0 : i32
      %dma_wait3A_493 = tpu.memref_slice %arg9[%dma_wait3A_490, %dma_wait3A_491, %dma_wait3A_492] : memref<2x128x128xf32, #tpu.memory_space<vmem>> -> memref<1x128x128xf32, #tpu.memory_space<vmem>>
      %dma_wait3A_494 = tpu.memref_squeeze %dma_wait3A_493 : memref<1x128x128xf32, #tpu.memory_space<vmem>> -> memref<128x128xf32, #tpu.memory_space<vmem>>
      %dma_wait3A_495 = arith.constant 0 : i32
      %dma_wait3A_496 = tpu.memref_slice %arg7[%add3A_489, %dma_wait3A_495] : memref<32x128xi32, #tpu.memory_space<vmem>> -> memref<1x128xi32, #tpu.memory_space<vmem>>
      %dma_wait3A_497 = tpu.memref_squeeze %dma_wait3A_496 : memref<1x128xi32, #tpu.memory_space<vmem>> -> memref<128xi32, #tpu.memory_space<vmem>>
      %dma_wait3A_498 = arith.constant 0 : i32
      %dma_wait3A_499 = arith.constant 0 : i32
      %dma_wait3A_500 = tpu.memref_slice %arg2[%dma_wait3A_498, %dma_wait3A_499] : memref<10000x128xf32, #tpu.memory_space<hbm>> -> memref<10000x128xf32, #tpu.memory_space<hbm>>
      tpu.wait_indirect_dma semaphore(%arg11 : memref<!tpu.dma_semaphore, #tpu.memory_space<semaphore_mem>>) src(%dma_wait3A_500 : memref<10000x128xf32, #tpu.memory_space<hbm>>) dst(%dma_wait3A_494 : memref<128x128xf32, #tpu.memory_space<vmem>>)
      %add3A_501 = arith.constant 15 : i32
      %add3A_502 = arith.addi %mul3A_60, %add3A_501 : i32
      %run_scoped3A_503 = arith.constant 1 : i32
      "tpu.region"() ({
        %run_scoped3A_511 = tpu.sem_alloc : memref<!tpu.dma_semaphore, #tpu.memory_space<semaphore_mem>>
        %dma_start3A_512 = arith.constant 0 : i32
        %dma_start3A_513 = arith.constant 0 : i32
        %dma_start3A_514 = tpu.memref_slice %arg9[%run_scoped3A_503, %dma_start3A_512, %dma_start3A_513] : memref<2x128x128xf32, #tpu.memory_space<vmem>> -> memref<1x128x128xf32, #tpu.memory_space<vmem>>
        %dma_start3A_515 = tpu.memref_squeeze %dma_start3A_514 : memref<1x128x128xf32, #tpu.memory_space<vmem>> -> memref<128x128xf32, #tpu.memory_space<vmem>>
        %dma_start3A_516 = arith.constant 0 : i32
        %dma_start3A_517 = tpu.memref_slice %arg8[%add3A_502, %dma_start3A_516] : memref<32x128xi32, #tpu.memory_space<vmem>> -> memref<1x128xi32, #tpu.memory_space<vmem>>
        %dma_start3A_518 = tpu.memref_squeeze %dma_start3A_517 : memref<1x128xi32, #tpu.memory_space<vmem>> -> memref<128xi32, #tpu.memory_space<vmem>>
        %dma_start3A_519 = arith.constant 0 : i32
        %dma_start3A_520 = arith.constant 0 : i32
        %dma_start3A_521 = tpu.memref_slice %arg10[%dma_start3A_519, %dma_start3A_520] : memref<10112x128xf32, #tpu.memory_space<vmem_shared>> -> memref<10112x128xf32, #tpu.memory_space<vmem_shared>>
        tpu.enqueue_indirect_dma source(%dma_start3A_515 : memref<128x128xf32, #tpu.memory_space<vmem>>) target(%dma_start3A_521 : memref<10112x128xf32, #tpu.memory_space<vmem_shared>>) offsets(%dma_start3A_518 : memref<128xi32, #tpu.memory_space<vmem>>) semaphore(%run_scoped3A_511 : memref<!tpu.dma_semaphore, #tpu.memory_space<semaphore_mem>>) {add = true}
        %dma_wait3A_522 = arith.constant 0 : i32
        %dma_wait3A_523 = arith.constant 0 : i32
        %dma_wait3A_524 = tpu.memref_slice %arg9[%run_scoped3A_503, %dma_wait3A_522, %dma_wait3A_523] : memref<2x128x128xf32, #tpu.memory_space<vmem>> -> memref<1x128x128xf32, #tpu.memory_space<vmem>>
        %dma_wait3A_525 = tpu.memref_squeeze %dma_wait3A_524 : memref<1x128x128xf32, #tpu.memory_space<vmem>> -> memref<128x128xf32, #tpu.memory_space<vmem>>
        %dma_wait3A_526 = arith.constant 0 : i32
        %dma_wait3A_527 = tpu.memref_slice %arg8[%add3A_502, %dma_wait3A_526] : memref<32x128xi32, #tpu.memory_space<vmem>> -> memref<1x128xi32, #tpu.memory_space<vmem>>
        %dma_wait3A_528 = tpu.memref_squeeze %dma_wait3A_527 : memref<1x128xi32, #tpu.memory_space<vmem>> -> memref<128xi32, #tpu.memory_space<vmem>>
        %dma_wait3A_529 = arith.constant 0 : i32
        %dma_wait3A_530 = arith.constant 0 : i32
        %dma_wait3A_531 = tpu.memref_slice %arg10[%dma_wait3A_529, %dma_wait3A_530] : memref<10112x128xf32, #tpu.memory_space<vmem_shared>> -> memref<10112x128xf32, #tpu.memory_space<vmem_shared>>
        tpu.wait_indirect_dma semaphore(%run_scoped3A_511 : memref<!tpu.dma_semaphore, #tpu.memory_space<semaphore_mem>>) src(%dma_wait3A_525 : memref<128x128xf32, #tpu.memory_space<vmem>>) dst(%dma_wait3A_531 : memref<10112x128xf32, #tpu.memory_space<vmem_shared>>)
        tpu.yield
      }) : () -> ()
      %add3A_504 = arith.constant 2 : i32
      %add3A_505 = arith.addi %add3A_487, %add3A_504 : i32
      %lt3A_506 = arith.constant 80 : i32
      %lt3A_507 = arith.cmpi slt, %add3A_505, %lt3A_506 : i32
      %convert_element_type3A_508 = arith.extui %lt3A_507 : i1 to i32
      %cond3A_509 = arith.constant 0 : i32
      %cond3A_510 = arith.cmpi ne, %convert_element_type3A_508, %cond3A_509 : i32
      scf.if %cond3A_510 {
        %add3A_511 = arith.constant 17 : i32
        %add3A_512 = arith.addi %mul3A_80, %add3A_511 : i32
        %sub3A = arith.constant 16 : i32
        %sub3A_513 = arith.subi %add3A_512, %sub3A : i32
        %dma_start3A_514 = arith.constant 1 : i32
        %dma_start3A_515 = arith.constant 0 : i32
        %dma_start3A_516 = arith.constant 0 : i32
        %dma_start3A_517 = tpu.memref_slice %arg9[%dma_start3A_514, %dma_start3A_515, %dma_start3A_516] : memref<2x128x128xf32, #tpu.memory_space<vmem>> -> memref<1x128x128xf32, #tpu.memory_space<vmem>>
        %dma_start3A_518 = tpu.memref_squeeze %dma_start3A_517 : memref<1x128x128xf32, #tpu.memory_space<vmem>> -> memref<128x128xf32, #tpu.memory_space<vmem>>
        %dma_start3A_519 = arith.constant 0 : i32
        %dma_start3A_520 = tpu.memref_slice %arg7[%sub3A_513, %dma_start3A_519] : memref<32x128xi32, #tpu.memory_space<vmem>> -> memref<1x128xi32, #tpu.memory_space<vmem>>
        %dma_start3A_521 = tpu.memref_squeeze %dma_start3A_520 : memref<1x128xi32, #tpu.memory_space<vmem>> -> memref<128xi32, #tpu.memory_space<vmem>>
        %dma_start3A_522 = arith.constant 0 : i32
        %dma_start3A_523 = arith.constant 0 : i32
        %dma_start3A_524 = tpu.memref_slice %arg2[%dma_start3A_522, %dma_start3A_523] : memref<10000x128xf32, #tpu.memory_space<hbm>> -> memref<10000x128xf32, #tpu.memory_space<hbm>>
        tpu.enqueue_indirect_dma source(%dma_start3A_524 : memref<10000x128xf32, #tpu.memory_space<hbm>>) target(%dma_start3A_518 : memref<128x128xf32, #tpu.memory_space<vmem>>) offsets(%dma_start3A_521 : memref<128xi32, #tpu.memory_space<vmem>>) semaphore(%arg11 : memref<!tpu.dma_semaphore, #tpu.memory_space<semaphore_mem>>)
      } else {
      }
    }
    %scan3A_31 = arith.constant 5 : i32
    %barrier3A_32 = arith.constant 0 : index
    tpu.barrier barrier_id(%barrier3A_32)
    %mul3A_33 = arith.constant 632 : i32
    %mul3A_34 = arith.muli %arg1, %mul3A_33 : i32
    %mul3A_35 = arith.constant 10112 : i32
    %mul3A_36 = arith.muli %arg0, %mul3A_35 : i32
    %mul3A_37 = arith.constant 632 : i32
    %mul3A_38 = arith.muli %arg1, %mul3A_37 : i32
    %add3A_39 = arith.addi %mul3A_36, %mul3A_38 : i32
    "tpu.region"() ({
      %run_scoped3A = tpu.sem_alloc : memref<!tpu.dma_semaphore, #tpu.memory_space<semaphore_mem>>
      %dma_start3A_40 = arith.constant 0 : i32
      %dma_start3A_41 = tpu.memref_slice %arg6[%add3A_39, %dma_start3A_40] : memref<20224x128xf32, #tpu.memory_space<hbm>> -> memref<632x128xf32, #tpu.memory_space<hbm>>
      %dma_start3A_42 = arith.constant 0 : i32
      %dma_start3A_43 = tpu.memref_slice %arg10[%mul3A_34, %dma_start3A_42] : memref<10112x128xf32, #tpu.memory_space<vmem_shared>> -> memref<632x128xf32, #tpu.memory_space<vmem_shared>>
      tpu.enqueue_dma source(%dma_start3A_43 : memref<632x128xf32, #tpu.memory_space<vmem_shared>>) target(%dma_start3A_41 : memref<632x128xf32, #tpu.memory_space<hbm>>) target_semaphore(%run_scoped3A : memref<!tpu.dma_semaphore, #tpu.memory_space<semaphore_mem>>)
      %dma_wait3A = arith.constant 0 : i32
      %dma_wait3A_44 = tpu.memref_slice %arg6[%add3A_39, %dma_wait3A] : memref<20224x128xf32, #tpu.memory_space<hbm>> -> memref<632x128xf32, #tpu.memory_space<hbm>>
      %dma_wait3A_45 = arith.constant 0 : i32
      %dma_wait3A_46 = tpu.memref_slice %arg10[%mul3A_34, %dma_wait3A_45] : memref<10112x128xf32, #tpu.memory_space<vmem_shared>> -> memref<632x128xf32, #tpu.memory_space<vmem_shared>>
      tpu.wait_dma2 semaphore(%run_scoped3A : memref<!tpu.dma_semaphore, #tpu.memory_space<semaphore_mem>>) src(%dma_wait3A_46 : memref<632x128xf32, #tpu.memory_space<vmem_shared>>) dst(%dma_wait3A_44 : memref<632x128xf32, #tpu.memory_space<hbm>>)
      tpu.yield
    }) : () -> ()
    return
  }
}

#map = affine_map<(d0, d1) -> (0, 0)>
module attributes {stable_mosaic.version = 14 : i64} {
  func.func @_agg_body(%arg0: i32, %arg1: i32, %arg2: memref<10000x128xf32, #tpu.memory_space<hbm>>, %arg3: memref<2560x128xi32, #tpu.memory_space<hbm>>, %arg4: memref<2560x128xi32, #tpu.memory_space<hbm>>, %arg5: memref<632x128xf32, #tpu.memory_space<hbm>>, %arg6: memref<20224x128xf32, #tpu.memory_space<hbm>>, %arg7: memref<32x128xi32, #tpu.memory_space<vmem>>, %arg8: memref<32x128xi32, #tpu.memory_space<vmem>>, %arg9: memref<2x128x128xf32, #tpu.memory_space<vmem>>, %arg10: memref<10112x128xf32, #tpu.memory_space<vmem_shared>>, %arg11: memref<!tpu.dma_semaphore, #tpu.memory_space<semaphore_mem>>) attributes {dimension_semantics = [#tpu.dimension_semantics<core_parallel>, #tpu.dimension_semantics<subcore_parallel>], iteration_bounds = array<i64: 2, 16>, scalar_prefetch = 0 : i64, scratch_operands = 5 : i64, tpu.core_type = #tpu.core_type<sc_vector_subcore>, window_params = [{transform_indices = #map}, {transform_indices = #map}, {transform_indices = #map}, {transform_indices = #map}, {transform_indices = #map}]} {
    %mul3A = arith.constant 16 : i32
    %mul3A_0 = arith.muli %arg0, %mul3A : i32
    %add3A = arith.addi %mul3A_0, %arg1 : i32
    %mul3A_1 = arith.constant 80 : i32
    %mul3A_2 = arith.muli %add3A, %mul3A_1 : i32
    %mul3A_3 = arith.constant 632 : i32
    %mul3A_4 = arith.muli %arg1, %mul3A_3 : i32
    "tpu.region"() ({
      %run_scoped3A = tpu.sem_alloc : memref<!tpu.dma_semaphore, #tpu.memory_space<semaphore_mem>>
      %dma_start3A_40 = arith.constant 0 : i32
      %dma_start3A_41 = tpu.memref_slice %arg10[%mul3A_4, %dma_start3A_40] : memref<10112x128xf32, #tpu.memory_space<vmem_shared>> -> memref<632x128xf32, #tpu.memory_space<vmem_shared>>
      tpu.enqueue_dma source(%arg5 : memref<632x128xf32, #tpu.memory_space<hbm>>) target(%dma_start3A_41 : memref<632x128xf32, #tpu.memory_space<vmem_shared>>) target_semaphore(%run_scoped3A : memref<!tpu.dma_semaphore, #tpu.memory_space<semaphore_mem>>)
      %dma_wait3A = arith.constant 0 : i32
      %dma_wait3A_42 = tpu.memref_slice %arg10[%mul3A_4, %dma_wait3A] : memref<10112x128xf32, #tpu.memory_space<vmem_shared>> -> memref<632x128xf32, #tpu.memory_space<vmem_shared>>
      tpu.wait_dma2 semaphore(%run_scoped3A : memref<!tpu.dma_semaphore, #tpu.memory_space<semaphore_mem>>) src(%arg5 : memref<632x128xf32, #tpu.memory_space<hbm>>) dst(%dma_wait3A_42 : memref<632x128xf32, #tpu.memory_space<vmem_shared>>)
      tpu.yield
    }) : () -> ()
    "tpu.region"() ({
      %run_scoped3A = tpu.sem_alloc : memref<!tpu.dma_semaphore, #tpu.memory_space<semaphore_mem>>
      %dma_start3A_40 = arith.constant 0 : i32
      %dma_start3A_41 = arith.constant 0 : i32
      %dma_start3A_42 = tpu.memref_slice %arg7[%dma_start3A_40, %dma_start3A_41] : memref<32x128xi32, #tpu.memory_space<vmem>> -> memref<16x128xi32, #tpu.memory_space<vmem>>
      %dma_start3A_43 = arith.constant 0 : i32
      %dma_start3A_44 = tpu.memref_slice %arg3[%mul3A_2, %dma_start3A_43] : memref<2560x128xi32, #tpu.memory_space<hbm>> -> memref<16x128xi32, #tpu.memory_space<hbm>>
      %dma_start3A_45 = arith.constant 0 : i32
      %dma_start3A_46 = arith.constant 0 : i32
      %dma_start3A_47 = tpu.memref_slice %arg7[%dma_start3A_45, %dma_start3A_46] : memref<32x128xi32, #tpu.memory_space<vmem>> -> memref<16x128xi32, #tpu.memory_space<vmem>>
      %dma_start3A_48 = arith.constant 0 : i32
      %dma_start3A_49 = tpu.memref_slice %arg3[%mul3A_2, %dma_start3A_48] : memref<2560x128xi32, #tpu.memory_space<hbm>> -> memref<16x128xi32, #tpu.memory_space<hbm>>
      tpu.enqueue_dma source(%dma_start3A_49 : memref<16x128xi32, #tpu.memory_space<hbm>>) target(%dma_start3A_47 : memref<16x128xi32, #tpu.memory_space<vmem>>) target_semaphore(%run_scoped3A : memref<!tpu.dma_semaphore, #tpu.memory_space<semaphore_mem>>)
      %dma_wait3A = arith.constant 0 : i32
      %dma_wait3A_50 = arith.constant 0 : i32
      %dma_wait3A_51 = tpu.memref_slice %arg7[%dma_wait3A, %dma_wait3A_50] : memref<32x128xi32, #tpu.memory_space<vmem>> -> memref<16x128xi32, #tpu.memory_space<vmem>>
      %dma_wait3A_52 = arith.constant 0 : i32
      %dma_wait3A_53 = tpu.memref_slice %arg3[%mul3A_2, %dma_wait3A_52] : memref<2560x128xi32, #tpu.memory_space<hbm>> -> memref<16x128xi32, #tpu.memory_space<hbm>>
      %dma_wait3A_54 = arith.constant 0 : i32
      %dma_wait3A_55 = arith.constant 0 : i32
      %dma_wait3A_56 = tpu.memref_slice %arg7[%dma_wait3A_54, %dma_wait3A_55] : memref<32x128xi32, #tpu.memory_space<vmem>> -> memref<16x128xi32, #tpu.memory_space<vmem>>
      %dma_wait3A_57 = arith.constant 0 : i32
      %dma_wait3A_58 = tpu.memref_slice %arg3[%mul3A_2, %dma_wait3A_57] : memref<2560x128xi32, #tpu.memory_space<hbm>> -> memref<16x128xi32, #tpu.memory_space<hbm>>
      tpu.wait_dma2 semaphore(%run_scoped3A : memref<!tpu.dma_semaphore, #tpu.memory_space<semaphore_mem>>) src(%dma_wait3A_58 : memref<16x128xi32, #tpu.memory_space<hbm>>) dst(%dma_wait3A_56 : memref<16x128xi32, #tpu.memory_space<vmem>>)
      tpu.yield
    }) : () -> ()
    "tpu.region"() ({
      %run_scoped3A = tpu.sem_alloc : memref<!tpu.dma_semaphore, #tpu.memory_space<semaphore_mem>>
      %dma_start3A_40 = arith.constant 0 : i32
      %dma_start3A_41 = arith.constant 0 : i32
      %dma_start3A_42 = tpu.memref_slice %arg8[%dma_start3A_40, %dma_start3A_41] : memref<32x128xi32, #tpu.memory_space<vmem>> -> memref<16x128xi32, #tpu.memory_space<vmem>>
      %dma_start3A_43 = arith.constant 0 : i32
      %dma_start3A_44 = tpu.memref_slice %arg4[%mul3A_2, %dma_start3A_43] : memref<2560x128xi32, #tpu.memory_space<hbm>> -> memref<16x128xi32, #tpu.memory_space<hbm>>
      %dma_start3A_45 = arith.constant 0 : i32
      %dma_start3A_46 = arith.constant 0 : i32
      %dma_start3A_47 = tpu.memref_slice %arg8[%dma_start3A_45, %dma_start3A_46] : memref<32x128xi32, #tpu.memory_space<vmem>> -> memref<16x128xi32, #tpu.memory_space<vmem>>
      %dma_start3A_48 = arith.constant 0 : i32
      %dma_start3A_49 = tpu.memref_slice %arg4[%mul3A_2, %dma_start3A_48] : memref<2560x128xi32, #tpu.memory_space<hbm>> -> memref<16x128xi32, #tpu.memory_space<hbm>>
      tpu.enqueue_dma source(%dma_start3A_49 : memref<16x128xi32, #tpu.memory_space<hbm>>) target(%dma_start3A_47 : memref<16x128xi32, #tpu.memory_space<vmem>>) target_semaphore(%run_scoped3A : memref<!tpu.dma_semaphore, #tpu.memory_space<semaphore_mem>>)
      %dma_wait3A = arith.constant 0 : i32
      %dma_wait3A_50 = arith.constant 0 : i32
      %dma_wait3A_51 = tpu.memref_slice %arg8[%dma_wait3A, %dma_wait3A_50] : memref<32x128xi32, #tpu.memory_space<vmem>> -> memref<16x128xi32, #tpu.memory_space<vmem>>
      %dma_wait3A_52 = arith.constant 0 : i32
      %dma_wait3A_53 = tpu.memref_slice %arg4[%mul3A_2, %dma_wait3A_52] : memref<2560x128xi32, #tpu.memory_space<hbm>> -> memref<16x128xi32, #tpu.memory_space<hbm>>
      %dma_wait3A_54 = arith.constant 0 : i32
      %dma_wait3A_55 = arith.constant 0 : i32
      %dma_wait3A_56 = tpu.memref_slice %arg8[%dma_wait3A_54, %dma_wait3A_55] : memref<32x128xi32, #tpu.memory_space<vmem>> -> memref<16x128xi32, #tpu.memory_space<vmem>>
      %dma_wait3A_57 = arith.constant 0 : i32
      %dma_wait3A_58 = tpu.memref_slice %arg4[%mul3A_2, %dma_wait3A_57] : memref<2560x128xi32, #tpu.memory_space<hbm>> -> memref<16x128xi32, #tpu.memory_space<hbm>>
      tpu.wait_dma2 semaphore(%run_scoped3A : memref<!tpu.dma_semaphore, #tpu.memory_space<semaphore_mem>>) src(%dma_wait3A_58 : memref<16x128xi32, #tpu.memory_space<hbm>>) dst(%dma_wait3A_56 : memref<16x128xi32, #tpu.memory_space<vmem>>)
      tpu.yield
    }) : () -> ()
    %barrier3A = arith.constant 0 : index
    tpu.barrier barrier_id(%barrier3A)
    %dma_start3A = arith.constant 0 : i32
    %dma_start3A_5 = arith.constant 0 : i32
    %dma_start3A_6 = arith.constant 0 : i32
    %dma_start3A_7 = arith.constant 0 : i32
    %dma_start3A_8 = tpu.memref_slice %arg9[%dma_start3A_5, %dma_start3A_6, %dma_start3A_7] : memref<2x128x128xf32, #tpu.memory_space<vmem>> -> memref<1x128x128xf32, #tpu.memory_space<vmem>>
    %dma_start3A_9 = tpu.memref_squeeze %dma_start3A_8 : memref<1x128x128xf32, #tpu.memory_space<vmem>> -> memref<128x128xf32, #tpu.memory_space<vmem>>
    %dma_start3A_10 = arith.constant 0 : i32
    %dma_start3A_11 = tpu.memref_slice %arg7[%dma_start3A, %dma_start3A_10] : memref<32x128xi32, #tpu.memory_space<vmem>> -> memref<1x128xi32, #tpu.memory_space<vmem>>
    %dma_start3A_12 = tpu.memref_squeeze %dma_start3A_11 : memref<1x128xi32, #tpu.memory_space<vmem>> -> memref<128xi32, #tpu.memory_space<vmem>>
    %dma_start3A_13 = arith.constant 0 : i32
    %dma_start3A_14 = arith.constant 0 : i32
    %dma_start3A_15 = tpu.memref_slice %arg2[%dma_start3A_13, %dma_start3A_14] : memref<10000x128xf32, #tpu.memory_space<hbm>> -> memref<10000x128xf32, #tpu.memory_space<hbm>>
    tpu.enqueue_indirect_dma source(%dma_start3A_15 : memref<10000x128xf32, #tpu.memory_space<hbm>>) target(%dma_start3A_9 : memref<128x128xf32, #tpu.memory_space<vmem>>) offsets(%dma_start3A_12 : memref<128xi32, #tpu.memory_space<vmem>>) semaphore(%arg11 : memref<!tpu.dma_semaphore, #tpu.memory_space<semaphore_mem>>)
    %dma_start3A_16 = arith.constant 1 : i32
    %dma_start3A_17 = arith.constant 1 : i32
    %dma_start3A_18 = arith.constant 0 : i32
    %dma_start3A_19 = arith.constant 0 : i32
    %dma_start3A_20 = tpu.memref_slice %arg9[%dma_start3A_17, %dma_start3A_18, %dma_start3A_19] : memref<2x128x128xf32, #tpu.memory_space<vmem>> -> memref<1x128x128xf32, #tpu.memory_space<vmem>>
    %dma_start3A_21 = tpu.memref_squeeze %dma_start3A_20 : memref<1x128x128xf32, #tpu.memory_space<vmem>> -> memref<128x128xf32, #tpu.memory_space<vmem>>
    %dma_start3A_22 = arith.constant 0 : i32
    %dma_start3A_23 = tpu.memref_slice %arg7[%dma_start3A_16, %dma_start3A_22] : memref<32x128xi32, #tpu.memory_space<vmem>> -> memref<1x128xi32, #tpu.memory_space<vmem>>
    %dma_start3A_24 = tpu.memref_squeeze %dma_start3A_23 : memref<1x128xi32, #tpu.memory_space<vmem>> -> memref<128xi32, #tpu.memory_space<vmem>>
    %dma_start3A_25 = arith.constant 0 : i32
    %dma_start3A_26 = arith.constant 0 : i32
    %dma_start3A_27 = tpu.memref_slice %arg2[%dma_start3A_25, %dma_start3A_26] : memref<10000x128xf32, #tpu.memory_space<hbm>> -> memref<10000x128xf32, #tpu.memory_space<hbm>>
    tpu.enqueue_indirect_dma source(%dma_start3A_27 : memref<10000x128xf32, #tpu.memory_space<hbm>>) target(%dma_start3A_21 : memref<128x128xf32, #tpu.memory_space<vmem>>) offsets(%dma_start3A_24 : memref<128xi32, #tpu.memory_space<vmem>>) semaphore(%arg11 : memref<!tpu.dma_semaphore, #tpu.memory_space<semaphore_mem>>)
    %scan3A = arith.constant 0 : i32
    %scan3A_28 = arith.constant 5 : i32
    %scan3A_29 = arith.addi %scan3A, %scan3A_28 : i32
    %scan3A_30 = arith.constant 1 : i32
    scf.for %scan3A_40 = %scan3A to %scan3A_29 step %scan3A_30  : i32 {
      %mul3A_41 = arith.constant 1 : i32
      %mul3A_42 = arith.muli %scan3A_40, %mul3A_41 : i32
      %add3A_43 = arith.constant 0 : i32
      %add3A_44 = arith.addi %add3A_43, %mul3A_42 : i32
      %add3A_45 = arith.constant 1 : i32
      %add3A_46 = arith.addi %add3A_44, %add3A_45 : i32
      %lt3A = arith.constant 5 : i32
      %lt3A_47 = arith.cmpi slt, %add3A_46, %lt3A : i32
      %convert_element_type3A = arith.extui %lt3A_47 : i1 to i32
      %cond3A = arith.constant 0 : i32
      %cond3A_48 = arith.cmpi ne, %convert_element_type3A, %cond3A : i32
      scf.if %cond3A_48 {
        %add3A_511 = arith.constant 1 : i32
        %add3A_512 = arith.addi %add3A_44, %add3A_511 : i32
        %jit3A_513 = arith.constant 2 : i32
        %eq3A_514 = arith.constant 0 : i32
        %eq3A_515 = arith.cmpi eq, %jit3A_513, %eq3A_514 : i32
        %jit3A_516 = arith.constant 1 : i32
        %select_n3A_517 = arith.select %eq3A_515, %jit3A_516, %jit3A_513 : i32
        %rem3A_518 = arith.remsi %add3A_512, %select_n3A_517 : i32
        %ne3A_519 = arith.constant 0 : i32
        %ne3A_520 = arith.cmpi ne, %rem3A_518, %ne3A_519 : i32
        %lt3A_521 = arith.constant 0 : i32
        %lt3A_522 = arith.cmpi slt, %rem3A_518, %lt3A_521 : i32
        %lt3A_523 = arith.constant 0 : i32
        %lt3A_524 = arith.cmpi slt, %select_n3A_517, %lt3A_523 : i32
        %ne3A_525 = arith.xori %lt3A_522, %lt3A_524 : i1
        %and3A_526 = arith.andi %ne3A_525, %ne3A_520 : i1
        %add3A_527 = arith.addi %rem3A_518, %select_n3A_517 : i32
        %select_n3A_528 = arith.select %and3A_526, %add3A_527, %rem3A_518 : i32
        %mul3A_529 = arith.constant 16 : i32
        %mul3A_530 = arith.muli %select_n3A_528, %mul3A_529 : i32
        %add3A_531 = arith.constant 1 : i32
        %add3A_532 = arith.addi %add3A_44, %add3A_531 : i32
        %mul3A_533 = arith.constant 16 : i32
        %mul3A_534 = arith.muli %add3A_532, %mul3A_533 : i32
        %add3A_535 = arith.addi %mul3A_2, %mul3A_534 : i32
        "tpu.region"() ({
          %run_scoped3A_536 = tpu.sem_alloc : memref<!tpu.dma_semaphore, #tpu.memory_space<semaphore_mem>>
          %dma_start3A_537 = arith.constant 0 : i32
          %dma_start3A_538 = tpu.memref_slice %arg7[%mul3A_530, %dma_start3A_537] : memref<32x128xi32, #tpu.memory_space<vmem>> -> memref<16x128xi32, #tpu.memory_space<vmem>>
          %dma_start3A_539 = arith.constant 0 : i32
          %dma_start3A_540 = tpu.memref_slice %arg3[%add3A_535, %dma_start3A_539] : memref<2560x128xi32, #tpu.memory_space<hbm>> -> memref<16x128xi32, #tpu.memory_space<hbm>>
          %dma_start3A_541 = arith.constant 0 : i32
          %dma_start3A_542 = tpu.memref_slice %arg7[%mul3A_530, %dma_start3A_541] : memref<32x128xi32, #tpu.memory_space<vmem>> -> memref<16x128xi32, #tpu.memory_space<vmem>>
          %dma_start3A_543 = arith.constant 0 : i32
          %dma_start3A_544 = tpu.memref_slice %arg3[%add3A_535, %dma_start3A_543] : memref<2560x128xi32, #tpu.memory_space<hbm>> -> memref<16x128xi32, #tpu.memory_space<hbm>>
          tpu.enqueue_dma source(%dma_start3A_544 : memref<16x128xi32, #tpu.memory_space<hbm>>) target(%dma_start3A_542 : memref<16x128xi32, #tpu.memory_space<vmem>>) target_semaphore(%run_scoped3A_536 : memref<!tpu.dma_semaphore, #tpu.memory_space<semaphore_mem>>)
          %dma_wait3A_545 = arith.constant 0 : i32
          %dma_wait3A_546 = tpu.memref_slice %arg7[%mul3A_530, %dma_wait3A_545] : memref<32x128xi32, #tpu.memory_space<vmem>> -> memref<16x128xi32, #tpu.memory_space<vmem>>
          %dma_wait3A_547 = arith.constant 0 : i32
          %dma_wait3A_548 = tpu.memref_slice %arg3[%add3A_535, %dma_wait3A_547] : memref<2560x128xi32, #tpu.memory_space<hbm>> -> memref<16x128xi32, #tpu.memory_space<hbm>>
          %dma_wait3A_549 = arith.constant 0 : i32
          %dma_wait3A_550 = tpu.memref_slice %arg7[%mul3A_530, %dma_wait3A_549] : memref<32x128xi32, #tpu.memory_space<vmem>> -> memref<16x128xi32, #tpu.memory_space<vmem>>
          %dma_wait3A_551 = arith.constant 0 : i32
          %dma_wait3A_552 = tpu.memref_slice %arg3[%add3A_535, %dma_wait3A_551] : memref<2560x128xi32, #tpu.memory_space<hbm>> -> memref<16x128xi32, #tpu.memory_space<hbm>>
          tpu.wait_dma2 semaphore(%run_scoped3A_536 : memref<!tpu.dma_semaphore, #tpu.memory_space<semaphore_mem>>) src(%dma_wait3A_552 : memref<16x128xi32, #tpu.memory_space<hbm>>) dst(%dma_wait3A_550 : memref<16x128xi32, #tpu.memory_space<vmem>>)
          tpu.yield
        }) : () -> ()
        "tpu.region"() ({
          %run_scoped3A_536 = tpu.sem_alloc : memref<!tpu.dma_semaphore, #tpu.memory_space<semaphore_mem>>
          %dma_start3A_537 = arith.constant 0 : i32
          %dma_start3A_538 = tpu.memref_slice %arg8[%mul3A_530, %dma_start3A_537] : memref<32x128xi32, #tpu.memory_space<vmem>> -> memref<16x128xi32, #tpu.memory_space<vmem>>
          %dma_start3A_539 = arith.constant 0 : i32
          %dma_start3A_540 = tpu.memref_slice %arg4[%add3A_535, %dma_start3A_539] : memref<2560x128xi32, #tpu.memory_space<hbm>> -> memref<16x128xi32, #tpu.memory_space<hbm>>
          %dma_start3A_541 = arith.constant 0 : i32
          %dma_start3A_542 = tpu.memref_slice %arg8[%mul3A_530, %dma_start3A_541] : memref<32x128xi32, #tpu.memory_space<vmem>> -> memref<16x128xi32, #tpu.memory_space<vmem>>
          %dma_start3A_543 = arith.constant 0 : i32
          %dma_start3A_544 = tpu.memref_slice %arg4[%add3A_535, %dma_start3A_543] : memref<2560x128xi32, #tpu.memory_space<hbm>> -> memref<16x128xi32, #tpu.memory_space<hbm>>
          tpu.enqueue_dma source(%dma_start3A_544 : memref<16x128xi32, #tpu.memory_space<hbm>>) target(%dma_start3A_542 : memref<16x128xi32, #tpu.memory_space<vmem>>) target_semaphore(%run_scoped3A_536 : memref<!tpu.dma_semaphore, #tpu.memory_space<semaphore_mem>>)
          %dma_wait3A_545 = arith.constant 0 : i32
          %dma_wait3A_546 = tpu.memref_slice %arg8[%mul3A_530, %dma_wait3A_545] : memref<32x128xi32, #tpu.memory_space<vmem>> -> memref<16x128xi32, #tpu.memory_space<vmem>>
          %dma_wait3A_547 = arith.constant 0 : i32
          %dma_wait3A_548 = tpu.memref_slice %arg4[%add3A_535, %dma_wait3A_547] : memref<2560x128xi32, #tpu.memory_space<hbm>> -> memref<16x128xi32, #tpu.memory_space<hbm>>
          %dma_wait3A_549 = arith.constant 0 : i32
          %dma_wait3A_550 = tpu.memref_slice %arg8[%mul3A_530, %dma_wait3A_549] : memref<32x128xi32, #tpu.memory_space<vmem>> -> memref<16x128xi32, #tpu.memory_space<vmem>>
          %dma_wait3A_551 = arith.constant 0 : i32
          %dma_wait3A_552 = tpu.memref_slice %arg4[%add3A_535, %dma_wait3A_551] : memref<2560x128xi32, #tpu.memory_space<hbm>> -> memref<16x128xi32, #tpu.memory_space<hbm>>
          tpu.wait_dma2 semaphore(%run_scoped3A_536 : memref<!tpu.dma_semaphore, #tpu.memory_space<semaphore_mem>>) src(%dma_wait3A_552 : memref<16x128xi32, #tpu.memory_space<hbm>>) dst(%dma_wait3A_550 : memref<16x128xi32, #tpu.memory_space<vmem>>)
          tpu.yield
        }) : () -> ()
      } else {
      }
      %jit3A = arith.constant 2 : i32
      %eq3A = arith.constant 0 : i32
      %eq3A_49 = arith.cmpi eq, %jit3A, %eq3A : i32
      %jit3A_50 = arith.constant 1 : i32
      %select_n3A = arith.select %eq3A_49, %jit3A_50, %jit3A : i32
      %rem3A = arith.remsi %add3A_44, %select_n3A : i32
      %ne3A = arith.constant 0 : i32
      %ne3A_51 = arith.cmpi ne, %rem3A, %ne3A : i32
      %lt3A_52 = arith.constant 0 : i32
      %lt3A_53 = arith.cmpi slt, %rem3A, %lt3A_52 : i32
      %lt3A_54 = arith.constant 0 : i32
      %lt3A_55 = arith.cmpi slt, %select_n3A, %lt3A_54 : i32
      %ne3A_56 = arith.xori %lt3A_53, %lt3A_55 : i1
      %and3A = arith.andi %ne3A_56, %ne3A_51 : i1
      %add3A_57 = arith.addi %rem3A, %select_n3A : i32
      %select_n3A_58 = arith.select %and3A, %add3A_57, %rem3A : i32
      %mul3A_59 = arith.constant 16 : i32
      %mul3A_60 = arith.muli %select_n3A_58, %mul3A_59 : i32
      %add3A_61 = arith.constant 1 : i32
      %add3A_62 = arith.addi %add3A_44, %add3A_61 : i32
      %jit3A_63 = arith.constant 2 : i32
      %eq3A_64 = arith.constant 0 : i32
      %eq3A_65 = arith.cmpi eq, %jit3A_63, %eq3A_64 : i32
      %jit3A_66 = arith.constant 1 : i32
      %select_n3A_67 = arith.select %eq3A_65, %jit3A_66, %jit3A_63 : i32
      %rem3A_68 = arith.remsi %add3A_62, %select_n3A_67 : i32
      %ne3A_69 = arith.constant 0 : i32
      %ne3A_70 = arith.cmpi ne, %rem3A_68, %ne3A_69 : i32
      %lt3A_71 = arith.constant 0 : i32
      %lt3A_72 = arith.cmpi slt, %rem3A_68, %lt3A_71 : i32
      %lt3A_73 = arith.constant 0 : i32
      %lt3A_74 = arith.cmpi slt, %select_n3A_67, %lt3A_73 : i32
      %ne3A_75 = arith.xori %lt3A_72, %lt3A_74 : i1
      %and3A_76 = arith.andi %ne3A_75, %ne3A_70 : i1
      %add3A_77 = arith.addi %rem3A_68, %select_n3A_67 : i32
      %select_n3A_78 = arith.select %and3A_76, %add3A_77, %rem3A_68 : i32
      %mul3A_79 = arith.constant 16 : i32
      %mul3A_80 = arith.muli %select_n3A_78, %mul3A_79 : i32
      %mul3A_81 = arith.constant 16 : i32
      %mul3A_82 = arith.muli %add3A_44, %mul3A_81 : i32
      %add3A_83 = arith.constant 0 : i32
      %add3A_84 = arith.addi %mul3A_82, %add3A_83 : i32
      %add3A_85 = arith.constant 0 : i32
      %add3A_86 = arith.addi %mul3A_60, %add3A_85 : i32
      %dma_wait3A = arith.constant 0 : i32
      %dma_wait3A_87 = arith.constant 0 : i32
      %dma_wait3A_88 = arith.constant 0 : i32
      %dma_wait3A_89 = tpu.memref_slice %arg9[%dma_wait3A, %dma_wait3A_87, %dma_wait3A_88] : memref<2x128x128xf32, #tpu.memory_space<vmem>> -> memref<1x128x128xf32, #tpu.memory_space<vmem>>
      %dma_wait3A_90 = tpu.memref_squeeze %dma_wait3A_89 : memref<1x128x128xf32, #tpu.memory_space<vmem>> -> memref<128x128xf32, #tpu.memory_space<vmem>>
      %dma_wait3A_91 = arith.constant 0 : i32
      %dma_wait3A_92 = tpu.memref_slice %arg7[%add3A_86, %dma_wait3A_91] : memref<32x128xi32, #tpu.memory_space<vmem>> -> memref<1x128xi32, #tpu.memory_space<vmem>>
      %dma_wait3A_93 = tpu.memref_squeeze %dma_wait3A_92 : memref<1x128xi32, #tpu.memory_space<vmem>> -> memref<128xi32, #tpu.memory_space<vmem>>
      %dma_wait3A_94 = arith.constant 0 : i32
      %dma_wait3A_95 = arith.constant 0 : i32
      %dma_wait3A_96 = tpu.memref_slice %arg2[%dma_wait3A_94, %dma_wait3A_95] : memref<10000x128xf32, #tpu.memory_space<hbm>> -> memref<10000x128xf32, #tpu.memory_space<hbm>>
      tpu.wait_indirect_dma semaphore(%arg11 : memref<!tpu.dma_semaphore, #tpu.memory_space<semaphore_mem>>) src(%dma_wait3A_96 : memref<10000x128xf32, #tpu.memory_space<hbm>>) dst(%dma_wait3A_90 : memref<128x128xf32, #tpu.memory_space<vmem>>)
      %add3A_97 = arith.constant 0 : i32
      %add3A_98 = arith.addi %mul3A_60, %add3A_97 : i32
      %run_scoped3A = arith.constant 0 : i32
      "tpu.region"() ({
        %run_scoped3A_511 = tpu.sem_alloc : memref<!tpu.dma_semaphore, #tpu.memory_space<semaphore_mem>>
        %dma_start3A_512 = arith.constant 0 : i32
        %dma_start3A_513 = arith.constant 0 : i32
        %dma_start3A_514 = tpu.memref_slice %arg9[%run_scoped3A, %dma_start3A_512, %dma_start3A_513] : memref<2x128x128xf32, #tpu.memory_space<vmem>> -> memref<1x128x128xf32, #tpu.memory_space<vmem>>
        %dma_start3A_515 = tpu.memref_squeeze %dma_start3A_514 : memref<1x128x128xf32, #tpu.memory_space<vmem>> -> memref<128x128xf32, #tpu.memory_space<vmem>>
        %dma_start3A_516 = arith.constant 0 : i32
        %dma_start3A_517 = tpu.memref_slice %arg8[%add3A_98, %dma_start3A_516] : memref<32x128xi32, #tpu.memory_space<vmem>> -> memref<1x128xi32, #tpu.memory_space<vmem>>
        %dma_start3A_518 = tpu.memref_squeeze %dma_start3A_517 : memref<1x128xi32, #tpu.memory_space<vmem>> -> memref<128xi32, #tpu.memory_space<vmem>>
        %dma_start3A_519 = arith.constant 0 : i32
        %dma_start3A_520 = arith.constant 0 : i32
        %dma_start3A_521 = tpu.memref_slice %arg10[%dma_start3A_519, %dma_start3A_520] : memref<10112x128xf32, #tpu.memory_space<vmem_shared>> -> memref<10112x128xf32, #tpu.memory_space<vmem_shared>>
        tpu.enqueue_indirect_dma source(%dma_start3A_515 : memref<128x128xf32, #tpu.memory_space<vmem>>) target(%dma_start3A_521 : memref<10112x128xf32, #tpu.memory_space<vmem_shared>>) offsets(%dma_start3A_518 : memref<128xi32, #tpu.memory_space<vmem>>) semaphore(%run_scoped3A_511 : memref<!tpu.dma_semaphore, #tpu.memory_space<semaphore_mem>>) {add = true}
        %dma_wait3A_522 = arith.constant 0 : i32
        %dma_wait3A_523 = arith.constant 0 : i32
        %dma_wait3A_524 = tpu.memref_slice %arg9[%run_scoped3A, %dma_wait3A_522, %dma_wait3A_523] : memref<2x128x128xf32, #tpu.memory_space<vmem>> -> memref<1x128x128xf32, #tpu.memory_space<vmem>>
        %dma_wait3A_525 = tpu.memref_squeeze %dma_wait3A_524 : memref<1x128x128xf32, #tpu.memory_space<vmem>> -> memref<128x128xf32, #tpu.memory_space<vmem>>
        %dma_wait3A_526 = arith.constant 0 : i32
        %dma_wait3A_527 = tpu.memref_slice %arg8[%add3A_98, %dma_wait3A_526] : memref<32x128xi32, #tpu.memory_space<vmem>> -> memref<1x128xi32, #tpu.memory_space<vmem>>
        %dma_wait3A_528 = tpu.memref_squeeze %dma_wait3A_527 : memref<1x128xi32, #tpu.memory_space<vmem>> -> memref<128xi32, #tpu.memory_space<vmem>>
        %dma_wait3A_529 = arith.constant 0 : i32
        %dma_wait3A_530 = arith.constant 0 : i32
        %dma_wait3A_531 = tpu.memref_slice %arg10[%dma_wait3A_529, %dma_wait3A_530] : memref<10112x128xf32, #tpu.memory_space<vmem_shared>> -> memref<10112x128xf32, #tpu.memory_space<vmem_shared>>
        tpu.wait_indirect_dma semaphore(%run_scoped3A_511 : memref<!tpu.dma_semaphore, #tpu.memory_space<semaphore_mem>>) src(%dma_wait3A_525 : memref<128x128xf32, #tpu.memory_space<vmem>>) dst(%dma_wait3A_531 : memref<10112x128xf32, #tpu.memory_space<vmem_shared>>)
        tpu.yield
      }) : () -> ()
      %add3A_99 = arith.constant 2 : i32
      %add3A_100 = arith.addi %add3A_84, %add3A_99 : i32
      %lt3A_101 = arith.constant 80 : i32
      %lt3A_102 = arith.cmpi slt, %add3A_100, %lt3A_101 : i32
      %convert_element_type3A_103 = arith.extui %lt3A_102 : i1 to i32
      %cond3A_104 = arith.constant 0 : i32
      %cond3A_105 = arith.cmpi ne, %convert_element_type3A_103, %cond3A_104 : i32
      scf.if %cond3A_105 {
        %add3A_511 = arith.constant 2 : i32
        %add3A_512 = arith.addi %mul3A_60, %add3A_511 : i32
        %dma_start3A_513 = arith.constant 0 : i32
        %dma_start3A_514 = arith.constant 0 : i32
        %dma_start3A_515 = arith.constant 0 : i32
        %dma_start3A_516 = tpu.memref_slice %arg9[%dma_start3A_513, %dma_start3A_514, %dma_start3A_515] : memref<2x128x128xf32, #tpu.memory_space<vmem>> -> memref<1x128x128xf32, #tpu.memory_space<vmem>>
        %dma_start3A_517 = tpu.memref_squeeze %dma_start3A_516 : memref<1x128x128xf32, #tpu.memory_space<vmem>> -> memref<128x128xf32, #tpu.memory_space<vmem>>
        %dma_start3A_518 = arith.constant 0 : i32
        %dma_start3A_519 = tpu.memref_slice %arg7[%add3A_512, %dma_start3A_518] : memref<32x128xi32, #tpu.memory_space<vmem>> -> memref<1x128xi32, #tpu.memory_space<vmem>>
        %dma_start3A_520 = tpu.memref_squeeze %dma_start3A_519 : memref<1x128xi32, #tpu.memory_space<vmem>> -> memref<128xi32, #tpu.memory_space<vmem>>
        %dma_start3A_521 = arith.constant 0 : i32
        %dma_start3A_522 = arith.constant 0 : i32
        %dma_start3A_523 = tpu.memref_slice %arg2[%dma_start3A_521, %dma_start3A_522] : memref<10000x128xf32, #tpu.memory_space<hbm>> -> memref<10000x128xf32, #tpu.memory_space<hbm>>
        tpu.enqueue_indirect_dma source(%dma_start3A_523 : memref<10000x128xf32, #tpu.memory_space<hbm>>) target(%dma_start3A_517 : memref<128x128xf32, #tpu.memory_space<vmem>>) offsets(%dma_start3A_520 : memref<128xi32, #tpu.memory_space<vmem>>) semaphore(%arg11 : memref<!tpu.dma_semaphore, #tpu.memory_space<semaphore_mem>>)
      } else {
      }
      %mul3A_106 = arith.constant 16 : i32
      %mul3A_107 = arith.muli %add3A_44, %mul3A_106 : i32
      %add3A_108 = arith.constant 1 : i32
      %add3A_109 = arith.addi %mul3A_107, %add3A_108 : i32
      %add3A_110 = arith.constant 1 : i32
      %add3A_111 = arith.addi %mul3A_60, %add3A_110 : i32
      %dma_wait3A_112 = arith.constant 1 : i32
      %dma_wait3A_113 = arith.constant 0 : i32
      %dma_wait3A_114 = arith.constant 0 : i32
      %dma_wait3A_115 = tpu.memref_slice %arg9[%dma_wait3A_112, %dma_wait3A_113, %dma_wait3A_114] : memref<2x128x128xf32, #tpu.memory_space<vmem>> -> memref<1x128x128xf32, #tpu.memory_space<vmem>>
      %dma_wait3A_116 = tpu.memref_squeeze %dma_wait3A_115 : memref<1x128x128xf32, #tpu.memory_space<vmem>> -> memref<128x128xf32, #tpu.memory_space<vmem>>
      %dma_wait3A_117 = arith.constant 0 : i32
      %dma_wait3A_118 = tpu.memref_slice %arg7[%add3A_111, %dma_wait3A_117] : memref<32x128xi32, #tpu.memory_space<vmem>> -> memref<1x128xi32, #tpu.memory_space<vmem>>
      %dma_wait3A_119 = tpu.memref_squeeze %dma_wait3A_118 : memref<1x128xi32, #tpu.memory_space<vmem>> -> memref<128xi32, #tpu.memory_space<vmem>>
      %dma_wait3A_120 = arith.constant 0 : i32
      %dma_wait3A_121 = arith.constant 0 : i32
      %dma_wait3A_122 = tpu.memref_slice %arg2[%dma_wait3A_120, %dma_wait3A_121] : memref<10000x128xf32, #tpu.memory_space<hbm>> -> memref<10000x128xf32, #tpu.memory_space<hbm>>
      tpu.wait_indirect_dma semaphore(%arg11 : memref<!tpu.dma_semaphore, #tpu.memory_space<semaphore_mem>>) src(%dma_wait3A_122 : memref<10000x128xf32, #tpu.memory_space<hbm>>) dst(%dma_wait3A_116 : memref<128x128xf32, #tpu.memory_space<vmem>>)
      %add3A_123 = arith.constant 1 : i32
      %add3A_124 = arith.addi %mul3A_60, %add3A_123 : i32
      %run_scoped3A_125 = arith.constant 1 : i32
      "tpu.region"() ({
        %run_scoped3A_511 = tpu.sem_alloc : memref<!tpu.dma_semaphore, #tpu.memory_space<semaphore_mem>>
        %dma_start3A_512 = arith.constant 0 : i32
        %dma_start3A_513 = arith.constant 0 : i32
        %dma_start3A_514 = tpu.memref_slice %arg9[%run_scoped3A_125, %dma_start3A_512, %dma_start3A_513] : memref<2x128x128xf32, #tpu.memory_space<vmem>> -> memref<1x128x128xf32, #tpu.memory_space<vmem>>
        %dma_start3A_515 = tpu.memref_squeeze %dma_start3A_514 : memref<1x128x128xf32, #tpu.memory_space<vmem>> -> memref<128x128xf32, #tpu.memory_space<vmem>>
        %dma_start3A_516 = arith.constant 0 : i32
        %dma_start3A_517 = tpu.memref_slice %arg8[%add3A_124, %dma_start3A_516] : memref<32x128xi32, #tpu.memory_space<vmem>> -> memref<1x128xi32, #tpu.memory_space<vmem>>
        %dma_start3A_518 = tpu.memref_squeeze %dma_start3A_517 : memref<1x128xi32, #tpu.memory_space<vmem>> -> memref<128xi32, #tpu.memory_space<vmem>>
        %dma_start3A_519 = arith.constant 0 : i32
        %dma_start3A_520 = arith.constant 0 : i32
        %dma_start3A_521 = tpu.memref_slice %arg10[%dma_start3A_519, %dma_start3A_520] : memref<10112x128xf32, #tpu.memory_space<vmem_shared>> -> memref<10112x128xf32, #tpu.memory_space<vmem_shared>>
        tpu.enqueue_indirect_dma source(%dma_start3A_515 : memref<128x128xf32, #tpu.memory_space<vmem>>) target(%dma_start3A_521 : memref<10112x128xf32, #tpu.memory_space<vmem_shared>>) offsets(%dma_start3A_518 : memref<128xi32, #tpu.memory_space<vmem>>) semaphore(%run_scoped3A_511 : memref<!tpu.dma_semaphore, #tpu.memory_space<semaphore_mem>>) {add = true}
        %dma_wait3A_522 = arith.constant 0 : i32
        %dma_wait3A_523 = arith.constant 0 : i32
        %dma_wait3A_524 = tpu.memref_slice %arg9[%run_scoped3A_125, %dma_wait3A_522, %dma_wait3A_523] : memref<2x128x128xf32, #tpu.memory_space<vmem>> -> memref<1x128x128xf32, #tpu.memory_space<vmem>>
        %dma_wait3A_525 = tpu.memref_squeeze %dma_wait3A_524 : memref<1x128x128xf32, #tpu.memory_space<vmem>> -> memref<128x128xf32, #tpu.memory_space<vmem>>
        %dma_wait3A_526 = arith.constant 0 : i32
        %dma_wait3A_527 = tpu.memref_slice %arg8[%add3A_124, %dma_wait3A_526] : memref<32x128xi32, #tpu.memory_space<vmem>> -> memref<1x128xi32, #tpu.memory_space<vmem>>
        %dma_wait3A_528 = tpu.memref_squeeze %dma_wait3A_527 : memref<1x128xi32, #tpu.memory_space<vmem>> -> memref<128xi32, #tpu.memory_space<vmem>>
        %dma_wait3A_529 = arith.constant 0 : i32
        %dma_wait3A_530 = arith.constant 0 : i32
        %dma_wait3A_531 = tpu.memref_slice %arg10[%dma_wait3A_529, %dma_wait3A_530] : memref<10112x128xf32, #tpu.memory_space<vmem_shared>> -> memref<10112x128xf32, #tpu.memory_space<vmem_shared>>
        tpu.wait_indirect_dma semaphore(%run_scoped3A_511 : memref<!tpu.dma_semaphore, #tpu.memory_space<semaphore_mem>>) src(%dma_wait3A_525 : memref<128x128xf32, #tpu.memory_space<vmem>>) dst(%dma_wait3A_531 : memref<10112x128xf32, #tpu.memory_space<vmem_shared>>)
        tpu.yield
      }) : () -> ()
      %add3A_126 = arith.constant 2 : i32
      %add3A_127 = arith.addi %add3A_109, %add3A_126 : i32
      %lt3A_128 = arith.constant 80 : i32
      %lt3A_129 = arith.cmpi slt, %add3A_127, %lt3A_128 : i32
      %convert_element_type3A_130 = arith.extui %lt3A_129 : i1 to i32
      %cond3A_131 = arith.constant 0 : i32
      %cond3A_132 = arith.cmpi ne, %convert_element_type3A_130, %cond3A_131 : i32
      scf.if %cond3A_132 {
        %add3A_511 = arith.constant 3 : i32
        %add3A_512 = arith.addi %mul3A_60, %add3A_511 : i32
        %dma_start3A_513 = arith.constant 1 : i32
        %dma_start3A_514 = arith.constant 0 : i32
        %dma_start3A_515 = arith.constant 0 : i32
        %dma_start3A_516 = tpu.memref_slice %arg9[%dma_start3A_513, %dma_start3A_514, %dma_start3A_515] : memref<2x128x128xf32, #tpu.memory_space<vmem>> -> memref<1x128x128xf32, #tpu.memory_space<vmem>>
        %dma_start3A_517 = tpu.memref_squeeze %dma_start3A_516 : memref<1x128x128xf32, #tpu.memory_space<vmem>> -> memref<128x128xf32, #tpu.memory_space<vmem>>
        %dma_start3A_518 = arith.constant 0 : i32
        %dma_start3A_519 = tpu.memref_slice %arg7[%add3A_512, %dma_start3A_518] : memref<32x128xi32, #tpu.memory_space<vmem>> -> memref<1x128xi32, #tpu.memory_space<vmem>>
        %dma_start3A_520 = tpu.memref_squeeze %dma_start3A_519 : memref<1x128xi32, #tpu.memory_space<vmem>> -> memref<128xi32, #tpu.memory_space<vmem>>
        %dma_start3A_521 = arith.constant 0 : i32
        %dma_start3A_522 = arith.constant 0 : i32
        %dma_start3A_523 = tpu.memref_slice %arg2[%dma_start3A_521, %dma_start3A_522] : memref<10000x128xf32, #tpu.memory_space<hbm>> -> memref<10000x128xf32, #tpu.memory_space<hbm>>
        tpu.enqueue_indirect_dma source(%dma_start3A_523 : memref<10000x128xf32, #tpu.memory_space<hbm>>) target(%dma_start3A_517 : memref<128x128xf32, #tpu.memory_space<vmem>>) offsets(%dma_start3A_520 : memref<128xi32, #tpu.memory_space<vmem>>) semaphore(%arg11 : memref<!tpu.dma_semaphore, #tpu.memory_space<semaphore_mem>>)
      } else {
      }
      %mul3A_133 = arith.constant 16 : i32
      %mul3A_134 = arith.muli %add3A_44, %mul3A_133 : i32
      %add3A_135 = arith.constant 2 : i32
      %add3A_136 = arith.addi %mul3A_134, %add3A_135 : i32
      %add3A_137 = arith.constant 2 : i32
      %add3A_138 = arith.addi %mul3A_60, %add3A_137 : i32
      %dma_wait3A_139 = arith.constant 0 : i32
      %dma_wait3A_140 = arith.constant 0 : i32
      %dma_wait3A_141 = arith.constant 0 : i32
      %dma_wait3A_142 = tpu.memref_slice %arg9[%dma_wait3A_139, %dma_wait3A_140, %dma_wait3A_141] : memref<2x128x128xf32, #tpu.memory_space<vmem>> -> memref<1x128x128xf32, #tpu.memory_space<vmem>>
      %dma_wait3A_143 = tpu.memref_squeeze %dma_wait3A_142 : memref<1x128x128xf32, #tpu.memory_space<vmem>> -> memref<128x128xf32, #tpu.memory_space<vmem>>
      %dma_wait3A_144 = arith.constant 0 : i32
      %dma_wait3A_145 = tpu.memref_slice %arg7[%add3A_138, %dma_wait3A_144] : memref<32x128xi32, #tpu.memory_space<vmem>> -> memref<1x128xi32, #tpu.memory_space<vmem>>
      %dma_wait3A_146 = tpu.memref_squeeze %dma_wait3A_145 : memref<1x128xi32, #tpu.memory_space<vmem>> -> memref<128xi32, #tpu.memory_space<vmem>>
      %dma_wait3A_147 = arith.constant 0 : i32
      %dma_wait3A_148 = arith.constant 0 : i32
      %dma_wait3A_149 = tpu.memref_slice %arg2[%dma_wait3A_147, %dma_wait3A_148] : memref<10000x128xf32, #tpu.memory_space<hbm>> -> memref<10000x128xf32, #tpu.memory_space<hbm>>
      tpu.wait_indirect_dma semaphore(%arg11 : memref<!tpu.dma_semaphore, #tpu.memory_space<semaphore_mem>>) src(%dma_wait3A_149 : memref<10000x128xf32, #tpu.memory_space<hbm>>) dst(%dma_wait3A_143 : memref<128x128xf32, #tpu.memory_space<vmem>>)
      %add3A_150 = arith.constant 2 : i32
      %add3A_151 = arith.addi %mul3A_60, %add3A_150 : i32
      %run_scoped3A_152 = arith.constant 0 : i32
      "tpu.region"() ({
        %run_scoped3A_511 = tpu.sem_alloc : memref<!tpu.dma_semaphore, #tpu.memory_space<semaphore_mem>>
        %dma_start3A_512 = arith.constant 0 : i32
        %dma_start3A_513 = arith.constant 0 : i32
        %dma_start3A_514 = tpu.memref_slice %arg9[%run_scoped3A_152, %dma_start3A_512, %dma_start3A_513] : memref<2x128x128xf32, #tpu.memory_space<vmem>> -> memref<1x128x128xf32, #tpu.memory_space<vmem>>
        %dma_start3A_515 = tpu.memref_squeeze %dma_start3A_514 : memref<1x128x128xf32, #tpu.memory_space<vmem>> -> memref<128x128xf32, #tpu.memory_space<vmem>>
        %dma_start3A_516 = arith.constant 0 : i32
        %dma_start3A_517 = tpu.memref_slice %arg8[%add3A_151, %dma_start3A_516] : memref<32x128xi32, #tpu.memory_space<vmem>> -> memref<1x128xi32, #tpu.memory_space<vmem>>
        %dma_start3A_518 = tpu.memref_squeeze %dma_start3A_517 : memref<1x128xi32, #tpu.memory_space<vmem>> -> memref<128xi32, #tpu.memory_space<vmem>>
        %dma_start3A_519 = arith.constant 0 : i32
        %dma_start3A_520 = arith.constant 0 : i32
        %dma_start3A_521 = tpu.memref_slice %arg10[%dma_start3A_519, %dma_start3A_520] : memref<10112x128xf32, #tpu.memory_space<vmem_shared>> -> memref<10112x128xf32, #tpu.memory_space<vmem_shared>>
        tpu.enqueue_indirect_dma source(%dma_start3A_515 : memref<128x128xf32, #tpu.memory_space<vmem>>) target(%dma_start3A_521 : memref<10112x128xf32, #tpu.memory_space<vmem_shared>>) offsets(%dma_start3A_518 : memref<128xi32, #tpu.memory_space<vmem>>) semaphore(%run_scoped3A_511 : memref<!tpu.dma_semaphore, #tpu.memory_space<semaphore_mem>>) {add = true}
        %dma_wait3A_522 = arith.constant 0 : i32
        %dma_wait3A_523 = arith.constant 0 : i32
        %dma_wait3A_524 = tpu.memref_slice %arg9[%run_scoped3A_152, %dma_wait3A_522, %dma_wait3A_523] : memref<2x128x128xf32, #tpu.memory_space<vmem>> -> memref<1x128x128xf32, #tpu.memory_space<vmem>>
        %dma_wait3A_525 = tpu.memref_squeeze %dma_wait3A_524 : memref<1x128x128xf32, #tpu.memory_space<vmem>> -> memref<128x128xf32, #tpu.memory_space<vmem>>
        %dma_wait3A_526 = arith.constant 0 : i32
        %dma_wait3A_527 = tpu.memref_slice %arg8[%add3A_151, %dma_wait3A_526] : memref<32x128xi32, #tpu.memory_space<vmem>> -> memref<1x128xi32, #tpu.memory_space<vmem>>
        %dma_wait3A_528 = tpu.memref_squeeze %dma_wait3A_527 : memref<1x128xi32, #tpu.memory_space<vmem>> -> memref<128xi32, #tpu.memory_space<vmem>>
        %dma_wait3A_529 = arith.constant 0 : i32
        %dma_wait3A_530 = arith.constant 0 : i32
        %dma_wait3A_531 = tpu.memref_slice %arg10[%dma_wait3A_529, %dma_wait3A_530] : memref<10112x128xf32, #tpu.memory_space<vmem_shared>> -> memref<10112x128xf32, #tpu.memory_space<vmem_shared>>
        tpu.wait_indirect_dma semaphore(%run_scoped3A_511 : memref<!tpu.dma_semaphore, #tpu.memory_space<semaphore_mem>>) src(%dma_wait3A_525 : memref<128x128xf32, #tpu.memory_space<vmem>>) dst(%dma_wait3A_531 : memref<10112x128xf32, #tpu.memory_space<vmem_shared>>)
        tpu.yield
      }) : () -> ()
      %add3A_153 = arith.constant 2 : i32
      %add3A_154 = arith.addi %add3A_136, %add3A_153 : i32
      %lt3A_155 = arith.constant 80 : i32
      %lt3A_156 = arith.cmpi slt, %add3A_154, %lt3A_155 : i32
      %convert_element_type3A_157 = arith.extui %lt3A_156 : i1 to i32
      %cond3A_158 = arith.constant 0 : i32
      %cond3A_159 = arith.cmpi ne, %convert_element_type3A_157, %cond3A_158 : i32
      scf.if %cond3A_159 {
        %add3A_511 = arith.constant 4 : i32
        %add3A_512 = arith.addi %mul3A_60, %add3A_511 : i32
        %dma_start3A_513 = arith.constant 0 : i32
        %dma_start3A_514 = arith.constant 0 : i32
        %dma_start3A_515 = arith.constant 0 : i32
        %dma_start3A_516 = tpu.memref_slice %arg9[%dma_start3A_513, %dma_start3A_514, %dma_start3A_515] : memref<2x128x128xf32, #tpu.memory_space<vmem>> -> memref<1x128x128xf32, #tpu.memory_space<vmem>>
        %dma_start3A_517 = tpu.memref_squeeze %dma_start3A_516 : memref<1x128x128xf32, #tpu.memory_space<vmem>> -> memref<128x128xf32, #tpu.memory_space<vmem>>
        %dma_start3A_518 = arith.constant 0 : i32
        %dma_start3A_519 = tpu.memref_slice %arg7[%add3A_512, %dma_start3A_518] : memref<32x128xi32, #tpu.memory_space<vmem>> -> memref<1x128xi32, #tpu.memory_space<vmem>>
        %dma_start3A_520 = tpu.memref_squeeze %dma_start3A_519 : memref<1x128xi32, #tpu.memory_space<vmem>> -> memref<128xi32, #tpu.memory_space<vmem>>
        %dma_start3A_521 = arith.constant 0 : i32
        %dma_start3A_522 = arith.constant 0 : i32
        %dma_start3A_523 = tpu.memref_slice %arg2[%dma_start3A_521, %dma_start3A_522] : memref<10000x128xf32, #tpu.memory_space<hbm>> -> memref<10000x128xf32, #tpu.memory_space<hbm>>
        tpu.enqueue_indirect_dma source(%dma_start3A_523 : memref<10000x128xf32, #tpu.memory_space<hbm>>) target(%dma_start3A_517 : memref<128x128xf32, #tpu.memory_space<vmem>>) offsets(%dma_start3A_520 : memref<128xi32, #tpu.memory_space<vmem>>) semaphore(%arg11 : memref<!tpu.dma_semaphore, #tpu.memory_space<semaphore_mem>>)
      } else {
      }
      %mul3A_160 = arith.constant 16 : i32
      %mul3A_161 = arith.muli %add3A_44, %mul3A_160 : i32
      %add3A_162 = arith.constant 3 : i32
      %add3A_163 = arith.addi %mul3A_161, %add3A_162 : i32
      %add3A_164 = arith.constant 3 : i32
      %add3A_165 = arith.addi %mul3A_60, %add3A_164 : i32
      %dma_wait3A_166 = arith.constant 1 : i32
      %dma_wait3A_167 = arith.constant 0 : i32
      %dma_wait3A_168 = arith.constant 0 : i32
      %dma_wait3A_169 = tpu.memref_slice %arg9[%dma_wait3A_166, %dma_wait3A_167, %dma_wait3A_168] : memref<2x128x128xf32, #tpu.memory_space<vmem>> -> memref<1x128x128xf32, #tpu.memory_space<vmem>>
      %dma_wait3A_170 = tpu.memref_squeeze %dma_wait3A_169 : memref<1x128x128xf32, #tpu.memory_space<vmem>> -> memref<128x128xf32, #tpu.memory_space<vmem>>
      %dma_wait3A_171 = arith.constant 0 : i32
      %dma_wait3A_172 = tpu.memref_slice %arg7[%add3A_165, %dma_wait3A_171] : memref<32x128xi32, #tpu.memory_space<vmem>> -> memref<1x128xi32, #tpu.memory_space<vmem>>
      %dma_wait3A_173 = tpu.memref_squeeze %dma_wait3A_172 : memref<1x128xi32, #tpu.memory_space<vmem>> -> memref<128xi32, #tpu.memory_space<vmem>>
      %dma_wait3A_174 = arith.constant 0 : i32
      %dma_wait3A_175 = arith.constant 0 : i32
      %dma_wait3A_176 = tpu.memref_slice %arg2[%dma_wait3A_174, %dma_wait3A_175] : memref<10000x128xf32, #tpu.memory_space<hbm>> -> memref<10000x128xf32, #tpu.memory_space<hbm>>
      tpu.wait_indirect_dma semaphore(%arg11 : memref<!tpu.dma_semaphore, #tpu.memory_space<semaphore_mem>>) src(%dma_wait3A_176 : memref<10000x128xf32, #tpu.memory_space<hbm>>) dst(%dma_wait3A_170 : memref<128x128xf32, #tpu.memory_space<vmem>>)
      %add3A_177 = arith.constant 3 : i32
      %add3A_178 = arith.addi %mul3A_60, %add3A_177 : i32
      %run_scoped3A_179 = arith.constant 1 : i32
      "tpu.region"() ({
        %run_scoped3A_511 = tpu.sem_alloc : memref<!tpu.dma_semaphore, #tpu.memory_space<semaphore_mem>>
        %dma_start3A_512 = arith.constant 0 : i32
        %dma_start3A_513 = arith.constant 0 : i32
        %dma_start3A_514 = tpu.memref_slice %arg9[%run_scoped3A_179, %dma_start3A_512, %dma_start3A_513] : memref<2x128x128xf32, #tpu.memory_space<vmem>> -> memref<1x128x128xf32, #tpu.memory_space<vmem>>
        %dma_start3A_515 = tpu.memref_squeeze %dma_start3A_514 : memref<1x128x128xf32, #tpu.memory_space<vmem>> -> memref<128x128xf32, #tpu.memory_space<vmem>>
        %dma_start3A_516 = arith.constant 0 : i32
        %dma_start3A_517 = tpu.memref_slice %arg8[%add3A_178, %dma_start3A_516] : memref<32x128xi32, #tpu.memory_space<vmem>> -> memref<1x128xi32, #tpu.memory_space<vmem>>
        %dma_start3A_518 = tpu.memref_squeeze %dma_start3A_517 : memref<1x128xi32, #tpu.memory_space<vmem>> -> memref<128xi32, #tpu.memory_space<vmem>>
        %dma_start3A_519 = arith.constant 0 : i32
        %dma_start3A_520 = arith.constant 0 : i32
        %dma_start3A_521 = tpu.memref_slice %arg10[%dma_start3A_519, %dma_start3A_520] : memref<10112x128xf32, #tpu.memory_space<vmem_shared>> -> memref<10112x128xf32, #tpu.memory_space<vmem_shared>>
        tpu.enqueue_indirect_dma source(%dma_start3A_515 : memref<128x128xf32, #tpu.memory_space<vmem>>) target(%dma_start3A_521 : memref<10112x128xf32, #tpu.memory_space<vmem_shared>>) offsets(%dma_start3A_518 : memref<128xi32, #tpu.memory_space<vmem>>) semaphore(%run_scoped3A_511 : memref<!tpu.dma_semaphore, #tpu.memory_space<semaphore_mem>>) {add = true}
        %dma_wait3A_522 = arith.constant 0 : i32
        %dma_wait3A_523 = arith.constant 0 : i32
        %dma_wait3A_524 = tpu.memref_slice %arg9[%run_scoped3A_179, %dma_wait3A_522, %dma_wait3A_523] : memref<2x128x128xf32, #tpu.memory_space<vmem>> -> memref<1x128x128xf32, #tpu.memory_space<vmem>>
        %dma_wait3A_525 = tpu.memref_squeeze %dma_wait3A_524 : memref<1x128x128xf32, #tpu.memory_space<vmem>> -> memref<128x128xf32, #tpu.memory_space<vmem>>
        %dma_wait3A_526 = arith.constant 0 : i32
        %dma_wait3A_527 = tpu.memref_slice %arg8[%add3A_178, %dma_wait3A_526] : memref<32x128xi32, #tpu.memory_space<vmem>> -> memref<1x128xi32, #tpu.memory_space<vmem>>
        %dma_wait3A_528 = tpu.memref_squeeze %dma_wait3A_527 : memref<1x128xi32, #tpu.memory_space<vmem>> -> memref<128xi32, #tpu.memory_space<vmem>>
        %dma_wait3A_529 = arith.constant 0 : i32
        %dma_wait3A_530 = arith.constant 0 : i32
        %dma_wait3A_531 = tpu.memref_slice %arg10[%dma_wait3A_529, %dma_wait3A_530] : memref<10112x128xf32, #tpu.memory_space<vmem_shared>> -> memref<10112x128xf32, #tpu.memory_space<vmem_shared>>
        tpu.wait_indirect_dma semaphore(%run_scoped3A_511 : memref<!tpu.dma_semaphore, #tpu.memory_space<semaphore_mem>>) src(%dma_wait3A_525 : memref<128x128xf32, #tpu.memory_space<vmem>>) dst(%dma_wait3A_531 : memref<10112x128xf32, #tpu.memory_space<vmem_shared>>)
        tpu.yield
      }) : () -> ()
      %add3A_180 = arith.constant 2 : i32
      %add3A_181 = arith.addi %add3A_163, %add3A_180 : i32
      %lt3A_182 = arith.constant 80 : i32
      %lt3A_183 = arith.cmpi slt, %add3A_181, %lt3A_182 : i32
      %convert_element_type3A_184 = arith.extui %lt3A_183 : i1 to i32
      %cond3A_185 = arith.constant 0 : i32
      %cond3A_186 = arith.cmpi ne, %convert_element_type3A_184, %cond3A_185 : i32
      scf.if %cond3A_186 {
        %add3A_511 = arith.constant 5 : i32
        %add3A_512 = arith.addi %mul3A_60, %add3A_511 : i32
        %dma_start3A_513 = arith.constant 1 : i32
        %dma_start3A_514 = arith.constant 0 : i32
        %dma_start3A_515 = arith.constant 0 : i32
        %dma_start3A_516 = tpu.memref_slice %arg9[%dma_start3A_513, %dma_start3A_514, %dma_start3A_515] : memref<2x128x128xf32, #tpu.memory_space<vmem>> -> memref<1x128x128xf32, #tpu.memory_space<vmem>>
        %dma_start3A_517 = tpu.memref_squeeze %dma_start3A_516 : memref<1x128x128xf32, #tpu.memory_space<vmem>> -> memref<128x128xf32, #tpu.memory_space<vmem>>
        %dma_start3A_518 = arith.constant 0 : i32
        %dma_start3A_519 = tpu.memref_slice %arg7[%add3A_512, %dma_start3A_518] : memref<32x128xi32, #tpu.memory_space<vmem>> -> memref<1x128xi32, #tpu.memory_space<vmem>>
        %dma_start3A_520 = tpu.memref_squeeze %dma_start3A_519 : memref<1x128xi32, #tpu.memory_space<vmem>> -> memref<128xi32, #tpu.memory_space<vmem>>
        %dma_start3A_521 = arith.constant 0 : i32
        %dma_start3A_522 = arith.constant 0 : i32
        %dma_start3A_523 = tpu.memref_slice %arg2[%dma_start3A_521, %dma_start3A_522] : memref<10000x128xf32, #tpu.memory_space<hbm>> -> memref<10000x128xf32, #tpu.memory_space<hbm>>
        tpu.enqueue_indirect_dma source(%dma_start3A_523 : memref<10000x128xf32, #tpu.memory_space<hbm>>) target(%dma_start3A_517 : memref<128x128xf32, #tpu.memory_space<vmem>>) offsets(%dma_start3A_520 : memref<128xi32, #tpu.memory_space<vmem>>) semaphore(%arg11 : memref<!tpu.dma_semaphore, #tpu.memory_space<semaphore_mem>>)
      } else {
      }
      %mul3A_187 = arith.constant 16 : i32
      %mul3A_188 = arith.muli %add3A_44, %mul3A_187 : i32
      %add3A_189 = arith.constant 4 : i32
      %add3A_190 = arith.addi %mul3A_188, %add3A_189 : i32
      %add3A_191 = arith.constant 4 : i32
      %add3A_192 = arith.addi %mul3A_60, %add3A_191 : i32
      %dma_wait3A_193 = arith.constant 0 : i32
      %dma_wait3A_194 = arith.constant 0 : i32
      %dma_wait3A_195 = arith.constant 0 : i32
      %dma_wait3A_196 = tpu.memref_slice %arg9[%dma_wait3A_193, %dma_wait3A_194, %dma_wait3A_195] : memref<2x128x128xf32, #tpu.memory_space<vmem>> -> memref<1x128x128xf32, #tpu.memory_space<vmem>>
      %dma_wait3A_197 = tpu.memref_squeeze %dma_wait3A_196 : memref<1x128x128xf32, #tpu.memory_space<vmem>> -> memref<128x128xf32, #tpu.memory_space<vmem>>
      %dma_wait3A_198 = arith.constant 0 : i32
      %dma_wait3A_199 = tpu.memref_slice %arg7[%add3A_192, %dma_wait3A_198] : memref<32x128xi32, #tpu.memory_space<vmem>> -> memref<1x128xi32, #tpu.memory_space<vmem>>
      %dma_wait3A_200 = tpu.memref_squeeze %dma_wait3A_199 : memref<1x128xi32, #tpu.memory_space<vmem>> -> memref<128xi32, #tpu.memory_space<vmem>>
      %dma_wait3A_201 = arith.constant 0 : i32
      %dma_wait3A_202 = arith.constant 0 : i32
      %dma_wait3A_203 = tpu.memref_slice %arg2[%dma_wait3A_201, %dma_wait3A_202] : memref<10000x128xf32, #tpu.memory_space<hbm>> -> memref<10000x128xf32, #tpu.memory_space<hbm>>
      tpu.wait_indirect_dma semaphore(%arg11 : memref<!tpu.dma_semaphore, #tpu.memory_space<semaphore_mem>>) src(%dma_wait3A_203 : memref<10000x128xf32, #tpu.memory_space<hbm>>) dst(%dma_wait3A_197 : memref<128x128xf32, #tpu.memory_space<vmem>>)
      %add3A_204 = arith.constant 4 : i32
      %add3A_205 = arith.addi %mul3A_60, %add3A_204 : i32
      %run_scoped3A_206 = arith.constant 0 : i32
      "tpu.region"() ({
        %run_scoped3A_511 = tpu.sem_alloc : memref<!tpu.dma_semaphore, #tpu.memory_space<semaphore_mem>>
        %dma_start3A_512 = arith.constant 0 : i32
        %dma_start3A_513 = arith.constant 0 : i32
        %dma_start3A_514 = tpu.memref_slice %arg9[%run_scoped3A_206, %dma_start3A_512, %dma_start3A_513] : memref<2x128x128xf32, #tpu.memory_space<vmem>> -> memref<1x128x128xf32, #tpu.memory_space<vmem>>
        %dma_start3A_515 = tpu.memref_squeeze %dma_start3A_514 : memref<1x128x128xf32, #tpu.memory_space<vmem>> -> memref<128x128xf32, #tpu.memory_space<vmem>>
        %dma_start3A_516 = arith.constant 0 : i32
        %dma_start3A_517 = tpu.memref_slice %arg8[%add3A_205, %dma_start3A_516] : memref<32x128xi32, #tpu.memory_space<vmem>> -> memref<1x128xi32, #tpu.memory_space<vmem>>
        %dma_start3A_518 = tpu.memref_squeeze %dma_start3A_517 : memref<1x128xi32, #tpu.memory_space<vmem>> -> memref<128xi32, #tpu.memory_space<vmem>>
        %dma_start3A_519 = arith.constant 0 : i32
        %dma_start3A_520 = arith.constant 0 : i32
        %dma_start3A_521 = tpu.memref_slice %arg10[%dma_start3A_519, %dma_start3A_520] : memref<10112x128xf32, #tpu.memory_space<vmem_shared>> -> memref<10112x128xf32, #tpu.memory_space<vmem_shared>>
        tpu.enqueue_indirect_dma source(%dma_start3A_515 : memref<128x128xf32, #tpu.memory_space<vmem>>) target(%dma_start3A_521 : memref<10112x128xf32, #tpu.memory_space<vmem_shared>>) offsets(%dma_start3A_518 : memref<128xi32, #tpu.memory_space<vmem>>) semaphore(%run_scoped3A_511 : memref<!tpu.dma_semaphore, #tpu.memory_space<semaphore_mem>>) {add = true}
        %dma_wait3A_522 = arith.constant 0 : i32
        %dma_wait3A_523 = arith.constant 0 : i32
        %dma_wait3A_524 = tpu.memref_slice %arg9[%run_scoped3A_206, %dma_wait3A_522, %dma_wait3A_523] : memref<2x128x128xf32, #tpu.memory_space<vmem>> -> memref<1x128x128xf32, #tpu.memory_space<vmem>>
        %dma_wait3A_525 = tpu.memref_squeeze %dma_wait3A_524 : memref<1x128x128xf32, #tpu.memory_space<vmem>> -> memref<128x128xf32, #tpu.memory_space<vmem>>
        %dma_wait3A_526 = arith.constant 0 : i32
        %dma_wait3A_527 = tpu.memref_slice %arg8[%add3A_205, %dma_wait3A_526] : memref<32x128xi32, #tpu.memory_space<vmem>> -> memref<1x128xi32, #tpu.memory_space<vmem>>
        %dma_wait3A_528 = tpu.memref_squeeze %dma_wait3A_527 : memref<1x128xi32, #tpu.memory_space<vmem>> -> memref<128xi32, #tpu.memory_space<vmem>>
        %dma_wait3A_529 = arith.constant 0 : i32
        %dma_wait3A_530 = arith.constant 0 : i32
        %dma_wait3A_531 = tpu.memref_slice %arg10[%dma_wait3A_529, %dma_wait3A_530] : memref<10112x128xf32, #tpu.memory_space<vmem_shared>> -> memref<10112x128xf32, #tpu.memory_space<vmem_shared>>
        tpu.wait_indirect_dma semaphore(%run_scoped3A_511 : memref<!tpu.dma_semaphore, #tpu.memory_space<semaphore_mem>>) src(%dma_wait3A_525 : memref<128x128xf32, #tpu.memory_space<vmem>>) dst(%dma_wait3A_531 : memref<10112x128xf32, #tpu.memory_space<vmem_shared>>)
        tpu.yield
      }) : () -> ()
      %add3A_207 = arith.constant 2 : i32
      %add3A_208 = arith.addi %add3A_190, %add3A_207 : i32
      %lt3A_209 = arith.constant 80 : i32
      %lt3A_210 = arith.cmpi slt, %add3A_208, %lt3A_209 : i32
      %convert_element_type3A_211 = arith.extui %lt3A_210 : i1 to i32
      %cond3A_212 = arith.constant 0 : i32
      %cond3A_213 = arith.cmpi ne, %convert_element_type3A_211, %cond3A_212 : i32
      scf.if %cond3A_213 {
        %add3A_511 = arith.constant 6 : i32
        %add3A_512 = arith.addi %mul3A_60, %add3A_511 : i32
        %dma_start3A_513 = arith.constant 0 : i32
        %dma_start3A_514 = arith.constant 0 : i32
        %dma_start3A_515 = arith.constant 0 : i32
        %dma_start3A_516 = tpu.memref_slice %arg9[%dma_start3A_513, %dma_start3A_514, %dma_start3A_515] : memref<2x128x128xf32, #tpu.memory_space<vmem>> -> memref<1x128x128xf32, #tpu.memory_space<vmem>>
        %dma_start3A_517 = tpu.memref_squeeze %dma_start3A_516 : memref<1x128x128xf32, #tpu.memory_space<vmem>> -> memref<128x128xf32, #tpu.memory_space<vmem>>
        %dma_start3A_518 = arith.constant 0 : i32
        %dma_start3A_519 = tpu.memref_slice %arg7[%add3A_512, %dma_start3A_518] : memref<32x128xi32, #tpu.memory_space<vmem>> -> memref<1x128xi32, #tpu.memory_space<vmem>>
        %dma_start3A_520 = tpu.memref_squeeze %dma_start3A_519 : memref<1x128xi32, #tpu.memory_space<vmem>> -> memref<128xi32, #tpu.memory_space<vmem>>
        %dma_start3A_521 = arith.constant 0 : i32
        %dma_start3A_522 = arith.constant 0 : i32
        %dma_start3A_523 = tpu.memref_slice %arg2[%dma_start3A_521, %dma_start3A_522] : memref<10000x128xf32, #tpu.memory_space<hbm>> -> memref<10000x128xf32, #tpu.memory_space<hbm>>
        tpu.enqueue_indirect_dma source(%dma_start3A_523 : memref<10000x128xf32, #tpu.memory_space<hbm>>) target(%dma_start3A_517 : memref<128x128xf32, #tpu.memory_space<vmem>>) offsets(%dma_start3A_520 : memref<128xi32, #tpu.memory_space<vmem>>) semaphore(%arg11 : memref<!tpu.dma_semaphore, #tpu.memory_space<semaphore_mem>>)
      } else {
      }
      %mul3A_214 = arith.constant 16 : i32
      %mul3A_215 = arith.muli %add3A_44, %mul3A_214 : i32
      %add3A_216 = arith.constant 5 : i32
      %add3A_217 = arith.addi %mul3A_215, %add3A_216 : i32
      %add3A_218 = arith.constant 5 : i32
      %add3A_219 = arith.addi %mul3A_60, %add3A_218 : i32
      %dma_wait3A_220 = arith.constant 1 : i32
      %dma_wait3A_221 = arith.constant 0 : i32
      %dma_wait3A_222 = arith.constant 0 : i32
      %dma_wait3A_223 = tpu.memref_slice %arg9[%dma_wait3A_220, %dma_wait3A_221, %dma_wait3A_222] : memref<2x128x128xf32, #tpu.memory_space<vmem>> -> memref<1x128x128xf32, #tpu.memory_space<vmem>>
      %dma_wait3A_224 = tpu.memref_squeeze %dma_wait3A_223 : memref<1x128x128xf32, #tpu.memory_space<vmem>> -> memref<128x128xf32, #tpu.memory_space<vmem>>
      %dma_wait3A_225 = arith.constant 0 : i32
      %dma_wait3A_226 = tpu.memref_slice %arg7[%add3A_219, %dma_wait3A_225] : memref<32x128xi32, #tpu.memory_space<vmem>> -> memref<1x128xi32, #tpu.memory_space<vmem>>
      %dma_wait3A_227 = tpu.memref_squeeze %dma_wait3A_226 : memref<1x128xi32, #tpu.memory_space<vmem>> -> memref<128xi32, #tpu.memory_space<vmem>>
      %dma_wait3A_228 = arith.constant 0 : i32
      %dma_wait3A_229 = arith.constant 0 : i32
      %dma_wait3A_230 = tpu.memref_slice %arg2[%dma_wait3A_228, %dma_wait3A_229] : memref<10000x128xf32, #tpu.memory_space<hbm>> -> memref<10000x128xf32, #tpu.memory_space<hbm>>
      tpu.wait_indirect_dma semaphore(%arg11 : memref<!tpu.dma_semaphore, #tpu.memory_space<semaphore_mem>>) src(%dma_wait3A_230 : memref<10000x128xf32, #tpu.memory_space<hbm>>) dst(%dma_wait3A_224 : memref<128x128xf32, #tpu.memory_space<vmem>>)
      %add3A_231 = arith.constant 5 : i32
      %add3A_232 = arith.addi %mul3A_60, %add3A_231 : i32
      %run_scoped3A_233 = arith.constant 1 : i32
      "tpu.region"() ({
        %run_scoped3A_511 = tpu.sem_alloc : memref<!tpu.dma_semaphore, #tpu.memory_space<semaphore_mem>>
        %dma_start3A_512 = arith.constant 0 : i32
        %dma_start3A_513 = arith.constant 0 : i32
        %dma_start3A_514 = tpu.memref_slice %arg9[%run_scoped3A_233, %dma_start3A_512, %dma_start3A_513] : memref<2x128x128xf32, #tpu.memory_space<vmem>> -> memref<1x128x128xf32, #tpu.memory_space<vmem>>
        %dma_start3A_515 = tpu.memref_squeeze %dma_start3A_514 : memref<1x128x128xf32, #tpu.memory_space<vmem>> -> memref<128x128xf32, #tpu.memory_space<vmem>>
        %dma_start3A_516 = arith.constant 0 : i32
        %dma_start3A_517 = tpu.memref_slice %arg8[%add3A_232, %dma_start3A_516] : memref<32x128xi32, #tpu.memory_space<vmem>> -> memref<1x128xi32, #tpu.memory_space<vmem>>
        %dma_start3A_518 = tpu.memref_squeeze %dma_start3A_517 : memref<1x128xi32, #tpu.memory_space<vmem>> -> memref<128xi32, #tpu.memory_space<vmem>>
        %dma_start3A_519 = arith.constant 0 : i32
        %dma_start3A_520 = arith.constant 0 : i32
        %dma_start3A_521 = tpu.memref_slice %arg10[%dma_start3A_519, %dma_start3A_520] : memref<10112x128xf32, #tpu.memory_space<vmem_shared>> -> memref<10112x128xf32, #tpu.memory_space<vmem_shared>>
        tpu.enqueue_indirect_dma source(%dma_start3A_515 : memref<128x128xf32, #tpu.memory_space<vmem>>) target(%dma_start3A_521 : memref<10112x128xf32, #tpu.memory_space<vmem_shared>>) offsets(%dma_start3A_518 : memref<128xi32, #tpu.memory_space<vmem>>) semaphore(%run_scoped3A_511 : memref<!tpu.dma_semaphore, #tpu.memory_space<semaphore_mem>>) {add = true}
        %dma_wait3A_522 = arith.constant 0 : i32
        %dma_wait3A_523 = arith.constant 0 : i32
        %dma_wait3A_524 = tpu.memref_slice %arg9[%run_scoped3A_233, %dma_wait3A_522, %dma_wait3A_523] : memref<2x128x128xf32, #tpu.memory_space<vmem>> -> memref<1x128x128xf32, #tpu.memory_space<vmem>>
        %dma_wait3A_525 = tpu.memref_squeeze %dma_wait3A_524 : memref<1x128x128xf32, #tpu.memory_space<vmem>> -> memref<128x128xf32, #tpu.memory_space<vmem>>
        %dma_wait3A_526 = arith.constant 0 : i32
        %dma_wait3A_527 = tpu.memref_slice %arg8[%add3A_232, %dma_wait3A_526] : memref<32x128xi32, #tpu.memory_space<vmem>> -> memref<1x128xi32, #tpu.memory_space<vmem>>
        %dma_wait3A_528 = tpu.memref_squeeze %dma_wait3A_527 : memref<1x128xi32, #tpu.memory_space<vmem>> -> memref<128xi32, #tpu.memory_space<vmem>>
        %dma_wait3A_529 = arith.constant 0 : i32
        %dma_wait3A_530 = arith.constant 0 : i32
        %dma_wait3A_531 = tpu.memref_slice %arg10[%dma_wait3A_529, %dma_wait3A_530] : memref<10112x128xf32, #tpu.memory_space<vmem_shared>> -> memref<10112x128xf32, #tpu.memory_space<vmem_shared>>
        tpu.wait_indirect_dma semaphore(%run_scoped3A_511 : memref<!tpu.dma_semaphore, #tpu.memory_space<semaphore_mem>>) src(%dma_wait3A_525 : memref<128x128xf32, #tpu.memory_space<vmem>>) dst(%dma_wait3A_531 : memref<10112x128xf32, #tpu.memory_space<vmem_shared>>)
        tpu.yield
      }) : () -> ()
      %add3A_234 = arith.constant 2 : i32
      %add3A_235 = arith.addi %add3A_217, %add3A_234 : i32
      %lt3A_236 = arith.constant 80 : i32
      %lt3A_237 = arith.cmpi slt, %add3A_235, %lt3A_236 : i32
      %convert_element_type3A_238 = arith.extui %lt3A_237 : i1 to i32
      %cond3A_239 = arith.constant 0 : i32
      %cond3A_240 = arith.cmpi ne, %convert_element_type3A_238, %cond3A_239 : i32
      scf.if %cond3A_240 {
        %add3A_511 = arith.constant 7 : i32
        %add3A_512 = arith.addi %mul3A_60, %add3A_511 : i32
        %dma_start3A_513 = arith.constant 1 : i32
        %dma_start3A_514 = arith.constant 0 : i32
        %dma_start3A_515 = arith.constant 0 : i32
        %dma_start3A_516 = tpu.memref_slice %arg9[%dma_start3A_513, %dma_start3A_514, %dma_start3A_515] : memref<2x128x128xf32, #tpu.memory_space<vmem>> -> memref<1x128x128xf32, #tpu.memory_space<vmem>>
        %dma_start3A_517 = tpu.memref_squeeze %dma_start3A_516 : memref<1x128x128xf32, #tpu.memory_space<vmem>> -> memref<128x128xf32, #tpu.memory_space<vmem>>
        %dma_start3A_518 = arith.constant 0 : i32
        %dma_start3A_519 = tpu.memref_slice %arg7[%add3A_512, %dma_start3A_518] : memref<32x128xi32, #tpu.memory_space<vmem>> -> memref<1x128xi32, #tpu.memory_space<vmem>>
        %dma_start3A_520 = tpu.memref_squeeze %dma_start3A_519 : memref<1x128xi32, #tpu.memory_space<vmem>> -> memref<128xi32, #tpu.memory_space<vmem>>
        %dma_start3A_521 = arith.constant 0 : i32
        %dma_start3A_522 = arith.constant 0 : i32
        %dma_start3A_523 = tpu.memref_slice %arg2[%dma_start3A_521, %dma_start3A_522] : memref<10000x128xf32, #tpu.memory_space<hbm>> -> memref<10000x128xf32, #tpu.memory_space<hbm>>
        tpu.enqueue_indirect_dma source(%dma_start3A_523 : memref<10000x128xf32, #tpu.memory_space<hbm>>) target(%dma_start3A_517 : memref<128x128xf32, #tpu.memory_space<vmem>>) offsets(%dma_start3A_520 : memref<128xi32, #tpu.memory_space<vmem>>) semaphore(%arg11 : memref<!tpu.dma_semaphore, #tpu.memory_space<semaphore_mem>>)
      } else {
      }
      %mul3A_241 = arith.constant 16 : i32
      %mul3A_242 = arith.muli %add3A_44, %mul3A_241 : i32
      %add3A_243 = arith.constant 6 : i32
      %add3A_244 = arith.addi %mul3A_242, %add3A_243 : i32
      %add3A_245 = arith.constant 6 : i32
      %add3A_246 = arith.addi %mul3A_60, %add3A_245 : i32
      %dma_wait3A_247 = arith.constant 0 : i32
      %dma_wait3A_248 = arith.constant 0 : i32
      %dma_wait3A_249 = arith.constant 0 : i32
      %dma_wait3A_250 = tpu.memref_slice %arg9[%dma_wait3A_247, %dma_wait3A_248, %dma_wait3A_249] : memref<2x128x128xf32, #tpu.memory_space<vmem>> -> memref<1x128x128xf32, #tpu.memory_space<vmem>>
      %dma_wait3A_251 = tpu.memref_squeeze %dma_wait3A_250 : memref<1x128x128xf32, #tpu.memory_space<vmem>> -> memref<128x128xf32, #tpu.memory_space<vmem>>
      %dma_wait3A_252 = arith.constant 0 : i32
      %dma_wait3A_253 = tpu.memref_slice %arg7[%add3A_246, %dma_wait3A_252] : memref<32x128xi32, #tpu.memory_space<vmem>> -> memref<1x128xi32, #tpu.memory_space<vmem>>
      %dma_wait3A_254 = tpu.memref_squeeze %dma_wait3A_253 : memref<1x128xi32, #tpu.memory_space<vmem>> -> memref<128xi32, #tpu.memory_space<vmem>>
      %dma_wait3A_255 = arith.constant 0 : i32
      %dma_wait3A_256 = arith.constant 0 : i32
      %dma_wait3A_257 = tpu.memref_slice %arg2[%dma_wait3A_255, %dma_wait3A_256] : memref<10000x128xf32, #tpu.memory_space<hbm>> -> memref<10000x128xf32, #tpu.memory_space<hbm>>
      tpu.wait_indirect_dma semaphore(%arg11 : memref<!tpu.dma_semaphore, #tpu.memory_space<semaphore_mem>>) src(%dma_wait3A_257 : memref<10000x128xf32, #tpu.memory_space<hbm>>) dst(%dma_wait3A_251 : memref<128x128xf32, #tpu.memory_space<vmem>>)
      %add3A_258 = arith.constant 6 : i32
      %add3A_259 = arith.addi %mul3A_60, %add3A_258 : i32
      %run_scoped3A_260 = arith.constant 0 : i32
      "tpu.region"() ({
        %run_scoped3A_511 = tpu.sem_alloc : memref<!tpu.dma_semaphore, #tpu.memory_space<semaphore_mem>>
        %dma_start3A_512 = arith.constant 0 : i32
        %dma_start3A_513 = arith.constant 0 : i32
        %dma_start3A_514 = tpu.memref_slice %arg9[%run_scoped3A_260, %dma_start3A_512, %dma_start3A_513] : memref<2x128x128xf32, #tpu.memory_space<vmem>> -> memref<1x128x128xf32, #tpu.memory_space<vmem>>
        %dma_start3A_515 = tpu.memref_squeeze %dma_start3A_514 : memref<1x128x128xf32, #tpu.memory_space<vmem>> -> memref<128x128xf32, #tpu.memory_space<vmem>>
        %dma_start3A_516 = arith.constant 0 : i32
        %dma_start3A_517 = tpu.memref_slice %arg8[%add3A_259, %dma_start3A_516] : memref<32x128xi32, #tpu.memory_space<vmem>> -> memref<1x128xi32, #tpu.memory_space<vmem>>
        %dma_start3A_518 = tpu.memref_squeeze %dma_start3A_517 : memref<1x128xi32, #tpu.memory_space<vmem>> -> memref<128xi32, #tpu.memory_space<vmem>>
        %dma_start3A_519 = arith.constant 0 : i32
        %dma_start3A_520 = arith.constant 0 : i32
        %dma_start3A_521 = tpu.memref_slice %arg10[%dma_start3A_519, %dma_start3A_520] : memref<10112x128xf32, #tpu.memory_space<vmem_shared>> -> memref<10112x128xf32, #tpu.memory_space<vmem_shared>>
        tpu.enqueue_indirect_dma source(%dma_start3A_515 : memref<128x128xf32, #tpu.memory_space<vmem>>) target(%dma_start3A_521 : memref<10112x128xf32, #tpu.memory_space<vmem_shared>>) offsets(%dma_start3A_518 : memref<128xi32, #tpu.memory_space<vmem>>) semaphore(%run_scoped3A_511 : memref<!tpu.dma_semaphore, #tpu.memory_space<semaphore_mem>>) {add = true}
        %dma_wait3A_522 = arith.constant 0 : i32
        %dma_wait3A_523 = arith.constant 0 : i32
        %dma_wait3A_524 = tpu.memref_slice %arg9[%run_scoped3A_260, %dma_wait3A_522, %dma_wait3A_523] : memref<2x128x128xf32, #tpu.memory_space<vmem>> -> memref<1x128x128xf32, #tpu.memory_space<vmem>>
        %dma_wait3A_525 = tpu.memref_squeeze %dma_wait3A_524 : memref<1x128x128xf32, #tpu.memory_space<vmem>> -> memref<128x128xf32, #tpu.memory_space<vmem>>
        %dma_wait3A_526 = arith.constant 0 : i32
        %dma_wait3A_527 = tpu.memref_slice %arg8[%add3A_259, %dma_wait3A_526] : memref<32x128xi32, #tpu.memory_space<vmem>> -> memref<1x128xi32, #tpu.memory_space<vmem>>
        %dma_wait3A_528 = tpu.memref_squeeze %dma_wait3A_527 : memref<1x128xi32, #tpu.memory_space<vmem>> -> memref<128xi32, #tpu.memory_space<vmem>>
        %dma_wait3A_529 = arith.constant 0 : i32
        %dma_wait3A_530 = arith.constant 0 : i32
        %dma_wait3A_531 = tpu.memref_slice %arg10[%dma_wait3A_529, %dma_wait3A_530] : memref<10112x128xf32, #tpu.memory_space<vmem_shared>> -> memref<10112x128xf32, #tpu.memory_space<vmem_shared>>
        tpu.wait_indirect_dma semaphore(%run_scoped3A_511 : memref<!tpu.dma_semaphore, #tpu.memory_space<semaphore_mem>>) src(%dma_wait3A_525 : memref<128x128xf32, #tpu.memory_space<vmem>>) dst(%dma_wait3A_531 : memref<10112x128xf32, #tpu.memory_space<vmem_shared>>)
        tpu.yield
      }) : () -> ()
      %add3A_261 = arith.constant 2 : i32
      %add3A_262 = arith.addi %add3A_244, %add3A_261 : i32
      %lt3A_263 = arith.constant 80 : i32
      %lt3A_264 = arith.cmpi slt, %add3A_262, %lt3A_263 : i32
      %convert_element_type3A_265 = arith.extui %lt3A_264 : i1 to i32
      %cond3A_266 = arith.constant 0 : i32
      %cond3A_267 = arith.cmpi ne, %convert_element_type3A_265, %cond3A_266 : i32
      scf.if %cond3A_267 {
        %add3A_511 = arith.constant 8 : i32
        %add3A_512 = arith.addi %mul3A_60, %add3A_511 : i32
        %dma_start3A_513 = arith.constant 0 : i32
        %dma_start3A_514 = arith.constant 0 : i32
        %dma_start3A_515 = arith.constant 0 : i32
        %dma_start3A_516 = tpu.memref_slice %arg9[%dma_start3A_513, %dma_start3A_514, %dma_start3A_515] : memref<2x128x128xf32, #tpu.memory_space<vmem>> -> memref<1x128x128xf32, #tpu.memory_space<vmem>>
        %dma_start3A_517 = tpu.memref_squeeze %dma_start3A_516 : memref<1x128x128xf32, #tpu.memory_space<vmem>> -> memref<128x128xf32, #tpu.memory_space<vmem>>
        %dma_start3A_518 = arith.constant 0 : i32
        %dma_start3A_519 = tpu.memref_slice %arg7[%add3A_512, %dma_start3A_518] : memref<32x128xi32, #tpu.memory_space<vmem>> -> memref<1x128xi32, #tpu.memory_space<vmem>>
        %dma_start3A_520 = tpu.memref_squeeze %dma_start3A_519 : memref<1x128xi32, #tpu.memory_space<vmem>> -> memref<128xi32, #tpu.memory_space<vmem>>
        %dma_start3A_521 = arith.constant 0 : i32
        %dma_start3A_522 = arith.constant 0 : i32
        %dma_start3A_523 = tpu.memref_slice %arg2[%dma_start3A_521, %dma_start3A_522] : memref<10000x128xf32, #tpu.memory_space<hbm>> -> memref<10000x128xf32, #tpu.memory_space<hbm>>
        tpu.enqueue_indirect_dma source(%dma_start3A_523 : memref<10000x128xf32, #tpu.memory_space<hbm>>) target(%dma_start3A_517 : memref<128x128xf32, #tpu.memory_space<vmem>>) offsets(%dma_start3A_520 : memref<128xi32, #tpu.memory_space<vmem>>) semaphore(%arg11 : memref<!tpu.dma_semaphore, #tpu.memory_space<semaphore_mem>>)
      } else {
      }
      %mul3A_268 = arith.constant 16 : i32
      %mul3A_269 = arith.muli %add3A_44, %mul3A_268 : i32
      %add3A_270 = arith.constant 7 : i32
      %add3A_271 = arith.addi %mul3A_269, %add3A_270 : i32
      %add3A_272 = arith.constant 7 : i32
      %add3A_273 = arith.addi %mul3A_60, %add3A_272 : i32
      %dma_wait3A_274 = arith.constant 1 : i32
      %dma_wait3A_275 = arith.constant 0 : i32
      %dma_wait3A_276 = arith.constant 0 : i32
      %dma_wait3A_277 = tpu.memref_slice %arg9[%dma_wait3A_274, %dma_wait3A_275, %dma_wait3A_276] : memref<2x128x128xf32, #tpu.memory_space<vmem>> -> memref<1x128x128xf32, #tpu.memory_space<vmem>>
      %dma_wait3A_278 = tpu.memref_squeeze %dma_wait3A_277 : memref<1x128x128xf32, #tpu.memory_space<vmem>> -> memref<128x128xf32, #tpu.memory_space<vmem>>
      %dma_wait3A_279 = arith.constant 0 : i32
      %dma_wait3A_280 = tpu.memref_slice %arg7[%add3A_273, %dma_wait3A_279] : memref<32x128xi32, #tpu.memory_space<vmem>> -> memref<1x128xi32, #tpu.memory_space<vmem>>
      %dma_wait3A_281 = tpu.memref_squeeze %dma_wait3A_280 : memref<1x128xi32, #tpu.memory_space<vmem>> -> memref<128xi32, #tpu.memory_space<vmem>>
      %dma_wait3A_282 = arith.constant 0 : i32
      %dma_wait3A_283 = arith.constant 0 : i32
      %dma_wait3A_284 = tpu.memref_slice %arg2[%dma_wait3A_282, %dma_wait3A_283] : memref<10000x128xf32, #tpu.memory_space<hbm>> -> memref<10000x128xf32, #tpu.memory_space<hbm>>
      tpu.wait_indirect_dma semaphore(%arg11 : memref<!tpu.dma_semaphore, #tpu.memory_space<semaphore_mem>>) src(%dma_wait3A_284 : memref<10000x128xf32, #tpu.memory_space<hbm>>) dst(%dma_wait3A_278 : memref<128x128xf32, #tpu.memory_space<vmem>>)
      %add3A_285 = arith.constant 7 : i32
      %add3A_286 = arith.addi %mul3A_60, %add3A_285 : i32
      %run_scoped3A_287 = arith.constant 1 : i32
      "tpu.region"() ({
        %run_scoped3A_511 = tpu.sem_alloc : memref<!tpu.dma_semaphore, #tpu.memory_space<semaphore_mem>>
        %dma_start3A_512 = arith.constant 0 : i32
        %dma_start3A_513 = arith.constant 0 : i32
        %dma_start3A_514 = tpu.memref_slice %arg9[%run_scoped3A_287, %dma_start3A_512, %dma_start3A_513] : memref<2x128x128xf32, #tpu.memory_space<vmem>> -> memref<1x128x128xf32, #tpu.memory_space<vmem>>
        %dma_start3A_515 = tpu.memref_squeeze %dma_start3A_514 : memref<1x128x128xf32, #tpu.memory_space<vmem>> -> memref<128x128xf32, #tpu.memory_space<vmem>>
        %dma_start3A_516 = arith.constant 0 : i32
        %dma_start3A_517 = tpu.memref_slice %arg8[%add3A_286, %dma_start3A_516] : memref<32x128xi32, #tpu.memory_space<vmem>> -> memref<1x128xi32, #tpu.memory_space<vmem>>
        %dma_start3A_518 = tpu.memref_squeeze %dma_start3A_517 : memref<1x128xi32, #tpu.memory_space<vmem>> -> memref<128xi32, #tpu.memory_space<vmem>>
        %dma_start3A_519 = arith.constant 0 : i32
        %dma_start3A_520 = arith.constant 0 : i32
        %dma_start3A_521 = tpu.memref_slice %arg10[%dma_start3A_519, %dma_start3A_520] : memref<10112x128xf32, #tpu.memory_space<vmem_shared>> -> memref<10112x128xf32, #tpu.memory_space<vmem_shared>>
        tpu.enqueue_indirect_dma source(%dma_start3A_515 : memref<128x128xf32, #tpu.memory_space<vmem>>) target(%dma_start3A_521 : memref<10112x128xf32, #tpu.memory_space<vmem_shared>>) offsets(%dma_start3A_518 : memref<128xi32, #tpu.memory_space<vmem>>) semaphore(%run_scoped3A_511 : memref<!tpu.dma_semaphore, #tpu.memory_space<semaphore_mem>>) {add = true}
        %dma_wait3A_522 = arith.constant 0 : i32
        %dma_wait3A_523 = arith.constant 0 : i32
        %dma_wait3A_524 = tpu.memref_slice %arg9[%run_scoped3A_287, %dma_wait3A_522, %dma_wait3A_523] : memref<2x128x128xf32, #tpu.memory_space<vmem>> -> memref<1x128x128xf32, #tpu.memory_space<vmem>>
        %dma_wait3A_525 = tpu.memref_squeeze %dma_wait3A_524 : memref<1x128x128xf32, #tpu.memory_space<vmem>> -> memref<128x128xf32, #tpu.memory_space<vmem>>
        %dma_wait3A_526 = arith.constant 0 : i32
        %dma_wait3A_527 = tpu.memref_slice %arg8[%add3A_286, %dma_wait3A_526] : memref<32x128xi32, #tpu.memory_space<vmem>> -> memref<1x128xi32, #tpu.memory_space<vmem>>
        %dma_wait3A_528 = tpu.memref_squeeze %dma_wait3A_527 : memref<1x128xi32, #tpu.memory_space<vmem>> -> memref<128xi32, #tpu.memory_space<vmem>>
        %dma_wait3A_529 = arith.constant 0 : i32
        %dma_wait3A_530 = arith.constant 0 : i32
        %dma_wait3A_531 = tpu.memref_slice %arg10[%dma_wait3A_529, %dma_wait3A_530] : memref<10112x128xf32, #tpu.memory_space<vmem_shared>> -> memref<10112x128xf32, #tpu.memory_space<vmem_shared>>
        tpu.wait_indirect_dma semaphore(%run_scoped3A_511 : memref<!tpu.dma_semaphore, #tpu.memory_space<semaphore_mem>>) src(%dma_wait3A_525 : memref<128x128xf32, #tpu.memory_space<vmem>>) dst(%dma_wait3A_531 : memref<10112x128xf32, #tpu.memory_space<vmem_shared>>)
        tpu.yield
      }) : () -> ()
      %add3A_288 = arith.constant 2 : i32
      %add3A_289 = arith.addi %add3A_271, %add3A_288 : i32
      %lt3A_290 = arith.constant 80 : i32
      %lt3A_291 = arith.cmpi slt, %add3A_289, %lt3A_290 : i32
      %convert_element_type3A_292 = arith.extui %lt3A_291 : i1 to i32
      %cond3A_293 = arith.constant 0 : i32
      %cond3A_294 = arith.cmpi ne, %convert_element_type3A_292, %cond3A_293 : i32
      scf.if %cond3A_294 {
        %add3A_511 = arith.constant 9 : i32
        %add3A_512 = arith.addi %mul3A_60, %add3A_511 : i32
        %dma_start3A_513 = arith.constant 1 : i32
        %dma_start3A_514 = arith.constant 0 : i32
        %dma_start3A_515 = arith.constant 0 : i32
        %dma_start3A_516 = tpu.memref_slice %arg9[%dma_start3A_513, %dma_start3A_514, %dma_start3A_515] : memref<2x128x128xf32, #tpu.memory_space<vmem>> -> memref<1x128x128xf32, #tpu.memory_space<vmem>>
        %dma_start3A_517 = tpu.memref_squeeze %dma_start3A_516 : memref<1x128x128xf32, #tpu.memory_space<vmem>> -> memref<128x128xf32, #tpu.memory_space<vmem>>
        %dma_start3A_518 = arith.constant 0 : i32
        %dma_start3A_519 = tpu.memref_slice %arg7[%add3A_512, %dma_start3A_518] : memref<32x128xi32, #tpu.memory_space<vmem>> -> memref<1x128xi32, #tpu.memory_space<vmem>>
        %dma_start3A_520 = tpu.memref_squeeze %dma_start3A_519 : memref<1x128xi32, #tpu.memory_space<vmem>> -> memref<128xi32, #tpu.memory_space<vmem>>
        %dma_start3A_521 = arith.constant 0 : i32
        %dma_start3A_522 = arith.constant 0 : i32
        %dma_start3A_523 = tpu.memref_slice %arg2[%dma_start3A_521, %dma_start3A_522] : memref<10000x128xf32, #tpu.memory_space<hbm>> -> memref<10000x128xf32, #tpu.memory_space<hbm>>
        tpu.enqueue_indirect_dma source(%dma_start3A_523 : memref<10000x128xf32, #tpu.memory_space<hbm>>) target(%dma_start3A_517 : memref<128x128xf32, #tpu.memory_space<vmem>>) offsets(%dma_start3A_520 : memref<128xi32, #tpu.memory_space<vmem>>) semaphore(%arg11 : memref<!tpu.dma_semaphore, #tpu.memory_space<semaphore_mem>>)
      } else {
      }
      %mul3A_295 = arith.constant 16 : i32
      %mul3A_296 = arith.muli %add3A_44, %mul3A_295 : i32
      %add3A_297 = arith.constant 8 : i32
      %add3A_298 = arith.addi %mul3A_296, %add3A_297 : i32
      %add3A_299 = arith.constant 8 : i32
      %add3A_300 = arith.addi %mul3A_60, %add3A_299 : i32
      %dma_wait3A_301 = arith.constant 0 : i32
      %dma_wait3A_302 = arith.constant 0 : i32
      %dma_wait3A_303 = arith.constant 0 : i32
      %dma_wait3A_304 = tpu.memref_slice %arg9[%dma_wait3A_301, %dma_wait3A_302, %dma_wait3A_303] : memref<2x128x128xf32, #tpu.memory_space<vmem>> -> memref<1x128x128xf32, #tpu.memory_space<vmem>>
      %dma_wait3A_305 = tpu.memref_squeeze %dma_wait3A_304 : memref<1x128x128xf32, #tpu.memory_space<vmem>> -> memref<128x128xf32, #tpu.memory_space<vmem>>
      %dma_wait3A_306 = arith.constant 0 : i32
      %dma_wait3A_307 = tpu.memref_slice %arg7[%add3A_300, %dma_wait3A_306] : memref<32x128xi32, #tpu.memory_space<vmem>> -> memref<1x128xi32, #tpu.memory_space<vmem>>
      %dma_wait3A_308 = tpu.memref_squeeze %dma_wait3A_307 : memref<1x128xi32, #tpu.memory_space<vmem>> -> memref<128xi32, #tpu.memory_space<vmem>>
      %dma_wait3A_309 = arith.constant 0 : i32
      %dma_wait3A_310 = arith.constant 0 : i32
      %dma_wait3A_311 = tpu.memref_slice %arg2[%dma_wait3A_309, %dma_wait3A_310] : memref<10000x128xf32, #tpu.memory_space<hbm>> -> memref<10000x128xf32, #tpu.memory_space<hbm>>
      tpu.wait_indirect_dma semaphore(%arg11 : memref<!tpu.dma_semaphore, #tpu.memory_space<semaphore_mem>>) src(%dma_wait3A_311 : memref<10000x128xf32, #tpu.memory_space<hbm>>) dst(%dma_wait3A_305 : memref<128x128xf32, #tpu.memory_space<vmem>>)
      %add3A_312 = arith.constant 8 : i32
      %add3A_313 = arith.addi %mul3A_60, %add3A_312 : i32
      %run_scoped3A_314 = arith.constant 0 : i32
      "tpu.region"() ({
        %run_scoped3A_511 = tpu.sem_alloc : memref<!tpu.dma_semaphore, #tpu.memory_space<semaphore_mem>>
        %dma_start3A_512 = arith.constant 0 : i32
        %dma_start3A_513 = arith.constant 0 : i32
        %dma_start3A_514 = tpu.memref_slice %arg9[%run_scoped3A_314, %dma_start3A_512, %dma_start3A_513] : memref<2x128x128xf32, #tpu.memory_space<vmem>> -> memref<1x128x128xf32, #tpu.memory_space<vmem>>
        %dma_start3A_515 = tpu.memref_squeeze %dma_start3A_514 : memref<1x128x128xf32, #tpu.memory_space<vmem>> -> memref<128x128xf32, #tpu.memory_space<vmem>>
        %dma_start3A_516 = arith.constant 0 : i32
        %dma_start3A_517 = tpu.memref_slice %arg8[%add3A_313, %dma_start3A_516] : memref<32x128xi32, #tpu.memory_space<vmem>> -> memref<1x128xi32, #tpu.memory_space<vmem>>
        %dma_start3A_518 = tpu.memref_squeeze %dma_start3A_517 : memref<1x128xi32, #tpu.memory_space<vmem>> -> memref<128xi32, #tpu.memory_space<vmem>>
        %dma_start3A_519 = arith.constant 0 : i32
        %dma_start3A_520 = arith.constant 0 : i32
        %dma_start3A_521 = tpu.memref_slice %arg10[%dma_start3A_519, %dma_start3A_520] : memref<10112x128xf32, #tpu.memory_space<vmem_shared>> -> memref<10112x128xf32, #tpu.memory_space<vmem_shared>>
        tpu.enqueue_indirect_dma source(%dma_start3A_515 : memref<128x128xf32, #tpu.memory_space<vmem>>) target(%dma_start3A_521 : memref<10112x128xf32, #tpu.memory_space<vmem_shared>>) offsets(%dma_start3A_518 : memref<128xi32, #tpu.memory_space<vmem>>) semaphore(%run_scoped3A_511 : memref<!tpu.dma_semaphore, #tpu.memory_space<semaphore_mem>>) {add = true}
        %dma_wait3A_522 = arith.constant 0 : i32
        %dma_wait3A_523 = arith.constant 0 : i32
        %dma_wait3A_524 = tpu.memref_slice %arg9[%run_scoped3A_314, %dma_wait3A_522, %dma_wait3A_523] : memref<2x128x128xf32, #tpu.memory_space<vmem>> -> memref<1x128x128xf32, #tpu.memory_space<vmem>>
        %dma_wait3A_525 = tpu.memref_squeeze %dma_wait3A_524 : memref<1x128x128xf32, #tpu.memory_space<vmem>> -> memref<128x128xf32, #tpu.memory_space<vmem>>
        %dma_wait3A_526 = arith.constant 0 : i32
        %dma_wait3A_527 = tpu.memref_slice %arg8[%add3A_313, %dma_wait3A_526] : memref<32x128xi32, #tpu.memory_space<vmem>> -> memref<1x128xi32, #tpu.memory_space<vmem>>
        %dma_wait3A_528 = tpu.memref_squeeze %dma_wait3A_527 : memref<1x128xi32, #tpu.memory_space<vmem>> -> memref<128xi32, #tpu.memory_space<vmem>>
        %dma_wait3A_529 = arith.constant 0 : i32
        %dma_wait3A_530 = arith.constant 0 : i32
        %dma_wait3A_531 = tpu.memref_slice %arg10[%dma_wait3A_529, %dma_wait3A_530] : memref<10112x128xf32, #tpu.memory_space<vmem_shared>> -> memref<10112x128xf32, #tpu.memory_space<vmem_shared>>
        tpu.wait_indirect_dma semaphore(%run_scoped3A_511 : memref<!tpu.dma_semaphore, #tpu.memory_space<semaphore_mem>>) src(%dma_wait3A_525 : memref<128x128xf32, #tpu.memory_space<vmem>>) dst(%dma_wait3A_531 : memref<10112x128xf32, #tpu.memory_space<vmem_shared>>)
        tpu.yield
      }) : () -> ()
      %add3A_315 = arith.constant 2 : i32
      %add3A_316 = arith.addi %add3A_298, %add3A_315 : i32
      %lt3A_317 = arith.constant 80 : i32
      %lt3A_318 = arith.cmpi slt, %add3A_316, %lt3A_317 : i32
      %convert_element_type3A_319 = arith.extui %lt3A_318 : i1 to i32
      %cond3A_320 = arith.constant 0 : i32
      %cond3A_321 = arith.cmpi ne, %convert_element_type3A_319, %cond3A_320 : i32
      scf.if %cond3A_321 {
        %add3A_511 = arith.constant 10 : i32
        %add3A_512 = arith.addi %mul3A_60, %add3A_511 : i32
        %dma_start3A_513 = arith.constant 0 : i32
        %dma_start3A_514 = arith.constant 0 : i32
        %dma_start3A_515 = arith.constant 0 : i32
        %dma_start3A_516 = tpu.memref_slice %arg9[%dma_start3A_513, %dma_start3A_514, %dma_start3A_515] : memref<2x128x128xf32, #tpu.memory_space<vmem>> -> memref<1x128x128xf32, #tpu.memory_space<vmem>>
        %dma_start3A_517 = tpu.memref_squeeze %dma_start3A_516 : memref<1x128x128xf32, #tpu.memory_space<vmem>> -> memref<128x128xf32, #tpu.memory_space<vmem>>
        %dma_start3A_518 = arith.constant 0 : i32
        %dma_start3A_519 = tpu.memref_slice %arg7[%add3A_512, %dma_start3A_518] : memref<32x128xi32, #tpu.memory_space<vmem>> -> memref<1x128xi32, #tpu.memory_space<vmem>>
        %dma_start3A_520 = tpu.memref_squeeze %dma_start3A_519 : memref<1x128xi32, #tpu.memory_space<vmem>> -> memref<128xi32, #tpu.memory_space<vmem>>
        %dma_start3A_521 = arith.constant 0 : i32
        %dma_start3A_522 = arith.constant 0 : i32
        %dma_start3A_523 = tpu.memref_slice %arg2[%dma_start3A_521, %dma_start3A_522] : memref<10000x128xf32, #tpu.memory_space<hbm>> -> memref<10000x128xf32, #tpu.memory_space<hbm>>
        tpu.enqueue_indirect_dma source(%dma_start3A_523 : memref<10000x128xf32, #tpu.memory_space<hbm>>) target(%dma_start3A_517 : memref<128x128xf32, #tpu.memory_space<vmem>>) offsets(%dma_start3A_520 : memref<128xi32, #tpu.memory_space<vmem>>) semaphore(%arg11 : memref<!tpu.dma_semaphore, #tpu.memory_space<semaphore_mem>>)
      } else {
      }
      %mul3A_322 = arith.constant 16 : i32
      %mul3A_323 = arith.muli %add3A_44, %mul3A_322 : i32
      %add3A_324 = arith.constant 9 : i32
      %add3A_325 = arith.addi %mul3A_323, %add3A_324 : i32
      %add3A_326 = arith.constant 9 : i32
      %add3A_327 = arith.addi %mul3A_60, %add3A_326 : i32
      %dma_wait3A_328 = arith.constant 1 : i32
      %dma_wait3A_329 = arith.constant 0 : i32
      %dma_wait3A_330 = arith.constant 0 : i32
      %dma_wait3A_331 = tpu.memref_slice %arg9[%dma_wait3A_328, %dma_wait3A_329, %dma_wait3A_330] : memref<2x128x128xf32, #tpu.memory_space<vmem>> -> memref<1x128x128xf32, #tpu.memory_space<vmem>>
      %dma_wait3A_332 = tpu.memref_squeeze %dma_wait3A_331 : memref<1x128x128xf32, #tpu.memory_space<vmem>> -> memref<128x128xf32, #tpu.memory_space<vmem>>
      %dma_wait3A_333 = arith.constant 0 : i32
      %dma_wait3A_334 = tpu.memref_slice %arg7[%add3A_327, %dma_wait3A_333] : memref<32x128xi32, #tpu.memory_space<vmem>> -> memref<1x128xi32, #tpu.memory_space<vmem>>
      %dma_wait3A_335 = tpu.memref_squeeze %dma_wait3A_334 : memref<1x128xi32, #tpu.memory_space<vmem>> -> memref<128xi32, #tpu.memory_space<vmem>>
      %dma_wait3A_336 = arith.constant 0 : i32
      %dma_wait3A_337 = arith.constant 0 : i32
      %dma_wait3A_338 = tpu.memref_slice %arg2[%dma_wait3A_336, %dma_wait3A_337] : memref<10000x128xf32, #tpu.memory_space<hbm>> -> memref<10000x128xf32, #tpu.memory_space<hbm>>
      tpu.wait_indirect_dma semaphore(%arg11 : memref<!tpu.dma_semaphore, #tpu.memory_space<semaphore_mem>>) src(%dma_wait3A_338 : memref<10000x128xf32, #tpu.memory_space<hbm>>) dst(%dma_wait3A_332 : memref<128x128xf32, #tpu.memory_space<vmem>>)
      %add3A_339 = arith.constant 9 : i32
      %add3A_340 = arith.addi %mul3A_60, %add3A_339 : i32
      %run_scoped3A_341 = arith.constant 1 : i32
      "tpu.region"() ({
        %run_scoped3A_511 = tpu.sem_alloc : memref<!tpu.dma_semaphore, #tpu.memory_space<semaphore_mem>>
        %dma_start3A_512 = arith.constant 0 : i32
        %dma_start3A_513 = arith.constant 0 : i32
        %dma_start3A_514 = tpu.memref_slice %arg9[%run_scoped3A_341, %dma_start3A_512, %dma_start3A_513] : memref<2x128x128xf32, #tpu.memory_space<vmem>> -> memref<1x128x128xf32, #tpu.memory_space<vmem>>
        %dma_start3A_515 = tpu.memref_squeeze %dma_start3A_514 : memref<1x128x128xf32, #tpu.memory_space<vmem>> -> memref<128x128xf32, #tpu.memory_space<vmem>>
        %dma_start3A_516 = arith.constant 0 : i32
        %dma_start3A_517 = tpu.memref_slice %arg8[%add3A_340, %dma_start3A_516] : memref<32x128xi32, #tpu.memory_space<vmem>> -> memref<1x128xi32, #tpu.memory_space<vmem>>
        %dma_start3A_518 = tpu.memref_squeeze %dma_start3A_517 : memref<1x128xi32, #tpu.memory_space<vmem>> -> memref<128xi32, #tpu.memory_space<vmem>>
        %dma_start3A_519 = arith.constant 0 : i32
        %dma_start3A_520 = arith.constant 0 : i32
        %dma_start3A_521 = tpu.memref_slice %arg10[%dma_start3A_519, %dma_start3A_520] : memref<10112x128xf32, #tpu.memory_space<vmem_shared>> -> memref<10112x128xf32, #tpu.memory_space<vmem_shared>>
        tpu.enqueue_indirect_dma source(%dma_start3A_515 : memref<128x128xf32, #tpu.memory_space<vmem>>) target(%dma_start3A_521 : memref<10112x128xf32, #tpu.memory_space<vmem_shared>>) offsets(%dma_start3A_518 : memref<128xi32, #tpu.memory_space<vmem>>) semaphore(%run_scoped3A_511 : memref<!tpu.dma_semaphore, #tpu.memory_space<semaphore_mem>>) {add = true}
        %dma_wait3A_522 = arith.constant 0 : i32
        %dma_wait3A_523 = arith.constant 0 : i32
        %dma_wait3A_524 = tpu.memref_slice %arg9[%run_scoped3A_341, %dma_wait3A_522, %dma_wait3A_523] : memref<2x128x128xf32, #tpu.memory_space<vmem>> -> memref<1x128x128xf32, #tpu.memory_space<vmem>>
        %dma_wait3A_525 = tpu.memref_squeeze %dma_wait3A_524 : memref<1x128x128xf32, #tpu.memory_space<vmem>> -> memref<128x128xf32, #tpu.memory_space<vmem>>
        %dma_wait3A_526 = arith.constant 0 : i32
        %dma_wait3A_527 = tpu.memref_slice %arg8[%add3A_340, %dma_wait3A_526] : memref<32x128xi32, #tpu.memory_space<vmem>> -> memref<1x128xi32, #tpu.memory_space<vmem>>
        %dma_wait3A_528 = tpu.memref_squeeze %dma_wait3A_527 : memref<1x128xi32, #tpu.memory_space<vmem>> -> memref<128xi32, #tpu.memory_space<vmem>>
        %dma_wait3A_529 = arith.constant 0 : i32
        %dma_wait3A_530 = arith.constant 0 : i32
        %dma_wait3A_531 = tpu.memref_slice %arg10[%dma_wait3A_529, %dma_wait3A_530] : memref<10112x128xf32, #tpu.memory_space<vmem_shared>> -> memref<10112x128xf32, #tpu.memory_space<vmem_shared>>
        tpu.wait_indirect_dma semaphore(%run_scoped3A_511 : memref<!tpu.dma_semaphore, #tpu.memory_space<semaphore_mem>>) src(%dma_wait3A_525 : memref<128x128xf32, #tpu.memory_space<vmem>>) dst(%dma_wait3A_531 : memref<10112x128xf32, #tpu.memory_space<vmem_shared>>)
        tpu.yield
      }) : () -> ()
      %add3A_342 = arith.constant 2 : i32
      %add3A_343 = arith.addi %add3A_325, %add3A_342 : i32
      %lt3A_344 = arith.constant 80 : i32
      %lt3A_345 = arith.cmpi slt, %add3A_343, %lt3A_344 : i32
      %convert_element_type3A_346 = arith.extui %lt3A_345 : i1 to i32
      %cond3A_347 = arith.constant 0 : i32
      %cond3A_348 = arith.cmpi ne, %convert_element_type3A_346, %cond3A_347 : i32
      scf.if %cond3A_348 {
        %add3A_511 = arith.constant 11 : i32
        %add3A_512 = arith.addi %mul3A_60, %add3A_511 : i32
        %dma_start3A_513 = arith.constant 1 : i32
        %dma_start3A_514 = arith.constant 0 : i32
        %dma_start3A_515 = arith.constant 0 : i32
        %dma_start3A_516 = tpu.memref_slice %arg9[%dma_start3A_513, %dma_start3A_514, %dma_start3A_515] : memref<2x128x128xf32, #tpu.memory_space<vmem>> -> memref<1x128x128xf32, #tpu.memory_space<vmem>>
        %dma_start3A_517 = tpu.memref_squeeze %dma_start3A_516 : memref<1x128x128xf32, #tpu.memory_space<vmem>> -> memref<128x128xf32, #tpu.memory_space<vmem>>
        %dma_start3A_518 = arith.constant 0 : i32
        %dma_start3A_519 = tpu.memref_slice %arg7[%add3A_512, %dma_start3A_518] : memref<32x128xi32, #tpu.memory_space<vmem>> -> memref<1x128xi32, #tpu.memory_space<vmem>>
        %dma_start3A_520 = tpu.memref_squeeze %dma_start3A_519 : memref<1x128xi32, #tpu.memory_space<vmem>> -> memref<128xi32, #tpu.memory_space<vmem>>
        %dma_start3A_521 = arith.constant 0 : i32
        %dma_start3A_522 = arith.constant 0 : i32
        %dma_start3A_523 = tpu.memref_slice %arg2[%dma_start3A_521, %dma_start3A_522] : memref<10000x128xf32, #tpu.memory_space<hbm>> -> memref<10000x128xf32, #tpu.memory_space<hbm>>
        tpu.enqueue_indirect_dma source(%dma_start3A_523 : memref<10000x128xf32, #tpu.memory_space<hbm>>) target(%dma_start3A_517 : memref<128x128xf32, #tpu.memory_space<vmem>>) offsets(%dma_start3A_520 : memref<128xi32, #tpu.memory_space<vmem>>) semaphore(%arg11 : memref<!tpu.dma_semaphore, #tpu.memory_space<semaphore_mem>>)
      } else {
      }
      %mul3A_349 = arith.constant 16 : i32
      %mul3A_350 = arith.muli %add3A_44, %mul3A_349 : i32
      %add3A_351 = arith.constant 10 : i32
      %add3A_352 = arith.addi %mul3A_350, %add3A_351 : i32
      %add3A_353 = arith.constant 10 : i32
      %add3A_354 = arith.addi %mul3A_60, %add3A_353 : i32
      %dma_wait3A_355 = arith.constant 0 : i32
      %dma_wait3A_356 = arith.constant 0 : i32
      %dma_wait3A_357 = arith.constant 0 : i32
      %dma_wait3A_358 = tpu.memref_slice %arg9[%dma_wait3A_355, %dma_wait3A_356, %dma_wait3A_357] : memref<2x128x128xf32, #tpu.memory_space<vmem>> -> memref<1x128x128xf32, #tpu.memory_space<vmem>>
      %dma_wait3A_359 = tpu.memref_squeeze %dma_wait3A_358 : memref<1x128x128xf32, #tpu.memory_space<vmem>> -> memref<128x128xf32, #tpu.memory_space<vmem>>
      %dma_wait3A_360 = arith.constant 0 : i32
      %dma_wait3A_361 = tpu.memref_slice %arg7[%add3A_354, %dma_wait3A_360] : memref<32x128xi32, #tpu.memory_space<vmem>> -> memref<1x128xi32, #tpu.memory_space<vmem>>
      %dma_wait3A_362 = tpu.memref_squeeze %dma_wait3A_361 : memref<1x128xi32, #tpu.memory_space<vmem>> -> memref<128xi32, #tpu.memory_space<vmem>>
      %dma_wait3A_363 = arith.constant 0 : i32
      %dma_wait3A_364 = arith.constant 0 : i32
      %dma_wait3A_365 = tpu.memref_slice %arg2[%dma_wait3A_363, %dma_wait3A_364] : memref<10000x128xf32, #tpu.memory_space<hbm>> -> memref<10000x128xf32, #tpu.memory_space<hbm>>
      tpu.wait_indirect_dma semaphore(%arg11 : memref<!tpu.dma_semaphore, #tpu.memory_space<semaphore_mem>>) src(%dma_wait3A_365 : memref<10000x128xf32, #tpu.memory_space<hbm>>) dst(%dma_wait3A_359 : memref<128x128xf32, #tpu.memory_space<vmem>>)
      %add3A_366 = arith.constant 10 : i32
      %add3A_367 = arith.addi %mul3A_60, %add3A_366 : i32
      %run_scoped3A_368 = arith.constant 0 : i32
      "tpu.region"() ({
        %run_scoped3A_511 = tpu.sem_alloc : memref<!tpu.dma_semaphore, #tpu.memory_space<semaphore_mem>>
        %dma_start3A_512 = arith.constant 0 : i32
        %dma_start3A_513 = arith.constant 0 : i32
        %dma_start3A_514 = tpu.memref_slice %arg9[%run_scoped3A_368, %dma_start3A_512, %dma_start3A_513] : memref<2x128x128xf32, #tpu.memory_space<vmem>> -> memref<1x128x128xf32, #tpu.memory_space<vmem>>
        %dma_start3A_515 = tpu.memref_squeeze %dma_start3A_514 : memref<1x128x128xf32, #tpu.memory_space<vmem>> -> memref<128x128xf32, #tpu.memory_space<vmem>>
        %dma_start3A_516 = arith.constant 0 : i32
        %dma_start3A_517 = tpu.memref_slice %arg8[%add3A_367, %dma_start3A_516] : memref<32x128xi32, #tpu.memory_space<vmem>> -> memref<1x128xi32, #tpu.memory_space<vmem>>
        %dma_start3A_518 = tpu.memref_squeeze %dma_start3A_517 : memref<1x128xi32, #tpu.memory_space<vmem>> -> memref<128xi32, #tpu.memory_space<vmem>>
        %dma_start3A_519 = arith.constant 0 : i32
        %dma_start3A_520 = arith.constant 0 : i32
        %dma_start3A_521 = tpu.memref_slice %arg10[%dma_start3A_519, %dma_start3A_520] : memref<10112x128xf32, #tpu.memory_space<vmem_shared>> -> memref<10112x128xf32, #tpu.memory_space<vmem_shared>>
        tpu.enqueue_indirect_dma source(%dma_start3A_515 : memref<128x128xf32, #tpu.memory_space<vmem>>) target(%dma_start3A_521 : memref<10112x128xf32, #tpu.memory_space<vmem_shared>>) offsets(%dma_start3A_518 : memref<128xi32, #tpu.memory_space<vmem>>) semaphore(%run_scoped3A_511 : memref<!tpu.dma_semaphore, #tpu.memory_space<semaphore_mem>>) {add = true}
        %dma_wait3A_522 = arith.constant 0 : i32
        %dma_wait3A_523 = arith.constant 0 : i32
        %dma_wait3A_524 = tpu.memref_slice %arg9[%run_scoped3A_368, %dma_wait3A_522, %dma_wait3A_523] : memref<2x128x128xf32, #tpu.memory_space<vmem>> -> memref<1x128x128xf32, #tpu.memory_space<vmem>>
        %dma_wait3A_525 = tpu.memref_squeeze %dma_wait3A_524 : memref<1x128x128xf32, #tpu.memory_space<vmem>> -> memref<128x128xf32, #tpu.memory_space<vmem>>
        %dma_wait3A_526 = arith.constant 0 : i32
        %dma_wait3A_527 = tpu.memref_slice %arg8[%add3A_367, %dma_wait3A_526] : memref<32x128xi32, #tpu.memory_space<vmem>> -> memref<1x128xi32, #tpu.memory_space<vmem>>
        %dma_wait3A_528 = tpu.memref_squeeze %dma_wait3A_527 : memref<1x128xi32, #tpu.memory_space<vmem>> -> memref<128xi32, #tpu.memory_space<vmem>>
        %dma_wait3A_529 = arith.constant 0 : i32
        %dma_wait3A_530 = arith.constant 0 : i32
        %dma_wait3A_531 = tpu.memref_slice %arg10[%dma_wait3A_529, %dma_wait3A_530] : memref<10112x128xf32, #tpu.memory_space<vmem_shared>> -> memref<10112x128xf32, #tpu.memory_space<vmem_shared>>
        tpu.wait_indirect_dma semaphore(%run_scoped3A_511 : memref<!tpu.dma_semaphore, #tpu.memory_space<semaphore_mem>>) src(%dma_wait3A_525 : memref<128x128xf32, #tpu.memory_space<vmem>>) dst(%dma_wait3A_531 : memref<10112x128xf32, #tpu.memory_space<vmem_shared>>)
        tpu.yield
      }) : () -> ()
      %add3A_369 = arith.constant 2 : i32
      %add3A_370 = arith.addi %add3A_352, %add3A_369 : i32
      %lt3A_371 = arith.constant 80 : i32
      %lt3A_372 = arith.cmpi slt, %add3A_370, %lt3A_371 : i32
      %convert_element_type3A_373 = arith.extui %lt3A_372 : i1 to i32
      %cond3A_374 = arith.constant 0 : i32
      %cond3A_375 = arith.cmpi ne, %convert_element_type3A_373, %cond3A_374 : i32
      scf.if %cond3A_375 {
        %add3A_511 = arith.constant 12 : i32
        %add3A_512 = arith.addi %mul3A_60, %add3A_511 : i32
        %dma_start3A_513 = arith.constant 0 : i32
        %dma_start3A_514 = arith.constant 0 : i32
        %dma_start3A_515 = arith.constant 0 : i32
        %dma_start3A_516 = tpu.memref_slice %arg9[%dma_start3A_513, %dma_start3A_514, %dma_start3A_515] : memref<2x128x128xf32, #tpu.memory_space<vmem>> -> memref<1x128x128xf32, #tpu.memory_space<vmem>>
        %dma_start3A_517 = tpu.memref_squeeze %dma_start3A_516 : memref<1x128x128xf32, #tpu.memory_space<vmem>> -> memref<128x128xf32, #tpu.memory_space<vmem>>
        %dma_start3A_518 = arith.constant 0 : i32
        %dma_start3A_519 = tpu.memref_slice %arg7[%add3A_512, %dma_start3A_518] : memref<32x128xi32, #tpu.memory_space<vmem>> -> memref<1x128xi32, #tpu.memory_space<vmem>>
        %dma_start3A_520 = tpu.memref_squeeze %dma_start3A_519 : memref<1x128xi32, #tpu.memory_space<vmem>> -> memref<128xi32, #tpu.memory_space<vmem>>
        %dma_start3A_521 = arith.constant 0 : i32
        %dma_start3A_522 = arith.constant 0 : i32
        %dma_start3A_523 = tpu.memref_slice %arg2[%dma_start3A_521, %dma_start3A_522] : memref<10000x128xf32, #tpu.memory_space<hbm>> -> memref<10000x128xf32, #tpu.memory_space<hbm>>
        tpu.enqueue_indirect_dma source(%dma_start3A_523 : memref<10000x128xf32, #tpu.memory_space<hbm>>) target(%dma_start3A_517 : memref<128x128xf32, #tpu.memory_space<vmem>>) offsets(%dma_start3A_520 : memref<128xi32, #tpu.memory_space<vmem>>) semaphore(%arg11 : memref<!tpu.dma_semaphore, #tpu.memory_space<semaphore_mem>>)
      } else {
      }
      %mul3A_376 = arith.constant 16 : i32
      %mul3A_377 = arith.muli %add3A_44, %mul3A_376 : i32
      %add3A_378 = arith.constant 11 : i32
      %add3A_379 = arith.addi %mul3A_377, %add3A_378 : i32
      %add3A_380 = arith.constant 11 : i32
      %add3A_381 = arith.addi %mul3A_60, %add3A_380 : i32
      %dma_wait3A_382 = arith.constant 1 : i32
      %dma_wait3A_383 = arith.constant 0 : i32
      %dma_wait3A_384 = arith.constant 0 : i32
      %dma_wait3A_385 = tpu.memref_slice %arg9[%dma_wait3A_382, %dma_wait3A_383, %dma_wait3A_384] : memref<2x128x128xf32, #tpu.memory_space<vmem>> -> memref<1x128x128xf32, #tpu.memory_space<vmem>>
      %dma_wait3A_386 = tpu.memref_squeeze %dma_wait3A_385 : memref<1x128x128xf32, #tpu.memory_space<vmem>> -> memref<128x128xf32, #tpu.memory_space<vmem>>
      %dma_wait3A_387 = arith.constant 0 : i32
      %dma_wait3A_388 = tpu.memref_slice %arg7[%add3A_381, %dma_wait3A_387] : memref<32x128xi32, #tpu.memory_space<vmem>> -> memref<1x128xi32, #tpu.memory_space<vmem>>
      %dma_wait3A_389 = tpu.memref_squeeze %dma_wait3A_388 : memref<1x128xi32, #tpu.memory_space<vmem>> -> memref<128xi32, #tpu.memory_space<vmem>>
      %dma_wait3A_390 = arith.constant 0 : i32
      %dma_wait3A_391 = arith.constant 0 : i32
      %dma_wait3A_392 = tpu.memref_slice %arg2[%dma_wait3A_390, %dma_wait3A_391] : memref<10000x128xf32, #tpu.memory_space<hbm>> -> memref<10000x128xf32, #tpu.memory_space<hbm>>
      tpu.wait_indirect_dma semaphore(%arg11 : memref<!tpu.dma_semaphore, #tpu.memory_space<semaphore_mem>>) src(%dma_wait3A_392 : memref<10000x128xf32, #tpu.memory_space<hbm>>) dst(%dma_wait3A_386 : memref<128x128xf32, #tpu.memory_space<vmem>>)
      %add3A_393 = arith.constant 11 : i32
      %add3A_394 = arith.addi %mul3A_60, %add3A_393 : i32
      %run_scoped3A_395 = arith.constant 1 : i32
      "tpu.region"() ({
        %run_scoped3A_511 = tpu.sem_alloc : memref<!tpu.dma_semaphore, #tpu.memory_space<semaphore_mem>>
        %dma_start3A_512 = arith.constant 0 : i32
        %dma_start3A_513 = arith.constant 0 : i32
        %dma_start3A_514 = tpu.memref_slice %arg9[%run_scoped3A_395, %dma_start3A_512, %dma_start3A_513] : memref<2x128x128xf32, #tpu.memory_space<vmem>> -> memref<1x128x128xf32, #tpu.memory_space<vmem>>
        %dma_start3A_515 = tpu.memref_squeeze %dma_start3A_514 : memref<1x128x128xf32, #tpu.memory_space<vmem>> -> memref<128x128xf32, #tpu.memory_space<vmem>>
        %dma_start3A_516 = arith.constant 0 : i32
        %dma_start3A_517 = tpu.memref_slice %arg8[%add3A_394, %dma_start3A_516] : memref<32x128xi32, #tpu.memory_space<vmem>> -> memref<1x128xi32, #tpu.memory_space<vmem>>
        %dma_start3A_518 = tpu.memref_squeeze %dma_start3A_517 : memref<1x128xi32, #tpu.memory_space<vmem>> -> memref<128xi32, #tpu.memory_space<vmem>>
        %dma_start3A_519 = arith.constant 0 : i32
        %dma_start3A_520 = arith.constant 0 : i32
        %dma_start3A_521 = tpu.memref_slice %arg10[%dma_start3A_519, %dma_start3A_520] : memref<10112x128xf32, #tpu.memory_space<vmem_shared>> -> memref<10112x128xf32, #tpu.memory_space<vmem_shared>>
        tpu.enqueue_indirect_dma source(%dma_start3A_515 : memref<128x128xf32, #tpu.memory_space<vmem>>) target(%dma_start3A_521 : memref<10112x128xf32, #tpu.memory_space<vmem_shared>>) offsets(%dma_start3A_518 : memref<128xi32, #tpu.memory_space<vmem>>) semaphore(%run_scoped3A_511 : memref<!tpu.dma_semaphore, #tpu.memory_space<semaphore_mem>>) {add = true}
        %dma_wait3A_522 = arith.constant 0 : i32
        %dma_wait3A_523 = arith.constant 0 : i32
        %dma_wait3A_524 = tpu.memref_slice %arg9[%run_scoped3A_395, %dma_wait3A_522, %dma_wait3A_523] : memref<2x128x128xf32, #tpu.memory_space<vmem>> -> memref<1x128x128xf32, #tpu.memory_space<vmem>>
        %dma_wait3A_525 = tpu.memref_squeeze %dma_wait3A_524 : memref<1x128x128xf32, #tpu.memory_space<vmem>> -> memref<128x128xf32, #tpu.memory_space<vmem>>
        %dma_wait3A_526 = arith.constant 0 : i32
        %dma_wait3A_527 = tpu.memref_slice %arg8[%add3A_394, %dma_wait3A_526] : memref<32x128xi32, #tpu.memory_space<vmem>> -> memref<1x128xi32, #tpu.memory_space<vmem>>
        %dma_wait3A_528 = tpu.memref_squeeze %dma_wait3A_527 : memref<1x128xi32, #tpu.memory_space<vmem>> -> memref<128xi32, #tpu.memory_space<vmem>>
        %dma_wait3A_529 = arith.constant 0 : i32
        %dma_wait3A_530 = arith.constant 0 : i32
        %dma_wait3A_531 = tpu.memref_slice %arg10[%dma_wait3A_529, %dma_wait3A_530] : memref<10112x128xf32, #tpu.memory_space<vmem_shared>> -> memref<10112x128xf32, #tpu.memory_space<vmem_shared>>
        tpu.wait_indirect_dma semaphore(%run_scoped3A_511 : memref<!tpu.dma_semaphore, #tpu.memory_space<semaphore_mem>>) src(%dma_wait3A_525 : memref<128x128xf32, #tpu.memory_space<vmem>>) dst(%dma_wait3A_531 : memref<10112x128xf32, #tpu.memory_space<vmem_shared>>)
        tpu.yield
      }) : () -> ()
      %add3A_396 = arith.constant 2 : i32
      %add3A_397 = arith.addi %add3A_379, %add3A_396 : i32
      %lt3A_398 = arith.constant 80 : i32
      %lt3A_399 = arith.cmpi slt, %add3A_397, %lt3A_398 : i32
      %convert_element_type3A_400 = arith.extui %lt3A_399 : i1 to i32
      %cond3A_401 = arith.constant 0 : i32
      %cond3A_402 = arith.cmpi ne, %convert_element_type3A_400, %cond3A_401 : i32
      scf.if %cond3A_402 {
        %add3A_511 = arith.constant 13 : i32
        %add3A_512 = arith.addi %mul3A_60, %add3A_511 : i32
        %dma_start3A_513 = arith.constant 1 : i32
        %dma_start3A_514 = arith.constant 0 : i32
        %dma_start3A_515 = arith.constant 0 : i32
        %dma_start3A_516 = tpu.memref_slice %arg9[%dma_start3A_513, %dma_start3A_514, %dma_start3A_515] : memref<2x128x128xf32, #tpu.memory_space<vmem>> -> memref<1x128x128xf32, #tpu.memory_space<vmem>>
        %dma_start3A_517 = tpu.memref_squeeze %dma_start3A_516 : memref<1x128x128xf32, #tpu.memory_space<vmem>> -> memref<128x128xf32, #tpu.memory_space<vmem>>
        %dma_start3A_518 = arith.constant 0 : i32
        %dma_start3A_519 = tpu.memref_slice %arg7[%add3A_512, %dma_start3A_518] : memref<32x128xi32, #tpu.memory_space<vmem>> -> memref<1x128xi32, #tpu.memory_space<vmem>>
        %dma_start3A_520 = tpu.memref_squeeze %dma_start3A_519 : memref<1x128xi32, #tpu.memory_space<vmem>> -> memref<128xi32, #tpu.memory_space<vmem>>
        %dma_start3A_521 = arith.constant 0 : i32
        %dma_start3A_522 = arith.constant 0 : i32
        %dma_start3A_523 = tpu.memref_slice %arg2[%dma_start3A_521, %dma_start3A_522] : memref<10000x128xf32, #tpu.memory_space<hbm>> -> memref<10000x128xf32, #tpu.memory_space<hbm>>
        tpu.enqueue_indirect_dma source(%dma_start3A_523 : memref<10000x128xf32, #tpu.memory_space<hbm>>) target(%dma_start3A_517 : memref<128x128xf32, #tpu.memory_space<vmem>>) offsets(%dma_start3A_520 : memref<128xi32, #tpu.memory_space<vmem>>) semaphore(%arg11 : memref<!tpu.dma_semaphore, #tpu.memory_space<semaphore_mem>>)
      } else {
      }
      %mul3A_403 = arith.constant 16 : i32
      %mul3A_404 = arith.muli %add3A_44, %mul3A_403 : i32
      %add3A_405 = arith.constant 12 : i32
      %add3A_406 = arith.addi %mul3A_404, %add3A_405 : i32
      %add3A_407 = arith.constant 12 : i32
      %add3A_408 = arith.addi %mul3A_60, %add3A_407 : i32
      %dma_wait3A_409 = arith.constant 0 : i32
      %dma_wait3A_410 = arith.constant 0 : i32
      %dma_wait3A_411 = arith.constant 0 : i32
      %dma_wait3A_412 = tpu.memref_slice %arg9[%dma_wait3A_409, %dma_wait3A_410, %dma_wait3A_411] : memref<2x128x128xf32, #tpu.memory_space<vmem>> -> memref<1x128x128xf32, #tpu.memory_space<vmem>>
      %dma_wait3A_413 = tpu.memref_squeeze %dma_wait3A_412 : memref<1x128x128xf32, #tpu.memory_space<vmem>> -> memref<128x128xf32, #tpu.memory_space<vmem>>
      %dma_wait3A_414 = arith.constant 0 : i32
      %dma_wait3A_415 = tpu.memref_slice %arg7[%add3A_408, %dma_wait3A_414] : memref<32x128xi32, #tpu.memory_space<vmem>> -> memref<1x128xi32, #tpu.memory_space<vmem>>
      %dma_wait3A_416 = tpu.memref_squeeze %dma_wait3A_415 : memref<1x128xi32, #tpu.memory_space<vmem>> -> memref<128xi32, #tpu.memory_space<vmem>>
      %dma_wait3A_417 = arith.constant 0 : i32
      %dma_wait3A_418 = arith.constant 0 : i32
      %dma_wait3A_419 = tpu.memref_slice %arg2[%dma_wait3A_417, %dma_wait3A_418] : memref<10000x128xf32, #tpu.memory_space<hbm>> -> memref<10000x128xf32, #tpu.memory_space<hbm>>
      tpu.wait_indirect_dma semaphore(%arg11 : memref<!tpu.dma_semaphore, #tpu.memory_space<semaphore_mem>>) src(%dma_wait3A_419 : memref<10000x128xf32, #tpu.memory_space<hbm>>) dst(%dma_wait3A_413 : memref<128x128xf32, #tpu.memory_space<vmem>>)
      %add3A_420 = arith.constant 12 : i32
      %add3A_421 = arith.addi %mul3A_60, %add3A_420 : i32
      %run_scoped3A_422 = arith.constant 0 : i32
      "tpu.region"() ({
        %run_scoped3A_511 = tpu.sem_alloc : memref<!tpu.dma_semaphore, #tpu.memory_space<semaphore_mem>>
        %dma_start3A_512 = arith.constant 0 : i32
        %dma_start3A_513 = arith.constant 0 : i32
        %dma_start3A_514 = tpu.memref_slice %arg9[%run_scoped3A_422, %dma_start3A_512, %dma_start3A_513] : memref<2x128x128xf32, #tpu.memory_space<vmem>> -> memref<1x128x128xf32, #tpu.memory_space<vmem>>
        %dma_start3A_515 = tpu.memref_squeeze %dma_start3A_514 : memref<1x128x128xf32, #tpu.memory_space<vmem>> -> memref<128x128xf32, #tpu.memory_space<vmem>>
        %dma_start3A_516 = arith.constant 0 : i32
        %dma_start3A_517 = tpu.memref_slice %arg8[%add3A_421, %dma_start3A_516] : memref<32x128xi32, #tpu.memory_space<vmem>> -> memref<1x128xi32, #tpu.memory_space<vmem>>
        %dma_start3A_518 = tpu.memref_squeeze %dma_start3A_517 : memref<1x128xi32, #tpu.memory_space<vmem>> -> memref<128xi32, #tpu.memory_space<vmem>>
        %dma_start3A_519 = arith.constant 0 : i32
        %dma_start3A_520 = arith.constant 0 : i32
        %dma_start3A_521 = tpu.memref_slice %arg10[%dma_start3A_519, %dma_start3A_520] : memref<10112x128xf32, #tpu.memory_space<vmem_shared>> -> memref<10112x128xf32, #tpu.memory_space<vmem_shared>>
        tpu.enqueue_indirect_dma source(%dma_start3A_515 : memref<128x128xf32, #tpu.memory_space<vmem>>) target(%dma_start3A_521 : memref<10112x128xf32, #tpu.memory_space<vmem_shared>>) offsets(%dma_start3A_518 : memref<128xi32, #tpu.memory_space<vmem>>) semaphore(%run_scoped3A_511 : memref<!tpu.dma_semaphore, #tpu.memory_space<semaphore_mem>>) {add = true}
        %dma_wait3A_522 = arith.constant 0 : i32
        %dma_wait3A_523 = arith.constant 0 : i32
        %dma_wait3A_524 = tpu.memref_slice %arg9[%run_scoped3A_422, %dma_wait3A_522, %dma_wait3A_523] : memref<2x128x128xf32, #tpu.memory_space<vmem>> -> memref<1x128x128xf32, #tpu.memory_space<vmem>>
        %dma_wait3A_525 = tpu.memref_squeeze %dma_wait3A_524 : memref<1x128x128xf32, #tpu.memory_space<vmem>> -> memref<128x128xf32, #tpu.memory_space<vmem>>
        %dma_wait3A_526 = arith.constant 0 : i32
        %dma_wait3A_527 = tpu.memref_slice %arg8[%add3A_421, %dma_wait3A_526] : memref<32x128xi32, #tpu.memory_space<vmem>> -> memref<1x128xi32, #tpu.memory_space<vmem>>
        %dma_wait3A_528 = tpu.memref_squeeze %dma_wait3A_527 : memref<1x128xi32, #tpu.memory_space<vmem>> -> memref<128xi32, #tpu.memory_space<vmem>>
        %dma_wait3A_529 = arith.constant 0 : i32
        %dma_wait3A_530 = arith.constant 0 : i32
        %dma_wait3A_531 = tpu.memref_slice %arg10[%dma_wait3A_529, %dma_wait3A_530] : memref<10112x128xf32, #tpu.memory_space<vmem_shared>> -> memref<10112x128xf32, #tpu.memory_space<vmem_shared>>
        tpu.wait_indirect_dma semaphore(%run_scoped3A_511 : memref<!tpu.dma_semaphore, #tpu.memory_space<semaphore_mem>>) src(%dma_wait3A_525 : memref<128x128xf32, #tpu.memory_space<vmem>>) dst(%dma_wait3A_531 : memref<10112x128xf32, #tpu.memory_space<vmem_shared>>)
        tpu.yield
      }) : () -> ()
      %add3A_423 = arith.constant 2 : i32
      %add3A_424 = arith.addi %add3A_406, %add3A_423 : i32
      %lt3A_425 = arith.constant 80 : i32
      %lt3A_426 = arith.cmpi slt, %add3A_424, %lt3A_425 : i32
      %convert_element_type3A_427 = arith.extui %lt3A_426 : i1 to i32
      %cond3A_428 = arith.constant 0 : i32
      %cond3A_429 = arith.cmpi ne, %convert_element_type3A_427, %cond3A_428 : i32
      scf.if %cond3A_429 {
        %add3A_511 = arith.constant 14 : i32
        %add3A_512 = arith.addi %mul3A_60, %add3A_511 : i32
        %dma_start3A_513 = arith.constant 0 : i32
        %dma_start3A_514 = arith.constant 0 : i32
        %dma_start3A_515 = arith.constant 0 : i32
        %dma_start3A_516 = tpu.memref_slice %arg9[%dma_start3A_513, %dma_start3A_514, %dma_start3A_515] : memref<2x128x128xf32, #tpu.memory_space<vmem>> -> memref<1x128x128xf32, #tpu.memory_space<vmem>>
        %dma_start3A_517 = tpu.memref_squeeze %dma_start3A_516 : memref<1x128x128xf32, #tpu.memory_space<vmem>> -> memref<128x128xf32, #tpu.memory_space<vmem>>
        %dma_start3A_518 = arith.constant 0 : i32
        %dma_start3A_519 = tpu.memref_slice %arg7[%add3A_512, %dma_start3A_518] : memref<32x128xi32, #tpu.memory_space<vmem>> -> memref<1x128xi32, #tpu.memory_space<vmem>>
        %dma_start3A_520 = tpu.memref_squeeze %dma_start3A_519 : memref<1x128xi32, #tpu.memory_space<vmem>> -> memref<128xi32, #tpu.memory_space<vmem>>
        %dma_start3A_521 = arith.constant 0 : i32
        %dma_start3A_522 = arith.constant 0 : i32
        %dma_start3A_523 = tpu.memref_slice %arg2[%dma_start3A_521, %dma_start3A_522] : memref<10000x128xf32, #tpu.memory_space<hbm>> -> memref<10000x128xf32, #tpu.memory_space<hbm>>
        tpu.enqueue_indirect_dma source(%dma_start3A_523 : memref<10000x128xf32, #tpu.memory_space<hbm>>) target(%dma_start3A_517 : memref<128x128xf32, #tpu.memory_space<vmem>>) offsets(%dma_start3A_520 : memref<128xi32, #tpu.memory_space<vmem>>) semaphore(%arg11 : memref<!tpu.dma_semaphore, #tpu.memory_space<semaphore_mem>>)
      } else {
      }
      %mul3A_430 = arith.constant 16 : i32
      %mul3A_431 = arith.muli %add3A_44, %mul3A_430 : i32
      %add3A_432 = arith.constant 13 : i32
      %add3A_433 = arith.addi %mul3A_431, %add3A_432 : i32
      %add3A_434 = arith.constant 13 : i32
      %add3A_435 = arith.addi %mul3A_60, %add3A_434 : i32
      %dma_wait3A_436 = arith.constant 1 : i32
      %dma_wait3A_437 = arith.constant 0 : i32
      %dma_wait3A_438 = arith.constant 0 : i32
      %dma_wait3A_439 = tpu.memref_slice %arg9[%dma_wait3A_436, %dma_wait3A_437, %dma_wait3A_438] : memref<2x128x128xf32, #tpu.memory_space<vmem>> -> memref<1x128x128xf32, #tpu.memory_space<vmem>>
      %dma_wait3A_440 = tpu.memref_squeeze %dma_wait3A_439 : memref<1x128x128xf32, #tpu.memory_space<vmem>> -> memref<128x128xf32, #tpu.memory_space<vmem>>
      %dma_wait3A_441 = arith.constant 0 : i32
      %dma_wait3A_442 = tpu.memref_slice %arg7[%add3A_435, %dma_wait3A_441] : memref<32x128xi32, #tpu.memory_space<vmem>> -> memref<1x128xi32, #tpu.memory_space<vmem>>
      %dma_wait3A_443 = tpu.memref_squeeze %dma_wait3A_442 : memref<1x128xi32, #tpu.memory_space<vmem>> -> memref<128xi32, #tpu.memory_space<vmem>>
      %dma_wait3A_444 = arith.constant 0 : i32
      %dma_wait3A_445 = arith.constant 0 : i32
      %dma_wait3A_446 = tpu.memref_slice %arg2[%dma_wait3A_444, %dma_wait3A_445] : memref<10000x128xf32, #tpu.memory_space<hbm>> -> memref<10000x128xf32, #tpu.memory_space<hbm>>
      tpu.wait_indirect_dma semaphore(%arg11 : memref<!tpu.dma_semaphore, #tpu.memory_space<semaphore_mem>>) src(%dma_wait3A_446 : memref<10000x128xf32, #tpu.memory_space<hbm>>) dst(%dma_wait3A_440 : memref<128x128xf32, #tpu.memory_space<vmem>>)
      %add3A_447 = arith.constant 13 : i32
      %add3A_448 = arith.addi %mul3A_60, %add3A_447 : i32
      %run_scoped3A_449 = arith.constant 1 : i32
      "tpu.region"() ({
        %run_scoped3A_511 = tpu.sem_alloc : memref<!tpu.dma_semaphore, #tpu.memory_space<semaphore_mem>>
        %dma_start3A_512 = arith.constant 0 : i32
        %dma_start3A_513 = arith.constant 0 : i32
        %dma_start3A_514 = tpu.memref_slice %arg9[%run_scoped3A_449, %dma_start3A_512, %dma_start3A_513] : memref<2x128x128xf32, #tpu.memory_space<vmem>> -> memref<1x128x128xf32, #tpu.memory_space<vmem>>
        %dma_start3A_515 = tpu.memref_squeeze %dma_start3A_514 : memref<1x128x128xf32, #tpu.memory_space<vmem>> -> memref<128x128xf32, #tpu.memory_space<vmem>>
        %dma_start3A_516 = arith.constant 0 : i32
        %dma_start3A_517 = tpu.memref_slice %arg8[%add3A_448, %dma_start3A_516] : memref<32x128xi32, #tpu.memory_space<vmem>> -> memref<1x128xi32, #tpu.memory_space<vmem>>
        %dma_start3A_518 = tpu.memref_squeeze %dma_start3A_517 : memref<1x128xi32, #tpu.memory_space<vmem>> -> memref<128xi32, #tpu.memory_space<vmem>>
        %dma_start3A_519 = arith.constant 0 : i32
        %dma_start3A_520 = arith.constant 0 : i32
        %dma_start3A_521 = tpu.memref_slice %arg10[%dma_start3A_519, %dma_start3A_520] : memref<10112x128xf32, #tpu.memory_space<vmem_shared>> -> memref<10112x128xf32, #tpu.memory_space<vmem_shared>>
        tpu.enqueue_indirect_dma source(%dma_start3A_515 : memref<128x128xf32, #tpu.memory_space<vmem>>) target(%dma_start3A_521 : memref<10112x128xf32, #tpu.memory_space<vmem_shared>>) offsets(%dma_start3A_518 : memref<128xi32, #tpu.memory_space<vmem>>) semaphore(%run_scoped3A_511 : memref<!tpu.dma_semaphore, #tpu.memory_space<semaphore_mem>>) {add = true}
        %dma_wait3A_522 = arith.constant 0 : i32
        %dma_wait3A_523 = arith.constant 0 : i32
        %dma_wait3A_524 = tpu.memref_slice %arg9[%run_scoped3A_449, %dma_wait3A_522, %dma_wait3A_523] : memref<2x128x128xf32, #tpu.memory_space<vmem>> -> memref<1x128x128xf32, #tpu.memory_space<vmem>>
        %dma_wait3A_525 = tpu.memref_squeeze %dma_wait3A_524 : memref<1x128x128xf32, #tpu.memory_space<vmem>> -> memref<128x128xf32, #tpu.memory_space<vmem>>
        %dma_wait3A_526 = arith.constant 0 : i32
        %dma_wait3A_527 = tpu.memref_slice %arg8[%add3A_448, %dma_wait3A_526] : memref<32x128xi32, #tpu.memory_space<vmem>> -> memref<1x128xi32, #tpu.memory_space<vmem>>
        %dma_wait3A_528 = tpu.memref_squeeze %dma_wait3A_527 : memref<1x128xi32, #tpu.memory_space<vmem>> -> memref<128xi32, #tpu.memory_space<vmem>>
        %dma_wait3A_529 = arith.constant 0 : i32
        %dma_wait3A_530 = arith.constant 0 : i32
        %dma_wait3A_531 = tpu.memref_slice %arg10[%dma_wait3A_529, %dma_wait3A_530] : memref<10112x128xf32, #tpu.memory_space<vmem_shared>> -> memref<10112x128xf32, #tpu.memory_space<vmem_shared>>
        tpu.wait_indirect_dma semaphore(%run_scoped3A_511 : memref<!tpu.dma_semaphore, #tpu.memory_space<semaphore_mem>>) src(%dma_wait3A_525 : memref<128x128xf32, #tpu.memory_space<vmem>>) dst(%dma_wait3A_531 : memref<10112x128xf32, #tpu.memory_space<vmem_shared>>)
        tpu.yield
      }) : () -> ()
      %add3A_450 = arith.constant 2 : i32
      %add3A_451 = arith.addi %add3A_433, %add3A_450 : i32
      %lt3A_452 = arith.constant 80 : i32
      %lt3A_453 = arith.cmpi slt, %add3A_451, %lt3A_452 : i32
      %convert_element_type3A_454 = arith.extui %lt3A_453 : i1 to i32
      %cond3A_455 = arith.constant 0 : i32
      %cond3A_456 = arith.cmpi ne, %convert_element_type3A_454, %cond3A_455 : i32
      scf.if %cond3A_456 {
        %add3A_511 = arith.constant 15 : i32
        %add3A_512 = arith.addi %mul3A_60, %add3A_511 : i32
        %dma_start3A_513 = arith.constant 1 : i32
        %dma_start3A_514 = arith.constant 0 : i32
        %dma_start3A_515 = arith.constant 0 : i32
        %dma_start3A_516 = tpu.memref_slice %arg9[%dma_start3A_513, %dma_start3A_514, %dma_start3A_515] : memref<2x128x128xf32, #tpu.memory_space<vmem>> -> memref<1x128x128xf32, #tpu.memory_space<vmem>>
        %dma_start3A_517 = tpu.memref_squeeze %dma_start3A_516 : memref<1x128x128xf32, #tpu.memory_space<vmem>> -> memref<128x128xf32, #tpu.memory_space<vmem>>
        %dma_start3A_518 = arith.constant 0 : i32
        %dma_start3A_519 = tpu.memref_slice %arg7[%add3A_512, %dma_start3A_518] : memref<32x128xi32, #tpu.memory_space<vmem>> -> memref<1x128xi32, #tpu.memory_space<vmem>>
        %dma_start3A_520 = tpu.memref_squeeze %dma_start3A_519 : memref<1x128xi32, #tpu.memory_space<vmem>> -> memref<128xi32, #tpu.memory_space<vmem>>
        %dma_start3A_521 = arith.constant 0 : i32
        %dma_start3A_522 = arith.constant 0 : i32
        %dma_start3A_523 = tpu.memref_slice %arg2[%dma_start3A_521, %dma_start3A_522] : memref<10000x128xf32, #tpu.memory_space<hbm>> -> memref<10000x128xf32, #tpu.memory_space<hbm>>
        tpu.enqueue_indirect_dma source(%dma_start3A_523 : memref<10000x128xf32, #tpu.memory_space<hbm>>) target(%dma_start3A_517 : memref<128x128xf32, #tpu.memory_space<vmem>>) offsets(%dma_start3A_520 : memref<128xi32, #tpu.memory_space<vmem>>) semaphore(%arg11 : memref<!tpu.dma_semaphore, #tpu.memory_space<semaphore_mem>>)
      } else {
      }
      %mul3A_457 = arith.constant 16 : i32
      %mul3A_458 = arith.muli %add3A_44, %mul3A_457 : i32
      %add3A_459 = arith.constant 14 : i32
      %add3A_460 = arith.addi %mul3A_458, %add3A_459 : i32
      %add3A_461 = arith.constant 14 : i32
      %add3A_462 = arith.addi %mul3A_60, %add3A_461 : i32
      %dma_wait3A_463 = arith.constant 0 : i32
      %dma_wait3A_464 = arith.constant 0 : i32
      %dma_wait3A_465 = arith.constant 0 : i32
      %dma_wait3A_466 = tpu.memref_slice %arg9[%dma_wait3A_463, %dma_wait3A_464, %dma_wait3A_465] : memref<2x128x128xf32, #tpu.memory_space<vmem>> -> memref<1x128x128xf32, #tpu.memory_space<vmem>>
      %dma_wait3A_467 = tpu.memref_squeeze %dma_wait3A_466 : memref<1x128x128xf32, #tpu.memory_space<vmem>> -> memref<128x128xf32, #tpu.memory_space<vmem>>
      %dma_wait3A_468 = arith.constant 0 : i32
      %dma_wait3A_469 = tpu.memref_slice %arg7[%add3A_462, %dma_wait3A_468] : memref<32x128xi32, #tpu.memory_space<vmem>> -> memref<1x128xi32, #tpu.memory_space<vmem>>
      %dma_wait3A_470 = tpu.memref_squeeze %dma_wait3A_469 : memref<1x128xi32, #tpu.memory_space<vmem>> -> memref<128xi32, #tpu.memory_space<vmem>>
      %dma_wait3A_471 = arith.constant 0 : i32
      %dma_wait3A_472 = arith.constant 0 : i32
      %dma_wait3A_473 = tpu.memref_slice %arg2[%dma_wait3A_471, %dma_wait3A_472] : memref<10000x128xf32, #tpu.memory_space<hbm>> -> memref<10000x128xf32, #tpu.memory_space<hbm>>
      tpu.wait_indirect_dma semaphore(%arg11 : memref<!tpu.dma_semaphore, #tpu.memory_space<semaphore_mem>>) src(%dma_wait3A_473 : memref<10000x128xf32, #tpu.memory_space<hbm>>) dst(%dma_wait3A_467 : memref<128x128xf32, #tpu.memory_space<vmem>>)
      %add3A_474 = arith.constant 14 : i32
      %add3A_475 = arith.addi %mul3A_60, %add3A_474 : i32
      %run_scoped3A_476 = arith.constant 0 : i32
      "tpu.region"() ({
        %run_scoped3A_511 = tpu.sem_alloc : memref<!tpu.dma_semaphore, #tpu.memory_space<semaphore_mem>>
        %dma_start3A_512 = arith.constant 0 : i32
        %dma_start3A_513 = arith.constant 0 : i32
        %dma_start3A_514 = tpu.memref_slice %arg9[%run_scoped3A_476, %dma_start3A_512, %dma_start3A_513] : memref<2x128x128xf32, #tpu.memory_space<vmem>> -> memref<1x128x128xf32, #tpu.memory_space<vmem>>
        %dma_start3A_515 = tpu.memref_squeeze %dma_start3A_514 : memref<1x128x128xf32, #tpu.memory_space<vmem>> -> memref<128x128xf32, #tpu.memory_space<vmem>>
        %dma_start3A_516 = arith.constant 0 : i32
        %dma_start3A_517 = tpu.memref_slice %arg8[%add3A_475, %dma_start3A_516] : memref<32x128xi32, #tpu.memory_space<vmem>> -> memref<1x128xi32, #tpu.memory_space<vmem>>
        %dma_start3A_518 = tpu.memref_squeeze %dma_start3A_517 : memref<1x128xi32, #tpu.memory_space<vmem>> -> memref<128xi32, #tpu.memory_space<vmem>>
        %dma_start3A_519 = arith.constant 0 : i32
        %dma_start3A_520 = arith.constant 0 : i32
        %dma_start3A_521 = tpu.memref_slice %arg10[%dma_start3A_519, %dma_start3A_520] : memref<10112x128xf32, #tpu.memory_space<vmem_shared>> -> memref<10112x128xf32, #tpu.memory_space<vmem_shared>>
        tpu.enqueue_indirect_dma source(%dma_start3A_515 : memref<128x128xf32, #tpu.memory_space<vmem>>) target(%dma_start3A_521 : memref<10112x128xf32, #tpu.memory_space<vmem_shared>>) offsets(%dma_start3A_518 : memref<128xi32, #tpu.memory_space<vmem>>) semaphore(%run_scoped3A_511 : memref<!tpu.dma_semaphore, #tpu.memory_space<semaphore_mem>>) {add = true}
        %dma_wait3A_522 = arith.constant 0 : i32
        %dma_wait3A_523 = arith.constant 0 : i32
        %dma_wait3A_524 = tpu.memref_slice %arg9[%run_scoped3A_476, %dma_wait3A_522, %dma_wait3A_523] : memref<2x128x128xf32, #tpu.memory_space<vmem>> -> memref<1x128x128xf32, #tpu.memory_space<vmem>>
        %dma_wait3A_525 = tpu.memref_squeeze %dma_wait3A_524 : memref<1x128x128xf32, #tpu.memory_space<vmem>> -> memref<128x128xf32, #tpu.memory_space<vmem>>
        %dma_wait3A_526 = arith.constant 0 : i32
        %dma_wait3A_527 = tpu.memref_slice %arg8[%add3A_475, %dma_wait3A_526] : memref<32x128xi32, #tpu.memory_space<vmem>> -> memref<1x128xi32, #tpu.memory_space<vmem>>
        %dma_wait3A_528 = tpu.memref_squeeze %dma_wait3A_527 : memref<1x128xi32, #tpu.memory_space<vmem>> -> memref<128xi32, #tpu.memory_space<vmem>>
        %dma_wait3A_529 = arith.constant 0 : i32
        %dma_wait3A_530 = arith.constant 0 : i32
        %dma_wait3A_531 = tpu.memref_slice %arg10[%dma_wait3A_529, %dma_wait3A_530] : memref<10112x128xf32, #tpu.memory_space<vmem_shared>> -> memref<10112x128xf32, #tpu.memory_space<vmem_shared>>
        tpu.wait_indirect_dma semaphore(%run_scoped3A_511 : memref<!tpu.dma_semaphore, #tpu.memory_space<semaphore_mem>>) src(%dma_wait3A_525 : memref<128x128xf32, #tpu.memory_space<vmem>>) dst(%dma_wait3A_531 : memref<10112x128xf32, #tpu.memory_space<vmem_shared>>)
        tpu.yield
      }) : () -> ()
      %add3A_477 = arith.constant 2 : i32
      %add3A_478 = arith.addi %add3A_460, %add3A_477 : i32
      %lt3A_479 = arith.constant 80 : i32
      %lt3A_480 = arith.cmpi slt, %add3A_478, %lt3A_479 : i32
      %convert_element_type3A_481 = arith.extui %lt3A_480 : i1 to i32
      %cond3A_482 = arith.constant 0 : i32
      %cond3A_483 = arith.cmpi ne, %convert_element_type3A_481, %cond3A_482 : i32
      scf.if %cond3A_483 {
        %add3A_511 = arith.constant 16 : i32
        %add3A_512 = arith.addi %mul3A_80, %add3A_511 : i32
        %sub3A = arith.constant 16 : i32
        %sub3A_513 = arith.subi %add3A_512, %sub3A : i32
        %dma_start3A_514 = arith.constant 0 : i32
        %dma_start3A_515 = arith.constant 0 : i32
        %dma_start3A_516 = arith.constant 0 : i32
        %dma_start3A_517 = tpu.memref_slice %arg9[%dma_start3A_514, %dma_start3A_515, %dma_start3A_516] : memref<2x128x128xf32, #tpu.memory_space<vmem>> -> memref<1x128x128xf32, #tpu.memory_space<vmem>>
        %dma_start3A_518 = tpu.memref_squeeze %dma_start3A_517 : memref<1x128x128xf32, #tpu.memory_space<vmem>> -> memref<128x128xf32, #tpu.memory_space<vmem>>
        %dma_start3A_519 = arith.constant 0 : i32
        %dma_start3A_520 = tpu.memref_slice %arg7[%sub3A_513, %dma_start3A_519] : memref<32x128xi32, #tpu.memory_space<vmem>> -> memref<1x128xi32, #tpu.memory_space<vmem>>
        %dma_start3A_521 = tpu.memref_squeeze %dma_start3A_520 : memref<1x128xi32, #tpu.memory_space<vmem>> -> memref<128xi32, #tpu.memory_space<vmem>>
        %dma_start3A_522 = arith.constant 0 : i32
        %dma_start3A_523 = arith.constant 0 : i32
        %dma_start3A_524 = tpu.memref_slice %arg2[%dma_start3A_522, %dma_start3A_523] : memref<10000x128xf32, #tpu.memory_space<hbm>> -> memref<10000x128xf32, #tpu.memory_space<hbm>>
        tpu.enqueue_indirect_dma source(%dma_start3A_524 : memref<10000x128xf32, #tpu.memory_space<hbm>>) target(%dma_start3A_518 : memref<128x128xf32, #tpu.memory_space<vmem>>) offsets(%dma_start3A_521 : memref<128xi32, #tpu.memory_space<vmem>>) semaphore(%arg11 : memref<!tpu.dma_semaphore, #tpu.memory_space<semaphore_mem>>)
      } else {
      }
      %mul3A_484 = arith.constant 16 : i32
      %mul3A_485 = arith.muli %add3A_44, %mul3A_484 : i32
      %add3A_486 = arith.constant 15 : i32
      %add3A_487 = arith.addi %mul3A_485, %add3A_486 : i32
      %add3A_488 = arith.constant 15 : i32
      %add3A_489 = arith.addi %mul3A_60, %add3A_488 : i32
      %dma_wait3A_490 = arith.constant 1 : i32
      %dma_wait3A_491 = arith.constant 0 : i32
      %dma_wait3A_492 = arith.constant 0 : i32
      %dma_wait3A_493 = tpu.memref_slice %arg9[%dma_wait3A_490, %dma_wait3A_491, %dma_wait3A_492] : memref<2x128x128xf32, #tpu.memory_space<vmem>> -> memref<1x128x128xf32, #tpu.memory_space<vmem>>
      %dma_wait3A_494 = tpu.memref_squeeze %dma_wait3A_493 : memref<1x128x128xf32, #tpu.memory_space<vmem>> -> memref<128x128xf32, #tpu.memory_space<vmem>>
      %dma_wait3A_495 = arith.constant 0 : i32
      %dma_wait3A_496 = tpu.memref_slice %arg7[%add3A_489, %dma_wait3A_495] : memref<32x128xi32, #tpu.memory_space<vmem>> -> memref<1x128xi32, #tpu.memory_space<vmem>>
      %dma_wait3A_497 = tpu.memref_squeeze %dma_wait3A_496 : memref<1x128xi32, #tpu.memory_space<vmem>> -> memref<128xi32, #tpu.memory_space<vmem>>
      %dma_wait3A_498 = arith.constant 0 : i32
      %dma_wait3A_499 = arith.constant 0 : i32
      %dma_wait3A_500 = tpu.memref_slice %arg2[%dma_wait3A_498, %dma_wait3A_499] : memref<10000x128xf32, #tpu.memory_space<hbm>> -> memref<10000x128xf32, #tpu.memory_space<hbm>>
      tpu.wait_indirect_dma semaphore(%arg11 : memref<!tpu.dma_semaphore, #tpu.memory_space<semaphore_mem>>) src(%dma_wait3A_500 : memref<10000x128xf32, #tpu.memory_space<hbm>>) dst(%dma_wait3A_494 : memref<128x128xf32, #tpu.memory_space<vmem>>)
      %add3A_501 = arith.constant 15 : i32
      %add3A_502 = arith.addi %mul3A_60, %add3A_501 : i32
      %run_scoped3A_503 = arith.constant 1 : i32
      "tpu.region"() ({
        %run_scoped3A_511 = tpu.sem_alloc : memref<!tpu.dma_semaphore, #tpu.memory_space<semaphore_mem>>
        %dma_start3A_512 = arith.constant 0 : i32
        %dma_start3A_513 = arith.constant 0 : i32
        %dma_start3A_514 = tpu.memref_slice %arg9[%run_scoped3A_503, %dma_start3A_512, %dma_start3A_513] : memref<2x128x128xf32, #tpu.memory_space<vmem>> -> memref<1x128x128xf32, #tpu.memory_space<vmem>>
        %dma_start3A_515 = tpu.memref_squeeze %dma_start3A_514 : memref<1x128x128xf32, #tpu.memory_space<vmem>> -> memref<128x128xf32, #tpu.memory_space<vmem>>
        %dma_start3A_516 = arith.constant 0 : i32
        %dma_start3A_517 = tpu.memref_slice %arg8[%add3A_502, %dma_start3A_516] : memref<32x128xi32, #tpu.memory_space<vmem>> -> memref<1x128xi32, #tpu.memory_space<vmem>>
        %dma_start3A_518 = tpu.memref_squeeze %dma_start3A_517 : memref<1x128xi32, #tpu.memory_space<vmem>> -> memref<128xi32, #tpu.memory_space<vmem>>
        %dma_start3A_519 = arith.constant 0 : i32
        %dma_start3A_520 = arith.constant 0 : i32
        %dma_start3A_521 = tpu.memref_slice %arg10[%dma_start3A_519, %dma_start3A_520] : memref<10112x128xf32, #tpu.memory_space<vmem_shared>> -> memref<10112x128xf32, #tpu.memory_space<vmem_shared>>
        tpu.enqueue_indirect_dma source(%dma_start3A_515 : memref<128x128xf32, #tpu.memory_space<vmem>>) target(%dma_start3A_521 : memref<10112x128xf32, #tpu.memory_space<vmem_shared>>) offsets(%dma_start3A_518 : memref<128xi32, #tpu.memory_space<vmem>>) semaphore(%run_scoped3A_511 : memref<!tpu.dma_semaphore, #tpu.memory_space<semaphore_mem>>) {add = true}
        %dma_wait3A_522 = arith.constant 0 : i32
        %dma_wait3A_523 = arith.constant 0 : i32
        %dma_wait3A_524 = tpu.memref_slice %arg9[%run_scoped3A_503, %dma_wait3A_522, %dma_wait3A_523] : memref<2x128x128xf32, #tpu.memory_space<vmem>> -> memref<1x128x128xf32, #tpu.memory_space<vmem>>
        %dma_wait3A_525 = tpu.memref_squeeze %dma_wait3A_524 : memref<1x128x128xf32, #tpu.memory_space<vmem>> -> memref<128x128xf32, #tpu.memory_space<vmem>>
        %dma_wait3A_526 = arith.constant 0 : i32
        %dma_wait3A_527 = tpu.memref_slice %arg8[%add3A_502, %dma_wait3A_526] : memref<32x128xi32, #tpu.memory_space<vmem>> -> memref<1x128xi32, #tpu.memory_space<vmem>>
        %dma_wait3A_528 = tpu.memref_squeeze %dma_wait3A_527 : memref<1x128xi32, #tpu.memory_space<vmem>> -> memref<128xi32, #tpu.memory_space<vmem>>
        %dma_wait3A_529 = arith.constant 0 : i32
        %dma_wait3A_530 = arith.constant 0 : i32
        %dma_wait3A_531 = tpu.memref_slice %arg10[%dma_wait3A_529, %dma_wait3A_530] : memref<10112x128xf32, #tpu.memory_space<vmem_shared>> -> memref<10112x128xf32, #tpu.memory_space<vmem_shared>>
        tpu.wait_indirect_dma semaphore(%run_scoped3A_511 : memref<!tpu.dma_semaphore, #tpu.memory_space<semaphore_mem>>) src(%dma_wait3A_525 : memref<128x128xf32, #tpu.memory_space<vmem>>) dst(%dma_wait3A_531 : memref<10112x128xf32, #tpu.memory_space<vmem_shared>>)
        tpu.yield
      }) : () -> ()
      %add3A_504 = arith.constant 2 : i32
      %add3A_505 = arith.addi %add3A_487, %add3A_504 : i32
      %lt3A_506 = arith.constant 80 : i32
      %lt3A_507 = arith.cmpi slt, %add3A_505, %lt3A_506 : i32
      %convert_element_type3A_508 = arith.extui %lt3A_507 : i1 to i32
      %cond3A_509 = arith.constant 0 : i32
      %cond3A_510 = arith.cmpi ne, %convert_element_type3A_508, %cond3A_509 : i32
      scf.if %cond3A_510 {
        %add3A_511 = arith.constant 17 : i32
        %add3A_512 = arith.addi %mul3A_80, %add3A_511 : i32
        %sub3A = arith.constant 16 : i32
        %sub3A_513 = arith.subi %add3A_512, %sub3A : i32
        %dma_start3A_514 = arith.constant 1 : i32
        %dma_start3A_515 = arith.constant 0 : i32
        %dma_start3A_516 = arith.constant 0 : i32
        %dma_start3A_517 = tpu.memref_slice %arg9[%dma_start3A_514, %dma_start3A_515, %dma_start3A_516] : memref<2x128x128xf32, #tpu.memory_space<vmem>> -> memref<1x128x128xf32, #tpu.memory_space<vmem>>
        %dma_start3A_518 = tpu.memref_squeeze %dma_start3A_517 : memref<1x128x128xf32, #tpu.memory_space<vmem>> -> memref<128x128xf32, #tpu.memory_space<vmem>>
        %dma_start3A_519 = arith.constant 0 : i32
        %dma_start3A_520 = tpu.memref_slice %arg7[%sub3A_513, %dma_start3A_519] : memref<32x128xi32, #tpu.memory_space<vmem>> -> memref<1x128xi32, #tpu.memory_space<vmem>>
        %dma_start3A_521 = tpu.memref_squeeze %dma_start3A_520 : memref<1x128xi32, #tpu.memory_space<vmem>> -> memref<128xi32, #tpu.memory_space<vmem>>
        %dma_start3A_522 = arith.constant 0 : i32
        %dma_start3A_523 = arith.constant 0 : i32
        %dma_start3A_524 = tpu.memref_slice %arg2[%dma_start3A_522, %dma_start3A_523] : memref<10000x128xf32, #tpu.memory_space<hbm>> -> memref<10000x128xf32, #tpu.memory_space<hbm>>
        tpu.enqueue_indirect_dma source(%dma_start3A_524 : memref<10000x128xf32, #tpu.memory_space<hbm>>) target(%dma_start3A_518 : memref<128x128xf32, #tpu.memory_space<vmem>>) offsets(%dma_start3A_521 : memref<128xi32, #tpu.memory_space<vmem>>) semaphore(%arg11 : memref<!tpu.dma_semaphore, #tpu.memory_space<semaphore_mem>>)
      } else {
      }
    }
    %scan3A_31 = arith.constant 5 : i32
    %barrier3A_32 = arith.constant 0 : index
    tpu.barrier barrier_id(%barrier3A_32)
    %mul3A_33 = arith.constant 632 : i32
    %mul3A_34 = arith.muli %arg1, %mul3A_33 : i32
    %mul3A_35 = arith.constant 10112 : i32
    %mul3A_36 = arith.muli %arg0, %mul3A_35 : i32
    %mul3A_37 = arith.constant 632 : i32
    %mul3A_38 = arith.muli %arg1, %mul3A_37 : i32
    %add3A_39 = arith.addi %mul3A_36, %mul3A_38 : i32
    "tpu.region"() ({
      %run_scoped3A = tpu.sem_alloc : memref<!tpu.dma_semaphore, #tpu.memory_space<semaphore_mem>>
      %dma_start3A_40 = arith.constant 0 : i32
      %dma_start3A_41 = tpu.memref_slice %arg6[%add3A_39, %dma_start3A_40] : memref<20224x128xf32, #tpu.memory_space<hbm>> -> memref<632x128xf32, #tpu.memory_space<hbm>>
      %dma_start3A_42 = arith.constant 0 : i32
      %dma_start3A_43 = tpu.memref_slice %arg10[%mul3A_34, %dma_start3A_42] : memref<10112x128xf32, #tpu.memory_space<vmem_shared>> -> memref<632x128xf32, #tpu.memory_space<vmem_shared>>
      tpu.enqueue_dma source(%dma_start3A_43 : memref<632x128xf32, #tpu.memory_space<vmem_shared>>) target(%dma_start3A_41 : memref<632x128xf32, #tpu.memory_space<hbm>>) target_semaphore(%run_scoped3A : memref<!tpu.dma_semaphore, #tpu.memory_space<semaphore_mem>>)
      %dma_wait3A = arith.constant 0 : i32
      %dma_wait3A_44 = tpu.memref_slice %arg6[%add3A_39, %dma_wait3A] : memref<20224x128xf32, #tpu.memory_space<hbm>> -> memref<632x128xf32, #tpu.memory_space<hbm>>
      %dma_wait3A_45 = arith.constant 0 : i32
      %dma_wait3A_46 = tpu.memref_slice %arg10[%mul3A_34, %dma_wait3A_45] : memref<10112x128xf32, #tpu.memory_space<vmem_shared>> -> memref<632x128xf32, #tpu.memory_space<vmem_shared>>
      tpu.wait_dma2 semaphore(%run_scoped3A : memref<!tpu.dma_semaphore, #tpu.memory_space<semaphore_mem>>) src(%dma_wait3A_46 : memref<632x128xf32, #tpu.memory_space<vmem_shared>>) dst(%dma_wait3A_44 : memref<632x128xf32, #tpu.memory_space<hbm>>)
      tpu.yield
    }) : () -> ()
    return
  }
}

module attributes {stable_mosaic.version = 14 : i64} {
  func.func @_layer_body(%arg0: i32, %arg1: memref<1000x128xf32, #tpu.memory_space<vmem>>, %arg2: memref<1000x128xf32, #tpu.memory_space<vmem>>, %arg3: memref<1000x128xf32, #tpu.memory_space<vmem>>, %arg4: memref<128x128xf32, #tpu.memory_space<vmem>>, %arg5: memref<128x128xf32, #tpu.memory_space<vmem>>, %arg6: memref<8x128xf32, #tpu.memory_space<vmem>>, %arg7: memref<1x1x1000xi32, #tpu.memory_space<vmem>>, %arg8: memref<1000x128xf32, #tpu.memory_space<vmem>>, %arg9: memref<128x128xf32, #tpu.memory_space<vmem>>) attributes {dimension_semantics = [#tpu.dimension_semantics<arbitrary>], iteration_bounds = array<i64: 10>, scalar_prefetch = 0 : i64, scratch_operands = 0 : i64, tpu.core_type = #tpu.core_type<tc>, window_params = [{transform_indices = @transform_0, window_bounds = array<i64: 1000, 128>}, {transform_indices = @transform_1, window_bounds = array<i64: 1000, 128>}, {transform_indices = @transform_2, window_bounds = array<i64: 1000, 128>}, {pipeline_mode = #tpu.pipeline_mode<synchronous>, transform_indices = @transform_3, window_bounds = array<i64: 128, 128>}, {pipeline_mode = #tpu.pipeline_mode<synchronous>, transform_indices = @transform_4, window_bounds = array<i64: 128, 128>}, {pipeline_mode = #tpu.pipeline_mode<synchronous>, transform_indices = @transform_5, window_bounds = array<i64: 8, 128>}, {transform_indices = @transform_6, window_bounds = array<i64: 1, 1, 1000>}, {transform_indices = @transform_7, window_bounds = array<i64: 1000, 128>}, {pipeline_mode = #tpu.pipeline_mode<synchronous>, transform_indices = @transform_8, window_bounds = array<i64: 128, 128>}]} {
    %get3A = arith.constant 0 : index
    %get3A_0 = arith.constant 0 : index
    %get3A_1 = vector.load %arg6[%get3A, %get3A_0] : memref<8x128xf32, #tpu.memory_space<vmem>>, vector<8x128xf32>
    %get3A_2 = arith.constant 0 : index
    %get3A_3 = arith.constant 0 : index
    %get3A_4 = vector.load %arg1[%get3A_2, %get3A_3] : memref<1000x128xf32, #tpu.memory_space<vmem>>, vector<1000x128xf32>
    %get3A_5 = arith.constant 0 : index
    %get3A_6 = arith.constant 0 : index
    %get3A_7 = vector.load %arg2[%get3A_5, %get3A_6] : memref<1000x128xf32, #tpu.memory_space<vmem>>, vector<1000x128xf32>
    %add3A = arith.addf %get3A_4, %get3A_7 : vector<1000x128xf32>
    %get3A_8 = arith.constant 0 : index
    %get3A_9 = arith.constant 0 : index
    %get3A_10 = vector.load %arg3[%get3A_8, %get3A_9] : memref<1000x128xf32, #tpu.memory_space<vmem>>, vector<1000x128xf32>
    %add3A_11 = arith.addf %add3A, %get3A_10 : vector<1000x128xf32>
    %get3A_12 = arith.constant 0 : index
    %get3A_13 = arith.constant 0 : index
    %get3A_14 = vector.load %arg4[%get3A_12, %get3A_13] : memref<128x128xf32, #tpu.memory_space<vmem>>, vector<128x128xf32>
    %dot_general3A = arith.constant dense<0.000000e+00> : vector<1000x128xf32>
    %dot_general3A_15 = tpu.matmul %add3A_11, %get3A_14, %dot_general3A {dimension_numbers = #tpu.dot_dimension_numbers<[1], [0], [0], [1], [0, 0, 1, 1], [], []>, transpose_lhs_hint = false} : vector<1000x128xf32>, vector<128x128xf32>, vector<1000x128xf32> -> vector<1000x128xf32>
    %slice3A = vector.extract_strided_slice %get3A_1 {offsets = [0, 0], sizes = [1, 128], strides = [1, 1]} : vector<8x128xf32> to vector<1x128xf32>
    %add3A_16 = vector.broadcast %slice3A : vector<1x128xf32> to vector<1000x128xf32>
    %add3A_17 = arith.addf %dot_general3A_15, %add3A_16 : vector<1000x128xf32>
    %slice3A_18 = vector.extract_strided_slice %get3A_1 {offsets = [1, 0], sizes = [1, 128], strides = [1, 1]} : vector<8x128xf32> to vector<1x128xf32>
    %mul3A = vector.broadcast %slice3A_18 : vector<1x128xf32> to vector<1000x128xf32>
    %mul3A_19 = arith.mulf %add3A_17, %mul3A : vector<1000x128xf32>
    %slice3A_20 = vector.extract_strided_slice %get3A_1 {offsets = [2, 0], sizes = [1, 128], strides = [1, 1]} : vector<8x128xf32> to vector<1x128xf32>
    %add3A_21 = vector.broadcast %slice3A_20 : vector<1x128xf32> to vector<1000x128xf32>
    %add3A_22 = arith.addf %mul3A_19, %add3A_21 : vector<1000x128xf32>
    %max3A = arith.constant 0.000000e+00 : f32
    %max3A_23 = vector.broadcast %max3A : f32 to vector<1000x128xf32>
    %max3A_24 = arith.maximumf %add3A_22, %max3A_23 : vector<1000x128xf32>
    %get3A_25 = arith.constant 0 : index
    %get3A_26 = arith.constant 0 : index
    %get3A_27 = vector.load %arg5[%get3A_25, %get3A_26] : memref<128x128xf32, #tpu.memory_space<vmem>>, vector<128x128xf32>
    %dot_general3A_28 = arith.constant dense<0.000000e+00> : vector<1000x128xf32>
    %dot_general3A_29 = tpu.matmul %max3A_24, %get3A_27, %dot_general3A_28 {dimension_numbers = #tpu.dot_dimension_numbers<[1], [0], [0], [1], [0, 0, 1, 1], [], []>, transpose_lhs_hint = false} : vector<1000x128xf32>, vector<128x128xf32>, vector<1000x128xf32> -> vector<1000x128xf32>
    %slice3A_30 = vector.extract_strided_slice %get3A_1 {offsets = [3, 0], sizes = [1, 128], strides = [1, 1]} : vector<8x128xf32> to vector<1x128xf32>
    %add3A_31 = vector.broadcast %slice3A_30 : vector<1x128xf32> to vector<1000x128xf32>
    %add3A_32 = arith.addf %dot_general3A_29, %add3A_31 : vector<1000x128xf32>
    %max3A_33 = arith.constant 0.000000e+00 : f32
    %max3A_34 = vector.broadcast %max3A_33 : f32 to vector<1000x128xf32>
    %max3A_35 = arith.maximumf %add3A_32, %max3A_34 : vector<1000x128xf32>
    %swap3A = arith.constant 0 : index
    %swap3A_36 = arith.constant 0 : index
    %swap3A_37 = vector.load %arg8[%swap3A, %swap3A_36] : memref<1000x128xf32, #tpu.memory_space<vmem>>, vector<1000x128xf32>
    tpu.vector_store %arg8[%swap3A, %swap3A_36], %max3A_35 {strides = array<i32>} : memref<1000x128xf32, #tpu.memory_space<vmem>>, vector<1000x128xf32>,
    %get3A_38 = arith.constant 0 : index
    %get3A_39 = arith.constant 0 : index
    %get3A_40 = arith.constant 0 : index
    %get3A_41 = vector.load %arg7[%get3A_38, %get3A_39, %get3A_40] : memref<1x1x1000xi32, #tpu.memory_space<vmem>>, vector<1x1x1000xi32>
    %get3A_42 = vector.shape_cast %get3A_41 : vector<1x1x1000xi32> to vector<1000xi32>
    %broadcast_in_dim3A = vector.shape_cast %get3A_42 : vector<1000xi32> to vector<1000x1xi32>
    %iota3A = tpu.iota {dimensions = array<i32: 1>} : vector<1x128xi32>
    %eq3A = vector.broadcast %broadcast_in_dim3A : vector<1000x1xi32> to vector<1000x128xi32>
    %eq3A_43 = vector.broadcast %iota3A : vector<1x128xi32> to vector<1000x128xi32>
    %eq3A_44 = arith.cmpi eq, %eq3A, %eq3A_43 : vector<1000x128xi32>
    %convert_element_type3A = arith.extui %eq3A_44 : vector<1000x128xi1> to vector<1000x128xi32>
    %convert_element_type3A_45 = arith.sitofp %convert_element_type3A : vector<1000x128xi32> to vector<1000x128xf32>
    %dot_general3A_46 = arith.constant dense<0.000000e+00> : vector<128x128xf32>
    %dot_general3A_47 = tpu.matmul %convert_element_type3A_45, %max3A_35, %dot_general3A_46 {dimension_numbers = #tpu.dot_dimension_numbers<[0], [0], [1], [1], [0, 1, 1, 1], [], []>, transpose_lhs_hint = false} : vector<1000x128xf32>, vector<1000x128xf32>, vector<128x128xf32> -> vector<128x128xf32>
    %eq3A_48 = arith.constant 0 : i32
    %eq3A_49 = arith.cmpi eq, %arg0, %eq3A_48 : i32
    %convert_element_type3A_50 = arith.extui %eq3A_49 : i1 to i32
    %cond3A = arith.constant 0 : i32
    %cond3A_51 = arith.cmpi ne, %convert_element_type3A_50, %cond3A : i32
    scf.if %cond3A_51 {
      %swap3A_56 = arith.constant 0 : index
      %swap3A_57 = arith.constant 0 : index
      %swap3A_58 = vector.load %arg9[%swap3A_56, %swap3A_57] : memref<128x128xf32, #tpu.memory_space<vmem>>, vector<128x128xf32>
      tpu.vector_store %arg9[%swap3A_56, %swap3A_57], %dot_general3A_47 {strides = array<i32>} : memref<128x128xf32, #tpu.memory_space<vmem>>, vector<128x128xf32>,
    } else {
    }
    %gt3A = arith.constant 0 : i32
    %gt3A_52 = arith.cmpi sgt, %arg0, %gt3A : i32
    %convert_element_type3A_53 = arith.extui %gt3A_52 : i1 to i32
    %cond3A_54 = arith.constant 0 : i32
    %cond3A_55 = arith.cmpi ne, %convert_element_type3A_53, %cond3A_54 : i32
    scf.if %cond3A_55 {
      %get3A_56 = arith.constant 0 : index
      %get3A_57 = arith.constant 0 : index
      %get3A_58 = vector.load %arg9[%get3A_56, %get3A_57] : memref<128x128xf32, #tpu.memory_space<vmem>>, vector<128x128xf32>
      %add3A_59 = arith.addf %get3A_58, %dot_general3A_47 : vector<128x128xf32>
      %swap3A_60 = arith.constant 0 : index
      %swap3A_61 = arith.constant 0 : index
      %swap3A_62 = vector.load %arg9[%swap3A_60, %swap3A_61] : memref<128x128xf32, #tpu.memory_space<vmem>>, vector<128x128xf32>
      tpu.vector_store %arg9[%swap3A_60, %swap3A_61], %add3A_59 {strides = array<i32>} : memref<128x128xf32, #tpu.memory_space<vmem>>, vector<128x128xf32>,
    } else {
    }
    return
  }
  func.func @transform_0(%arg0: i32) -> (i32, i32) {
    %c0_i32 = arith.constant 0 : i32
    %c0_i32_0 = arith.constant 0 : i32
    return %arg0, %c0_i32 : i32, i32
  }
  func.func @transform_1(%arg0: i32) -> (i32, i32) {
    %c0_i32 = arith.constant 0 : i32
    %c0_i32_0 = arith.constant 0 : i32
    return %arg0, %c0_i32 : i32, i32
  }
  func.func @transform_2(%arg0: i32) -> (i32, i32) {
    %c0_i32 = arith.constant 0 : i32
    %c0_i32_0 = arith.constant 0 : i32
    return %arg0, %c0_i32 : i32, i32
  }
  func.func @transform_3(%arg0: i32) -> (i32, i32) {
    %c0_i32 = arith.constant 0 : i32
    %c0_i32_0 = arith.constant 0 : i32
    %c0_i32_1 = arith.constant 0 : i32
    return %c0_i32, %c0_i32_0 : i32, i32
  }
  func.func @transform_4(%arg0: i32) -> (i32, i32) {
    %c0_i32 = arith.constant 0 : i32
    %c0_i32_0 = arith.constant 0 : i32
    %c0_i32_1 = arith.constant 0 : i32
    return %c0_i32, %c0_i32_0 : i32, i32
  }
  func.func @transform_5(%arg0: i32) -> (i32, i32) {
    %c0_i32 = arith.constant 0 : i32
    %c0_i32_0 = arith.constant 0 : i32
    %c0_i32_1 = arith.constant 0 : i32
    return %c0_i32, %c0_i32_0 : i32, i32
  }
  func.func @transform_6(%arg0: i32) -> (i32, i32, i32) {
    %c0_i32 = arith.constant 0 : i32
    %c0_i32_0 = arith.constant 0 : i32
    %c0_i32_1 = arith.constant 0 : i32
    return %arg0, %c0_i32, %c0_i32_0 : i32, i32, i32
  }
  func.func @transform_7(%arg0: i32) -> (i32, i32) {
    %c0_i32 = arith.constant 0 : i32
    %c0_i32_0 = arith.constant 0 : i32
    return %arg0, %c0_i32 : i32, i32
  }
  func.func @transform_8(%arg0: i32) -> (i32, i32) {
    %c0_i32 = arith.constant 0 : i32
    %c0_i32_0 = arith.constant 0 : i32
    %c0_i32_1 = arith.constant 0 : i32
    return %c0_i32, %c0_i32_0 : i32, i32
  }
}

module attributes {stable_mosaic.version = 14 : i64} {
  func.func @_layer_body(%arg0: i32, %arg1: memref<1000x128xf32, #tpu.memory_space<vmem>>, %arg2: memref<1000x128xf32, #tpu.memory_space<vmem>>, %arg3: memref<1000x128xf32, #tpu.memory_space<vmem>>, %arg4: memref<128x128xf32, #tpu.memory_space<vmem>>, %arg5: memref<128x128xf32, #tpu.memory_space<vmem>>, %arg6: memref<8x128xf32, #tpu.memory_space<vmem>>, %arg7: memref<1x1x1000xi32, #tpu.memory_space<vmem>>, %arg8: memref<1000x128xf32, #tpu.memory_space<vmem>>, %arg9: memref<128x128xf32, #tpu.memory_space<vmem>>) attributes {dimension_semantics = [#tpu.dimension_semantics<arbitrary>], iteration_bounds = array<i64: 10>, scalar_prefetch = 0 : i64, scratch_operands = 0 : i64, tpu.core_type = #tpu.core_type<tc>, window_params = [{transform_indices = @transform_0, window_bounds = array<i64: 1000, 128>}, {transform_indices = @transform_1, window_bounds = array<i64: 1000, 128>}, {transform_indices = @transform_2, window_bounds = array<i64: 1000, 128>}, {pipeline_mode = #tpu.pipeline_mode<synchronous>, transform_indices = @transform_3, window_bounds = array<i64: 128, 128>}, {pipeline_mode = #tpu.pipeline_mode<synchronous>, transform_indices = @transform_4, window_bounds = array<i64: 128, 128>}, {pipeline_mode = #tpu.pipeline_mode<synchronous>, transform_indices = @transform_5, window_bounds = array<i64: 8, 128>}, {transform_indices = @transform_6, window_bounds = array<i64: 1, 1, 1000>}, {transform_indices = @transform_7, window_bounds = array<i64: 1000, 128>}, {pipeline_mode = #tpu.pipeline_mode<synchronous>, transform_indices = @transform_8, window_bounds = array<i64: 128, 128>}]} {
    %get3A = arith.constant 0 : index
    %get3A_0 = arith.constant 0 : index
    %get3A_1 = vector.load %arg6[%get3A, %get3A_0] : memref<8x128xf32, #tpu.memory_space<vmem>>, vector<8x128xf32>
    %get3A_2 = arith.constant 0 : index
    %get3A_3 = arith.constant 0 : index
    %get3A_4 = vector.load %arg1[%get3A_2, %get3A_3] : memref<1000x128xf32, #tpu.memory_space<vmem>>, vector<1000x128xf32>
    %get3A_5 = arith.constant 0 : index
    %get3A_6 = arith.constant 0 : index
    %get3A_7 = vector.load %arg2[%get3A_5, %get3A_6] : memref<1000x128xf32, #tpu.memory_space<vmem>>, vector<1000x128xf32>
    %add3A = arith.addf %get3A_4, %get3A_7 : vector<1000x128xf32>
    %get3A_8 = arith.constant 0 : index
    %get3A_9 = arith.constant 0 : index
    %get3A_10 = vector.load %arg3[%get3A_8, %get3A_9] : memref<1000x128xf32, #tpu.memory_space<vmem>>, vector<1000x128xf32>
    %add3A_11 = arith.addf %add3A, %get3A_10 : vector<1000x128xf32>
    %get3A_12 = arith.constant 0 : index
    %get3A_13 = arith.constant 0 : index
    %get3A_14 = vector.load %arg4[%get3A_12, %get3A_13] : memref<128x128xf32, #tpu.memory_space<vmem>>, vector<128x128xf32>
    %dot_general3A = arith.constant dense<0.000000e+00> : vector<1000x128xf32>
    %dot_general3A_15 = tpu.matmul %add3A_11, %get3A_14, %dot_general3A {dimension_numbers = #tpu.dot_dimension_numbers<[1], [0], [0], [1], [0, 0, 1, 1], [], []>, transpose_lhs_hint = false} : vector<1000x128xf32>, vector<128x128xf32>, vector<1000x128xf32> -> vector<1000x128xf32>
    %slice3A = vector.extract_strided_slice %get3A_1 {offsets = [0, 0], sizes = [1, 128], strides = [1, 1]} : vector<8x128xf32> to vector<1x128xf32>
    %add3A_16 = vector.broadcast %slice3A : vector<1x128xf32> to vector<1000x128xf32>
    %add3A_17 = arith.addf %dot_general3A_15, %add3A_16 : vector<1000x128xf32>
    %slice3A_18 = vector.extract_strided_slice %get3A_1 {offsets = [1, 0], sizes = [1, 128], strides = [1, 1]} : vector<8x128xf32> to vector<1x128xf32>
    %mul3A = vector.broadcast %slice3A_18 : vector<1x128xf32> to vector<1000x128xf32>
    %mul3A_19 = arith.mulf %add3A_17, %mul3A : vector<1000x128xf32>
    %slice3A_20 = vector.extract_strided_slice %get3A_1 {offsets = [2, 0], sizes = [1, 128], strides = [1, 1]} : vector<8x128xf32> to vector<1x128xf32>
    %add3A_21 = vector.broadcast %slice3A_20 : vector<1x128xf32> to vector<1000x128xf32>
    %add3A_22 = arith.addf %mul3A_19, %add3A_21 : vector<1000x128xf32>
    %max3A = arith.constant 0.000000e+00 : f32
    %max3A_23 = vector.broadcast %max3A : f32 to vector<1000x128xf32>
    %max3A_24 = arith.maximumf %add3A_22, %max3A_23 : vector<1000x128xf32>
    %get3A_25 = arith.constant 0 : index
    %get3A_26 = arith.constant 0 : index
    %get3A_27 = vector.load %arg5[%get3A_25, %get3A_26] : memref<128x128xf32, #tpu.memory_space<vmem>>, vector<128x128xf32>
    %dot_general3A_28 = arith.constant dense<0.000000e+00> : vector<1000x128xf32>
    %dot_general3A_29 = tpu.matmul %max3A_24, %get3A_27, %dot_general3A_28 {dimension_numbers = #tpu.dot_dimension_numbers<[1], [0], [0], [1], [0, 0, 1, 1], [], []>, transpose_lhs_hint = false} : vector<1000x128xf32>, vector<128x128xf32>, vector<1000x128xf32> -> vector<1000x128xf32>
    %slice3A_30 = vector.extract_strided_slice %get3A_1 {offsets = [3, 0], sizes = [1, 128], strides = [1, 1]} : vector<8x128xf32> to vector<1x128xf32>
    %add3A_31 = vector.broadcast %slice3A_30 : vector<1x128xf32> to vector<1000x128xf32>
    %add3A_32 = arith.addf %dot_general3A_29, %add3A_31 : vector<1000x128xf32>
    %max3A_33 = arith.constant 0.000000e+00 : f32
    %max3A_34 = vector.broadcast %max3A_33 : f32 to vector<1000x128xf32>
    %max3A_35 = arith.maximumf %add3A_32, %max3A_34 : vector<1000x128xf32>
    %swap3A = arith.constant 0 : index
    %swap3A_36 = arith.constant 0 : index
    %swap3A_37 = vector.load %arg8[%swap3A, %swap3A_36] : memref<1000x128xf32, #tpu.memory_space<vmem>>, vector<1000x128xf32>
    tpu.vector_store %arg8[%swap3A, %swap3A_36], %max3A_35 {strides = array<i32>} : memref<1000x128xf32, #tpu.memory_space<vmem>>, vector<1000x128xf32>,
    %get3A_38 = arith.constant 0 : index
    %get3A_39 = arith.constant 0 : index
    %get3A_40 = arith.constant 0 : index
    %get3A_41 = vector.load %arg7[%get3A_38, %get3A_39, %get3A_40] : memref<1x1x1000xi32, #tpu.memory_space<vmem>>, vector<1x1x1000xi32>
    %get3A_42 = vector.shape_cast %get3A_41 : vector<1x1x1000xi32> to vector<1000xi32>
    %broadcast_in_dim3A = vector.shape_cast %get3A_42 : vector<1000xi32> to vector<1000x1xi32>
    %iota3A = tpu.iota {dimensions = array<i32: 1>} : vector<1x128xi32>
    %eq3A = vector.broadcast %broadcast_in_dim3A : vector<1000x1xi32> to vector<1000x128xi32>
    %eq3A_43 = vector.broadcast %iota3A : vector<1x128xi32> to vector<1000x128xi32>
    %eq3A_44 = arith.cmpi eq, %eq3A, %eq3A_43 : vector<1000x128xi32>
    %convert_element_type3A = arith.extui %eq3A_44 : vector<1000x128xi1> to vector<1000x128xi32>
    %convert_element_type3A_45 = arith.sitofp %convert_element_type3A : vector<1000x128xi32> to vector<1000x128xf32>
    %dot_general3A_46 = arith.constant dense<0.000000e+00> : vector<128x128xf32>
    %dot_general3A_47 = tpu.matmul %convert_element_type3A_45, %max3A_35, %dot_general3A_46 {dimension_numbers = #tpu.dot_dimension_numbers<[0], [0], [1], [1], [0, 1, 1, 1], [], []>, transpose_lhs_hint = false} : vector<1000x128xf32>, vector<1000x128xf32>, vector<128x128xf32> -> vector<128x128xf32>
    %eq3A_48 = arith.constant 0 : i32
    %eq3A_49 = arith.cmpi eq, %arg0, %eq3A_48 : i32
    %convert_element_type3A_50 = arith.extui %eq3A_49 : i1 to i32
    %cond3A = arith.constant 0 : i32
    %cond3A_51 = arith.cmpi ne, %convert_element_type3A_50, %cond3A : i32
    scf.if %cond3A_51 {
      %swap3A_56 = arith.constant 0 : index
      %swap3A_57 = arith.constant 0 : index
      %swap3A_58 = vector.load %arg9[%swap3A_56, %swap3A_57] : memref<128x128xf32, #tpu.memory_space<vmem>>, vector<128x128xf32>
      tpu.vector_store %arg9[%swap3A_56, %swap3A_57], %dot_general3A_47 {strides = array<i32>} : memref<128x128xf32, #tpu.memory_space<vmem>>, vector<128x128xf32>,
    } else {
    }
    %gt3A = arith.constant 0 : i32
    %gt3A_52 = arith.cmpi sgt, %arg0, %gt3A : i32
    %convert_element_type3A_53 = arith.extui %gt3A_52 : i1 to i32
    %cond3A_54 = arith.constant 0 : i32
    %cond3A_55 = arith.cmpi ne, %convert_element_type3A_53, %cond3A_54 : i32
    scf.if %cond3A_55 {
      %get3A_56 = arith.constant 0 : index
      %get3A_57 = arith.constant 0 : index
      %get3A_58 = vector.load %arg9[%get3A_56, %get3A_57] : memref<128x128xf32, #tpu.memory_space<vmem>>, vector<128x128xf32>
      %add3A_59 = arith.addf %get3A_58, %dot_general3A_47 : vector<128x128xf32>
      %swap3A_60 = arith.constant 0 : index
      %swap3A_61 = arith.constant 0 : index
      %swap3A_62 = vector.load %arg9[%swap3A_60, %swap3A_61] : memref<128x128xf32, #tpu.memory_space<vmem>>, vector<128x128xf32>
      tpu.vector_store %arg9[%swap3A_60, %swap3A_61], %add3A_59 {strides = array<i32>} : memref<128x128xf32, #tpu.memory_space<vmem>>, vector<128x128xf32>,
    } else {
    }
    return
  }
  func.func @transform_0(%arg0: i32) -> (i32, i32) {
    %c0_i32 = arith.constant 0 : i32
    %c0_i32_0 = arith.constant 0 : i32
    return %arg0, %c0_i32 : i32, i32
  }
  func.func @transform_1(%arg0: i32) -> (i32, i32) {
    %c0_i32 = arith.constant 0 : i32
    %c0_i32_0 = arith.constant 0 : i32
    return %arg0, %c0_i32 : i32, i32
  }
  func.func @transform_2(%arg0: i32) -> (i32, i32) {
    %c0_i32 = arith.constant 0 : i32
    %c0_i32_0 = arith.constant 0 : i32
    return %arg0, %c0_i32 : i32, i32
  }
  func.func @transform_3(%arg0: i32) -> (i32, i32) {
    %c0_i32 = arith.constant 0 : i32
    %c0_i32_0 = arith.constant 0 : i32
    %c0_i32_1 = arith.constant 0 : i32
    return %c0_i32, %c0_i32_0 : i32, i32
  }
  func.func @transform_4(%arg0: i32) -> (i32, i32) {
    %c0_i32 = arith.constant 0 : i32
    %c0_i32_0 = arith.constant 0 : i32
    %c0_i32_1 = arith.constant 0 : i32
    return %c0_i32, %c0_i32_0 : i32, i32
  }
  func.func @transform_5(%arg0: i32) -> (i32, i32) {
    %c0_i32 = arith.constant 0 : i32
    %c0_i32_0 = arith.constant 0 : i32
    %c0_i32_1 = arith.constant 0 : i32
    return %c0_i32, %c0_i32_0 : i32, i32
  }
  func.func @transform_6(%arg0: i32) -> (i32, i32, i32) {
    %c0_i32 = arith.constant 0 : i32
    %c0_i32_0 = arith.constant 0 : i32
    %c0_i32_1 = arith.constant 0 : i32
    return %arg0, %c0_i32, %c0_i32_0 : i32, i32, i32
  }
  func.func @transform_7(%arg0: i32) -> (i32, i32) {
    %c0_i32 = arith.constant 0 : i32
    %c0_i32_0 = arith.constant 0 : i32
    return %arg0, %c0_i32 : i32, i32
  }
  func.func @transform_8(%arg0: i32) -> (i32, i32) {
    %c0_i32 = arith.constant 0 : i32
    %c0_i32_0 = arith.constant 0 : i32
    %c0_i32_1 = arith.constant 0 : i32
    return %c0_i32, %c0_i32_0 : i32, i32
  }
}

module attributes {stable_mosaic.version = 14 : i64} {
  func.func @_head_body(%arg0: memref<128x128xf32, #tpu.memory_space<vmem>>, %arg1: memref<128x128xf32, #tpu.memory_space<vmem>>, %arg2: memref<128x128xf32, #tpu.memory_space<vmem>>, %arg3: memref<384x384xf32, #tpu.memory_space<vmem>>, %arg4: memref<8x384xf32, #tpu.memory_space<vmem>>, %arg5: memref<384x128xf32, #tpu.memory_space<vmem>>, %arg6: memref<8x128xf32, #tpu.memory_space<vmem>>, %arg7: memref<128x128xf32, #tpu.memory_space<vmem>>) attributes {dimension_semantics = [], scalar_prefetch = 0 : i64, scratch_operands = 0 : i64, tpu.core_type = #tpu.core_type<tc>} {
    %get3A = arith.constant 0 : index
    %get3A_0 = arith.constant 0 : index
    %get3A_1 = vector.load %arg0[%get3A, %get3A_0] : memref<128x128xf32, #tpu.memory_space<vmem>>, vector<128x128xf32>
    %get3A_2 = arith.constant 0 : index
    %get3A_3 = arith.constant 0 : index
    %get3A_4 = vector.load %arg1[%get3A_2, %get3A_3] : memref<128x128xf32, #tpu.memory_space<vmem>>, vector<128x128xf32>
    %get3A_5 = arith.constant 0 : index
    %get3A_6 = arith.constant 0 : index
    %get3A_7 = vector.load %arg2[%get3A_5, %get3A_6] : memref<128x128xf32, #tpu.memory_space<vmem>>, vector<128x128xf32>
    %concatenate3A = tpu.concatenate %get3A_1, %get3A_4, %get3A_7 in 1 : vector<128x128xf32>, vector<128x128xf32>, vector<128x128xf32> -> vector<128x384xf32>
    %get3A_8 = arith.constant 0 : index
    %get3A_9 = arith.constant 0 : index
    %get3A_10 = vector.load %arg3[%get3A_8, %get3A_9] : memref<384x384xf32, #tpu.memory_space<vmem>>, vector<384x384xf32>
    %dot_general3A = arith.constant dense<0.000000e+00> : vector<128x384xf32>
    %dot_general3A_11 = tpu.matmul %concatenate3A, %get3A_10, %dot_general3A {dimension_numbers = #tpu.dot_dimension_numbers<[1], [0], [0], [1], [0, 0, 1, 1], [], []>, transpose_lhs_hint = false} : vector<128x384xf32>, vector<384x384xf32>, vector<128x384xf32> -> vector<128x384xf32>
    %get3A_12 = arith.constant 0 : index
    %get3A_13 = arith.constant 0 : index
    %get3A_14 = vector.load %arg4[%get3A_12, %get3A_13] : memref<8x384xf32, #tpu.memory_space<vmem>>, vector<1x384xf32>
    %add3A = vector.broadcast %get3A_14 : vector<1x384xf32> to vector<128x384xf32>
    %add3A_15 = arith.addf %dot_general3A_11, %add3A : vector<128x384xf32>
    %max3A = arith.constant 0.000000e+00 : f32
    %max3A_16 = vector.broadcast %max3A : f32 to vector<128x384xf32>
    %max3A_17 = arith.maximumf %add3A_15, %max3A_16 : vector<128x384xf32>
    %get3A_18 = arith.constant 0 : index
    %get3A_19 = arith.constant 0 : index
    %get3A_20 = vector.load %arg5[%get3A_18, %get3A_19] : memref<384x128xf32, #tpu.memory_space<vmem>>, vector<384x128xf32>
    %dot_general3A_21 = arith.constant dense<0.000000e+00> : vector<128x128xf32>
    %dot_general3A_22 = tpu.matmul %max3A_17, %get3A_20, %dot_general3A_21 {dimension_numbers = #tpu.dot_dimension_numbers<[1], [0], [0], [1], [0, 0, 1, 1], [], []>, transpose_lhs_hint = false} : vector<128x384xf32>, vector<384x128xf32>, vector<128x128xf32> -> vector<128x128xf32>
    %get3A_23 = arith.constant 0 : index
    %get3A_24 = arith.constant 0 : index
    %get3A_25 = vector.load %arg6[%get3A_23, %get3A_24] : memref<8x128xf32, #tpu.memory_space<vmem>>, vector<1x128xf32>
    %add3A_26 = vector.broadcast %get3A_25 : vector<1x128xf32> to vector<128x128xf32>
    %add3A_27 = arith.addf %dot_general3A_22, %add3A_26 : vector<128x128xf32>
    %gt3A = arith.constant 0.000000e+00 : f32
    %gt3A_28 = vector.broadcast %gt3A : f32 to vector<128x128xf32>
    %gt3A_29 = arith.cmpf ogt, %add3A_27, %gt3A_28 : vector<128x128xf32>
    %mul3A = arith.constant 0.00999999977 : f32
    %mul3A_30 = vector.broadcast %mul3A : f32 to vector<128x128xf32>
    %mul3A_31 = arith.mulf %mul3A_30, %add3A_27 : vector<128x128xf32>
    %select_n3A = arith.select %gt3A_29, %add3A_27, %mul3A_31 : vector<128x128xi1>, vector<128x128xf32>
    %swap3A = arith.constant 0 : index
    %swap3A_32 = arith.constant 0 : index
    %swap3A_33 = vector.load %arg7[%swap3A, %swap3A_32] : memref<128x128xf32, #tpu.memory_space<vmem>>, vector<128x128xf32>
    tpu.vector_store %arg7[%swap3A, %swap3A_32], %select_n3A {strides = array<i32>} : memref<128x128xf32, #tpu.memory_space<vmem>>, vector<128x128xf32>,
    return
  }
}

</mosaic_0001>

<sc_bundles>
// kernel: kernel.12.cloned.1.call-start
scs
__scs_entry_jumppad:
0x0: {  	(pc) =	sbr.rel $0x88, $3  }
0x1: {  	(tag) =	ssettag $0x0;
	lr =	simm.s32 $0x1  }
0x2: {  	[smem:$0x3F88] =	sst lr;
	_ =	strace $0xD0000000  }
0x3: {  	_ = 	snop  }
0x4: {  	_ = 	snop  }
0x5: {  	_ = 	snop  }
0x6: {  	_ = 	snop  }
0x7: {  	_ = 	snop  }
__scs_overlays_trampoline_lowered:
0x8: {  	[smem:$0x3F97] =	sst s0  }
0x9: {  	[smem:$0x3F98] =	sst s1  }
0xa: {  	[smem:$0x3F99] =	sst s2  }
0xb: {  	[smem:$0x3F9A] =	sst s3  }
0xc: {  	[smem:$0x3F9B] =	sst s4  }
0xd: {  	[smem:$0x3F9C] =	sst s5  }
0xe: {  	[smem:$0x3F9D] =	sst s6  }
0xf: {  	[smem:$0x3F9E] =	sst s7  }
0x10: {  	[smem:$0x3F9F] =	sst s8  }
0x11: {  	[smem:$0x3FA0] =	sst s9;
	s0 =	simm.s32 @!p0 $0x0  }
0x12: {  	s1 =	sld [smem:$0x3F86];
	s0 =	simm.s32 @p0 $0x1  }
0x13: {  	[smem:$0x3FA1] =	sst s0;
	s0 =	simm.s32 @!p1 $0x0  }
0x14: {  	s2 =	sld [smem:$0x3F85];
	s0 =	simm.s32 @p1 $0x1  }
0x15: {  	[smem:$0x3FA2] =	sst s0;
	s0 =	simm.s32 @!p2 $0x0  }
0x16: {  	s3 =	sld [smem:$0x3FDB];
	s0 =	simm.s32 @p2 $0x1  }
0x17: {  	s4 =	simm.s32 $0x1BF5;
	[smem:$0x3FA4] =	sst s0  }
0x18: {  	s0 =	sld [smem:$0x3F87];
	_ =	swait.ge [sflag:s4], $0x0  }
0x19: {  	s7 =	sld [smem:$0x3F88]  }
0x1a: {  	s8 =	sadd.s32 $0xFFFFE003, lr  }
0x1b: {  	s9 =	sadd.s32 $0xFFFFFEF7, lr;
	s5 =	simm.s32 $0xFFFFFFFF;
	p2 =	slt.u32 s8, $0xFFFFF086  }
0x1c: {  	p1 =	slt.u32 s9, $0xF7A;
	s5 =	simm.s32 @!p2 $0x0  }
0x1d: {  	s5 =	simm.s32 @p1 $0x1;
	p0 =	seq.s32 s7, s2  }
0x1e: {  	s7 =	smul.u32 @!p0 $0xF7A, s2;
	p2 =	seq.s32 @!p0 s5, $0x0  }
0x1f: {  	s9 =	smul.u32 $0xF7A, s1;
	s8 =	simm.s32 @!p0 $0x1BF5;
	p2 =	por !p2, p0  }
0x20: {  	[sflag:s8] =	ssyncset.s32 @!p0 $0xFFFFF086;
	s6 =	sadd.s32 @!p0 s3, s7;
	s7 =	simm.s32 @!p0 $0x108  }
0x21: {  	s3 =	sadd.s32 s3, s9;
	s6 =	sadd.s32 @!p0 $0x88, s6;
	s7 =	simm.s32 @p2 $0x1082  }
0x22: {  	[simem:s7], [sflag:s8] =	dma.local @!p0 [hbm:s6], $0xF7A  }
0x23: {  	s9 =	sor.u32 $0xD0000000, s2;
	s6 =	simm.s32 $0x108;
	_ =	swait.ge @!p0 [sflag:s8], $0x0  }
0x24: {  	s3 =	sadd.s32 $0x88, s3;
	s6 =	simm.s32 @!p1 $0x1082;
	[sflag:s4] =	ssyncset.s32 $0xFFFFF086  }
0x25: {  	[simem:s6], [sflag:s4] =	dma.local [hbm:s3], $0xF7A  }
0x26: {  	[smem:$0x3F88] =	sst s1;
	(tag) =	ssettag s2;
	_ =	strace s9  }
0x27: {  	s1 =	sld [smem:$0x3F98]  }
0x28: {  	s2 =	sld [smem:$0x3F99]  }
0x29: {  	s4 =	sld [smem:$0x3F9B]  }
0x2a: {  	p0 =	seq.s32 s5, $0x0;
	s5 =	sld [smem:$0x3F9C]  }
0x2b: {  	s6 =	sld [smem:$0x3F9D]  }
0x2c: {  	s7 =	sld [smem:$0x3F9E]  }
0x2d: {  	s3 =	simm.s32 $0x108;
	s8 =	sld [smem:$0x3F9F]  }
0x2e: {  	s3 =	simm.s32 @!p0 $0x1082;
	s9 =	sld [smem:$0x3FA0]  }
0x2f: {  	lr =	sadd.s32 s0, s3;
	s0 =	sld [smem:$0x3F97]  }
0x30: {  	s3 =	sld [smem:$0x3F9A]  }
0x31: {  	[smem:$0x3FA3] =	sst s10  }
0x32: {  	s10 =	sld [smem:$0x3FA1];
	_ =	sdelay $0x3  }
0x33: {  	p0 =	seq.s32 s10, $0x1;
	s10 =	sld [smem:$0x3FA3];
	_ =	sdelay $0x3  }
0x34: {  	[smem:$0x3FA3] =	sst s10  }
0x35: {  	s10 =	sld [smem:$0x3FA2];
	_ =	sdelay $0x3  }
0x36: {  	p1 =	seq.s32 s10, $0x1;
	s10 =	sld [smem:$0x3FA3];
	_ =	sdelay $0x3  }
0x37: {  	[smem:$0x3FA3] =	sst s10  }
0x38: {  	s10 =	sld [smem:$0x3FA4]  }
0x39: {  	_ = 	snop;
	(pc) =	sbr.ind lr, $3  }
0x3a: {  	_ = 	snop  }
0x3b: {  	_ = 	snop  }
0x3c: {  	p2 =	seq.s32 s10, $0x1;
	s10 =	sld [smem:$0x3FA3]  }
0x3d: {  	_ =	shalt  }
0x3e: {  	_ =	shalt  }
0x3f: {  	_ =	shalt  }
0x40: {  	_ =	shalt  }
0x41: {  	_ =	shalt  }
0x42: {  	_ =	shalt  }
0x43: {  	_ =	shalt  }
0x44: {  	_ =	shalt  }
0x45: {  	_ =	shalt  }
0x46: {  	_ =	shalt  }
0x47: {  	_ =	shalt  }
0x48: {  	_ =	shalt  }
0x49: {  	_ =	shalt  }
0x4a: {  	_ =	shalt  }
0x4b: {  	_ =	shalt  }
0x4c: {  	_ =	shalt  }
0x4d: {  	_ =	shalt  }
0x4e: {  	_ =	shalt  }
0x4f: {  	_ =	shalt  }
0x50: {  	_ =	shalt  }
0x51: {  	_ =	shalt  }
0x52: {  	_ =	shalt  }
0x53: {  	_ =	shalt  }
0x54: {  	_ =	shalt  }
0x55: {  	_ =	shalt  }
0x56: {  	_ =	shalt  }
0x57: {  	_ =	shalt  }
0x58: {  	_ =	shalt  }
0x59: {  	_ =	shalt  }
0x5a: {  	_ =	shalt  }
0x5b: {  	_ =	shalt  }
0x5c: {  	_ =	shalt  }
0x5d: {  	_ =	shalt  }
0x5e: {  	_ =	shalt  }
0x5f: {  	_ =	shalt  }
0x60: {  	_ =	shalt  }
0x61: {  	_ =	shalt  }
0x62: {  	_ =	shalt  }
0x63: {  	_ =	shalt  }
0x64: {  	_ =	shalt  }
0x65: {  	_ =	shalt  }
0x66: {  	_ =	shalt  }
0x67: {  	_ =	shalt  }
0x68: {  	_ =	shalt  }
0x69: {  	_ =	shalt  }
0x6a: {  	_ =	shalt  }
0x6b: {  	_ =	shalt  }
0x6c: {  	_ =	shalt  }
0x6d: {  	_ =	shalt  }
0x6e: {  	_ =	shalt  }
0x6f: {  	_ =	shalt  }
0x70: {  	_ =	shalt  }
0x71: {  	_ =	shalt  }
0x72: {  	_ =	shalt  }
0x73: {  	_ =	shalt  }
0x74: {  	_ =	shalt  }
0x75: {  	_ =	shalt  }
0x76: {  	_ =	shalt  }
0x77: {  	_ =	shalt  }
0x78: {  	_ =	shalt  }
0x79: {  	_ =	shalt  }
0x7a: {  	_ =	shalt  }
0x7b: {  	_ =	shalt  }
0x7c: {  	_ =	shalt  }
0x7d: {  	_ =	shalt  }
0x7e: {  	_ =	shalt  }
0x7f: {  	_ =	shalt  }
0x80: {  	_ =	shalt  }
0x81: {  	_ =	shalt  }
0x82: {  	_ =	shalt  }
0x83: {  	_ =	shalt  }
0x84: {  	_ =	shalt  }
0x85: {  	_ =	shalt  }
0x86: {  	_ =	shalt  }
0x87: {  	_ =	shalt  }
.Lfunc_end0:
.L_simem_size_0:
called_computation.1_lowered:
.L_overlay_start_0:
0x88: {  	s2 =	sld [smem:$0x3FD9]  }
0x89: {  	s3 =	sld [smem:$0x3FFE];
	_ =	sdelay $0x1  }
0x8a: {  	s1 =	srdreg.scid  }
0x8b: {  	s0 =	sand.u32 $0x1, s1  }
0x8c: {  	s16 =	sshll.u32 s0, $0xA;
	s2 =	sadd.s32 s3, s2  }
0x8d: {  	s2 =	sadd.s32 s2, s16  }
0x8e: {  	[smem:$0x3FAF] =	sst s2  }
0x8f: {  	_ = 	snop  }
0x90: {  	(tm) =	ssettm $0x1  }
0x91: {  	s17 =	sld [smem:$0x3FFB];
	_ =	sdelay $0x3  }
0x92: {  	_ =	strace s17  }
0x93: {  	s2 =	sld [smem:$0x3FFC];
	_ =	sdelay $0x3  }
0x94: {  	_ =	strace s2  }
0x95: {  	s2 =	sld [smem:$0x3FFD];
	_ =	sdelay $0x3  }
0x96: {  	_ =	strace s2  }
0x97: {  	_ =	strace $0x8FFFFFFF  }
0x98: {  	s18 =	sld [smem:$0x3FDB];
	_ =	sdelay $0x1  }
0x99: {  	s19 =	simm.s32 $_scs_section_size  }
0x9a: {  	s4 =	simm.s32 $_size__tile_overlayer_lowered;
	s5 =	simm.s32 $_tile_overlayer_lowered  }
0x9b: {  	s22 =	simm.s32 $0x1BFF;
	s21 =	sshll.u32 s5, $0x1;
	s2 =	sadd.s32 s19, s18  }
0x9c: {  	s6 =	simm.s32 $0x0;
	s20 =	sshll.u32 s4, $0x1;
	s4 =	sadd.s32 s21, s2  }
0x9d: {  	[timem:s6], [sflag:s22] =	dma.local [hbm:s4], s20  }
0x9e: {  	_ =	swait.ge [sflag:s22], s20  }
0x9f: {  	s3 =	ssub.s32 $0x0, s20;
	[sflag:s22] =	ssyncset.done $0x0  }
0xa0: {  	[sflag:s22] =	ssyncadd.s32 s3;
	_ =	sdelay $0x1  }
0xa1: {  	s23 =	simm.s32 $0x1B8B  }
0xa2: {  	_ =	swait.ge [sflag:s23], $0x1  }
0xa3: {  	[sflag:s23] =	ssyncset.done $0x0  }
0xa4: {  	s25 =	simm.s32 $0x1B8E;
	s24 =	sld [smem:$0x3FFE];
	[sflag:s23] =	ssyncadd.s32 $0xFFFFFFFF  }
0xa5: {  	s26 =	simm.s32 $execute0_lowered;
	[smem:$0x3FD2] =	sst s25  }
0xa6: {  	s4 =	sshll.u32 s26, $0x1;
	_ =	strace $0x80000049;
	[dreg:$0x1] =	wrdreg $0xFFFFFFFF  }
0xa7: {  	s28 =	simm.s32 $_size_execute0_lowered;
	s2 =	sadd.s32 s2, s4;
	[dreg:$0x0] =	wrdreg $0x0  }
0xa8: {  	s4 =	sshll.u32 s28, $0x1;
	[dreg:$0x2] =	wrdreg s2  }
0xa9: {  	[dreg:$0x3] =	wrdreg s4  }
0xaa: {  	[dreg:$0x4] =	wrdreg $0xC0  }
0xab: {  	_ =	task [dreg:s6], $0x5FFFF  }
0xac: {  	[dreg:$0x1] =	wrdreg $0xFFFFFFFF  }
0xad: {  	[dreg:$0x0] =	wrdreg $0x60  }
0xae: {  	[dreg:$0x2] =	wrdreg s24  }
0xaf: {  	[dreg:$0x3] =	wrdreg $0xA0000  }
0xb0: {  	[dreg:$0x4] =	wrdreg $0x9  }
0xb1: {  	_ =	task.clear_ibuf [dreg:s6], $0x5FFFF;
	_ =	strace $0x90000049  }
0xb2: {  	s29 =	simm.s32 $0x9;
	_ =	strace $0x8000004B  }
0xb3: {  	_ =	swait.ge [sflag:s29], $0x1  }
0xb4: {  	[sflag:s29] =	ssyncadd.s32 $0xFFFFFFFF  }
0xb5: {  	_ =	strace $0x9000004B  }
0xb6: {  	_ =	sfence  }
0xb7: {  	s30 =	sld [smem:$0x0];
	_ =	sdelay $0x2  }
0xb8: {  	s31 =	sshll.u32 s1, $0xD;
	s1 =	sshrl.u32 s1, $0x2  }
0xb9: {  	s3 =	sand.u32 $0x4000, s31;
	s1 =	sadd.s32 s1, s30  }
0xba: {  	s0 =	sor.u32 s3, s0;
	s1 =	sshll.u32 s1, $0x11  }
0xbb: {  	s0 =	sor.u32 s1, s0  }
0xbc: {  	s0 =	sadd.s32 $0x8F2B, s0  }
0xbd: {  	[sflag:s0] =	ssyncadd.remote.s32 $0x1  }
0xbe: {  	_ =	sfence.sel $0xFFFF  }
0xbf: {  	[dreg:$0x0] =	wrdreg $0xFFFFFFFF;
	(pc) =	sbr.abs _section_cstart, $3  }
0xc0: {  	[dreg:$0x1] =	wrdreg $0xFFFFFFFF  }
0xc1: {  	_ =	task.clear_ibuf [dreg:s6], $0x2FFFF;
	_ =	strace $0x9FFFFFFF  }
0xc2: {  	(tm) =	ssettm $0x7FFFFFFF  }
0xc3: {  	_ =	shalt  }
tec
execute0_lowered:
.L_overlay_start_1:
0x0: {  	(tag) =	ssettag $0x1  }
0x1: {  	s8 =	rddreg [dreg:$0x0]  }
0x2: {  	s2 =	rddreg [dreg:$0x1]  }
0x3: {  	s0 =	rddreg [dreg:$0x2]  }
0x4: {  	s4 =	srdreg.scid;
	s1 =	stileid.u32  }
0x5: {  	s3 =	simm.s32 $0x0;
	s17 =	simm.s32 $0x80;
	s18 =	simm.s32 $0x2000  }
0x6: {  	s19 =	simm.s32 $0x6000;
	s20 =	simm.s32 $0x1;
	s21 =	simm.s32 $0x0  }
0x7: {  	s9 =	sand.u32 $0x1, s4;
	s10 =	smul.u32 $0x2780, s1;
	[smem:$0x7FF] =	sst s3  }
0x8: {  	s4 =	sadd.s32 $0x1BC00, s8;
	s5 =	sadd.s32 $0xF400, s8;
	s13 =	smul.u32 $0x4F000, s1  }
0x9: {  	s6 =	sadd.s32 $0x5400, s8;
	s7 =	sadd.s32 $0x19400, s8;
	s16 =	smul.u32 $0x2800, s1  }
0xa: {  	s30 =	sshll.u32 s1, $0x6;
	s11 =	smul.u32 $0x27800, s9;
	_ =	strace $0x8000004A  }
0xb: {  	s24 =	ssub.s32 $0x2, s9;
	s12 =	sshll.u32 s9, $0x4;
	s31 =	smul.u32 $0x28000, s9  }
0xc: {  	s25 =	sshrl.u32 s24, $0x1;
	s26 =	sor.u32 s1, s12;
	s29 =	sshrl.u32 s13, $0x2  }
.Ltmp0:
0xd: {  	s10 =	sadd.s32 s10, s11;
	s28 =	ssub.s32 s24, s25;
	(pc) =	sbr.rel .LBB2_1-.Ltmp0, $4  }
0xe: {  	s15 =	sadd.s32 s29, s2;
	s13 =	sadd.s32 s16, s31;
	s16 =	simm.s32 $0x1000  }
0xf: {  	s14 =	sadd.s32 s10, s8;
	s10 =	smul.u32 $0x500, s26;
	s8 =	sor.u32 $0x1C02, s30  }
0x10: {  	s12 =	smax.u32 s28, $0x1;
	s11 =	sadd.s32 $0x42E00, s14;
	s14 =	sshrl.u32 s15, $0x3  }
0x11: {  	s15 =	simm.s32 $0x2;
	s9 =	sadd.s32 s5, s10;
	s10 =	sadd.s32 s6, s10  }
.LBB2_3:
0x12: {  	_ =	swait.ge [sflag:s20], $0x4000  }
0x13: {  	[sflag:s20] =	ssyncset.done $0x0  }
0x14: {  	s22 =	sadd.s32 $0x1780, s24;
	[sflag:s20] =	ssyncadd.s32 $0xFFFFC000  }
0x15: {  	[spmem:s2] =	stream.indirect.scatter.add.f32 [tilespmem:s19], [sflag:$0x2], $0x80, s22, s17, $0xb8;
	[tilespmem:$0x1DC00] =	vst v63  }
0x16: {  	_ =	swait.ge [sflag:s15], $0x4000  }
0x17: {  	[sflag:s15] =	ssyncset.done $0x0  }
0x18: {  	[sflag:s15] =	ssyncadd.s32 $0xFFFFC000  }
.LBB2_5:
0x19: {  	s21 =	sadd.s32 $0x1, s21  }
0x1a: {  	p0 =	sne.s32 s21, s12  }
.Ltmp1:
0x1b: {  	[bflag:$0x0] =	sbarrier.arrive $0xFFFF;
	(pc) =	sbr.rel @!p0 .LBB2_6-.Ltmp1, $4  }
0x1c: {  	[hbm:s11], [sflag:s8] =	dma.local [spmem:s14], $0x2780  }
0x1d: {  	_ =	swait.ge [sflag:s15], $0x2780  }
0x1e: {  	[sflag:s15] =	ssyncset.done $0x0  }
0x1f: {  	[sflag:s15] =	ssyncadd.s32 $0xFFFFD880  }
.LBB2_1:
0x20: {  	[spmem:s14], [sflag:s8] =	dma.local [hbm:s7], $0x2780  }
0x21: {  	_ =	swait.ge [sflag:s15], $0x2780  }
0x22: {  	[sflag:s15] =	ssyncset.done $0x0  }
0x23: {  	[sflag:s15] =	ssyncadd.s32 $0xFFFFD880  }
0x24: {  	[tilespmem:s3], [sflag:$0x2] =	stream.linear.gather [hbm4b:s9+s3], $0x800, $0x38;
	[tilespmem:$0x1DC00] =	vst v63  }
0x25: {  	_ =	swait.ge [sflag:s15], $0x800  }
0x26: {  	[sflag:s15] =	ssyncset.done $0x0  }
0x27: {  	[sflag:s15] =	ssyncadd.s32 $0xFFFFF800  }
0x28: {  	[tilespmem:s16], [sflag:$0x2] =	stream.linear.gather [hbm4b:s10+s3], $0x800, $0x38;
	[tilespmem:$0x1DC00] =	vst v63  }
0x29: {  	_ =	swait.ge [sflag:s15], $0x800  }
0x2a: {  	[sflag:s15] =	ssyncset.done $0x0  }
0x2b: {  	[sflag:s15] =	ssyncadd.s32 $0xFFFFF800  }
0x2c: {  	[bflag:$0x0] =	sbarrier.arrive $0xFFFF  }
0x2d: {  	[tilespmem:s18], [sflag:$0x1] =	stream.indirect.gather [hbm4b:s4+s17], $0x80, s3, s17, $0xb8;
	[tilespmem:$0x1DC00] =	vst v63  }
0x2e: {  	s22 =	simm.s32 $0x800;
	s23 =	simm.s32 $0x0  }
0x2f: {  	[tilespmem:s19], [sflag:$0x1] =	stream.indirect.gather [hbm4b:s4+s17], $0x80, s17, s17, $0xb8;
	[tilespmem:$0x1DC00] =	vst v63  }
.LBB2_2:
0x30: {  	p0 =	seq.s32 s22, $0x2800  }
0x31: {  	s24 =	sadd.s32 @!p0 s22, s13  }
0x32: {  	s24 =	sshrl.u32 @!p0 s24, $0x3  }
0x33: {  	s25 =	sand.u32 @!p0 $0x800, s22;
	s28 =	simm.s32 @!p0 $0x0;
	s26 =	sadd.s32 @!p0 s5, s24  }
0x34: {  	[tilespmem:s25], [sflag:$0x2] =	stream.linear.gather @!p0 [hbm4b:s26+s28], $0x800, $0x38;
	[tilespmem:$0x1DC00] =	vst v63  }
0x35: {  	s26 =	simm.s32 @!p0 $0x2  }
0x36: {  	_ =	swait.ge @!p0 [sflag:s26], $0x800  }
0x37: {  	[sflag:s26] =	ssyncset.done @!p0 $0x0  }
0x38: {  	s24 =	sadd.s32 @!p0 s6, s24;
	s25 =	sor.u32 @!p0 $0x1000, s25;
	[sflag:s26] =	ssyncadd.s32 @!p0 $0xFFFFF800  }
0x39: {  	[tilespmem:s25], [sflag:$0x2] =	stream.linear.gather @!p0 [hbm4b:s24+s28], $0x800, $0x38;
	[tilespmem:$0x1DC00] =	vst v63  }
0x3a: {  	_ =	swait.ge @!p0 [sflag:s26], $0x800  }
0x3b: {  	[sflag:s26] =	ssyncset.done @!p0 $0x0  }
0x3c: {  	[sflag:s26] =	ssyncadd.s32 @!p0 $0xFFFFF800  }
0x3d: {  	s26 =	sshrl.u32 s23, $0x2;
	_ =	swait.ge [sflag:s20], $0x4000  }
0x3e: {  	s24 =	sand.u32 $0x800, s26;
	[sflag:s20] =	ssyncset.done $0x0  }
0x3f: {  	s28 =	sor.u32 $0x1000, s24;
	[sflag:s20] =	ssyncadd.s32 $0xFFFFC000  }
0x40: {  	[spmem:s2] =	stream.indirect.scatter.add.f32 [tilespmem:s18], [sflag:$0x2], $0x80, s28, s17, $0xb8;
	[tilespmem:$0x1DC00] =	vst v63  }
0x41: {  	_ =	swait.ge [sflag:s15], $0x4000  }
0x42: {  	[sflag:s15] =	ssyncset.done $0x0  }
0x43: {  	s29 =	sor.u32 $0x100, s24;
	[sflag:s15] =	ssyncadd.s32 $0xFFFFC000  }
0x44: {  	[tilespmem:s18], [sflag:$0x1] =	stream.indirect.gather [hbm4b:s4+s17], $0x80, s29, s17, $0xb8;
	[tilespmem:$0x1DC00] =	vst v63  }
0x45: {  	_ =	swait.ge [sflag:s20], $0x4000  }
0x46: {  	[sflag:s20] =	ssyncset.done $0x0  }
0x47: {  	s30 =	sor.u32 $0x1080, s24;
	[sflag:s20] =	ssyncadd.s32 $0xFFFFC000  }
0x48: {  	[spmem:s2] =	stream.indirect.scatter.add.f32 [tilespmem:s19], [sflag:$0x2], $0x80, s30, s17, $0xb8;
	[tilespmem:$0x1DC00] =	vst v63  }
0x49: {  	_ =	swait.ge [sflag:s15], $0x4000  }
0x4a: {  	[sflag:s15] =	ssyncset.done $0x0  }
0x4b: {  	s31 =	sor.u32 $0x180, s24;
	[sflag:s15] =	ssyncadd.s32 $0xFFFFC000  }
0x4c: {  	[tilespmem:s19], [sflag:$0x1] =	stream.indirect.gather [hbm4b:s4+s17], $0x80, s31, s17, $0xb8;
	[tilespmem:$0x1DC00] =	vst v63  }
0x4d: {  	_ =	swait.ge [sflag:s20], $0x4000  }
0x4e: {  	[sflag:s20] =	ssyncset.done $0x0  }
0x4f: {  	s26 =	sor.u32 $0x1100, s24;
	[sflag:s20] =	ssyncadd.s32 $0xFFFFC000  }
0x50: {  	[spmem:s2] =	stream.indirect.scatter.add.f32 [tilespmem:s18], [sflag:$0x2], $0x80, s26, s17, $0xb8;
	[tilespmem:$0x1DC00] =	vst v63  }
0x51: {  	_ =	swait.ge [sflag:s15], $0x4000  }
0x52: {  	[sflag:s15] =	ssyncset.done $0x0  }
0x53: {  	s28 =	sor.u32 $0x200, s24;
	[sflag:s15] =	ssyncadd.s32 $0xFFFFC000  }
0x54: {  	[tilespmem:s18], [sflag:$0x1] =	stream.indirect.gather [hbm4b:s4+s17], $0x80, s28, s17, $0xb8;
	[tilespmem:$0x1DC00] =	vst v63  }
0x55: {  	_ =	swait.ge [sflag:s20], $0x4000  }
0x56: {  	[sflag:s20] =	ssyncset.done $0x0  }
0x57: {  	s29 =	sor.u32 $0x1180, s24;
	[sflag:s20] =	ssyncadd.s32 $0xFFFFC000  }
0x58: {  	[spmem:s2] =	stream.indirect.scatter.add.f32 [tilespmem:s19], [sflag:$0x2], $0x80, s29, s17, $0xb8;
	[tilespmem:$0x1DC00] =	vst v63  }
0x59: {  	_ =	swait.ge [sflag:s15], $0x4000  }
0x5a: {  	[sflag:s15] =	ssyncset.done $0x0  }
0x5b: {  	s30 =	sor.u32 $0x280, s24;
	[sflag:s15] =	ssyncadd.s32 $0xFFFFC000  }
0x5c: {  	[tilespmem:s19], [sflag:$0x1] =	stream.indirect.gather [hbm4b:s4+s17], $0x80, s30, s17, $0xb8;
	[tilespmem:$0x1DC00] =	vst v63  }
0x5d: {  	_ =	swait.ge [sflag:s20], $0x4000  }
0x5e: {  	[sflag:s20] =	ssyncset.done $0x0  }
0x5f: {  	s31 =	sor.u32 $0x1200, s24;
	[sflag:s20] =	ssyncadd.s32 $0xFFFFC000  }
0x60: {  	[spmem:s2] =	stream.indirect.scatter.add.f32 [tilespmem:s18], [sflag:$0x2], $0x80, s31, s17, $0xb8;
	[tilespmem:$0x1DC00] =	vst v63  }
0x61: {  	_ =	swait.ge [sflag:s15], $0x4000  }
0x62: {  	[sflag:s15] =	ssyncset.done $0x0  }
0x63: {  	s26 =	sor.u32 $0x300, s24;
	[sflag:s15] =	ssyncadd.s32 $0xFFFFC000  }
0x64: {  	[tilespmem:s18], [sflag:$0x1] =	stream.indirect.gather [hbm4b:s4+s17], $0x80, s26, s17, $0xb8;
	[tilespmem:$0x1DC00] =	vst v63  }
0x65: {  	_ =	swait.ge [sflag:s20], $0x4000  }
0x66: {  	[sflag:s20] =	ssyncset.done $0x0  }
0x67: {  	s28 =	sor.u32 $0x1280, s24;
	[sflag:s20] =	ssyncadd.s32 $0xFFFFC000  }
0x68: {  	[spmem:s2] =	stream.indirect.scatter.add.f32 [tilespmem:s19], [sflag:$0x2], $0x80, s28, s17, $0xb8;
	[tilespmem:$0x1DC00] =	vst v63  }
0x69: {  	_ =	swait.ge [sflag:s15], $0x4000  }
0x6a: {  	[sflag:s15] =	ssyncset.done $0x0  }
0x6b: {  	s29 =	sor.u32 $0x380, s24;
	[sflag:s15] =	ssyncadd.s32 $0xFFFFC000  }
0x6c: {  	[tilespmem:s19], [sflag:$0x1] =	stream.indirect.gather [hbm4b:s4+s17], $0x80, s29, s17, $0xb8;
	[tilespmem:$0x1DC00] =	vst v63  }
0x6d: {  	_ =	swait.ge [sflag:s20], $0x4000  }
0x6e: {  	[sflag:s20] =	ssyncset.done $0x0  }
0x6f: {  	s30 =	sor.u32 $0x1300, s24;
	[sflag:s20] =	ssyncadd.s32 $0xFFFFC000  }
0x70: {  	[spmem:s2] =	stream.indirect.scatter.add.f32 [tilespmem:s18], [sflag:$0x2], $0x80, s30, s17, $0xb8;
	[tilespmem:$0x1DC00] =	vst v63  }
0x71: {  	_ =	swait.ge [sflag:s15], $0x4000  }
0x72: {  	[sflag:s15] =	ssyncset.done $0x0  }
0x73: {  	s31 =	sor.u32 $0x400, s24;
	[sflag:s15] =	ssyncadd.s32 $0xFFFFC000  }
0x74: {  	[tilespmem:s18], [sflag:$0x1] =	stream.indirect.gather [hbm4b:s4+s17], $0x80, s31, s17, $0xb8;
	[tilespmem:$0x1DC00] =	vst v63  }
0x75: {  	_ =	swait.ge [sflag:s20], $0x4000  }
0x76: {  	[sflag:s20] =	ssyncset.done $0x0  }
0x77: {  	s26 =	sor.u32 $0x1380, s24;
	[sflag:s20] =	ssyncadd.s32 $0xFFFFC000  }
0x78: {  	[spmem:s2] =	stream.indirect.scatter.add.f32 [tilespmem:s19], [sflag:$0x2], $0x80, s26, s17, $0xb8;
	[tilespmem:$0x1DC00] =	vst v63  }
0x79: {  	_ =	swait.ge [sflag:s15], $0x4000  }
0x7a: {  	[sflag:s15] =	ssyncset.done $0x0  }
0x7b: {  	s28 =	sor.u32 $0x480, s24;
	[sflag:s15] =	ssyncadd.s32 $0xFFFFC000  }
0x7c: {  	[tilespmem:s19], [sflag:$0x1] =	stream.indirect.gather [hbm4b:s4+s17], $0x80, s28, s17, $0xb8;
	[tilespmem:$0x1DC00] =	vst v63  }
0x7d: {  	_ =	swait.ge [sflag:s20], $0x4000  }
0x7e: {  	[sflag:s20] =	ssyncset.done $0x0  }
0x7f: {  	s29 =	sor.u32 $0x1400, s24;
	[sflag:s20] =	ssyncadd.s32 $0xFFFFC000  }
0x80: {  	[spmem:s2] =	stream.indirect.scatter.add.f32 [tilespmem:s18], [sflag:$0x2], $0x80, s29, s17, $0xb8;
	[tilespmem:$0x1DC00] =	vst v63  }
0x81: {  	_ =	swait.ge [sflag:s15], $0x4000  }
0x82: {  	[sflag:s15] =	ssyncset.done $0x0  }
0x83: {  	s30 =	sor.u32 $0x500, s24;
	[sflag:s15] =	ssyncadd.s32 $0xFFFFC000  }
0x84: {  	[tilespmem:s18], [sflag:$0x1] =	stream.indirect.gather [hbm4b:s4+s17], $0x80, s30, s17, $0xb8;
	[tilespmem:$0x1DC00] =	vst v63  }
0x85: {  	_ =	swait.ge [sflag:s20], $0x4000  }
0x86: {  	[sflag:s20] =	ssyncset.done $0x0  }
0x87: {  	s31 =	sor.u32 $0x1480, s24;
	[sflag:s20] =	ssyncadd.s32 $0xFFFFC000  }
0x88: {  	[spmem:s2] =	stream.indirect.scatter.add.f32 [tilespmem:s19], [sflag:$0x2], $0x80, s31, s17, $0xb8;
	[tilespmem:$0x1DC00] =	vst v63  }
0x89: {  	_ =	swait.ge [sflag:s15], $0x4000  }
0x8a: {  	[sflag:s15] =	ssyncset.done $0x0  }
0x8b: {  	s26 =	sor.u32 $0x580, s24;
	[sflag:s15] =	ssyncadd.s32 $0xFFFFC000  }
0x8c: {  	[tilespmem:s19], [sflag:$0x1] =	stream.indirect.gather [hbm4b:s4+s17], $0x80, s26, s17, $0xb8;
	[tilespmem:$0x1DC00] =	vst v63  }
0x8d: {  	_ =	swait.ge [sflag:s20], $0x4000  }
0x8e: {  	[sflag:s20] =	ssyncset.done $0x0  }
0x8f: {  	s28 =	sor.u32 $0x1500, s24;
	[sflag:s20] =	ssyncadd.s32 $0xFFFFC000  }
0x90: {  	[spmem:s2] =	stream.indirect.scatter.add.f32 [tilespmem:s18], [sflag:$0x2], $0x80, s28, s17, $0xb8;
	[tilespmem:$0x1DC00] =	vst v63  }
0x91: {  	_ =	swait.ge [sflag:s15], $0x4000  }
0x92: {  	[sflag:s15] =	ssyncset.done $0x0  }
0x93: {  	s29 =	sor.u32 $0x600, s24;
	[sflag:s15] =	ssyncadd.s32 $0xFFFFC000  }
0x94: {  	[tilespmem:s18], [sflag:$0x1] =	stream.indirect.gather [hbm4b:s4+s17], $0x80, s29, s17, $0xb8;
	[tilespmem:$0x1DC00] =	vst v63  }
0x95: {  	_ =	swait.ge [sflag:s20], $0x4000  }
0x96: {  	[sflag:s20] =	ssyncset.done $0x0  }
0x97: {  	s30 =	sor.u32 $0x1580, s24;
	[sflag:s20] =	ssyncadd.s32 $0xFFFFC000  }
0x98: {  	[spmem:s2] =	stream.indirect.scatter.add.f32 [tilespmem:s19], [sflag:$0x2], $0x80, s30, s17, $0xb8;
	[tilespmem:$0x1DC00] =	vst v63  }
0x99: {  	_ =	swait.ge [sflag:s15], $0x4000  }
0x9a: {  	[sflag:s15] =	ssyncset.done $0x0  }
0x9b: {  	s31 =	sor.u32 $0x680, s24;
	[sflag:s15] =	ssyncadd.s32 $0xFFFFC000  }
0x9c: {  	[tilespmem:s19], [sflag:$0x1] =	stream.indirect.gather [hbm4b:s4+s17], $0x80, s31, s17, $0xb8;
	[tilespmem:$0x1DC00] =	vst v63  }
0x9d: {  	_ =	swait.ge [sflag:s20], $0x4000  }
0x9e: {  	[sflag:s20] =	ssyncset.done $0x0  }
0x9f: {  	s26 =	sor.u32 $0x1600, s24;
	[sflag:s20] =	ssyncadd.s32 $0xFFFFC000  }
0xa0: {  	[spmem:s2] =	stream.indirect.scatter.add.f32 [tilespmem:s18], [sflag:$0x2], $0x80, s26, s17, $0xb8;
	[tilespmem:$0x1DC00] =	vst v63  }
0xa1: {  	_ =	swait.ge [sflag:s15], $0x4000  }
0xa2: {  	[sflag:s15] =	ssyncset.done $0x0  }
0xa3: {  	s28 =	sor.u32 $0x700, s24;
	[sflag:s15] =	ssyncadd.s32 $0xFFFFC000  }
0xa4: {  	[tilespmem:s18], [sflag:$0x1] =	stream.indirect.gather [hbm4b:s4+s17], $0x80, s28, s17, $0xb8;
	[tilespmem:$0x1DC00] =	vst v63  }
0xa5: {  	_ =	swait.ge [sflag:s20], $0x4000  }
0xa6: {  	[sflag:s20] =	ssyncset.done $0x0  }
0xa7: {  	s29 =	sor.u32 $0x1680, s24;
	[sflag:s20] =	ssyncadd.s32 $0xFFFFC000  }
0xa8: {  	[spmem:s2] =	stream.indirect.scatter.add.f32 [tilespmem:s19], [sflag:$0x2], $0x80, s29, s17, $0xb8;
	[tilespmem:$0x1DC00] =	vst v63  }
0xa9: {  	_ =	swait.ge [sflag:s15], $0x4000  }
0xaa: {  	[sflag:s15] =	ssyncset.done $0x0  }
0xab: {  	s30 =	sor.u32 $0x780, s24;
	[sflag:s15] =	ssyncadd.s32 $0xFFFFC000  }
0xac: {  	[tilespmem:s19], [sflag:$0x1] =	stream.indirect.gather [hbm4b:s4+s17], $0x80, s30, s17, $0xb8;
	[tilespmem:$0x1DC00] =	vst v63  }
0xad: {  	_ =	swait.ge [sflag:s20], $0x4000  }
0xae: {  	p0 =	sne.s32 s22, $0x2800;
	[sflag:s20] =	ssyncset.done $0x0  }
.Ltmp2:
0xaf: {  	s31 =	sor.u32 $0x1700, s24;
	[sflag:s20] =	ssyncadd.s32 $0xFFFFC000;
	(pc) =	sbr.rel @!p0 .LBB2_3-.Ltmp2, $4  }
0xb0: {  	[spmem:s2] =	stream.indirect.scatter.add.f32 [tilespmem:s18], [sflag:$0x2], $0x80, s31, s17, $0xb8;
	[tilespmem:$0x1DC00] =	vst v63  }
0xb1: {  	_ =	swait.ge [sflag:s15], $0x4000  }
0xb2: {  	[sflag:s15] =	ssyncset.done $0x0  }
0xb3: {  	[sflag:s15] =	ssyncadd.s32 $0xFFFFC000  }
0xb4: {  	s23 =	sadd.s32 $0x2000, s23  }
0xb5: {  	s25 =	sand.u32 $0x2000, s23  }
0xb6: {  	s25 =	sshrl.u32 s25, $0x2  }
0xb7: {  	[tilespmem:s18], [sflag:$0x1] =	stream.indirect.gather [hbm4b:s4+s17], $0x80, s25, s17, $0xb8;
	[tilespmem:$0x1DC00] =	vst v63  }
0xb8: {  	_ =	swait.ge [sflag:s20], $0x4000  }
0xb9: {  	[sflag:s20] =	ssyncset.done $0x0  }
0xba: {  	s24 =	sadd.s32 $0x1780, s24;
	p0 =	sne.s32 s23, $0xA000;
	[sflag:s20] =	ssyncadd.s32 $0xFFFFC000  }
0xbb: {  	[spmem:s2] =	stream.indirect.scatter.add.f32 [tilespmem:s19], [sflag:$0x2], $0x80, s24, s17, $0xb8;
	[tilespmem:$0x1DC00] =	vst v63  }
.Ltmp3:
0xbc: {  	_ = 	snop;
	(pc) =	sbr.rel @p0 .LBB2_2-.Ltmp3, $4  }
.Ltmp4:
0xbd: {  	_ =	swait.ge [sflag:s15], $0x4000;
	(pc) =	sbr.rel @!p0 .LBB2_5-.Ltmp4, $4  }
0xbe: {  	[sflag:s15] =	ssyncset.done $0x0  }
0xbf: {  	s22 =	sadd.s32 $0x800, s22;
	s31 =	sor.u32 $0x80, s25;
	[sflag:s15] =	ssyncadd.s32 $0xFFFFC000  }
0xc0: {  	[tilespmem:s19], [sflag:$0x1] =	stream.indirect.gather [hbm4b:s4+s17], $0x80, s31, s17, $0xb8;
	[tilespmem:$0x1DC00] =	vst v63  }
0xc1: {  	_ = 	snop  }
.LBB2_6:
0xc2: {  	_ =	sfence.sel $0x180000  }
0xc3: {  	[bflag:$0x0] =	sbarrier.arrive $0xFFFF  }
0xc4: {  	p0 =	sne.s32 s1, $0x0;
	_ =	strace $0x9000004A  }
0xc5: {  	s0 =	sadd.s32 @!p0 $0x100000, s0;
	[bflag:$0x2] =	sbarrier.arrive $0xFFFF  }
0xc6: {  	[sflag:s0] =	ssyncadd.tile.s32 @!p0 $0x1;
	_ =	shalt  }
.Lfunc_end2:
_tile_overlayer_lowered:
.L_overlay_start_2:
0xc7: {  	(tag) =	ssettag $0x2  }
0xc8: {  	s0 =	rddreg [dreg:$0x0];
	s2 =	stileid.u32  }
0xc9: {  	s1 =	rddreg [dreg:$0x1];
	p0 =	sne.s32 s2, $0x0  }
0xca: {  	s3 =	rddreg [dreg:$0x2];
	[bflag:$0x3] =	sbarrier.arrive $0xFFFF;
	s2 =	simm.s32 @!p0 $0x1C02  }
0xcb: {  	[timem:s3], [sflag:s2] =	dma.local @!p0 [hbm:s0], s1  }
0xcc: {  	s0 =	simm.s32 @!p0 $0x2  }
0xcd: {  	_ =	swait.ge @!p0 [sflag:s0], s1  }
0xce: {  	s1 =	ssub.s32 @!p0 $0x0, s1;
	[sflag:s0] =	ssyncset.done @!p0 $0x0  }
0xcf: {  	[sflag:s0] =	ssyncadd.s32 @!p0 s1  }
0xd0: {  	[bflag:$0x3] =	sbarrier.arrive $0xFFFF  }
0xd1: {  	_ =	shalt  }

// kernel: kernel.15.cloned.1.call-start
scs
__scs_entry_jumppad:
0x0: {  	(pc) =	sbr.rel $0x88, $3  }
0x1: {  	(tag) =	ssettag $0x0;
	lr =	simm.s32 $0x1  }
0x2: {  	[smem:$0x3F88] =	sst lr;
	_ =	strace $0xD0000000  }
0x3: {  	_ = 	snop  }
0x4: {  	_ = 	snop  }
0x5: {  	_ = 	snop  }
0x6: {  	_ = 	snop  }
0x7: {  	_ = 	snop  }
__scs_overlays_trampoline_lowered:
0x8: {  	[smem:$0x3F97] =	sst s0  }
0x9: {  	[smem:$0x3F98] =	sst s1  }
0xa: {  	[smem:$0x3F99] =	sst s2  }
0xb: {  	[smem:$0x3F9A] =	sst s3  }
0xc: {  	[smem:$0x3F9B] =	sst s4  }
0xd: {  	[smem:$0x3F9C] =	sst s5  }
0xe: {  	[smem:$0x3F9D] =	sst s6  }
0xf: {  	[smem:$0x3F9E] =	sst s7  }
0x10: {  	[smem:$0x3F9F] =	sst s8  }
0x11: {  	[smem:$0x3FA0] =	sst s9;
	s0 =	simm.s32 @!p0 $0x0  }
0x12: {  	s1 =	sld [smem:$0x3F86];
	s0 =	simm.s32 @p0 $0x1  }
0x13: {  	[smem:$0x3FA1] =	sst s0;
	s0 =	simm.s32 @!p1 $0x0  }
0x14: {  	s2 =	sld [smem:$0x3F85];
	s0 =	simm.s32 @p1 $0x1  }
0x15: {  	[smem:$0x3FA2] =	sst s0;
	s0 =	simm.s32 @!p2 $0x0  }
0x16: {  	s3 =	sld [smem:$0x3FDB];
	s0 =	simm.s32 @p2 $0x1  }
0x17: {  	s4 =	simm.s32 $0x1BF5;
	[smem:$0x3FA4] =	sst s0  }
0x18: {  	s0 =	sld [smem:$0x3F87];
	_ =	swait.ge [sflag:s4], $0x0  }
0x19: {  	s7 =	sld [smem:$0x3F88]  }
0x1a: {  	s8 =	sadd.s32 $0xFFFFE003, lr  }
0x1b: {  	s9 =	sadd.s32 $0xFFFFFEF7, lr;
	s5 =	simm.s32 $0xFFFFFFFF;
	p2 =	slt.u32 s8, $0xFFFFF086  }
0x1c: {  	p1 =	slt.u32 s9, $0xF7A;
	s5 =	simm.s32 @!p2 $0x0  }
0x1d: {  	s5 =	simm.s32 @p1 $0x1;
	p0 =	seq.s32 s7, s2  }
0x1e: {  	s7 =	smul.u32 @!p0 $0xF7A, s2;
	p2 =	seq.s32 @!p0 s5, $0x0  }
0x1f: {  	s9 =	smul.u32 $0xF7A, s1;
	s8 =	simm.s32 @!p0 $0x1BF5;
	p2 =	por !p2, p0  }
0x20: {  	[sflag:s8] =	ssyncset.s32 @!p0 $0xFFFFF086;
	s6 =	sadd.s32 @!p0 s3, s7;
	s7 =	simm.s32 @!p0 $0x108  }
0x21: {  	s3 =	sadd.s32 s3, s9;
	s6 =	sadd.s32 @!p0 $0x88, s6;
	s7 =	simm.s32 @p2 $0x1082  }
0x22: {  	[simem:s7], [sflag:s8] =	dma.local @!p0 [hbm:s6], $0xF7A  }
0x23: {  	s9 =	sor.u32 $0xD0000000, s2;
	s6 =	simm.s32 $0x108;
	_ =	swait.ge @!p0 [sflag:s8], $0x0  }
0x24: {  	s3 =	sadd.s32 $0x88, s3;
	s6 =	simm.s32 @!p1 $0x1082;
	[sflag:s4] =	ssyncset.s32 $0xFFFFF086  }
0x25: {  	[simem:s6], [sflag:s4] =	dma.local [hbm:s3], $0xF7A  }
0x26: {  	[smem:$0x3F88] =	sst s1;
	(tag) =	ssettag s2;
	_ =	strace s9  }
0x27: {  	s1 =	sld [smem:$0x3F98]  }
0x28: {  	s2 =	sld [smem:$0x3F99]  }
0x29: {  	s4 =	sld [smem:$0x3F9B]  }
0x2a: {  	p0 =	seq.s32 s5, $0x0;
	s5 =	sld [smem:$0x3F9C]  }
0x2b: {  	s6 =	sld [smem:$0x3F9D]  }
0x2c: {  	s7 =	sld [smem:$0x3F9E]  }
0x2d: {  	s3 =	simm.s32 $0x108;
	s8 =	sld [smem:$0x3F9F]  }
0x2e: {  	s3 =	simm.s32 @!p0 $0x1082;
	s9 =	sld [smem:$0x3FA0]  }
0x2f: {  	lr =	sadd.s32 s0, s3;
	s0 =	sld [smem:$0x3F97]  }
0x30: {  	s3 =	sld [smem:$0x3F9A]  }
0x31: {  	[smem:$0x3FA3] =	sst s10  }
0x32: {  	s10 =	sld [smem:$0x3FA1];
	_ =	sdelay $0x3  }
0x33: {  	p0 =	seq.s32 s10, $0x1;
	s10 =	sld [smem:$0x3FA3];
	_ =	sdelay $0x3  }
0x34: {  	[smem:$0x3FA3] =	sst s10  }
0x35: {  	s10 =	sld [smem:$0x3FA2];
	_ =	sdelay $0x3  }
0x36: {  	p1 =	seq.s32 s10, $0x1;
	s10 =	sld [smem:$0x3FA3];
	_ =	sdelay $0x3  }
0x37: {  	[smem:$0x3FA3] =	sst s10  }
0x38: {  	s10 =	sld [smem:$0x3FA4]  }
0x39: {  	_ = 	snop;
	(pc) =	sbr.ind lr, $3  }
0x3a: {  	_ = 	snop  }
0x3b: {  	_ = 	snop  }
0x3c: {  	p2 =	seq.s32 s10, $0x1;
	s10 =	sld [smem:$0x3FA3]  }
0x3d: {  	_ =	shalt  }
0x3e: {  	_ =	shalt  }
0x3f: {  	_ =	shalt  }
0x40: {  	_ =	shalt  }
0x41: {  	_ =	shalt  }
0x42: {  	_ =	shalt  }
0x43: {  	_ =	shalt  }
0x44: {  	_ =	shalt  }
0x45: {  	_ =	shalt  }
0x46: {  	_ =	shalt  }
0x47: {  	_ =	shalt  }
0x48: {  	_ =	shalt  }
0x49: {  	_ =	shalt  }
0x4a: {  	_ =	shalt  }
0x4b: {  	_ =	shalt  }
0x4c: {  	_ =	shalt  }
0x4d: {  	_ =	shalt  }
0x4e: {  	_ =	shalt  }
0x4f: {  	_ =	shalt  }
0x50: {  	_ =	shalt  }
0x51: {  	_ =	shalt  }
0x52: {  	_ =	shalt  }
0x53: {  	_ =	shalt  }
0x54: {  	_ =	shalt  }
0x55: {  	_ =	shalt  }
0x56: {  	_ =	shalt  }
0x57: {  	_ =	shalt  }
0x58: {  	_ =	shalt  }
0x59: {  	_ =	shalt  }
0x5a: {  	_ =	shalt  }
0x5b: {  	_ =	shalt  }
0x5c: {  	_ =	shalt  }
0x5d: {  	_ =	shalt  }
0x5e: {  	_ =	shalt  }
0x5f: {  	_ =	shalt  }
0x60: {  	_ =	shalt  }
0x61: {  	_ =	shalt  }
0x62: {  	_ =	shalt  }
0x63: {  	_ =	shalt  }
0x64: {  	_ =	shalt  }
0x65: {  	_ =	shalt  }
0x66: {  	_ =	shalt  }
0x67: {  	_ =	shalt  }
0x68: {  	_ =	shalt  }
0x69: {  	_ =	shalt  }
0x6a: {  	_ =	shalt  }
0x6b: {  	_ =	shalt  }
0x6c: {  	_ =	shalt  }
0x6d: {  	_ =	shalt  }
0x6e: {  	_ =	shalt  }
0x6f: {  	_ =	shalt  }
0x70: {  	_ =	shalt  }
0x71: {  	_ =	shalt  }
0x72: {  	_ =	shalt  }
0x73: {  	_ =	shalt  }
0x74: {  	_ =	shalt  }
0x75: {  	_ =	shalt  }
0x76: {  	_ =	shalt  }
0x77: {  	_ =	shalt  }
0x78: {  	_ =	shalt  }
0x79: {  	_ =	shalt  }
0x7a: {  	_ =	shalt  }
0x7b: {  	_ =	shalt  }
0x7c: {  	_ =	shalt  }
0x7d: {  	_ =	shalt  }
0x7e: {  	_ =	shalt  }
0x7f: {  	_ =	shalt  }
0x80: {  	_ =	shalt  }
0x81: {  	_ =	shalt  }
0x82: {  	_ =	shalt  }
0x83: {  	_ =	shalt  }
0x84: {  	_ =	shalt  }
0x85: {  	_ =	shalt  }
0x86: {  	_ =	shalt  }
0x87: {  	_ =	shalt  }
.Lfunc_end0:
.L_simem_size_0:
called_computation.2_lowered:
.L_overlay_start_0:
0x88: {  	s2 =	sld [smem:$0x3FD9]  }
0x89: {  	s3 =	sld [smem:$0x3FFE];
	_ =	sdelay $0x1  }
0x8a: {  	s1 =	srdreg.scid  }
0x8b: {  	s0 =	sand.u32 $0x1, s1  }
0x8c: {  	s16 =	sshll.u32 s0, $0xA;
	s2 =	sadd.s32 s3, s2  }
0x8d: {  	s2 =	sadd.s32 s2, s16  }
0x8e: {  	[smem:$0x3FAF] =	sst s2  }
0x8f: {  	_ = 	snop  }
0x90: {  	(tm) =	ssettm $0x1  }
0x91: {  	s17 =	sld [smem:$0x3FFB];
	_ =	sdelay $0x3  }
0x92: {  	_ =	strace s17  }
0x93: {  	s2 =	sld [smem:$0x3FFC];
	_ =	sdelay $0x3  }
0x94: {  	_ =	strace s2  }
0x95: {  	s2 =	sld [smem:$0x3FFD];
	_ =	sdelay $0x3  }
0x96: {  	_ =	strace s2  }
0x97: {  	_ =	strace $0x8FFFFFFF  }
0x98: {  	s18 =	sld [smem:$0x3FDB];
	_ =	sdelay $0x1  }
0x99: {  	s19 =	simm.s32 $_scs_section_size  }
0x9a: {  	s4 =	simm.s32 $_size__tile_overlayer_lowered;
	s5 =	simm.s32 $_tile_overlayer_lowered  }
0x9b: {  	s22 =	simm.s32 $0x1BFF;
	s21 =	sshll.u32 s5, $0x1;
	s2 =	sadd.s32 s19, s18  }
0x9c: {  	s6 =	simm.s32 $0x0;
	s20 =	sshll.u32 s4, $0x1;
	s4 =	sadd.s32 s21, s2  }
0x9d: {  	[timem:s6], [sflag:s22] =	dma.local [hbm:s4], s20  }
0x9e: {  	_ =	swait.ge [sflag:s22], s20  }
0x9f: {  	s3 =	ssub.s32 $0x0, s20;
	[sflag:s22] =	ssyncset.done $0x0  }
0xa0: {  	[sflag:s22] =	ssyncadd.s32 s3;
	_ =	sdelay $0x1  }
0xa1: {  	s23 =	simm.s32 $0x1B8B  }
0xa2: {  	_ =	swait.ge [sflag:s23], $0x1  }
0xa3: {  	[sflag:s23] =	ssyncset.done $0x0  }
0xa4: {  	s25 =	simm.s32 $0x1B8E;
	s24 =	sld [smem:$0x3FFE];
	[sflag:s23] =	ssyncadd.s32 $0xFFFFFFFF  }
0xa5: {  	s26 =	simm.s32 $execute0_lowered;
	[smem:$0x3FD2] =	sst s25  }
0xa6: {  	s4 =	sshll.u32 s26, $0x1;
	_ =	strace $0x8000004C;
	[dreg:$0x1] =	wrdreg $0xFFFFFFFF  }
0xa7: {  	s28 =	simm.s32 $_size_execute0_lowered;
	s2 =	sadd.s32 s2, s4;
	[dreg:$0x0] =	wrdreg $0x0  }
0xa8: {  	s4 =	sshll.u32 s28, $0x1;
	[dreg:$0x2] =	wrdreg s2  }
0xa9: {  	[dreg:$0x3] =	wrdreg s4  }
0xaa: {  	[dreg:$0x4] =	wrdreg $0xC0  }
0xab: {  	_ =	task [dreg:s6], $0x5FFFF  }
0xac: {  	[dreg:$0x1] =	wrdreg $0xFFFFFFFF  }
0xad: {  	[dreg:$0x0] =	wrdreg $0x60  }
0xae: {  	[dreg:$0x2] =	wrdreg s24  }
0xaf: {  	[dreg:$0x3] =	wrdreg $0xA0000  }
0xb0: {  	[dreg:$0x4] =	wrdreg $0x9  }
0xb1: {  	_ =	task.clear_ibuf [dreg:s6], $0x5FFFF;
	_ =	strace $0x9000004C  }
0xb2: {  	s29 =	simm.s32 $0x9;
	_ =	strace $0x8000004E  }
0xb3: {  	_ =	swait.ge [sflag:s29], $0x1  }
0xb4: {  	[sflag:s29] =	ssyncadd.s32 $0xFFFFFFFF  }
0xb5: {  	_ =	strace $0x9000004E  }
0xb6: {  	_ =	sfence  }
0xb7: {  	s30 =	sld [smem:$0x0];
	_ =	sdelay $0x2  }
0xb8: {  	s31 =	sshll.u32 s1, $0xD;
	s1 =	sshrl.u32 s1, $0x2  }
0xb9: {  	s3 =	sand.u32 $0x4000, s31;
	s1 =	sadd.s32 s1, s30  }
0xba: {  	s0 =	sor.u32 s3, s0;
	s1 =	sshll.u32 s1, $0x11  }
0xbb: {  	s0 =	sor.u32 s1, s0  }
0xbc: {  	s0 =	sadd.s32 $0x8F2B, s0  }
0xbd: {  	[sflag:s0] =	ssyncadd.remote.s32 $0x1  }
0xbe: {  	_ =	sfence.sel $0xFFFF  }
0xbf: {  	[dreg:$0x0] =	wrdreg $0xFFFFFFFF;
	(pc) =	sbr.abs _section_cstart, $3  }
0xc0: {  	[dreg:$0x1] =	wrdreg $0xFFFFFFFF  }
0xc1: {  	_ =	task.clear_ibuf [dreg:s6], $0x2FFFF;
	_ =	strace $0x9FFFFFFF  }
0xc2: {  	(tm) =	ssettm $0x7FFFFFFF  }
0xc3: {  	_ =	shalt  }
tec
execute0_lowered:
.L_overlay_start_1:
0x0: {  	(tag) =	ssettag $0x1  }
0x1: {  	s8 =	rddreg [dreg:$0x0]  }
0x2: {  	s2 =	rddreg [dreg:$0x1]  }
0x3: {  	s0 =	rddreg [dreg:$0x2]  }
0x4: {  	s4 =	srdreg.scid;
	s1 =	stileid.u32  }
0x5: {  	s3 =	simm.s32 $0x0;
	s17 =	simm.s32 $0x80;
	s18 =	simm.s32 $0x2000  }
0x6: {  	s19 =	simm.s32 $0x6000;
	s20 =	simm.s32 $0x1;
	s21 =	simm.s32 $0x0  }
0x7: {  	s9 =	sand.u32 $0x1, s4;
	s10 =	smul.u32 $0x2780, s1;
	[smem:$0x7FF] =	sst s3  }
0x8: {  	s4 =	sadd.s32 $0x1BC00, s8;
	s5 =	sadd.s32 $0xF400, s8;
	s13 =	smul.u32 $0x4F000, s1  }
0x9: {  	s6 =	sadd.s32 $0x5400, s8;
	s7 =	sadd.s32 $0x19400, s8;
	s16 =	smul.u32 $0x2800, s1  }
0xa: {  	s30 =	sshll.u32 s1, $0x6;
	s11 =	smul.u32 $0x27800, s9;
	_ =	strace $0x8000004D  }
0xb: {  	s24 =	ssub.s32 $0x2, s9;
	s12 =	sshll.u32 s9, $0x4;
	s31 =	smul.u32 $0x28000, s9  }
0xc: {  	s25 =	sshrl.u32 s24, $0x1;
	s26 =	sor.u32 s1, s12;
	s29 =	sshrl.u32 s13, $0x2  }
.Ltmp0:
0xd: {  	s10 =	sadd.s32 s10, s11;
	s28 =	ssub.s32 s24, s25;
	(pc) =	sbr.rel .LBB2_1-.Ltmp0, $4  }
0xe: {  	s15 =	sadd.s32 s29, s2;
	s13 =	sadd.s32 s16, s31;
	s16 =	simm.s32 $0x1000  }
0xf: {  	s14 =	sadd.s32 s10, s8;
	s10 =	smul.u32 $0x500, s26;
	s8 =	sor.u32 $0x1C02, s30  }
0x10: {  	s12 =	smax.u32 s28, $0x1;
	s11 =	sadd.s32 $0x42E00, s14;
	s14 =	sshrl.u32 s15, $0x3  }
0x11: {  	s15 =	simm.s32 $0x2;
	s9 =	sadd.s32 s5, s10;
	s10 =	sadd.s32 s6, s10  }
.LBB2_3:
0x12: {  	_ =	swait.ge [sflag:s20], $0x4000  }
0x13: {  	[sflag:s20] =	ssyncset.done $0x0  }
0x14: {  	s22 =	sadd.s32 $0x1780, s24;
	[sflag:s20] =	ssyncadd.s32 $0xFFFFC000  }
0x15: {  	[spmem:s2] =	stream.indirect.scatter.add.f32 [tilespmem:s19], [sflag:$0x2], $0x80, s22, s17, $0xb8;
	[tilespmem:$0x1DC00] =	vst v63  }
0x16: {  	_ =	swait.ge [sflag:s15], $0x4000  }
0x17: {  	[sflag:s15] =	ssyncset.done $0x0  }
0x18: {  	[sflag:s15] =	ssyncadd.s32 $0xFFFFC000  }
.LBB2_5:
0x19: {  	s21 =	sadd.s32 $0x1, s21  }
0x1a: {  	p0 =	sne.s32 s21, s12  }
.Ltmp1:
0x1b: {  	[bflag:$0x0] =	sbarrier.arrive $0xFFFF;
	(pc) =	sbr.rel @!p0 .LBB2_6-.Ltmp1, $4  }
0x1c: {  	[hbm:s11], [sflag:s8] =	dma.local [spmem:s14], $0x2780  }
0x1d: {  	_ =	swait.ge [sflag:s15], $0x2780  }
0x1e: {  	[sflag:s15] =	ssyncset.done $0x0  }
0x1f: {  	[sflag:s15] =	ssyncadd.s32 $0xFFFFD880  }
.LBB2_1:
0x20: {  	[spmem:s14], [sflag:s8] =	dma.local [hbm:s7], $0x2780  }
0x21: {  	_ =	swait.ge [sflag:s15], $0x2780  }
0x22: {  	[sflag:s15] =	ssyncset.done $0x0  }
0x23: {  	[sflag:s15] =	ssyncadd.s32 $0xFFFFD880  }
0x24: {  	[tilespmem:s3], [sflag:$0x2] =	stream.linear.gather [hbm4b:s9+s3], $0x800, $0x38;
	[tilespmem:$0x1DC00] =	vst v63  }
0x25: {  	_ =	swait.ge [sflag:s15], $0x800  }
0x26: {  	[sflag:s15] =	ssyncset.done $0x0  }
0x27: {  	[sflag:s15] =	ssyncadd.s32 $0xFFFFF800  }
0x28: {  	[tilespmem:s16], [sflag:$0x2] =	stream.linear.gather [hbm4b:s10+s3], $0x800, $0x38;
	[tilespmem:$0x1DC00] =	vst v63  }
0x29: {  	_ =	swait.ge [sflag:s15], $0x800  }
0x2a: {  	[sflag:s15] =	ssyncset.done $0x0  }
0x2b: {  	[sflag:s15] =	ssyncadd.s32 $0xFFFFF800  }
0x2c: {  	[bflag:$0x0] =	sbarrier.arrive $0xFFFF  }
0x2d: {  	[tilespmem:s18], [sflag:$0x1] =	stream.indirect.gather [hbm4b:s4+s17], $0x80, s3, s17, $0xb8;
	[tilespmem:$0x1DC00] =	vst v63  }
0x2e: {  	s22 =	simm.s32 $0x800;
	s23 =	simm.s32 $0x0  }
0x2f: {  	[tilespmem:s19], [sflag:$0x1] =	stream.indirect.gather [hbm4b:s4+s17], $0x80, s17, s17, $0xb8;
	[tilespmem:$0x1DC00] =	vst v63  }
.LBB2_2:
0x30: {  	p0 =	seq.s32 s22, $0x2800  }
0x31: {  	s24 =	sadd.s32 @!p0 s22, s13  }
0x32: {  	s24 =	sshrl.u32 @!p0 s24, $0x3  }
0x33: {  	s25 =	sand.u32 @!p0 $0x800, s22;
	s28 =	simm.s32 @!p0 $0x0;
	s26 =	sadd.s32 @!p0 s5, s24  }
0x34: {  	[tilespmem:s25], [sflag:$0x2] =	stream.linear.gather @!p0 [hbm4b:s26+s28], $0x800, $0x38;
	[tilespmem:$0x1DC00] =	vst v63  }
0x35: {  	s26 =	simm.s32 @!p0 $0x2  }
0x36: {  	_ =	swait.ge @!p0 [sflag:s26], $0x800  }
0x37: {  	[sflag:s26] =	ssyncset.done @!p0 $0x0  }
0x38: {  	s24 =	sadd.s32 @!p0 s6, s24;
	s25 =	sor.u32 @!p0 $0x1000, s25;
	[sflag:s26] =	ssyncadd.s32 @!p0 $0xFFFFF800  }
0x39: {  	[tilespmem:s25], [sflag:$0x2] =	stream.linear.gather @!p0 [hbm4b:s24+s28], $0x800, $0x38;
	[tilespmem:$0x1DC00] =	vst v63  }
0x3a: {  	_ =	swait.ge @!p0 [sflag:s26], $0x800  }
0x3b: {  	[sflag:s26] =	ssyncset.done @!p0 $0x0  }
0x3c: {  	[sflag:s26] =	ssyncadd.s32 @!p0 $0xFFFFF800  }
0x3d: {  	s26 =	sshrl.u32 s23, $0x2;
	_ =	swait.ge [sflag:s20], $0x4000  }
0x3e: {  	s24 =	sand.u32 $0x800, s26;
	[sflag:s20] =	ssyncset.done $0x0  }
0x3f: {  	s28 =	sor.u32 $0x1000, s24;
	[sflag:s20] =	ssyncadd.s32 $0xFFFFC000  }
0x40: {  	[spmem:s2] =	stream.indirect.scatter.add.f32 [tilespmem:s18], [sflag:$0x2], $0x80, s28, s17, $0xb8;
	[tilespmem:$0x1DC00] =	vst v63  }
0x41: {  	_ =	swait.ge [sflag:s15], $0x4000  }
0x42: {  	[sflag:s15] =	ssyncset.done $0x0  }
0x43: {  	s29 =	sor.u32 $0x100, s24;
	[sflag:s15] =	ssyncadd.s32 $0xFFFFC000  }
0x44: {  	[tilespmem:s18], [sflag:$0x1] =	stream.indirect.gather [hbm4b:s4+s17], $0x80, s29, s17, $0xb8;
	[tilespmem:$0x1DC00] =	vst v63  }
0x45: {  	_ =	swait.ge [sflag:s20], $0x4000  }
0x46: {  	[sflag:s20] =	ssyncset.done $0x0  }
0x47: {  	s30 =	sor.u32 $0x1080, s24;
	[sflag:s20] =	ssyncadd.s32 $0xFFFFC000  }
0x48: {  	[spmem:s2] =	stream.indirect.scatter.add.f32 [tilespmem:s19], [sflag:$0x2], $0x80, s30, s17, $0xb8;
	[tilespmem:$0x1DC00] =	vst v63  }
0x49: {  	_ =	swait.ge [sflag:s15], $0x4000  }
0x4a: {  	[sflag:s15] =	ssyncset.done $0x0  }
0x4b: {  	s31 =	sor.u32 $0x180, s24;
	[sflag:s15] =	ssyncadd.s32 $0xFFFFC000  }
0x4c: {  	[tilespmem:s19], [sflag:$0x1] =	stream.indirect.gather [hbm4b:s4+s17], $0x80, s31, s17, $0xb8;
	[tilespmem:$0x1DC00] =	vst v63  }
0x4d: {  	_ =	swait.ge [sflag:s20], $0x4000  }
0x4e: {  	[sflag:s20] =	ssyncset.done $0x0  }
0x4f: {  	s26 =	sor.u32 $0x1100, s24;
	[sflag:s20] =	ssyncadd.s32 $0xFFFFC000  }
0x50: {  	[spmem:s2] =	stream.indirect.scatter.add.f32 [tilespmem:s18], [sflag:$0x2], $0x80, s26, s17, $0xb8;
	[tilespmem:$0x1DC00] =	vst v63  }
0x51: {  	_ =	swait.ge [sflag:s15], $0x4000  }
0x52: {  	[sflag:s15] =	ssyncset.done $0x0  }
0x53: {  	s28 =	sor.u32 $0x200, s24;
	[sflag:s15] =	ssyncadd.s32 $0xFFFFC000  }
0x54: {  	[tilespmem:s18], [sflag:$0x1] =	stream.indirect.gather [hbm4b:s4+s17], $0x80, s28, s17, $0xb8;
	[tilespmem:$0x1DC00] =	vst v63  }
0x55: {  	_ =	swait.ge [sflag:s20], $0x4000  }
0x56: {  	[sflag:s20] =	ssyncset.done $0x0  }
0x57: {  	s29 =	sor.u32 $0x1180, s24;
	[sflag:s20] =	ssyncadd.s32 $0xFFFFC000  }
0x58: {  	[spmem:s2] =	stream.indirect.scatter.add.f32 [tilespmem:s19], [sflag:$0x2], $0x80, s29, s17, $0xb8;
	[tilespmem:$0x1DC00] =	vst v63  }
0x59: {  	_ =	swait.ge [sflag:s15], $0x4000  }
0x5a: {  	[sflag:s15] =	ssyncset.done $0x0  }
0x5b: {  	s30 =	sor.u32 $0x280, s24;
	[sflag:s15] =	ssyncadd.s32 $0xFFFFC000  }
0x5c: {  	[tilespmem:s19], [sflag:$0x1] =	stream.indirect.gather [hbm4b:s4+s17], $0x80, s30, s17, $0xb8;
	[tilespmem:$0x1DC00] =	vst v63  }
0x5d: {  	_ =	swait.ge [sflag:s20], $0x4000  }
0x5e: {  	[sflag:s20] =	ssyncset.done $0x0  }
0x5f: {  	s31 =	sor.u32 $0x1200, s24;
	[sflag:s20] =	ssyncadd.s32 $0xFFFFC000  }
0x60: {  	[spmem:s2] =	stream.indirect.scatter.add.f32 [tilespmem:s18], [sflag:$0x2], $0x80, s31, s17, $0xb8;
	[tilespmem:$0x1DC00] =	vst v63  }
0x61: {  	_ =	swait.ge [sflag:s15], $0x4000  }
0x62: {  	[sflag:s15] =	ssyncset.done $0x0  }
0x63: {  	s26 =	sor.u32 $0x300, s24;
	[sflag:s15] =	ssyncadd.s32 $0xFFFFC000  }
0x64: {  	[tilespmem:s18], [sflag:$0x1] =	stream.indirect.gather [hbm4b:s4+s17], $0x80, s26, s17, $0xb8;
	[tilespmem:$0x1DC00] =	vst v63  }
0x65: {  	_ =	swait.ge [sflag:s20], $0x4000  }
0x66: {  	[sflag:s20] =	ssyncset.done $0x0  }
0x67: {  	s28 =	sor.u32 $0x1280, s24;
	[sflag:s20] =	ssyncadd.s32 $0xFFFFC000  }
0x68: {  	[spmem:s2] =	stream.indirect.scatter.add.f32 [tilespmem:s19], [sflag:$0x2], $0x80, s28, s17, $0xb8;
	[tilespmem:$0x1DC00] =	vst v63  }
0x69: {  	_ =	swait.ge [sflag:s15], $0x4000  }
0x6a: {  	[sflag:s15] =	ssyncset.done $0x0  }
0x6b: {  	s29 =	sor.u32 $0x380, s24;
	[sflag:s15] =	ssyncadd.s32 $0xFFFFC000  }
0x6c: {  	[tilespmem:s19], [sflag:$0x1] =	stream.indirect.gather [hbm4b:s4+s17], $0x80, s29, s17, $0xb8;
	[tilespmem:$0x1DC00] =	vst v63  }
0x6d: {  	_ =	swait.ge [sflag:s20], $0x4000  }
0x6e: {  	[sflag:s20] =	ssyncset.done $0x0  }
0x6f: {  	s30 =	sor.u32 $0x1300, s24;
	[sflag:s20] =	ssyncadd.s32 $0xFFFFC000  }
0x70: {  	[spmem:s2] =	stream.indirect.scatter.add.f32 [tilespmem:s18], [sflag:$0x2], $0x80, s30, s17, $0xb8;
	[tilespmem:$0x1DC00] =	vst v63  }
0x71: {  	_ =	swait.ge [sflag:s15], $0x4000  }
0x72: {  	[sflag:s15] =	ssyncset.done $0x0  }
0x73: {  	s31 =	sor.u32 $0x400, s24;
	[sflag:s15] =	ssyncadd.s32 $0xFFFFC000  }
0x74: {  	[tilespmem:s18], [sflag:$0x1] =	stream.indirect.gather [hbm4b:s4+s17], $0x80, s31, s17, $0xb8;
	[tilespmem:$0x1DC00] =	vst v63  }
0x75: {  	_ =	swait.ge [sflag:s20], $0x4000  }
0x76: {  	[sflag:s20] =	ssyncset.done $0x0  }
0x77: {  	s26 =	sor.u32 $0x1380, s24;
	[sflag:s20] =	ssyncadd.s32 $0xFFFFC000  }
0x78: {  	[spmem:s2] =	stream.indirect.scatter.add.f32 [tilespmem:s19], [sflag:$0x2], $0x80, s26, s17, $0xb8;
	[tilespmem:$0x1DC00] =	vst v63  }
0x79: {  	_ =	swait.ge [sflag:s15], $0x4000  }
0x7a: {  	[sflag:s15] =	ssyncset.done $0x0  }
0x7b: {  	s28 =	sor.u32 $0x480, s24;
	[sflag:s15] =	ssyncadd.s32 $0xFFFFC000  }
0x7c: {  	[tilespmem:s19], [sflag:$0x1] =	stream.indirect.gather [hbm4b:s4+s17], $0x80, s28, s17, $0xb8;
	[tilespmem:$0x1DC00] =	vst v63  }
0x7d: {  	_ =	swait.ge [sflag:s20], $0x4000  }
0x7e: {  	[sflag:s20] =	ssyncset.done $0x0  }
0x7f: {  	s29 =	sor.u32 $0x1400, s24;
	[sflag:s20] =	ssyncadd.s32 $0xFFFFC000  }
0x80: {  	[spmem:s2] =	stream.indirect.scatter.add.f32 [tilespmem:s18], [sflag:$0x2], $0x80, s29, s17, $0xb8;
	[tilespmem:$0x1DC00] =	vst v63  }
0x81: {  	_ =	swait.ge [sflag:s15], $0x4000  }
0x82: {  	[sflag:s15] =	ssyncset.done $0x0  }
0x83: {  	s30 =	sor.u32 $0x500, s24;
	[sflag:s15] =	ssyncadd.s32 $0xFFFFC000  }
0x84: {  	[tilespmem:s18], [sflag:$0x1] =	stream.indirect.gather [hbm4b:s4+s17], $0x80, s30, s17, $0xb8;
	[tilespmem:$0x1DC00] =	vst v63  }
0x85: {  	_ =	swait.ge [sflag:s20], $0x4000  }
0x86: {  	[sflag:s20] =	ssyncset.done $0x0  }
0x87: {  	s31 =	sor.u32 $0x1480, s24;
	[sflag:s20] =	ssyncadd.s32 $0xFFFFC000  }
0x88: {  	[spmem:s2] =	stream.indirect.scatter.add.f32 [tilespmem:s19], [sflag:$0x2], $0x80, s31, s17, $0xb8;
	[tilespmem:$0x1DC00] =	vst v63  }
0x89: {  	_ =	swait.ge [sflag:s15], $0x4000  }
0x8a: {  	[sflag:s15] =	ssyncset.done $0x0  }
0x8b: {  	s26 =	sor.u32 $0x580, s24;
	[sflag:s15] =	ssyncadd.s32 $0xFFFFC000  }
0x8c: {  	[tilespmem:s19], [sflag:$0x1] =	stream.indirect.gather [hbm4b:s4+s17], $0x80, s26, s17, $0xb8;
	[tilespmem:$0x1DC00] =	vst v63  }
0x8d: {  	_ =	swait.ge [sflag:s20], $0x4000  }
0x8e: {  	[sflag:s20] =	ssyncset.done $0x0  }
0x8f: {  	s28 =	sor.u32 $0x1500, s24;
	[sflag:s20] =	ssyncadd.s32 $0xFFFFC000  }
0x90: {  	[spmem:s2] =	stream.indirect.scatter.add.f32 [tilespmem:s18], [sflag:$0x2], $0x80, s28, s17, $0xb8;
	[tilespmem:$0x1DC00] =	vst v63  }
0x91: {  	_ =	swait.ge [sflag:s15], $0x4000  }
0x92: {  	[sflag:s15] =	ssyncset.done $0x0  }
0x93: {  	s29 =	sor.u32 $0x600, s24;
	[sflag:s15] =	ssyncadd.s32 $0xFFFFC000  }
0x94: {  	[tilespmem:s18], [sflag:$0x1] =	stream.indirect.gather [hbm4b:s4+s17], $0x80, s29, s17, $0xb8;
	[tilespmem:$0x1DC00] =	vst v63  }
0x95: {  	_ =	swait.ge [sflag:s20], $0x4000  }
0x96: {  	[sflag:s20] =	ssyncset.done $0x0  }
0x97: {  	s30 =	sor.u32 $0x1580, s24;
	[sflag:s20] =	ssyncadd.s32 $0xFFFFC000  }
0x98: {  	[spmem:s2] =	stream.indirect.scatter.add.f32 [tilespmem:s19], [sflag:$0x2], $0x80, s30, s17, $0xb8;
	[tilespmem:$0x1DC00] =	vst v63  }
0x99: {  	_ =	swait.ge [sflag:s15], $0x4000  }
0x9a: {  	[sflag:s15] =	ssyncset.done $0x0  }
0x9b: {  	s31 =	sor.u32 $0x680, s24;
	[sflag:s15] =	ssyncadd.s32 $0xFFFFC000  }
0x9c: {  	[tilespmem:s19], [sflag:$0x1] =	stream.indirect.gather [hbm4b:s4+s17], $0x80, s31, s17, $0xb8;
	[tilespmem:$0x1DC00] =	vst v63  }
0x9d: {  	_ =	swait.ge [sflag:s20], $0x4000  }
0x9e: {  	[sflag:s20] =	ssyncset.done $0x0  }
0x9f: {  	s26 =	sor.u32 $0x1600, s24;
	[sflag:s20] =	ssyncadd.s32 $0xFFFFC000  }
0xa0: {  	[spmem:s2] =	stream.indirect.scatter.add.f32 [tilespmem:s18], [sflag:$0x2], $0x80, s26, s17, $0xb8;
	[tilespmem:$0x1DC00] =	vst v63  }
0xa1: {  	_ =	swait.ge [sflag:s15], $0x4000  }
0xa2: {  	[sflag:s15] =	ssyncset.done $0x0  }
0xa3: {  	s28 =	sor.u32 $0x700, s24;
	[sflag:s15] =	ssyncadd.s32 $0xFFFFC000  }
0xa4: {  	[tilespmem:s18], [sflag:$0x1] =	stream.indirect.gather [hbm4b:s4+s17], $0x80, s28, s17, $0xb8;
	[tilespmem:$0x1DC00] =	vst v63  }
0xa5: {  	_ =	swait.ge [sflag:s20], $0x4000  }
0xa6: {  	[sflag:s20] =	ssyncset.done $0x0  }
0xa7: {  	s29 =	sor.u32 $0x1680, s24;
	[sflag:s20] =	ssyncadd.s32 $0xFFFFC000  }
0xa8: {  	[spmem:s2] =	stream.indirect.scatter.add.f32 [tilespmem:s19], [sflag:$0x2], $0x80, s29, s17, $0xb8;
	[tilespmem:$0x1DC00] =	vst v63  }
0xa9: {  	_ =	swait.ge [sflag:s15], $0x4000  }
0xaa: {  	[sflag:s15] =	ssyncset.done $0x0  }
0xab: {  	s30 =	sor.u32 $0x780, s24;
	[sflag:s15] =	ssyncadd.s32 $0xFFFFC000  }
0xac: {  	[tilespmem:s19], [sflag:$0x1] =	stream.indirect.gather [hbm4b:s4+s17], $0x80, s30, s17, $0xb8;
	[tilespmem:$0x1DC00] =	vst v63  }
0xad: {  	_ =	swait.ge [sflag:s20], $0x4000  }
0xae: {  	p0 =	sne.s32 s22, $0x2800;
	[sflag:s20] =	ssyncset.done $0x0  }
.Ltmp2:
0xaf: {  	s31 =	sor.u32 $0x1700, s24;
	[sflag:s20] =	ssyncadd.s32 $0xFFFFC000;
	(pc) =	sbr.rel @!p0 .LBB2_3-.Ltmp2, $4  }
0xb0: {  	[spmem:s2] =	stream.indirect.scatter.add.f32 [tilespmem:s18], [sflag:$0x2], $0x80, s31, s17, $0xb8;
	[tilespmem:$0x1DC00] =	vst v63  }
0xb1: {  	_ =	swait.ge [sflag:s15], $0x4000  }
0xb2: {  	[sflag:s15] =	ssyncset.done $0x0  }
0xb3: {  	[sflag:s15] =	ssyncadd.s32 $0xFFFFC000  }
0xb4: {  	s23 =	sadd.s32 $0x2000, s23  }
0xb5: {  	s25 =	sand.u32 $0x2000, s23  }
0xb6: {  	s25 =	sshrl.u32 s25, $0x2  }
0xb7: {  	[tilespmem:s18], [sflag:$0x1] =	stream.indirect.gather [hbm4b:s4+s17], $0x80, s25, s17, $0xb8;
	[tilespmem:$0x1DC00] =	vst v63  }
0xb8: {  	_ =	swait.ge [sflag:s20], $0x4000  }
0xb9: {  	[sflag:s20] =	ssyncset.done $0x0  }
0xba: {  	s24 =	sadd.s32 $0x1780, s24;
	p0 =	sne.s32 s23, $0xA000;
	[sflag:s20] =	ssyncadd.s32 $0xFFFFC000  }
0xbb: {  	[spmem:s2] =	stream.indirect.scatter.add.f32 [tilespmem:s19], [sflag:$0x2], $0x80, s24, s17, $0xb8;
	[tilespmem:$0x1DC00] =	vst v63  }
.Ltmp3:
0xbc: {  	_ = 	snop;
	(pc) =	sbr.rel @p0 .LBB2_2-.Ltmp3, $4  }
.Ltmp4:
0xbd: {  	_ =	swait.ge [sflag:s15], $0x4000;
	(pc) =	sbr.rel @!p0 .LBB2_5-.Ltmp4, $4  }
0xbe: {  	[sflag:s15] =	ssyncset.done $0x0  }
0xbf: {  	s22 =	sadd.s32 $0x800, s22;
	s31 =	sor.u32 $0x80, s25;
	[sflag:s15] =	ssyncadd.s32 $0xFFFFC000  }
0xc0: {  	[tilespmem:s19], [sflag:$0x1] =	stream.indirect.gather [hbm4b:s4+s17], $0x80, s31, s17, $0xb8;
	[tilespmem:$0x1DC00] =	vst v63  }
0xc1: {  	_ = 	snop  }
.LBB2_6:
0xc2: {  	_ =	sfence.sel $0x180000  }
0xc3: {  	[bflag:$0x0] =	sbarrier.arrive $0xFFFF  }
0xc4: {  	p0 =	sne.s32 s1, $0x0;
	_ =	strace $0x9000004D  }
0xc5: {  	s0 =	sadd.s32 @!p0 $0x100000, s0;
	[bflag:$0x2] =	sbarrier.arrive $0xFFFF  }
0xc6: {  	[sflag:s0] =	ssyncadd.tile.s32 @!p0 $0x1;
	_ =	shalt  }
.Lfunc_end2:
_tile_overlayer_lowered:
.L_overlay_start_2:
0xc7: {  	(tag) =	ssettag $0x2  }
0xc8: {  	s0 =	rddreg [dreg:$0x0];
	s2 =	stileid.u32  }
0xc9: {  	s1 =	rddreg [dreg:$0x1];
	p0 =	sne.s32 s2, $0x0  }
0xca: {  	s3 =	rddreg [dreg:$0x2];
	[bflag:$0x3] =	sbarrier.arrive $0xFFFF;
	s2 =	simm.s32 @!p0 $0x1C02  }
0xcb: {  	[timem:s3], [sflag:s2] =	dma.local @!p0 [hbm:s0], s1  }
0xcc: {  	s0 =	simm.s32 @!p0 $0x2  }
0xcd: {  	_ =	swait.ge @!p0 [sflag:s0], s1  }
0xce: {  	s1 =	ssub.s32 @!p0 $0x0, s1;
	[sflag:s0] =	ssyncset.done @!p0 $0x0  }
0xcf: {  	[sflag:s0] =	ssyncadd.s32 @!p0 s1  }
0xd0: {  	[bflag:$0x3] =	sbarrier.arrive $0xFFFF  }
0xd1: {  	_ =	shalt  }

// kernel: kernel.9.cloned.1.call-start
scs
__scs_entry_jumppad:
0x0: {  	(pc) =	sbr.rel $0x88, $3  }
0x1: {  	(tag) =	ssettag $0x0;
	lr =	simm.s32 $0x1  }
0x2: {  	[smem:$0x3F88] =	sst lr;
	_ =	strace $0xD0000000  }
0x3: {  	_ = 	snop  }
0x4: {  	_ = 	snop  }
0x5: {  	_ = 	snop  }
0x6: {  	_ = 	snop  }
0x7: {  	_ = 	snop  }
__scs_overlays_trampoline_lowered:
0x8: {  	[smem:$0x3F97] =	sst s0  }
0x9: {  	[smem:$0x3F98] =	sst s1  }
0xa: {  	[smem:$0x3F99] =	sst s2  }
0xb: {  	[smem:$0x3F9A] =	sst s3  }
0xc: {  	[smem:$0x3F9B] =	sst s4  }
0xd: {  	[smem:$0x3F9C] =	sst s5  }
0xe: {  	[smem:$0x3F9D] =	sst s6  }
0xf: {  	[smem:$0x3F9E] =	sst s7  }
0x10: {  	[smem:$0x3F9F] =	sst s8  }
0x11: {  	[smem:$0x3FA0] =	sst s9;
	s0 =	simm.s32 @!p0 $0x0  }
0x12: {  	s1 =	sld [smem:$0x3F86];
	s0 =	simm.s32 @p0 $0x1  }
0x13: {  	[smem:$0x3FA1] =	sst s0;
	s0 =	simm.s32 @!p1 $0x0  }
0x14: {  	s2 =	sld [smem:$0x3F85];
	s0 =	simm.s32 @p1 $0x1  }
0x15: {  	[smem:$0x3FA2] =	sst s0;
	s0 =	simm.s32 @!p2 $0x0  }
0x16: {  	s3 =	sld [smem:$0x3FDB];
	s0 =	simm.s32 @p2 $0x1  }
0x17: {  	s4 =	simm.s32 $0x1BF5;
	[smem:$0x3FA4] =	sst s0  }
0x18: {  	s0 =	sld [smem:$0x3F87];
	_ =	swait.ge [sflag:s4], $0x0  }
0x19: {  	s7 =	sld [smem:$0x3F88]  }
0x1a: {  	s8 =	sadd.s32 $0xFFFFE003, lr  }
0x1b: {  	s9 =	sadd.s32 $0xFFFFFEF7, lr;
	s5 =	simm.s32 $0xFFFFFFFF;
	p2 =	slt.u32 s8, $0xFFFFF086  }
0x1c: {  	p1 =	slt.u32 s9, $0xF7A;
	s5 =	simm.s32 @!p2 $0x0  }
0x1d: {  	s5 =	simm.s32 @p1 $0x1;
	p0 =	seq.s32 s7, s2  }
0x1e: {  	s7 =	smul.u32 @!p0 $0xF7A, s2;
	p2 =	seq.s32 @!p0 s5, $0x0  }
0x1f: {  	s9 =	smul.u32 $0xF7A, s1;
	s8 =	simm.s32 @!p0 $0x1BF5;
	p2 =	por !p2, p0  }
0x20: {  	[sflag:s8] =	ssyncset.s32 @!p0 $0xFFFFF086;
	s6 =	sadd.s32 @!p0 s3, s7;
	s7 =	simm.s32 @!p0 $0x108  }
0x21: {  	s3 =	sadd.s32 s3, s9;
	s6 =	sadd.s32 @!p0 $0x88, s6;
	s7 =	simm.s32 @p2 $0x1082  }
0x22: {  	[simem:s7], [sflag:s8] =	dma.local @!p0 [hbm:s6], $0xF7A  }
0x23: {  	s9 =	sor.u32 $0xD0000000, s2;
	s6 =	simm.s32 $0x108;
	_ =	swait.ge @!p0 [sflag:s8], $0x0  }
0x24: {  	s3 =	sadd.s32 $0x88, s3;
	s6 =	simm.s32 @!p1 $0x1082;
	[sflag:s4] =	ssyncset.s32 $0xFFFFF086  }
0x25: {  	[simem:s6], [sflag:s4] =	dma.local [hbm:s3], $0xF7A  }
0x26: {  	[smem:$0x3F88] =	sst s1;
	(tag) =	ssettag s2;
	_ =	strace s9  }
0x27: {  	s1 =	sld [smem:$0x3F98]  }
0x28: {  	s2 =	sld [smem:$0x3F99]  }
0x29: {  	s4 =	sld [smem:$0x3F9B]  }
0x2a: {  	p0 =	seq.s32 s5, $0x0;
	s5 =	sld [smem:$0x3F9C]  }
0x2b: {  	s6 =	sld [smem:$0x3F9D]  }
0x2c: {  	s7 =	sld [smem:$0x3F9E]  }
0x2d: {  	s3 =	simm.s32 $0x108;
	s8 =	sld [smem:$0x3F9F]  }
0x2e: {  	s3 =	simm.s32 @!p0 $0x1082;
	s9 =	sld [smem:$0x3FA0]  }
0x2f: {  	lr =	sadd.s32 s0, s3;
	s0 =	sld [smem:$0x3F97]  }
0x30: {  	s3 =	sld [smem:$0x3F9A]  }
0x31: {  	[smem:$0x3FA3] =	sst s10  }
0x32: {  	s10 =	sld [smem:$0x3FA1];
	_ =	sdelay $0x3  }
0x33: {  	p0 =	seq.s32 s10, $0x1;
	s10 =	sld [smem:$0x3FA3];
	_ =	sdelay $0x3  }
0x34: {  	[smem:$0x3FA3] =	sst s10  }
0x35: {  	s10 =	sld [smem:$0x3FA2];
	_ =	sdelay $0x3  }
0x36: {  	p1 =	seq.s32 s10, $0x1;
	s10 =	sld [smem:$0x3FA3];
	_ =	sdelay $0x3  }
0x37: {  	[smem:$0x3FA3] =	sst s10  }
0x38: {  	s10 =	sld [smem:$0x3FA4]  }
0x39: {  	_ = 	snop;
	(pc) =	sbr.ind lr, $3  }
0x3a: {  	_ = 	snop  }
0x3b: {  	_ = 	snop  }
0x3c: {  	p2 =	seq.s32 s10, $0x1;
	s10 =	sld [smem:$0x3FA3]  }
0x3d: {  	_ =	shalt  }
0x3e: {  	_ =	shalt  }
0x3f: {  	_ =	shalt  }
0x40: {  	_ =	shalt  }
0x41: {  	_ =	shalt  }
0x42: {  	_ =	shalt  }
0x43: {  	_ =	shalt  }
0x44: {  	_ =	shalt  }
0x45: {  	_ =	shalt  }
0x46: {  	_ =	shalt  }
0x47: {  	_ =	shalt  }
0x48: {  	_ =	shalt  }
0x49: {  	_ =	shalt  }
0x4a: {  	_ =	shalt  }
0x4b: {  	_ =	shalt  }
0x4c: {  	_ =	shalt  }
0x4d: {  	_ =	shalt  }
0x4e: {  	_ =	shalt  }
0x4f: {  	_ =	shalt  }
0x50: {  	_ =	shalt  }
0x51: {  	_ =	shalt  }
0x52: {  	_ =	shalt  }
0x53: {  	_ =	shalt  }
0x54: {  	_ =	shalt  }
0x55: {  	_ =	shalt  }
0x56: {  	_ =	shalt  }
0x57: {  	_ =	shalt  }
0x58: {  	_ =	shalt  }
0x59: {  	_ =	shalt  }
0x5a: {  	_ =	shalt  }
0x5b: {  	_ =	shalt  }
0x5c: {  	_ =	shalt  }
0x5d: {  	_ =	shalt  }
0x5e: {  	_ =	shalt  }
0x5f: {  	_ =	shalt  }
0x60: {  	_ =	shalt  }
0x61: {  	_ =	shalt  }
0x62: {  	_ =	shalt  }
0x63: {  	_ =	shalt  }
0x64: {  	_ =	shalt  }
0x65: {  	_ =	shalt  }
0x66: {  	_ =	shalt  }
0x67: {  	_ =	shalt  }
0x68: {  	_ =	shalt  }
0x69: {  	_ =	shalt  }
0x6a: {  	_ =	shalt  }
0x6b: {  	_ =	shalt  }
0x6c: {  	_ =	shalt  }
0x6d: {  	_ =	shalt  }
0x6e: {  	_ =	shalt  }
0x6f: {  	_ =	shalt  }
0x70: {  	_ =	shalt  }
0x71: {  	_ =	shalt  }
0x72: {  	_ =	shalt  }
0x73: {  	_ =	shalt  }
0x74: {  	_ =	shalt  }
0x75: {  	_ =	shalt  }
0x76: {  	_ =	shalt  }
0x77: {  	_ =	shalt  }
0x78: {  	_ =	shalt  }
0x79: {  	_ =	shalt  }
0x7a: {  	_ =	shalt  }
0x7b: {  	_ =	shalt  }
0x7c: {  	_ =	shalt  }
0x7d: {  	_ =	shalt  }
0x7e: {  	_ =	shalt  }
0x7f: {  	_ =	shalt  }
0x80: {  	_ =	shalt  }
0x81: {  	_ =	shalt  }
0x82: {  	_ =	shalt  }
0x83: {  	_ =	shalt  }
0x84: {  	_ =	shalt  }
0x85: {  	_ =	shalt  }
0x86: {  	_ =	shalt  }
0x87: {  	_ =	shalt  }
.Lfunc_end0:
.L_simem_size_0:
called_computation_lowered:
.L_overlay_start_0:
0x88: {  	s2 =	sld [smem:$0x3FD9]  }
0x89: {  	s3 =	sld [smem:$0x3FFE];
	_ =	sdelay $0x1  }
0x8a: {  	s1 =	srdreg.scid  }
0x8b: {  	s0 =	sand.u32 $0x1, s1  }
0x8c: {  	s17 =	sshll.u32 s0, $0xA;
	s2 =	sadd.s32 s3, s2  }
0x8d: {  	s2 =	sadd.s32 s2, s17  }
0x8e: {  	[smem:$0x3FAF] =	sst s2  }
0x8f: {  	_ = 	snop  }
0x90: {  	s2 =	sld [smem:$0x3FC9];
	(tm) =	ssettm $0x1  }
0x91: {  	s18 =	sld [smem:$0x3FFB];
	_ =	sdelay $0x3  }
0x92: {  	_ =	strace s18  }
0x93: {  	s3 =	sld [smem:$0x3FFC];
	_ =	sdelay $0x3  }
0x94: {  	_ =	strace s3  }
0x95: {  	s3 =	sld [smem:$0x3FFD];
	_ =	sdelay $0x3  }
0x96: {  	_ =	strace s3  }
0x97: {  	_ =	strace $0x8FFFFFFF  }
0x98: {  	s19 =	sld [smem:$0x3FDB];
	_ =	sdelay $0x1  }
0x99: {  	s4 =	simm.s32 $_scs_section_size  }
0x9a: {  	s5 =	simm.s32 $_size__tile_overlayer_lowered;
	s6 =	simm.s32 $_tile_overlayer_lowered  }
0x9b: {  	s22 =	simm.s32 $0x1BFF;
	s21 =	sshll.u32 s6, $0x1;
	s3 =	sadd.s32 s4, s19  }
0x9c: {  	s7 =	simm.s32 $0x0;
	s20 =	sshll.u32 s5, $0x1;
	s5 =	sadd.s32 s21, s3  }
0x9d: {  	[timem:s7], [sflag:s22] =	dma.local [hbm:s5], s20  }
0x9e: {  	_ =	swait.ge [sflag:s22], s20  }
0x9f: {  	s4 =	ssub.s32 $0x0, s20;
	[sflag:s22] =	ssyncset.done $0x0  }
0xa0: {  	[sflag:s22] =	ssyncadd.s32 s4;
	_ =	sdelay $0x1  }
0xa1: {  	s23 =	simm.s32 $0x1B8B  }
0xa2: {  	_ =	swait.ge [sflag:s23], $0x1  }
0xa3: {  	[sflag:s23] =	ssyncset.done $0x0  }
0xa4: {  	s25 =	simm.s32 $0x1B8E;
	s24 =	sld [smem:$0x3FFE];
	[sflag:s23] =	ssyncadd.s32 $0xFFFFFFFF  }
0xa5: {  	s26 =	simm.s32 $execute0_lowered;
	[smem:$0x3FD2] =	sst s25  }
0xa6: {  	s5 =	sshll.u32 s26, $0x1;
	_ =	strace $0x80000046;
	[dreg:$0x1] =	wrdreg $0xFFFFFFFF  }
0xa7: {  	s28 =	simm.s32 $_size_execute0_lowered;
	s3 =	sadd.s32 s3, s5;
	[dreg:$0x0] =	wrdreg $0x0  }
0xa8: {  	s5 =	sshll.u32 s28, $0x1;
	[dreg:$0x2] =	wrdreg s3  }
0xa9: {  	[dreg:$0x3] =	wrdreg s5  }
0xaa: {  	[dreg:$0x4] =	wrdreg $0xC0  }
0xab: {  	_ =	task [dreg:s7], $0x5FFFF  }
0xac: {  	[dreg:$0x1] =	wrdreg $0xFFFFFFFF  }
0xad: {  	[dreg:$0x0] =	wrdreg $0x60  }
0xae: {  	[dreg:$0x2] =	wrdreg s2  }
0xaf: {  	[dreg:$0x3] =	wrdreg s24  }
0xb0: {  	[dreg:$0x4] =	wrdreg $0xA0000  }
0xb1: {  	[dreg:$0x5] =	wrdreg $0x9  }
0xb2: {  	_ =	task.clear_ibuf [dreg:s7], $0x6FFFF;
	_ =	strace $0x90000046  }
0xb3: {  	s29 =	simm.s32 $0x9;
	_ =	strace $0x80000048  }
0xb4: {  	_ =	swait.ge [sflag:s29], $0x1  }
0xb5: {  	[sflag:s29] =	ssyncadd.s32 $0xFFFFFFFF  }
0xb6: {  	_ =	strace $0x90000048  }
0xb7: {  	_ =	sfence  }
0xb8: {  	s30 =	sld [smem:$0x0];
	_ =	sdelay $0x2  }
0xb9: {  	s31 =	sshll.u32 s1, $0xD;
	s1 =	sshrl.u32 s1, $0x2  }
0xba: {  	s3 =	sand.u32 $0x4000, s31;
	s1 =	sadd.s32 s1, s30  }
0xbb: {  	s0 =	sor.u32 s3, s0;
	s1 =	sshll.u32 s1, $0x11  }
0xbc: {  	s0 =	sor.u32 s1, s0  }
0xbd: {  	s0 =	sadd.s32 $0x8F2B, s0  }
0xbe: {  	[sflag:s0] =	ssyncadd.remote.s32 $0x1  }
0xbf: {  	_ =	sfence.sel $0xFFFF  }
0xc0: {  	[dreg:$0x0] =	wrdreg $0xFFFFFFFF;
	(pc) =	sbr.abs _section_cstart, $3  }
0xc1: {  	[dreg:$0x1] =	wrdreg $0xFFFFFFFF  }
0xc2: {  	_ =	task.clear_ibuf [dreg:s7], $0x2FFFF;
	_ =	strace $0x9FFFFFFF  }
0xc3: {  	(tm) =	ssettm $0x7FFFFFFF  }
tec
execute0_lowered:
.L_overlay_start_1:
0x0: {  	(tag) =	ssettag $0x1  }
0x1: {  	s1 =	rddreg [dreg:$0x0]  }
0x2: {  	s8 =	rddreg [dreg:$0x1]  }
0x3: {  	s3 =	rddreg [dreg:$0x2]  }
0x4: {  	s0 =	rddreg [dreg:$0x3];
	s5 =	srdreg.scid  }
0x5: {  	s2 =	stileid.u32;
	s4 =	simm.s32 $0x0;
	s17 =	simm.s32 $0x80  }
0x6: {  	s18 =	simm.s32 $0x2000;
	s19 =	simm.s32 $0x6000;
	s20 =	simm.s32 $0x1  }
0x7: {  	s21 =	simm.s32 $0x0;
	s9 =	sand.u32 $0x1, s5;
	s10 =	smul.u32 $0x2780, s2  }
0x8: {  	[smem:$0x7FF] =	sst s4;
	s5 =	sadd.s32 $0xF400, s8;
	s13 =	smul.u32 $0x4F000, s2  }
0x9: {  	s6 =	sadd.s32 $0x5400, s8;
	s7 =	sadd.s32 $0x19400, s8;
	s16 =	smul.u32 $0x2800, s2  }
0xa: {  	s30 =	sshll.u32 s2, $0x6;
	s11 =	smul.u32 $0x27800, s9;
	_ =	strace $0x80000047  }
0xb: {  	s24 =	ssub.s32 $0x2, s9;
	s12 =	sshll.u32 s9, $0x4;
	s31 =	smul.u32 $0x28000, s9  }
0xc: {  	s25 =	sshrl.u32 s24, $0x1;
	s26 =	sor.u32 s2, s12;
	s29 =	sshrl.u32 s13, $0x2  }
.Ltmp0:
0xd: {  	s10 =	sadd.s32 s10, s11;
	s28 =	ssub.s32 s24, s25;
	(pc) =	sbr.rel .LBB2_1-.Ltmp0, $4  }
0xe: {  	s15 =	sadd.s32 s29, s3;
	s13 =	sadd.s32 s16, s31;
	s16 =	simm.s32 $0x1000  }
0xf: {  	s14 =	sadd.s32 s10, s8;
	s10 =	smul.u32 $0x500, s26;
	s8 =	sor.u32 $0x1C02, s30  }
0x10: {  	s12 =	smax.u32 s28, $0x1;
	s11 =	sadd.s32 $0x1BC00, s14;
	s14 =	sshrl.u32 s15, $0x3  }
0x11: {  	s15 =	simm.s32 $0x2;
	s9 =	sadd.s32 s5, s10;
	s10 =	sadd.s32 s6, s10  }
.LBB2_3:
0x12: {  	_ =	swait.ge [sflag:s20], $0x4000  }
0x13: {  	[sflag:s20] =	ssyncset.done $0x0  }
0x14: {  	s22 =	sadd.s32 $0x1780, s24;
	[sflag:s20] =	ssyncadd.s32 $0xFFFFC000  }
0x15: {  	[spmem:s3] =	stream.indirect.scatter.add.f32 [tilespmem:s19], [sflag:$0x2], $0x80, s22, s17, $0xb8;
	[tilespmem:$0x1DC00] =	vst v63  }
0x16: {  	_ =	swait.ge [sflag:s15], $0x4000  }
0x17: {  	[sflag:s15] =	ssyncset.done $0x0  }
0x18: {  	[sflag:s15] =	ssyncadd.s32 $0xFFFFC000  }
.LBB2_5:
0x19: {  	s21 =	sadd.s32 $0x1, s21  }
0x1a: {  	p0 =	sne.s32 s21, s12  }
.Ltmp1:
0x1b: {  	[bflag:$0x0] =	sbarrier.arrive $0xFFFF;
	(pc) =	sbr.rel @!p0 .LBB2_6-.Ltmp1, $4  }
0x1c: {  	[hbm:s11], [sflag:s8] =	dma.local [spmem:s14], $0x2780  }
0x1d: {  	_ =	swait.ge [sflag:s15], $0x2780  }
0x1e: {  	[sflag:s15] =	ssyncset.done $0x0  }
0x1f: {  	[sflag:s15] =	ssyncadd.s32 $0xFFFFD880  }
.LBB2_1:
0x20: {  	[spmem:s14], [sflag:s8] =	dma.local [hbm:s7], $0x2780  }
0x21: {  	_ =	swait.ge [sflag:s15], $0x2780  }
0x22: {  	[sflag:s15] =	ssyncset.done $0x0  }
0x23: {  	[sflag:s15] =	ssyncadd.s32 $0xFFFFD880  }
0x24: {  	[tilespmem:s4], [sflag:$0x2] =	stream.linear.gather [hbm4b:s9+s4], $0x800, $0x38;
	[tilespmem:$0x1DC00] =	vst v63  }
0x25: {  	_ =	swait.ge [sflag:s15], $0x800  }
0x26: {  	[sflag:s15] =	ssyncset.done $0x0  }
0x27: {  	[sflag:s15] =	ssyncadd.s32 $0xFFFFF800  }
0x28: {  	[tilespmem:s16], [sflag:$0x2] =	stream.linear.gather [hbm4b:s10+s4], $0x800, $0x38;
	[tilespmem:$0x1DC00] =	vst v63  }
0x29: {  	_ =	swait.ge [sflag:s15], $0x800  }
0x2a: {  	[sflag:s15] =	ssyncset.done $0x0  }
0x2b: {  	[sflag:s15] =	ssyncadd.s32 $0xFFFFF800  }
0x2c: {  	[bflag:$0x0] =	sbarrier.arrive $0xFFFF  }
0x2d: {  	[tilespmem:s18], [sflag:$0x1] =	stream.indirect.gather [hbm4b:s1+s17], $0x80, s4, s17, $0xb8;
	[tilespmem:$0x1DC00] =	vst v63  }
0x2e: {  	s22 =	simm.s32 $0x800;
	s23 =	simm.s32 $0x0  }
0x2f: {  	[tilespmem:s19], [sflag:$0x1] =	stream.indirect.gather [hbm4b:s1+s17], $0x80, s17, s17, $0xb8;
	[tilespmem:$0x1DC00] =	vst v63  }
.LBB2_2:
0x30: {  	p0 =	seq.s32 s22, $0x2800  }
0x31: {  	s24 =	sadd.s32 @!p0 s22, s13  }
0x32: {  	s24 =	sshrl.u32 @!p0 s24, $0x3  }
0x33: {  	s25 =	sand.u32 @!p0 $0x800, s22;
	s28 =	simm.s32 @!p0 $0x0;
	s26 =	sadd.s32 @!p0 s5, s24  }
0x34: {  	[tilespmem:s25], [sflag:$0x2] =	stream.linear.gather @!p0 [hbm4b:s26+s28], $0x800, $0x38;
	[tilespmem:$0x1DC00] =	vst v63  }
0x35: {  	s26 =	simm.s32 @!p0 $0x2  }
0x36: {  	_ =	swait.ge @!p0 [sflag:s26], $0x800  }
0x37: {  	[sflag:s26] =	ssyncset.done @!p0 $0x0  }
0x38: {  	s24 =	sadd.s32 @!p0 s6, s24;
	s25 =	sor.u32 @!p0 $0x1000, s25;
	[sflag:s26] =	ssyncadd.s32 @!p0 $0xFFFFF800  }
0x39: {  	[tilespmem:s25], [sflag:$0x2] =	stream.linear.gather @!p0 [hbm4b:s24+s28], $0x800, $0x38;
	[tilespmem:$0x1DC00] =	vst v63  }
0x3a: {  	_ =	swait.ge @!p0 [sflag:s26], $0x800  }
0x3b: {  	[sflag:s26] =	ssyncset.done @!p0 $0x0  }
0x3c: {  	[sflag:s26] =	ssyncadd.s32 @!p0 $0xFFFFF800  }
0x3d: {  	s26 =	sshrl.u32 s23, $0x2;
	_ =	swait.ge [sflag:s20], $0x4000  }
0x3e: {  	s24 =	sand.u32 $0x800, s26;
	[sflag:s20] =	ssyncset.done $0x0  }
0x3f: {  	s28 =	sor.u32 $0x1000, s24;
	[sflag:s20] =	ssyncadd.s32 $0xFFFFC000  }
0x40: {  	[spmem:s3] =	stream.indirect.scatter.add.f32 [tilespmem:s18], [sflag:$0x2], $0x80, s28, s17, $0xb8;
	[tilespmem:$0x1DC00] =	vst v63  }
0x41: {  	_ =	swait.ge [sflag:s15], $0x4000  }
0x42: {  	[sflag:s15] =	ssyncset.done $0x0  }
0x43: {  	s29 =	sor.u32 $0x100, s24;
	[sflag:s15] =	ssyncadd.s32 $0xFFFFC000  }
0x44: {  	[tilespmem:s18], [sflag:$0x1] =	stream.indirect.gather [hbm4b:s1+s17], $0x80, s29, s17, $0xb8;
	[tilespmem:$0x1DC00] =	vst v63  }
0x45: {  	_ =	swait.ge [sflag:s20], $0x4000  }
0x46: {  	[sflag:s20] =	ssyncset.done $0x0  }
0x47: {  	s30 =	sor.u32 $0x1080, s24;
	[sflag:s20] =	ssyncadd.s32 $0xFFFFC000  }
0x48: {  	[spmem:s3] =	stream.indirect.scatter.add.f32 [tilespmem:s19], [sflag:$0x2], $0x80, s30, s17, $0xb8;
	[tilespmem:$0x1DC00] =	vst v63  }
0x49: {  	_ =	swait.ge [sflag:s15], $0x4000  }
0x4a: {  	[sflag:s15] =	ssyncset.done $0x0  }
0x4b: {  	s31 =	sor.u32 $0x180, s24;
	[sflag:s15] =	ssyncadd.s32 $0xFFFFC000  }
0x4c: {  	[tilespmem:s19], [sflag:$0x1] =	stream.indirect.gather [hbm4b:s1+s17], $0x80, s31, s17, $0xb8;
	[tilespmem:$0x1DC00] =	vst v63  }
0x4d: {  	_ =	swait.ge [sflag:s20], $0x4000  }
0x4e: {  	[sflag:s20] =	ssyncset.done $0x0  }
0x4f: {  	s26 =	sor.u32 $0x1100, s24;
	[sflag:s20] =	ssyncadd.s32 $0xFFFFC000  }
0x50: {  	[spmem:s3] =	stream.indirect.scatter.add.f32 [tilespmem:s18], [sflag:$0x2], $0x80, s26, s17, $0xb8;
	[tilespmem:$0x1DC00] =	vst v63  }
0x51: {  	_ =	swait.ge [sflag:s15], $0x4000  }
0x52: {  	[sflag:s15] =	ssyncset.done $0x0  }
0x53: {  	s28 =	sor.u32 $0x200, s24;
	[sflag:s15] =	ssyncadd.s32 $0xFFFFC000  }
0x54: {  	[tilespmem:s18], [sflag:$0x1] =	stream.indirect.gather [hbm4b:s1+s17], $0x80, s28, s17, $0xb8;
	[tilespmem:$0x1DC00] =	vst v63  }
0x55: {  	_ =	swait.ge [sflag:s20], $0x4000  }
0x56: {  	[sflag:s20] =	ssyncset.done $0x0  }
0x57: {  	s29 =	sor.u32 $0x1180, s24;
	[sflag:s20] =	ssyncadd.s32 $0xFFFFC000  }
0x58: {  	[spmem:s3] =	stream.indirect.scatter.add.f32 [tilespmem:s19], [sflag:$0x2], $0x80, s29, s17, $0xb8;
	[tilespmem:$0x1DC00] =	vst v63  }
0x59: {  	_ =	swait.ge [sflag:s15], $0x4000  }
0x5a: {  	[sflag:s15] =	ssyncset.done $0x0  }
0x5b: {  	s30 =	sor.u32 $0x280, s24;
	[sflag:s15] =	ssyncadd.s32 $0xFFFFC000  }
0x5c: {  	[tilespmem:s19], [sflag:$0x1] =	stream.indirect.gather [hbm4b:s1+s17], $0x80, s30, s17, $0xb8;
	[tilespmem:$0x1DC00] =	vst v63  }
0x5d: {  	_ =	swait.ge [sflag:s20], $0x4000  }
0x5e: {  	[sflag:s20] =	ssyncset.done $0x0  }
0x5f: {  	s31 =	sor.u32 $0x1200, s24;
	[sflag:s20] =	ssyncadd.s32 $0xFFFFC000  }
0x60: {  	[spmem:s3] =	stream.indirect.scatter.add.f32 [tilespmem:s18], [sflag:$0x2], $0x80, s31, s17, $0xb8;
	[tilespmem:$0x1DC00] =	vst v63  }
0x61: {  	_ =	swait.ge [sflag:s15], $0x4000  }
0x62: {  	[sflag:s15] =	ssyncset.done $0x0  }
0x63: {  	s26 =	sor.u32 $0x300, s24;
	[sflag:s15] =	ssyncadd.s32 $0xFFFFC000  }
0x64: {  	[tilespmem:s18], [sflag:$0x1] =	stream.indirect.gather [hbm4b:s1+s17], $0x80, s26, s17, $0xb8;
	[tilespmem:$0x1DC00] =	vst v63  }
0x65: {  	_ =	swait.ge [sflag:s20], $0x4000  }
0x66: {  	[sflag:s20] =	ssyncset.done $0x0  }
0x67: {  	s28 =	sor.u32 $0x1280, s24;
	[sflag:s20] =	ssyncadd.s32 $0xFFFFC000  }
0x68: {  	[spmem:s3] =	stream.indirect.scatter.add.f32 [tilespmem:s19], [sflag:$0x2], $0x80, s28, s17, $0xb8;
	[tilespmem:$0x1DC00] =	vst v63  }
0x69: {  	_ =	swait.ge [sflag:s15], $0x4000  }
0x6a: {  	[sflag:s15] =	ssyncset.done $0x0  }
0x6b: {  	s29 =	sor.u32 $0x380, s24;
	[sflag:s15] =	ssyncadd.s32 $0xFFFFC000  }
0x6c: {  	[tilespmem:s19], [sflag:$0x1] =	stream.indirect.gather [hbm4b:s1+s17], $0x80, s29, s17, $0xb8;
	[tilespmem:$0x1DC00] =	vst v63  }
0x6d: {  	_ =	swait.ge [sflag:s20], $0x4000  }
0x6e: {  	[sflag:s20] =	ssyncset.done $0x0  }
0x6f: {  	s30 =	sor.u32 $0x1300, s24;
	[sflag:s20] =	ssyncadd.s32 $0xFFFFC000  }
0x70: {  	[spmem:s3] =	stream.indirect.scatter.add.f32 [tilespmem:s18], [sflag:$0x2], $0x80, s30, s17, $0xb8;
	[tilespmem:$0x1DC00] =	vst v63  }
0x71: {  	_ =	swait.ge [sflag:s15], $0x4000  }
0x72: {  	[sflag:s15] =	ssyncset.done $0x0  }
0x73: {  	s31 =	sor.u32 $0x400, s24;
	[sflag:s15] =	ssyncadd.s32 $0xFFFFC000  }
0x74: {  	[tilespmem:s18], [sflag:$0x1] =	stream.indirect.gather [hbm4b:s1+s17], $0x80, s31, s17, $0xb8;
	[tilespmem:$0x1DC00] =	vst v63  }
0x75: {  	_ =	swait.ge [sflag:s20], $0x4000  }
0x76: {  	[sflag:s20] =	ssyncset.done $0x0  }
0x77: {  	s26 =	sor.u32 $0x1380, s24;
	[sflag:s20] =	ssyncadd.s32 $0xFFFFC000  }
0x78: {  	[spmem:s3] =	stream.indirect.scatter.add.f32 [tilespmem:s19], [sflag:$0x2], $0x80, s26, s17, $0xb8;
	[tilespmem:$0x1DC00] =	vst v63  }
0x79: {  	_ =	swait.ge [sflag:s15], $0x4000  }
0x7a: {  	[sflag:s15] =	ssyncset.done $0x0  }
0x7b: {  	s28 =	sor.u32 $0x480, s24;
	[sflag:s15] =	ssyncadd.s32 $0xFFFFC000  }
0x7c: {  	[tilespmem:s19], [sflag:$0x1] =	stream.indirect.gather [hbm4b:s1+s17], $0x80, s28, s17, $0xb8;
	[tilespmem:$0x1DC00] =	vst v63  }
0x7d: {  	_ =	swait.ge [sflag:s20], $0x4000  }
0x7e: {  	[sflag:s20] =	ssyncset.done $0x0  }
0x7f: {  	s29 =	sor.u32 $0x1400, s24;
	[sflag:s20] =	ssyncadd.s32 $0xFFFFC000  }
0x80: {  	[spmem:s3] =	stream.indirect.scatter.add.f32 [tilespmem:s18], [sflag:$0x2], $0x80, s29, s17, $0xb8;
	[tilespmem:$0x1DC00] =	vst v63  }
0x81: {  	_ =	swait.ge [sflag:s15], $0x4000  }
0x82: {  	[sflag:s15] =	ssyncset.done $0x0  }
0x83: {  	s30 =	sor.u32 $0x500, s24;
	[sflag:s15] =	ssyncadd.s32 $0xFFFFC000  }
0x84: {  	[tilespmem:s18], [sflag:$0x1] =	stream.indirect.gather [hbm4b:s1+s17], $0x80, s30, s17, $0xb8;
	[tilespmem:$0x1DC00] =	vst v63  }
0x85: {  	_ =	swait.ge [sflag:s20], $0x4000  }
0x86: {  	[sflag:s20] =	ssyncset.done $0x0  }
0x87: {  	s31 =	sor.u32 $0x1480, s24;
	[sflag:s20] =	ssyncadd.s32 $0xFFFFC000  }
0x88: {  	[spmem:s3] =	stream.indirect.scatter.add.f32 [tilespmem:s19], [sflag:$0x2], $0x80, s31, s17, $0xb8;
	[tilespmem:$0x1DC00] =	vst v63  }
0x89: {  	_ =	swait.ge [sflag:s15], $0x4000  }
0x8a: {  	[sflag:s15] =	ssyncset.done $0x0  }
0x8b: {  	s26 =	sor.u32 $0x580, s24;
	[sflag:s15] =	ssyncadd.s32 $0xFFFFC000  }
0x8c: {  	[tilespmem:s19], [sflag:$0x1] =	stream.indirect.gather [hbm4b:s1+s17], $0x80, s26, s17, $0xb8;
	[tilespmem:$0x1DC00] =	vst v63  }
0x8d: {  	_ =	swait.ge [sflag:s20], $0x4000  }
0x8e: {  	[sflag:s20] =	ssyncset.done $0x0  }
0x8f: {  	s28 =	sor.u32 $0x1500, s24;
	[sflag:s20] =	ssyncadd.s32 $0xFFFFC000  }
0x90: {  	[spmem:s3] =	stream.indirect.scatter.add.f32 [tilespmem:s18], [sflag:$0x2], $0x80, s28, s17, $0xb8;
	[tilespmem:$0x1DC00] =	vst v63  }
0x91: {  	_ =	swait.ge [sflag:s15], $0x4000  }
0x92: {  	[sflag:s15] =	ssyncset.done $0x0  }
0x93: {  	s29 =	sor.u32 $0x600, s24;
	[sflag:s15] =	ssyncadd.s32 $0xFFFFC000  }
0x94: {  	[tilespmem:s18], [sflag:$0x1] =	stream.indirect.gather [hbm4b:s1+s17], $0x80, s29, s17, $0xb8;
	[tilespmem:$0x1DC00] =	vst v63  }
0x95: {  	_ =	swait.ge [sflag:s20], $0x4000  }
0x96: {  	[sflag:s20] =	ssyncset.done $0x0  }
0x97: {  	s30 =	sor.u32 $0x1580, s24;
	[sflag:s20] =	ssyncadd.s32 $0xFFFFC000  }
0x98: {  	[spmem:s3] =	stream.indirect.scatter.add.f32 [tilespmem:s19], [sflag:$0x2], $0x80, s30, s17, $0xb8;
	[tilespmem:$0x1DC00] =	vst v63  }
0x99: {  	_ =	swait.ge [sflag:s15], $0x4000  }
0x9a: {  	[sflag:s15] =	ssyncset.done $0x0  }
0x9b: {  	s31 =	sor.u32 $0x680, s24;
	[sflag:s15] =	ssyncadd.s32 $0xFFFFC000  }
0x9c: {  	[tilespmem:s19], [sflag:$0x1] =	stream.indirect.gather [hbm4b:s1+s17], $0x80, s31, s17, $0xb8;
	[tilespmem:$0x1DC00] =	vst v63  }
0x9d: {  	_ =	swait.ge [sflag:s20], $0x4000  }
0x9e: {  	[sflag:s20] =	ssyncset.done $0x0  }
0x9f: {  	s26 =	sor.u32 $0x1600, s24;
	[sflag:s20] =	ssyncadd.s32 $0xFFFFC000  }
0xa0: {  	[spmem:s3] =	stream.indirect.scatter.add.f32 [tilespmem:s18], [sflag:$0x2], $0x80, s26, s17, $0xb8;
	[tilespmem:$0x1DC00] =	vst v63  }
0xa1: {  	_ =	swait.ge [sflag:s15], $0x4000  }
0xa2: {  	[sflag:s15] =	ssyncset.done $0x0  }
0xa3: {  	s28 =	sor.u32 $0x700, s24;
	[sflag:s15] =	ssyncadd.s32 $0xFFFFC000  }
0xa4: {  	[tilespmem:s18], [sflag:$0x1] =	stream.indirect.gather [hbm4b:s1+s17], $0x80, s28, s17, $0xb8;
	[tilespmem:$0x1DC00] =	vst v63  }
0xa5: {  	_ =	swait.ge [sflag:s20], $0x4000  }
0xa6: {  	[sflag:s20] =	ssyncset.done $0x0  }
0xa7: {  	s29 =	sor.u32 $0x1680, s24;
	[sflag:s20] =	ssyncadd.s32 $0xFFFFC000  }
0xa8: {  	[spmem:s3] =	stream.indirect.scatter.add.f32 [tilespmem:s19], [sflag:$0x2], $0x80, s29, s17, $0xb8;
	[tilespmem:$0x1DC00] =	vst v63  }
0xa9: {  	_ =	swait.ge [sflag:s15], $0x4000  }
0xaa: {  	[sflag:s15] =	ssyncset.done $0x0  }
0xab: {  	s30 =	sor.u32 $0x780, s24;
	[sflag:s15] =	ssyncadd.s32 $0xFFFFC000  }
0xac: {  	[tilespmem:s19], [sflag:$0x1] =	stream.indirect.gather [hbm4b:s1+s17], $0x80, s30, s17, $0xb8;
	[tilespmem:$0x1DC00] =	vst v63  }
0xad: {  	_ =	swait.ge [sflag:s20], $0x4000  }
0xae: {  	p0 =	sne.s32 s22, $0x2800;
	[sflag:s20] =	ssyncset.done $0x0  }
.Ltmp2:
0xaf: {  	s31 =	sor.u32 $0x1700, s24;
	[sflag:s20] =	ssyncadd.s32 $0xFFFFC000;
	(pc) =	sbr.rel @!p0 .LBB2_3-.Ltmp2, $4  }
0xb0: {  	[spmem:s3] =	stream.indirect.scatter.add.f32 [tilespmem:s18], [sflag:$0x2], $0x80, s31, s17, $0xb8;
	[tilespmem:$0x1DC00] =	vst v63  }
0xb1: {  	_ =	swait.ge [sflag:s15], $0x4000  }
0xb2: {  	[sflag:s15] =	ssyncset.done $0x0  }
0xb3: {  	[sflag:s15] =	ssyncadd.s32 $0xFFFFC000  }
0xb4: {  	s23 =	sadd.s32 $0x2000, s23  }
0xb5: {  	s25 =	sand.u32 $0x2000, s23  }
0xb6: {  	s25 =	sshrl.u32 s25, $0x2  }
0xb7: {  	[tilespmem:s18], [sflag:$0x1] =	stream.indirect.gather [hbm4b:s1+s17], $0x80, s25, s17, $0xb8;
	[tilespmem:$0x1DC00] =	vst v63  }
0xb8: {  	_ =	swait.ge [sflag:s20], $0x4000  }
0xb9: {  	[sflag:s20] =	ssyncset.done $0x0  }
0xba: {  	s24 =	sadd.s32 $0x1780, s24;
	p0 =	sne.s32 s23, $0xA000;
	[sflag:s20] =	ssyncadd.s32 $0xFFFFC000  }
0xbb: {  	[spmem:s3] =	stream.indirect.scatter.add.f32 [tilespmem:s19], [sflag:$0x2], $0x80, s24, s17, $0xb8;
	[tilespmem:$0x1DC00] =	vst v63  }
.Ltmp3:
0xbc: {  	_ = 	snop;
	(pc) =	sbr.rel @p0 .LBB2_2-.Ltmp3, $4  }
.Ltmp4:
0xbd: {  	_ =	swait.ge [sflag:s15], $0x4000;
	(pc) =	sbr.rel @!p0 .LBB2_5-.Ltmp4, $4  }
0xbe: {  	[sflag:s15] =	ssyncset.done $0x0  }
0xbf: {  	s22 =	sadd.s32 $0x800, s22;
	s31 =	sor.u32 $0x80, s25;
	[sflag:s15] =	ssyncadd.s32 $0xFFFFC000  }
0xc0: {  	[tilespmem:s19], [sflag:$0x1] =	stream.indirect.gather [hbm4b:s1+s17], $0x80, s31, s17, $0xb8;
	[tilespmem:$0x1DC00] =	vst v63  }
0xc1: {  	_ = 	snop  }
.LBB2_6:
0xc2: {  	_ =	sfence.sel $0x180000  }
0xc3: {  	[bflag:$0x0] =	sbarrier.arrive $0xFFFF  }
0xc4: {  	p0 =	sne.s32 s2, $0x0;
	_ =	strace $0x90000047  }
0xc5: {  	s0 =	sadd.s32 @!p0 $0x100000, s0;
	[bflag:$0x2] =	sbarrier.arrive $0xFFFF  }
0xc6: {  	[sflag:s0] =	ssyncadd.tile.s32 @!p0 $0x1;
	_ =	shalt  }
.Lfunc_end2:
_tile_overlayer_lowered:
.L_overlay_start_2:
0xc7: {  	(tag) =	ssettag $0x2  }
0xc8: {  	s0 =	rddreg [dreg:$0x0];
	s2 =	stileid.u32  }
0xc9: {  	s1 =	rddreg [dreg:$0x1];
	p0 =	sne.s32 s2, $0x0  }
0xca: {  	s3 =	rddreg [dreg:$0x2];
	[bflag:$0x3] =	sbarrier.arrive $0xFFFF;
	s2 =	simm.s32 @!p0 $0x1C02  }
0xcb: {  	[timem:s3], [sflag:s2] =	dma.local @!p0 [hbm:s0], s1  }
0xcc: {  	s0 =	simm.s32 @!p0 $0x2  }
0xcd: {  	_ =	swait.ge @!p0 [sflag:s0], s1  }
0xce: {  	s1 =	ssub.s32 @!p0 $0x0, s1;
	[sflag:s0] =	ssyncset.done @!p0 $0x0  }
0xcf: {  	[sflag:s0] =	ssyncadd.s32 @!p0 s1  }
0xd0: {  	[bflag:$0x3] =	sbarrier.arrive $0xFFFF  }
0xd1: {  	_ =	shalt  }

</sc_bundles>
